<compile_context>
chip_gen: v7x
topology: tpu7x:2x2x1
jax: 0.10.2.dev20260603
libtpu: 0.0.44.dev20260713+nightly
codegen_flags: <defaults>
</compile_context>

<pallas_src>
import functools

import jax
import jax.numpy as jnp
from jax import lax
from jax.experimental import pallas as pl
from jax.experimental.pallas import tpu as pltpu
from jax.experimental.pallas import tpu_sc as plsc

B = 8
P = 512 * 512
MBITS = 8
SHIFT = 23 - MBITS
K = 1 << (9 + MBITS)
NC = 2
NS = 16
L = 16
IMGS_PER_CORE = B // NC
EPT = P // NS
WROWS = 32
W = WROWS * 128
NWIN = EPT // W
CHUNK = K // NS
GROUPS = CHUNK // L
ROWS_PER_IMG = P // 128


def _sc_body(in_hbm, tg_hbm, out_hbm, tbl, tot, tot2, xbuf, ybuf, idxc, idxs,
             valb, xbuf2, ybuf2, idxc2, idxs2, valb2, ones, zbuf, cneg, cpos,
             sneg, spos, totread, wbuf, sem):
    cid = lax.axis_index("c")
    sid = lax.axis_index("s")
    iota = lax.iota(jnp.int32, L)
    zeros16 = jnp.zeros((L,), jnp.float32)
    fiota = iota.astype(jnp.float32)

    def _fillz(g, _):
        zbuf[pl.ds(g * L, L)] = zeros16
        return 0
    lax.fori_loop(0, GROUPS, _fillz, 0)

    def _fillo(r, _):
        for c in range(8):
            ones[r, pl.ds(c * L, L)] = jnp.full((L,), 1.0, jnp.float32)
        return 0
    lax.fori_loop(0, WROWS, _fillo, 0)

    for t in range(4):
        pltpu.sync_copy(zbuf, tbl.at[pl.ds(t * K + sid * CHUNK, CHUNK)])
    plsc.subcore_barrier()

    bufsets = ((xbuf, ybuf, idxc, idxs, valb),
               (xbuf2, ybuf2, idxc2, idxs2, valb2))

    def _load_compute(row_base, w, bufset):
        xb, yb, ic_, is_, vb = bufset
        r0 = row_base + w * WROWS
        pltpu.sync_copy(in_hbm.at[pl.ds(r0, WROWS)], xb)
        pltpu.sync_copy(tg_hbm.at[pl.ds(r0, WROWS)], yb)

        def _row(r, _):
            for c in range(8):
                sl = pl.ds(c * L, L)
                x = xb[r, sl]
                y = yb[r, sl]
                e = 1.0 - x * (2.0 * y - 1.0)
                a = jnp.maximum(e, 0.0)
                u = plsc.bitcast(e, jnp.uint32)
                neg = u >= jnp.uint32(0x80000000)
                kasc = jnp.where(neg, ~u, u | jnp.uint32(0x80000000))
                kd = lax.shift_right_logical(
                    ~kasc, jnp.full((L,), SHIFT, jnp.uint32))
                ic = kd.astype(jnp.int32) + y.astype(jnp.int32) * K
                ic_[r, sl] = ic
                is_[r, sl] = ic + 2 * K
                vb[r, sl] = a
            return 0
        lax.fori_loop(0, WROWS, _row, 0)

    def _fire(bufset):
        _, _, ic_, is_, vb = bufset

        def _f(j, _):
            pltpu.async_copy(ones.at[j], tbl.at[ic_.at[j]], sem, add=True)
            pltpu.async_copy(vb.at[j], tbl.at[is_.at[j]], sem, add=True)
            return 0
        lax.fori_loop(0, WROWS, _f, 0)

    def _drain(bufset):
        _, _, ic_, is_, vb = bufset

        def _d(j, _):
            pltpu.make_async_copy(ones.at[j], tbl.at[ic_.at[j]], sem).wait()
            pltpu.make_async_copy(vb.at[j], tbl.at[is_.at[j]], sem).wait()
            return 0
        lax.fori_loop(0, WROWS, _d, 0)

    def _image(img, _):
        b_glob = cid * IMGS_PER_CORE + img
        row_base = b_glob * ROWS_PER_IMG + sid * (EPT // 128)

        _load_compute(row_base, 0, bufsets[0])
        for w in range(NWIN):
            _fire(bufsets[w % 2])
            if w + 1 < NWIN:
                _load_compute(row_base, w + 1, bufsets[(w + 1) % 2])
            _drain(bufsets[w % 2])
        plsc.subcore_barrier()

        pltpu.sync_copy(tbl.at[pl.ds(0 * K + sid * CHUNK, CHUNK)], cneg)
        pltpu.sync_copy(tbl.at[pl.ds(1 * K + sid * CHUNK, CHUNK)], cpos)
        pltpu.sync_copy(tbl.at[pl.ds(2 * K + sid * CHUNK, CHUNK)], sneg)
        pltpu.sync_copy(tbl.at[pl.ds(3 * K + sid * CHUNK, CHUNK)], spos)

        def _tots(g, carry):
            tn, tk = carry
            sl = pl.ds(g * L, L)
            kk = cpos[sl]
            mm = cneg[sl]
            return tn + kk + mm, tk + kk
        tn, tk = lax.fori_loop(0, GROUPS, _tots, (zeros16, zeros16))
        nm_tot = jnp.sum(tn)
        kc_tot = jnp.sum(tk)

        wbuf[...] = jnp.where(iota == 0, nm_tot,
                              jnp.where(iota == 1, kc_tot, 0.0))
        pltpu.sync_copy(wbuf, tot.at[pl.ds(sid * L, L)])
        plsc.subcore_barrier()
        pltpu.sync_copy(tot, totread)
        nm_all = plsc.load_gather(totread, [iota * L])
        kc_all = plsc.load_gather(totread, [iota * L + 1])
        lt = iota < sid
        base_n = jnp.sum(jnp.where(lt, nm_all, 0.0))
        base_c = jnp.sum(jnp.where(lt, kc_all, 0.0))
        G = jnp.sum(kc_all)

        def _grp(g, carry):
            bn, bc, acc = carry
            sl = pl.ds(g * L, L)
            kk = cpos[sl]
            mm = cneg[sl]
            tk = jnp.sum(kk)
            tm = jnp.sum(mm)

            def _full(acc):
                Sp = spos[sl]
                Sn = sneg[sl]
                cn = plsc.cumsum(kk + mm)
                cc = plsc.cumsum(kk)
                s1 = bn + cn
                c1 = bc + cc
                s0 = s1 - kk - mm
                c0 = c1 - kk
                sp1 = s0 + kk
                jp0 = jnp.where(
                    s0 > 0.0,
                    1.0 - (G - c0) / jnp.maximum(G + s0 - c0, 1e-30), 0.0)
                jp1 = jnp.where(
                    sp1 > 0.0,
                    1.0 - (G - c1) / jnp.maximum(G + sp1 - c1, 1e-30), 0.0)
                jn1 = jnp.where(
                    s1 > 0.0,
                    1.0 - (G - c1) / jnp.maximum(G + s1 - c1, 1e-30), 0.0)
                return acc + (
                    jnp.where(kk > 0.0,
                              Sp / jnp.maximum(kk, 1.0) * (jp1 - jp0), 0.0)
                    + jnp.where(mm > 0.0,
                                Sn / jnp.maximum(mm, 1.0) * (jn1 - jp1), 0.0))
            acc = lax.cond(tk + tm > 0.0, _full, lambda a: a, acc)
            return bn + tk + tm, bc + tk, acc
        _, _, acc = lax.fori_loop(0, GROUPS, _grp, (base_n, base_c, zeros16))

        wbuf[...] = acc
        pltpu.sync_copy(wbuf, tot2.at[pl.ds(sid * L, L)])
        plsc.subcore_barrier()
        pltpu.sync_copy(tot2, totread)
        av = zeros16
        for t in range(NS):
            av = av + totread[pl.ds(t * L, L)]
        loss = jnp.sum(av)

        for t in range(4):
            pltpu.sync_copy(zbuf, tbl.at[pl.ds(t * K + sid * CHUNK, CHUNK)])

        @pl.when(sid == 0)
        def _():
            wbuf[...] = jnp.full((L,), 1.0, jnp.float32) * loss
            pltpu.sync_copy(wbuf, out_hbm.at[b_glob])

        plsc.subcore_barrier()
        return 0

    lax.fori_loop(0, IMGS_PER_CORE, _image, 0)


_sc_call = functools.partial(
    pl.kernel,
    out_type=jax.ShapeDtypeStruct((B, L), jnp.float32),
    mesh=plsc.VectorSubcoreMesh(core_axis_name="c", subcore_axis_name="s"),
    compiler_params=pltpu.CompilerParams(needs_layout_passes=False),
    scratch_types=[
        pltpu.VMEM_SHARED((4 * K,), jnp.float32),
        pltpu.VMEM_SHARED((NS * L,), jnp.float32),
        pltpu.VMEM_SHARED((NS * L,), jnp.float32),
        pltpu.VMEM((WROWS, 128), jnp.float32),
        pltpu.VMEM((WROWS, 128), jnp.float32),
        pltpu.VMEM((WROWS, 128), jnp.int32),
        pltpu.VMEM((WROWS, 128), jnp.int32),
        pltpu.VMEM((WROWS, 128), jnp.float32),
        pltpu.VMEM((WROWS, 128), jnp.float32),
        pltpu.VMEM((WROWS, 128), jnp.float32),
        pltpu.VMEM((WROWS, 128), jnp.int32),
        pltpu.VMEM((WROWS, 128), jnp.int32),
        pltpu.VMEM((WROWS, 128), jnp.float32),
        pltpu.VMEM((WROWS, 128), jnp.float32),
        pltpu.VMEM((CHUNK,), jnp.float32),
        pltpu.VMEM((CHUNK,), jnp.float32),
        pltpu.VMEM((CHUNK,), jnp.float32),
        pltpu.VMEM((CHUNK,), jnp.float32),
        pltpu.VMEM((CHUNK,), jnp.float32),
        pltpu.VMEM((NS * L,), jnp.float32),
        pltpu.VMEM((L,), jnp.float32),
        pltpu.SemaphoreType.DMA,
    ],
)(_sc_body)


def kernel(input, target):
    lo = input.reshape(B * P // 128, 128)
    tg = target.reshape(B * P // 128, 128)
    out = _sc_call(lo, tg)
    return jnp.mean(out[:, 0])

# --- scband reference (transcript-rebuilt; emitter-appended) ---
"""Pipeline reference for scband-lovasz-hinge-loss-72430328480286 (READ-ONLY COPY).

The authoritative reference and input builder live on the scoring server;
editing this copy changes nothing except your own understanding.
"""

import jax, jax.numpy as jnp
import numpy as np


def lovasz_grad(gt_sorted):
    # gt_sorted: float32 [P], binary labels sorted by descending error
    gts = jnp.sum(gt_sorted)
    intersection = gts - jnp.cumsum(gt_sorted)
    union = gts + jnp.cumsum(1.0 - gt_sorted)
    jaccard = 1.0 - intersection / union
    jaccard = jnp.concatenate([jaccard[:1], jaccard[1:] - jaccard[:-1]])
    return jaccard


def lovasz_hinge_flat(logits, labels):
    # logits, labels: float32 [P]
    signs = 2.0 * labels - 1.0
    errors = 1.0 - logits * signs
    perm = jnp.argsort(-errors)  # descending sort of errors
    errors_sorted = errors[perm]
    gt_sorted = labels[perm]
    grad = lovasz_grad(gt_sorted)
    return jnp.dot(jax.nn.relu(errors_sorted), grad)


def setup_inputs(seed: int = 0) -> dict:
    key = jax.random.key(seed)
    k1, k2 = jax.random.split(key)
    inp = jax.random.normal(k1, (8, 1, 512, 512), dtype=jnp.float32)
    tgt = jax.random.randint(k2, (8, 1, 512, 512), 0, 2).astype(jnp.float32)
    return {"input": inp, "target": tgt}


def reference(input, target):
    # input.squeeze(1); target.squeeze(1); lovasz_hinge(per_image=True)
    B = input.shape[0]
    logits = input.squeeze(1).reshape(B, -1)
    labels = target.squeeze(1).reshape(B, -1)
    losses = jax.vmap(lovasz_hinge_flat)(logits, labels)
    return jnp.mean(losses)

if __name__ == "__main__":
    import jax
    _d = setup_inputs()
    print(jax.jit(kernel)(*tuple(_d.values())))

</pallas_src>

<mosaic_0001>
#map = affine_map<(d0, d1) -> (0, 0)>
module attributes {stable_mosaic.version = 14 : i64} {
  func.func @_sc_body(%arg0: i32, %arg1: i32, %arg2: memref<16384x128xf32, #tpu.memory_space<hbm>>, %arg3: memref<16384x128xf32, #tpu.memory_space<hbm>>, %arg4: memref<8x16xf32, #tpu.memory_space<hbm>>, %arg5: memref<524288xf32, #tpu.memory_space<vmem_shared>>, %arg6: memref<256xf32, #tpu.memory_space<vmem_shared>>, %arg7: memref<256xf32, #tpu.memory_space<vmem_shared>>, %arg8: memref<32x128xf32, #tpu.memory_space<vmem>>, %arg9: memref<32x128xf32, #tpu.memory_space<vmem>>, %arg10: memref<32x128xi32, #tpu.memory_space<vmem>>, %arg11: memref<32x128xi32, #tpu.memory_space<vmem>>, %arg12: memref<32x128xf32, #tpu.memory_space<vmem>>, %arg13: memref<32x128xf32, #tpu.memory_space<vmem>>, %arg14: memref<32x128xf32, #tpu.memory_space<vmem>>, %arg15: memref<32x128xi32, #tpu.memory_space<vmem>>, %arg16: memref<32x128xi32, #tpu.memory_space<vmem>>, %arg17: memref<32x128xf32, #tpu.memory_space<vmem>>, %arg18: memref<32x128xf32, #tpu.memory_space<vmem>>, %arg19: memref<8192xf32, #tpu.memory_space<vmem>>, %arg20: memref<8192xf32, #tpu.memory_space<vmem>>, %arg21: memref<8192xf32, #tpu.memory_space<vmem>>, %arg22: memref<8192xf32, #tpu.memory_space<vmem>>, %arg23: memref<8192xf32, #tpu.memory_space<vmem>>, %arg24: memref<256xf32, #tpu.memory_space<vmem>>, %arg25: memref<16xf32, #tpu.memory_space<vmem>>, %arg26: memref<!tpu.dma_semaphore, #tpu.memory_space<semaphore_mem>>) attributes {dimension_semantics = [#tpu.dimension_semantics<core_parallel>, #tpu.dimension_semantics<subcore_parallel>], iteration_bounds = array<i64: 2, 16>, scalar_prefetch = 0 : i64, scratch_operands = 22 : i64, tpu.core_type = #tpu.core_type<sc_vector_subcore>, window_params = [{transform_indices = #map}, {transform_indices = #map}, {transform_indices = #map}]} {
    %iota3A = tpu.iota {dimensions = array<i32: 0>} : vector<16xi32>
    %broadcast_in_dim3A = arith.constant 0.000000e+00 : f32
    %broadcast_in_dim3A_0 = vector.broadcast %broadcast_in_dim3A : f32 to vector<16xf32>
    %convert_element_type3A = arith.sitofp %iota3A : vector<16xi32> to vector<16xf32>
    %scan3A = arith.constant 0 : i32
    %scan3A_1 = arith.constant 0 : i32
    %scan3A_2 = arith.constant 512 : i32
    %scan3A_3 = arith.addi %scan3A_1, %scan3A_2 : i32
    %scan3A_4 = arith.constant 1 : i32
    %scan3A_5 = scf.for %scan3A_35 = %scan3A_1 to %scan3A_3 step %scan3A_4 iter_args(%scan3A_36 = %scan3A) -> (i32)  : i32 {
      %mul3A_37 = arith.constant 16 : i32
      %mul3A_38 = arith.muli %scan3A_35, %mul3A_37 : i32
      %swap3A = arith.index_cast %mul3A_38 : i32 to index
      %swap3A_39 = tpu.vector_load %arg19[%swap3A] {strides = array<i32>} : memref<8192xf32, #tpu.memory_space<vmem>>, vector<16xf32>,
      tpu.vector_store %arg19[%swap3A], %broadcast_in_dim3A_0 {strides = array<i32>} : memref<8192xf32, #tpu.memory_space<vmem>>, vector<16xf32>,
      %scan3A_40 = arith.constant 0 : i32
      scf.yield %scan3A_40 : i32
    }
    %scan3A_6 = arith.constant 512 : i32
    %scan3A_7 = arith.constant 0 : i32
    %scan3A_8 = arith.constant 0 : i32
    %scan3A_9 = arith.constant 32 : i32
    %scan3A_10 = arith.addi %scan3A_8, %scan3A_9 : i32
    %scan3A_11 = arith.constant 1 : i32
    %scan3A_12 = scf.for %scan3A_35 = %scan3A_8 to %scan3A_10 step %scan3A_11 iter_args(%scan3A_36 = %scan3A_7) -> (i32)  : i32 {
      %broadcast_in_dim3A_37 = arith.constant 1.000000e+00 : f32
      %broadcast_in_dim3A_38 = vector.broadcast %broadcast_in_dim3A_37 : f32 to vector<16xf32>
      %swap3A = arith.index_cast %scan3A_35 : i32 to index
      %swap3A_39 = arith.constant 0 : index
      %swap3A_40 = tpu.vector_load %arg18[%swap3A, %swap3A_39] {strides = array<i32>} : memref<32x128xf32, #tpu.memory_space<vmem>>, vector<16xf32>,
      tpu.vector_store %arg18[%swap3A, %swap3A_39], %broadcast_in_dim3A_38 {strides = array<i32>} : memref<32x128xf32, #tpu.memory_space<vmem>>, vector<16xf32>,
      %broadcast_in_dim3A_41 = arith.constant 1.000000e+00 : f32
      %broadcast_in_dim3A_42 = vector.broadcast %broadcast_in_dim3A_41 : f32 to vector<16xf32>
      %swap3A_43 = arith.index_cast %scan3A_35 : i32 to index
      %swap3A_44 = arith.constant 16 : index
      %swap3A_45 = tpu.vector_load %arg18[%swap3A_43, %swap3A_44] {strides = array<i32>} : memref<32x128xf32, #tpu.memory_space<vmem>>, vector<16xf32>,
      tpu.vector_store %arg18[%swap3A_43, %swap3A_44], %broadcast_in_dim3A_42 {strides = array<i32>} : memref<32x128xf32, #tpu.memory_space<vmem>>, vector<16xf32>,
      %broadcast_in_dim3A_46 = arith.constant 1.000000e+00 : f32
      %broadcast_in_dim3A_47 = vector.broadcast %broadcast_in_dim3A_46 : f32 to vector<16xf32>
      %swap3A_48 = arith.index_cast %scan3A_35 : i32 to index
      %swap3A_49 = arith.constant 32 : index
      %swap3A_50 = tpu.vector_load %arg18[%swap3A_48, %swap3A_49] {strides = array<i32>} : memref<32x128xf32, #tpu.memory_space<vmem>>, vector<16xf32>,
      tpu.vector_store %arg18[%swap3A_48, %swap3A_49], %broadcast_in_dim3A_47 {strides = array<i32>} : memref<32x128xf32, #tpu.memory_space<vmem>>, vector<16xf32>,
      %broadcast_in_dim3A_51 = arith.constant 1.000000e+00 : f32
      %broadcast_in_dim3A_52 = vector.broadcast %broadcast_in_dim3A_51 : f32 to vector<16xf32>
      %swap3A_53 = arith.index_cast %scan3A_35 : i32 to index
      %swap3A_54 = arith.constant 48 : index
      %swap3A_55 = tpu.vector_load %arg18[%swap3A_53, %swap3A_54] {strides = array<i32>} : memref<32x128xf32, #tpu.memory_space<vmem>>, vector<16xf32>,
      tpu.vector_store %arg18[%swap3A_53, %swap3A_54], %broadcast_in_dim3A_52 {strides = array<i32>} : memref<32x128xf32, #tpu.memory_space<vmem>>, vector<16xf32>,
      %broadcast_in_dim3A_56 = arith.constant 1.000000e+00 : f32
      %broadcast_in_dim3A_57 = vector.broadcast %broadcast_in_dim3A_56 : f32 to vector<16xf32>
      %swap3A_58 = arith.index_cast %scan3A_35 : i32 to index
      %swap3A_59 = arith.constant 64 : index
      %swap3A_60 = tpu.vector_load %arg18[%swap3A_58, %swap3A_59] {strides = array<i32>} : memref<32x128xf32, #tpu.memory_space<vmem>>, vector<16xf32>,
      tpu.vector_store %arg18[%swap3A_58, %swap3A_59], %broadcast_in_dim3A_57 {strides = array<i32>} : memref<32x128xf32, #tpu.memory_space<vmem>>, vector<16xf32>,
      %broadcast_in_dim3A_61 = arith.constant 1.000000e+00 : f32
      %broadcast_in_dim3A_62 = vector.broadcast %broadcast_in_dim3A_61 : f32 to vector<16xf32>
      %swap3A_63 = arith.index_cast %scan3A_35 : i32 to index
      %swap3A_64 = arith.constant 80 : index
      %swap3A_65 = tpu.vector_load %arg18[%swap3A_63, %swap3A_64] {strides = array<i32>} : memref<32x128xf32, #tpu.memory_space<vmem>>, vector<16xf32>,
      tpu.vector_store %arg18[%swap3A_63, %swap3A_64], %broadcast_in_dim3A_62 {strides = array<i32>} : memref<32x128xf32, #tpu.memory_space<vmem>>, vector<16xf32>,
      %broadcast_in_dim3A_66 = arith.constant 1.000000e+00 : f32
      %broadcast_in_dim3A_67 = vector.broadcast %broadcast_in_dim3A_66 : f32 to vector<16xf32>
      %swap3A_68 = arith.index_cast %scan3A_35 : i32 to index
      %swap3A_69 = arith.constant 96 : index
      %swap3A_70 = tpu.vector_load %arg18[%swap3A_68, %swap3A_69] {strides = array<i32>} : memref<32x128xf32, #tpu.memory_space<vmem>>, vector<16xf32>,
      tpu.vector_store %arg18[%swap3A_68, %swap3A_69], %broadcast_in_dim3A_67 {strides = array<i32>} : memref<32x128xf32, #tpu.memory_space<vmem>>, vector<16xf32>,
      %broadcast_in_dim3A_71 = arith.constant 1.000000e+00 : f32
      %broadcast_in_dim3A_72 = vector.broadcast %broadcast_in_dim3A_71 : f32 to vector<16xf32>
      %swap3A_73 = arith.index_cast %scan3A_35 : i32 to index
      %swap3A_74 = arith.constant 112 : index
      %swap3A_75 = tpu.vector_load %arg18[%swap3A_73, %swap3A_74] {strides = array<i32>} : memref<32x128xf32, #tpu.memory_space<vmem>>, vector<16xf32>,
      tpu.vector_store %arg18[%swap3A_73, %swap3A_74], %broadcast_in_dim3A_72 {strides = array<i32>} : memref<32x128xf32, #tpu.memory_space<vmem>>, vector<16xf32>,
      %scan3A_76 = arith.constant 0 : i32
      scf.yield %scan3A_76 : i32
    }
    %scan3A_13 = arith.constant 32 : i32
    %mul3A = arith.constant 8192 : i32
    %mul3A_14 = arith.muli %arg1, %mul3A : i32
    %add3A = arith.constant 0 : i32
    %add3A_15 = arith.addi %add3A, %mul3A_14 : i32
    "tpu.region"() ({
      %run_scoped3A = tpu.sem_alloc : memref<!tpu.dma_semaphore, #tpu.memory_space<semaphore_mem>>
      %dma_start3A = tpu.memref_slice %arg5[%add3A_15] : memref<524288xf32, #tpu.memory_space<vmem_shared>> -> memref<8192xf32, #tpu.memory_space<vmem_shared>>
      %dma_start3A_35 = tpu.memref_slice %arg5[%add3A_15] : memref<524288xf32, #tpu.memory_space<vmem_shared>> -> memref<8192xf32, #tpu.memory_space<vmem_shared>>
      tpu.enqueue_dma source(%arg19 : memref<8192xf32, #tpu.memory_space<vmem>>) target(%dma_start3A_35 : memref<8192xf32, #tpu.memory_space<vmem_shared>>) target_semaphore(%run_scoped3A : memref<!tpu.dma_semaphore, #tpu.memory_space<semaphore_mem>>)
      %dma_wait3A = tpu.memref_slice %arg5[%add3A_15] : memref<524288xf32, #tpu.memory_space<vmem_shared>> -> memref<8192xf32, #tpu.memory_space<vmem_shared>>
      %dma_wait3A_36 = tpu.memref_slice %arg5[%add3A_15] : memref<524288xf32, #tpu.memory_space<vmem_shared>> -> memref<8192xf32, #tpu.memory_space<vmem_shared>>
      tpu.wait_dma2 semaphore(%run_scoped3A : memref<!tpu.dma_semaphore, #tpu.memory_space<semaphore_mem>>) src(%arg19 : memref<8192xf32, #tpu.memory_space<vmem>>) dst(%dma_wait3A_36 : memref<8192xf32, #tpu.memory_space<vmem_shared>>)
      tpu.yield
    }) : () -> ()
    %mul3A_16 = arith.constant 8192 : i32
    %mul3A_17 = arith.muli %arg1, %mul3A_16 : i32
    %add3A_18 = arith.constant 131072 : i32
    %add3A_19 = arith.addi %add3A_18, %mul3A_17 : i32
    "tpu.region"() ({
      %run_scoped3A = tpu.sem_alloc : memref<!tpu.dma_semaphore, #tpu.memory_space<semaphore_mem>>
      %dma_start3A = tpu.memref_slice %arg5[%add3A_19] : memref<524288xf32, #tpu.memory_space<vmem_shared>> -> memref<8192xf32, #tpu.memory_space<vmem_shared>>
      %dma_start3A_35 = tpu.memref_slice %arg5[%add3A_19] : memref<524288xf32, #tpu.memory_space<vmem_shared>> -> memref<8192xf32, #tpu.memory_space<vmem_shared>>
      tpu.enqueue_dma source(%arg19 : memref<8192xf32, #tpu.memory_space<vmem>>) target(%dma_start3A_35 : memref<8192xf32, #tpu.memory_space<vmem_shared>>) target_semaphore(%run_scoped3A : memref<!tpu.dma_semaphore, #tpu.memory_space<semaphore_mem>>)
      %dma_wait3A = tpu.memref_slice %arg5[%add3A_19] : memref<524288xf32, #tpu.memory_space<vmem_shared>> -> memref<8192xf32, #tpu.memory_space<vmem_shared>>
      %dma_wait3A_36 = tpu.memref_slice %arg5[%add3A_19] : memref<524288xf32, #tpu.memory_space<vmem_shared>> -> memref<8192xf32, #tpu.memory_space<vmem_shared>>
      tpu.wait_dma2 semaphore(%run_scoped3A : memref<!tpu.dma_semaphore, #tpu.memory_space<semaphore_mem>>) src(%arg19 : memref<8192xf32, #tpu.memory_space<vmem>>) dst(%dma_wait3A_36 : memref<8192xf32, #tpu.memory_space<vmem_shared>>)
      tpu.yield
    }) : () -> ()
    %mul3A_20 = arith.constant 8192 : i32
    %mul3A_21 = arith.muli %arg1, %mul3A_20 : i32
    %add3A_22 = arith.constant 262144 : i32
    %add3A_23 = arith.addi %add3A_22, %mul3A_21 : i32
    "tpu.region"() ({
      %run_scoped3A = tpu.sem_alloc : memref<!tpu.dma_semaphore, #tpu.memory_space<semaphore_mem>>
      %dma_start3A = tpu.memref_slice %arg5[%add3A_23] : memref<524288xf32, #tpu.memory_space<vmem_shared>> -> memref<8192xf32, #tpu.memory_space<vmem_shared>>
      %dma_start3A_35 = tpu.memref_slice %arg5[%add3A_23] : memref<524288xf32, #tpu.memory_space<vmem_shared>> -> memref<8192xf32, #tpu.memory_space<vmem_shared>>
      tpu.enqueue_dma source(%arg19 : memref<8192xf32, #tpu.memory_space<vmem>>) target(%dma_start3A_35 : memref<8192xf32, #tpu.memory_space<vmem_shared>>) target_semaphore(%run_scoped3A : memref<!tpu.dma_semaphore, #tpu.memory_space<semaphore_mem>>)
      %dma_wait3A = tpu.memref_slice %arg5[%add3A_23] : memref<524288xf32, #tpu.memory_space<vmem_shared>> -> memref<8192xf32, #tpu.memory_space<vmem_shared>>
      %dma_wait3A_36 = tpu.memref_slice %arg5[%add3A_23] : memref<524288xf32, #tpu.memory_space<vmem_shared>> -> memref<8192xf32, #tpu.memory_space<vmem_shared>>
      tpu.wait_dma2 semaphore(%run_scoped3A : memref<!tpu.dma_semaphore, #tpu.memory_space<semaphore_mem>>) src(%arg19 : memref<8192xf32, #tpu.memory_space<vmem>>) dst(%dma_wait3A_36 : memref<8192xf32, #tpu.memory_space<vmem_shared>>)
      tpu.yield
    }) : () -> ()
    %mul3A_24 = arith.constant 8192 : i32
    %mul3A_25 = arith.muli %arg1, %mul3A_24 : i32
    %add3A_26 = arith.constant 393216 : i32
    %add3A_27 = arith.addi %add3A_26, %mul3A_25 : i32
    "tpu.region"() ({
      %run_scoped3A = tpu.sem_alloc : memref<!tpu.dma_semaphore, #tpu.memory_space<semaphore_mem>>
      %dma_start3A = tpu.memref_slice %arg5[%add3A_27] : memref<524288xf32, #tpu.memory_space<vmem_shared>> -> memref<8192xf32, #tpu.memory_space<vmem_shared>>
      %dma_start3A_35 = tpu.memref_slice %arg5[%add3A_27] : memref<524288xf32, #tpu.memory_space<vmem_shared>> -> memref<8192xf32, #tpu.memory_space<vmem_shared>>
      tpu.enqueue_dma source(%arg19 : memref<8192xf32, #tpu.memory_space<vmem>>) target(%dma_start3A_35 : memref<8192xf32, #tpu.memory_space<vmem_shared>>) target_semaphore(%run_scoped3A : memref<!tpu.dma_semaphore, #tpu.memory_space<semaphore_mem>>)
      %dma_wait3A = tpu.memref_slice %arg5[%add3A_27] : memref<524288xf32, #tpu.memory_space<vmem_shared>> -> memref<8192xf32, #tpu.memory_space<vmem_shared>>
      %dma_wait3A_36 = tpu.memref_slice %arg5[%add3A_27] : memref<524288xf32, #tpu.memory_space<vmem_shared>> -> memref<8192xf32, #tpu.memory_space<vmem_shared>>
      tpu.wait_dma2 semaphore(%run_scoped3A : memref<!tpu.dma_semaphore, #tpu.memory_space<semaphore_mem>>) src(%arg19 : memref<8192xf32, #tpu.memory_space<vmem>>) dst(%dma_wait3A_36 : memref<8192xf32, #tpu.memory_space<vmem_shared>>)
      tpu.yield
    }) : () -> ()
    %barrier3A = arith.constant 0 : index
    tpu.barrier barrier_id(%barrier3A)
    %scan3A_28 = arith.constant 0 : i32
    %scan3A_29 = arith.constant 0 : i32
    %scan3A_30 = arith.constant 4 : i32
    %scan3A_31 = arith.addi %scan3A_29, %scan3A_30 : i32
    %scan3A_32 = arith.constant 1 : i32
    %scan3A_33 = scf.for %scan3A_35 = %scan3A_29 to %scan3A_31 step %scan3A_32 iter_args(%scan3A_36 = %scan3A_28) -> (i32)  : i32 {
      %mul3A_37 = arith.constant 4 : i32
      %mul3A_38 = arith.muli %arg0, %mul3A_37 : i32
      %add3A_39 = arith.addi %mul3A_38, %scan3A_35 : i32
      %mul3A_40 = arith.constant 2048 : i32
      %mul3A_41 = arith.muli %add3A_39, %mul3A_40 : i32
      %mul3A_42 = arith.constant 128 : i32
      %mul3A_43 = arith.muli %arg1, %mul3A_42 : i32
      %add3A_44 = arith.addi %mul3A_41, %mul3A_43 : i32
      %add3A_45 = arith.constant 0 : i32
      %add3A_46 = arith.addi %add3A_44, %add3A_45 : i32
      "tpu.region"() ({
        %run_scoped3A = tpu.sem_alloc : memref<!tpu.dma_semaphore, #tpu.memory_space<semaphore_mem>>
        %dma_start3A = arith.constant 0 : i32
        %dma_start3A_293 = tpu.memref_slice %arg2[%add3A_46, %dma_start3A] : memref<16384x128xf32, #tpu.memory_space<hbm>> -> memref<32x128xf32, #tpu.memory_space<hbm>>
        %dma_start3A_294 = arith.constant 0 : i32
        %dma_start3A_295 = tpu.memref_slice %arg2[%add3A_46, %dma_start3A_294] : memref<16384x128xf32, #tpu.memory_space<hbm>> -> memref<32x128xf32, #tpu.memory_space<hbm>>
        tpu.enqueue_dma source(%dma_start3A_295 : memref<32x128xf32, #tpu.memory_space<hbm>>) target(%arg8 : memref<32x128xf32, #tpu.memory_space<vmem>>) target_semaphore(%run_scoped3A : memref<!tpu.dma_semaphore, #tpu.memory_space<semaphore_mem>>)
        %dma_wait3A = arith.constant 0 : i32
        %dma_wait3A_296 = tpu.memref_slice %arg2[%add3A_46, %dma_wait3A] : memref<16384x128xf32, #tpu.memory_space<hbm>> -> memref<32x128xf32, #tpu.memory_space<hbm>>
        %dma_wait3A_297 = arith.constant 0 : i32
        %dma_wait3A_298 = tpu.memref_slice %arg2[%add3A_46, %dma_wait3A_297] : memref<16384x128xf32, #tpu.memory_space<hbm>> -> memref<32x128xf32, #tpu.memory_space<hbm>>
        tpu.wait_dma2 semaphore(%run_scoped3A : memref<!tpu.dma_semaphore, #tpu.memory_space<semaphore_mem>>) src(%dma_wait3A_298 : memref<32x128xf32, #tpu.memory_space<hbm>>) dst(%arg8 : memref<32x128xf32, #tpu.memory_space<vmem>>)
        tpu.yield
      }) : () -> ()
      "tpu.region"() ({
        %run_scoped3A = tpu.sem_alloc : memref<!tpu.dma_semaphore, #tpu.memory_space<semaphore_mem>>
        %dma_start3A = arith.constant 0 : i32
        %dma_start3A_293 = tpu.memref_slice %arg3[%add3A_46, %dma_start3A] : memref<16384x128xf32, #tpu.memory_space<hbm>> -> memref<32x128xf32, #tpu.memory_space<hbm>>
        %dma_start3A_294 = arith.constant 0 : i32
        %dma_start3A_295 = tpu.memref_slice %arg3[%add3A_46, %dma_start3A_294] : memref<16384x128xf32, #tpu.memory_space<hbm>> -> memref<32x128xf32, #tpu.memory_space<hbm>>
        tpu.enqueue_dma source(%dma_start3A_295 : memref<32x128xf32, #tpu.memory_space<hbm>>) target(%arg9 : memref<32x128xf32, #tpu.memory_space<vmem>>) target_semaphore(%run_scoped3A : memref<!tpu.dma_semaphore, #tpu.memory_space<semaphore_mem>>)
        %dma_wait3A = arith.constant 0 : i32
        %dma_wait3A_296 = tpu.memref_slice %arg3[%add3A_46, %dma_wait3A] : memref<16384x128xf32, #tpu.memory_space<hbm>> -> memref<32x128xf32, #tpu.memory_space<hbm>>
        %dma_wait3A_297 = arith.constant 0 : i32
        %dma_wait3A_298 = tpu.memref_slice %arg3[%add3A_46, %dma_wait3A_297] : memref<16384x128xf32, #tpu.memory_space<hbm>> -> memref<32x128xf32, #tpu.memory_space<hbm>>
        tpu.wait_dma2 semaphore(%run_scoped3A : memref<!tpu.dma_semaphore, #tpu.memory_space<semaphore_mem>>) src(%dma_wait3A_298 : memref<32x128xf32, #tpu.memory_space<hbm>>) dst(%arg9 : memref<32x128xf32, #tpu.memory_space<vmem>>)
        tpu.yield
      }) : () -> ()
      %scan3A_47 = arith.constant 0 : i32
      %scan3A_48 = arith.constant 0 : i32
      %scan3A_49 = arith.constant 32 : i32
      %scan3A_50 = arith.addi %scan3A_48, %scan3A_49 : i32
      %scan3A_51 = arith.constant 1 : i32
      %scan3A_52 = scf.for %scan3A_293 = %scan3A_48 to %scan3A_50 step %scan3A_51 iter_args(%scan3A_294 = %scan3A_47) -> (i32)  : i32 {
        %get3A_295 = arith.index_cast %scan3A_293 : i32 to index
        %get3A_296 = arith.constant 0 : index
        %get3A_297 = tpu.vector_load %arg8[%get3A_295, %get3A_296] {strides = array<i32>} : memref<32x128xf32, #tpu.memory_space<vmem>>, vector<16xf32>,
        %get3A_298 = arith.index_cast %scan3A_293 : i32 to index
        %get3A_299 = arith.constant 0 : index
        %get3A_300 = tpu.vector_load %arg9[%get3A_298, %get3A_299] {strides = array<i32>} : memref<32x128xf32, #tpu.memory_space<vmem>>, vector<16xf32>,
        %mul3A_301 = arith.constant 2.000000e+00 : f32
        %mul3A_302 = vector.broadcast %mul3A_301 : f32 to vector<16xf32>
        %mul3A_303 = arith.mulf %mul3A_302, %get3A_300 : vector<16xf32>
        %sub3A = arith.constant 1.000000e+00 : f32
        %sub3A_304 = vector.broadcast %sub3A : f32 to vector<16xf32>
        %sub3A_305 = arith.subf %mul3A_303, %sub3A_304 : vector<16xf32>
        %mul3A_306 = arith.mulf %get3A_297, %sub3A_305 : vector<16xf32>
        %sub3A_307 = arith.constant 1.000000e+00 : f32
        %sub3A_308 = vector.broadcast %sub3A_307 : f32 to vector<16xf32>
        %sub3A_309 = arith.subf %sub3A_308, %mul3A_306 : vector<16xf32>
        %max3A = arith.constant 0.000000e+00 : f32
        %max3A_310 = vector.broadcast %max3A : f32 to vector<16xf32>
        %max3A_311 = arith.maximumf %sub3A_309, %max3A_310 : vector<16xf32>
        %bitcast3A = vector.bitcast %sub3A_309 : vector<16xf32> to vector<16xi32>
        %ge3A = arith.constant -2147483648 : i32
        %ge3A_312 = vector.broadcast %ge3A : i32 to vector<16xi32>
        %ge3A_313 = arith.cmpi uge, %bitcast3A, %ge3A_312 : vector<16xi32>
        %not3A = arith.constant dense<-1> : vector<16xi32>
        %not3A_314 = arith.xori %bitcast3A, %not3A : vector<16xi32>
        %or3A = arith.constant -2147483648 : i32
        %or3A_315 = vector.broadcast %or3A : i32 to vector<16xi32>
        %or3A_316 = arith.ori %bitcast3A, %or3A_315 : vector<16xi32>
        %select_n3A_317 = arith.select %ge3A_313, %not3A_314, %or3A_316 : vector<16xi1>, vector<16xi32>
        %not3A_318 = arith.constant dense<-1> : vector<16xi32>
        %not3A_319 = arith.xori %select_n3A_317, %not3A_318 : vector<16xi32>
        %broadcast_in_dim3A_320 = arith.constant 15 : i32
        %broadcast_in_dim3A_321 = vector.broadcast %broadcast_in_dim3A_320 : i32 to vector<16xi32>
        %shift_right_logical3A = arith.shrui %not3A_319, %broadcast_in_dim3A_321 : vector<16xi32>
        %convert_element_type3A_322 = arith.fptosi %get3A_300 : vector<16xf32> to vector<16xi32>
        %mul3A_323 = arith.constant 131072 : i32
        %mul3A_324 = vector.broadcast %mul3A_323 : i32 to vector<16xi32>
        %mul3A_325 = arith.muli %convert_element_type3A_322, %mul3A_324 : vector<16xi32>
        %add3A_326 = arith.addi %shift_right_logical3A, %mul3A_325 : vector<16xi32>
        %swap3A_327 = arith.index_cast %scan3A_293 : i32 to index
        %swap3A_328 = arith.constant 0 : index
        %swap3A_329 = tpu.vector_load %arg10[%swap3A_327, %swap3A_328] {strides = array<i32>} : memref<32x128xi32, #tpu.memory_space<vmem>>, vector<16xi32>,
        tpu.vector_store %arg10[%swap3A_327, %swap3A_328], %add3A_326 {strides = array<i32>} : memref<32x128xi32, #tpu.memory_space<vmem>>, vector<16xi32>,
        %add3A_330 = arith.constant 262144 : i32
        %add3A_331 = vector.broadcast %add3A_330 : i32 to vector<16xi32>
        %add3A_332 = arith.addi %add3A_326, %add3A_331 : vector<16xi32>
        %swap3A_333 = arith.index_cast %scan3A_293 : i32 to index
        %swap3A_334 = arith.constant 0 : index
        %swap3A_335 = tpu.vector_load %arg11[%swap3A_333, %swap3A_334] {strides = array<i32>} : memref<32x128xi32, #tpu.memory_space<vmem>>, vector<16xi32>,
        tpu.vector_store %arg11[%swap3A_333, %swap3A_334], %add3A_332 {strides = array<i32>} : memref<32x128xi32, #tpu.memory_space<vmem>>, vector<16xi32>,
        %swap3A_336 = arith.index_cast %scan3A_293 : i32 to index
        %swap3A_337 = arith.constant 0 : index
        %swap3A_338 = tpu.vector_load %arg12[%swap3A_336, %swap3A_337] {strides = array<i32>} : memref<32x128xf32, #tpu.memory_space<vmem>>, vector<16xf32>,
        tpu.vector_store %arg12[%swap3A_336, %swap3A_337], %max3A_311 {strides = array<i32>} : memref<32x128xf32, #tpu.memory_space<vmem>>, vector<16xf32>,
        %get3A_339 = arith.index_cast %scan3A_293 : i32 to index
        %get3A_340 = arith.constant 16 : index
        %get3A_341 = tpu.vector_load %arg8[%get3A_339, %get3A_340] {strides = array<i32>} : memref<32x128xf32, #tpu.memory_space<vmem>>, vector<16xf32>,
        %get3A_342 = arith.index_cast %scan3A_293 : i32 to index
        %get3A_343 = arith.constant 16 : index
        %get3A_344 = tpu.vector_load %arg9[%get3A_342, %get3A_343] {strides = array<i32>} : memref<32x128xf32, #tpu.memory_space<vmem>>, vector<16xf32>,
        %mul3A_345 = arith.constant 2.000000e+00 : f32
        %mul3A_346 = vector.broadcast %mul3A_345 : f32 to vector<16xf32>
        %mul3A_347 = arith.mulf %mul3A_346, %get3A_344 : vector<16xf32>
        %sub3A_348 = arith.constant 1.000000e+00 : f32
        %sub3A_349 = vector.broadcast %sub3A_348 : f32 to vector<16xf32>
        %sub3A_350 = arith.subf %mul3A_347, %sub3A_349 : vector<16xf32>
        %mul3A_351 = arith.mulf %get3A_341, %sub3A_350 : vector<16xf32>
        %sub3A_352 = arith.constant 1.000000e+00 : f32
        %sub3A_353 = vector.broadcast %sub3A_352 : f32 to vector<16xf32>
        %sub3A_354 = arith.subf %sub3A_353, %mul3A_351 : vector<16xf32>
        %max3A_355 = arith.constant 0.000000e+00 : f32
        %max3A_356 = vector.broadcast %max3A_355 : f32 to vector<16xf32>
        %max3A_357 = arith.maximumf %sub3A_354, %max3A_356 : vector<16xf32>
        %bitcast3A_358 = vector.bitcast %sub3A_354 : vector<16xf32> to vector<16xi32>
        %ge3A_359 = arith.constant -2147483648 : i32
        %ge3A_360 = vector.broadcast %ge3A_359 : i32 to vector<16xi32>
        %ge3A_361 = arith.cmpi uge, %bitcast3A_358, %ge3A_360 : vector<16xi32>
        %not3A_362 = arith.constant dense<-1> : vector<16xi32>
        %not3A_363 = arith.xori %bitcast3A_358, %not3A_362 : vector<16xi32>
        %or3A_364 = arith.constant -2147483648 : i32
        %or3A_365 = vector.broadcast %or3A_364 : i32 to vector<16xi32>
        %or3A_366 = arith.ori %bitcast3A_358, %or3A_365 : vector<16xi32>
        %select_n3A_367 = arith.select %ge3A_361, %not3A_363, %or3A_366 : vector<16xi1>, vector<16xi32>
        %not3A_368 = arith.constant dense<-1> : vector<16xi32>
        %not3A_369 = arith.xori %select_n3A_367, %not3A_368 : vector<16xi32>
        %broadcast_in_dim3A_370 = arith.constant 15 : i32
        %broadcast_in_dim3A_371 = vector.broadcast %broadcast_in_dim3A_370 : i32 to vector<16xi32>
        %shift_right_logical3A_372 = arith.shrui %not3A_369, %broadcast_in_dim3A_371 : vector<16xi32>
        %convert_element_type3A_373 = arith.fptosi %get3A_344 : vector<16xf32> to vector<16xi32>
        %mul3A_374 = arith.constant 131072 : i32
        %mul3A_375 = vector.broadcast %mul3A_374 : i32 to vector<16xi32>
        %mul3A_376 = arith.muli %convert_element_type3A_373, %mul3A_375 : vector<16xi32>
        %add3A_377 = arith.addi %shift_right_logical3A_372, %mul3A_376 : vector<16xi32>
        %swap3A_378 = arith.index_cast %scan3A_293 : i32 to index
        %swap3A_379 = arith.constant 16 : index
        %swap3A_380 = tpu.vector_load %arg10[%swap3A_378, %swap3A_379] {strides = array<i32>} : memref<32x128xi32, #tpu.memory_space<vmem>>, vector<16xi32>,
        tpu.vector_store %arg10[%swap3A_378, %swap3A_379], %add3A_377 {strides = array<i32>} : memref<32x128xi32, #tpu.memory_space<vmem>>, vector<16xi32>,
        %add3A_381 = arith.constant 262144 : i32
        %add3A_382 = vector.broadcast %add3A_381 : i32 to vector<16xi32>
        %add3A_383 = arith.addi %add3A_377, %add3A_382 : vector<16xi32>
        %swap3A_384 = arith.index_cast %scan3A_293 : i32 to index
        %swap3A_385 = arith.constant 16 : index
        %swap3A_386 = tpu.vector_load %arg11[%swap3A_384, %swap3A_385] {strides = array<i32>} : memref<32x128xi32, #tpu.memory_space<vmem>>, vector<16xi32>,
        tpu.vector_store %arg11[%swap3A_384, %swap3A_385], %add3A_383 {strides = array<i32>} : memref<32x128xi32, #tpu.memory_space<vmem>>, vector<16xi32>,
        %swap3A_387 = arith.index_cast %scan3A_293 : i32 to index
        %swap3A_388 = arith.constant 16 : index
        %swap3A_389 = tpu.vector_load %arg12[%swap3A_387, %swap3A_388] {strides = array<i32>} : memref<32x128xf32, #tpu.memory_space<vmem>>, vector<16xf32>,
        tpu.vector_store %arg12[%swap3A_387, %swap3A_388], %max3A_357 {strides = array<i32>} : memref<32x128xf32, #tpu.memory_space<vmem>>, vector<16xf32>,
        %get3A_390 = arith.index_cast %scan3A_293 : i32 to index
        %get3A_391 = arith.constant 32 : index
        %get3A_392 = tpu.vector_load %arg8[%get3A_390, %get3A_391] {strides = array<i32>} : memref<32x128xf32, #tpu.memory_space<vmem>>, vector<16xf32>,
        %get3A_393 = arith.index_cast %scan3A_293 : i32 to index
        %get3A_394 = arith.constant 32 : index
        %get3A_395 = tpu.vector_load %arg9[%get3A_393, %get3A_394] {strides = array<i32>} : memref<32x128xf32, #tpu.memory_space<vmem>>, vector<16xf32>,
        %mul3A_396 = arith.constant 2.000000e+00 : f32
        %mul3A_397 = vector.broadcast %mul3A_396 : f32 to vector<16xf32>
        %mul3A_398 = arith.mulf %mul3A_397, %get3A_395 : vector<16xf32>
        %sub3A_399 = arith.constant 1.000000e+00 : f32
        %sub3A_400 = vector.broadcast %sub3A_399 : f32 to vector<16xf32>
        %sub3A_401 = arith.subf %mul3A_398, %sub3A_400 : vector<16xf32>
        %mul3A_402 = arith.mulf %get3A_392, %sub3A_401 : vector<16xf32>
        %sub3A_403 = arith.constant 1.000000e+00 : f32
        %sub3A_404 = vector.broadcast %sub3A_403 : f32 to vector<16xf32>
        %sub3A_405 = arith.subf %sub3A_404, %mul3A_402 : vector<16xf32>
        %max3A_406 = arith.constant 0.000000e+00 : f32
        %max3A_407 = vector.broadcast %max3A_406 : f32 to vector<16xf32>
        %max3A_408 = arith.maximumf %sub3A_405, %max3A_407 : vector<16xf32>
        %bitcast3A_409 = vector.bitcast %sub3A_405 : vector<16xf32> to vector<16xi32>
        %ge3A_410 = arith.constant -2147483648 : i32
        %ge3A_411 = vector.broadcast %ge3A_410 : i32 to vector<16xi32>
        %ge3A_412 = arith.cmpi uge, %bitcast3A_409, %ge3A_411 : vector<16xi32>
        %not3A_413 = arith.constant dense<-1> : vector<16xi32>
        %not3A_414 = arith.xori %bitcast3A_409, %not3A_413 : vector<16xi32>
        %or3A_415 = arith.constant -2147483648 : i32
        %or3A_416 = vector.broadcast %or3A_415 : i32 to vector<16xi32>
        %or3A_417 = arith.ori %bitcast3A_409, %or3A_416 : vector<16xi32>
        %select_n3A_418 = arith.select %ge3A_412, %not3A_414, %or3A_417 : vector<16xi1>, vector<16xi32>
        %not3A_419 = arith.constant dense<-1> : vector<16xi32>
        %not3A_420 = arith.xori %select_n3A_418, %not3A_419 : vector<16xi32>
        %broadcast_in_dim3A_421 = arith.constant 15 : i32
        %broadcast_in_dim3A_422 = vector.broadcast %broadcast_in_dim3A_421 : i32 to vector<16xi32>
        %shift_right_logical3A_423 = arith.shrui %not3A_420, %broadcast_in_dim3A_422 : vector<16xi32>
        %convert_element_type3A_424 = arith.fptosi %get3A_395 : vector<16xf32> to vector<16xi32>
        %mul3A_425 = arith.constant 131072 : i32
        %mul3A_426 = vector.broadcast %mul3A_425 : i32 to vector<16xi32>
        %mul3A_427 = arith.muli %convert_element_type3A_424, %mul3A_426 : vector<16xi32>
        %add3A_428 = arith.addi %shift_right_logical3A_423, %mul3A_427 : vector<16xi32>
        %swap3A_429 = arith.index_cast %scan3A_293 : i32 to index
        %swap3A_430 = arith.constant 32 : index
        %swap3A_431 = tpu.vector_load %arg10[%swap3A_429, %swap3A_430] {strides = array<i32>} : memref<32x128xi32, #tpu.memory_space<vmem>>, vector<16xi32>,
        tpu.vector_store %arg10[%swap3A_429, %swap3A_430], %add3A_428 {strides = array<i32>} : memref<32x128xi32, #tpu.memory_space<vmem>>, vector<16xi32>,
        %add3A_432 = arith.constant 262144 : i32
        %add3A_433 = vector.broadcast %add3A_432 : i32 to vector<16xi32>
        %add3A_434 = arith.addi %add3A_428, %add3A_433 : vector<16xi32>
        %swap3A_435 = arith.index_cast %scan3A_293 : i32 to index
        %swap3A_436 = arith.constant 32 : index
        %swap3A_437 = tpu.vector_load %arg11[%swap3A_435, %swap3A_436] {strides = array<i32>} : memref<32x128xi32, #tpu.memory_space<vmem>>, vector<16xi32>,
        tpu.vector_store %arg11[%swap3A_435, %swap3A_436], %add3A_434 {strides = array<i32>} : memref<32x128xi32, #tpu.memory_space<vmem>>, vector<16xi32>,
        %swap3A_438 = arith.index_cast %scan3A_293 : i32 to index
        %swap3A_439 = arith.constant 32 : index
        %swap3A_440 = tpu.vector_load %arg12[%swap3A_438, %swap3A_439] {strides = array<i32>} : memref<32x128xf32, #tpu.memory_space<vmem>>, vector<16xf32>,
        tpu.vector_store %arg12[%swap3A_438, %swap3A_439], %max3A_408 {strides = array<i32>} : memref<32x128xf32, #tpu.memory_space<vmem>>, vector<16xf32>,
        %get3A_441 = arith.index_cast %scan3A_293 : i32 to index
        %get3A_442 = arith.constant 48 : index
        %get3A_443 = tpu.vector_load %arg8[%get3A_441, %get3A_442] {strides = array<i32>} : memref<32x128xf32, #tpu.memory_space<vmem>>, vector<16xf32>,
        %get3A_444 = arith.index_cast %scan3A_293 : i32 to index
        %get3A_445 = arith.constant 48 : index
        %get3A_446 = tpu.vector_load %arg9[%get3A_444, %get3A_445] {strides = array<i32>} : memref<32x128xf32, #tpu.memory_space<vmem>>, vector<16xf32>,
        %mul3A_447 = arith.constant 2.000000e+00 : f32
        %mul3A_448 = vector.broadcast %mul3A_447 : f32 to vector<16xf32>
        %mul3A_449 = arith.mulf %mul3A_448, %get3A_446 : vector<16xf32>
        %sub3A_450 = arith.constant 1.000000e+00 : f32
        %sub3A_451 = vector.broadcast %sub3A_450 : f32 to vector<16xf32>
        %sub3A_452 = arith.subf %mul3A_449, %sub3A_451 : vector<16xf32>
        %mul3A_453 = arith.mulf %get3A_443, %sub3A_452 : vector<16xf32>
        %sub3A_454 = arith.constant 1.000000e+00 : f32
        %sub3A_455 = vector.broadcast %sub3A_454 : f32 to vector<16xf32>
        %sub3A_456 = arith.subf %sub3A_455, %mul3A_453 : vector<16xf32>
        %max3A_457 = arith.constant 0.000000e+00 : f32
        %max3A_458 = vector.broadcast %max3A_457 : f32 to vector<16xf32>
        %max3A_459 = arith.maximumf %sub3A_456, %max3A_458 : vector<16xf32>
        %bitcast3A_460 = vector.bitcast %sub3A_456 : vector<16xf32> to vector<16xi32>
        %ge3A_461 = arith.constant -2147483648 : i32
        %ge3A_462 = vector.broadcast %ge3A_461 : i32 to vector<16xi32>
        %ge3A_463 = arith.cmpi uge, %bitcast3A_460, %ge3A_462 : vector<16xi32>
        %not3A_464 = arith.constant dense<-1> : vector<16xi32>
        %not3A_465 = arith.xori %bitcast3A_460, %not3A_464 : vector<16xi32>
        %or3A_466 = arith.constant -2147483648 : i32
        %or3A_467 = vector.broadcast %or3A_466 : i32 to vector<16xi32>
        %or3A_468 = arith.ori %bitcast3A_460, %or3A_467 : vector<16xi32>
        %select_n3A_469 = arith.select %ge3A_463, %not3A_465, %or3A_468 : vector<16xi1>, vector<16xi32>
        %not3A_470 = arith.constant dense<-1> : vector<16xi32>
        %not3A_471 = arith.xori %select_n3A_469, %not3A_470 : vector<16xi32>
        %broadcast_in_dim3A_472 = arith.constant 15 : i32
        %broadcast_in_dim3A_473 = vector.broadcast %broadcast_in_dim3A_472 : i32 to vector<16xi32>
        %shift_right_logical3A_474 = arith.shrui %not3A_471, %broadcast_in_dim3A_473 : vector<16xi32>
        %convert_element_type3A_475 = arith.fptosi %get3A_446 : vector<16xf32> to vector<16xi32>
        %mul3A_476 = arith.constant 131072 : i32
        %mul3A_477 = vector.broadcast %mul3A_476 : i32 to vector<16xi32>
        %mul3A_478 = arith.muli %convert_element_type3A_475, %mul3A_477 : vector<16xi32>
        %add3A_479 = arith.addi %shift_right_logical3A_474, %mul3A_478 : vector<16xi32>
        %swap3A_480 = arith.index_cast %scan3A_293 : i32 to index
        %swap3A_481 = arith.constant 48 : index
        %swap3A_482 = tpu.vector_load %arg10[%swap3A_480, %swap3A_481] {strides = array<i32>} : memref<32x128xi32, #tpu.memory_space<vmem>>, vector<16xi32>,
        tpu.vector_store %arg10[%swap3A_480, %swap3A_481], %add3A_479 {strides = array<i32>} : memref<32x128xi32, #tpu.memory_space<vmem>>, vector<16xi32>,
        %add3A_483 = arith.constant 262144 : i32
        %add3A_484 = vector.broadcast %add3A_483 : i32 to vector<16xi32>
        %add3A_485 = arith.addi %add3A_479, %add3A_484 : vector<16xi32>
        %swap3A_486 = arith.index_cast %scan3A_293 : i32 to index
        %swap3A_487 = arith.constant 48 : index
        %swap3A_488 = tpu.vector_load %arg11[%swap3A_486, %swap3A_487] {strides = array<i32>} : memref<32x128xi32, #tpu.memory_space<vmem>>, vector<16xi32>,
        tpu.vector_store %arg11[%swap3A_486, %swap3A_487], %add3A_485 {strides = array<i32>} : memref<32x128xi32, #tpu.memory_space<vmem>>, vector<16xi32>,
        %swap3A_489 = arith.index_cast %scan3A_293 : i32 to index
        %swap3A_490 = arith.constant 48 : index
        %swap3A_491 = tpu.vector_load %arg12[%swap3A_489, %swap3A_490] {strides = array<i32>} : memref<32x128xf32, #tpu.memory_space<vmem>>, vector<16xf32>,
        tpu.vector_store %arg12[%swap3A_489, %swap3A_490], %max3A_459 {strides = array<i32>} : memref<32x128xf32, #tpu.memory_space<vmem>>, vector<16xf32>,
        %get3A_492 = arith.index_cast %scan3A_293 : i32 to index
        %get3A_493 = arith.constant 64 : index
        %get3A_494 = tpu.vector_load %arg8[%get3A_492, %get3A_493] {strides = array<i32>} : memref<32x128xf32, #tpu.memory_space<vmem>>, vector<16xf32>,
        %get3A_495 = arith.index_cast %scan3A_293 : i32 to index
        %get3A_496 = arith.constant 64 : index
        %get3A_497 = tpu.vector_load %arg9[%get3A_495, %get3A_496] {strides = array<i32>} : memref<32x128xf32, #tpu.memory_space<vmem>>, vector<16xf32>,
        %mul3A_498 = arith.constant 2.000000e+00 : f32
        %mul3A_499 = vector.broadcast %mul3A_498 : f32 to vector<16xf32>
        %mul3A_500 = arith.mulf %mul3A_499, %get3A_497 : vector<16xf32>
        %sub3A_501 = arith.constant 1.000000e+00 : f32
        %sub3A_502 = vector.broadcast %sub3A_501 : f32 to vector<16xf32>
        %sub3A_503 = arith.subf %mul3A_500, %sub3A_502 : vector<16xf32>
        %mul3A_504 = arith.mulf %get3A_494, %sub3A_503 : vector<16xf32>
        %sub3A_505 = arith.constant 1.000000e+00 : f32
        %sub3A_506 = vector.broadcast %sub3A_505 : f32 to vector<16xf32>
        %sub3A_507 = arith.subf %sub3A_506, %mul3A_504 : vector<16xf32>
        %max3A_508 = arith.constant 0.000000e+00 : f32
        %max3A_509 = vector.broadcast %max3A_508 : f32 to vector<16xf32>
        %max3A_510 = arith.maximumf %sub3A_507, %max3A_509 : vector<16xf32>
        %bitcast3A_511 = vector.bitcast %sub3A_507 : vector<16xf32> to vector<16xi32>
        %ge3A_512 = arith.constant -2147483648 : i32
        %ge3A_513 = vector.broadcast %ge3A_512 : i32 to vector<16xi32>
        %ge3A_514 = arith.cmpi uge, %bitcast3A_511, %ge3A_513 : vector<16xi32>
        %not3A_515 = arith.constant dense<-1> : vector<16xi32>
        %not3A_516 = arith.xori %bitcast3A_511, %not3A_515 : vector<16xi32>
        %or3A_517 = arith.constant -2147483648 : i32
        %or3A_518 = vector.broadcast %or3A_517 : i32 to vector<16xi32>
        %or3A_519 = arith.ori %bitcast3A_511, %or3A_518 : vector<16xi32>
        %select_n3A_520 = arith.select %ge3A_514, %not3A_516, %or3A_519 : vector<16xi1>, vector<16xi32>
        %not3A_521 = arith.constant dense<-1> : vector<16xi32>
        %not3A_522 = arith.xori %select_n3A_520, %not3A_521 : vector<16xi32>
        %broadcast_in_dim3A_523 = arith.constant 15 : i32
        %broadcast_in_dim3A_524 = vector.broadcast %broadcast_in_dim3A_523 : i32 to vector<16xi32>
        %shift_right_logical3A_525 = arith.shrui %not3A_522, %broadcast_in_dim3A_524 : vector<16xi32>
        %convert_element_type3A_526 = arith.fptosi %get3A_497 : vector<16xf32> to vector<16xi32>
        %mul3A_527 = arith.constant 131072 : i32
        %mul3A_528 = vector.broadcast %mul3A_527 : i32 to vector<16xi32>
        %mul3A_529 = arith.muli %convert_element_type3A_526, %mul3A_528 : vector<16xi32>
        %add3A_530 = arith.addi %shift_right_logical3A_525, %mul3A_529 : vector<16xi32>
        %swap3A_531 = arith.index_cast %scan3A_293 : i32 to index
        %swap3A_532 = arith.constant 64 : index
        %swap3A_533 = tpu.vector_load %arg10[%swap3A_531, %swap3A_532] {strides = array<i32>} : memref<32x128xi32, #tpu.memory_space<vmem>>, vector<16xi32>,
        tpu.vector_store %arg10[%swap3A_531, %swap3A_532], %add3A_530 {strides = array<i32>} : memref<32x128xi32, #tpu.memory_space<vmem>>, vector<16xi32>,
        %add3A_534 = arith.constant 262144 : i32
        %add3A_535 = vector.broadcast %add3A_534 : i32 to vector<16xi32>
        %add3A_536 = arith.addi %add3A_530, %add3A_535 : vector<16xi32>
        %swap3A_537 = arith.index_cast %scan3A_293 : i32 to index
        %swap3A_538 = arith.constant 64 : index
        %swap3A_539 = tpu.vector_load %arg11[%swap3A_537, %swap3A_538] {strides = array<i32>} : memref<32x128xi32, #tpu.memory_space<vmem>>, vector<16xi32>,
        tpu.vector_store %arg11[%swap3A_537, %swap3A_538], %add3A_536 {strides = array<i32>} : memref<32x128xi32, #tpu.memory_space<vmem>>, vector<16xi32>,
        %swap3A_540 = arith.index_cast %scan3A_293 : i32 to index
        %swap3A_541 = arith.constant 64 : index
        %swap3A_542 = tpu.vector_load %arg12[%swap3A_540, %swap3A_541] {strides = array<i32>} : memref<32x128xf32, #tpu.memory_space<vmem>>, vector<16xf32>,
        tpu.vector_store %arg12[%swap3A_540, %swap3A_541], %max3A_510 {strides = array<i32>} : memref<32x128xf32, #tpu.memory_space<vmem>>, vector<16xf32>,
        %get3A_543 = arith.index_cast %scan3A_293 : i32 to index
        %get3A_544 = arith.constant 80 : index
        %get3A_545 = tpu.vector_load %arg8[%get3A_543, %get3A_544] {strides = array<i32>} : memref<32x128xf32, #tpu.memory_space<vmem>>, vector<16xf32>,
        %get3A_546 = arith.index_cast %scan3A_293 : i32 to index
        %get3A_547 = arith.constant 80 : index
        %get3A_548 = tpu.vector_load %arg9[%get3A_546, %get3A_547] {strides = array<i32>} : memref<32x128xf32, #tpu.memory_space<vmem>>, vector<16xf32>,
        %mul3A_549 = arith.constant 2.000000e+00 : f32
        %mul3A_550 = vector.broadcast %mul3A_549 : f32 to vector<16xf32>
        %mul3A_551 = arith.mulf %mul3A_550, %get3A_548 : vector<16xf32>
        %sub3A_552 = arith.constant 1.000000e+00 : f32
        %sub3A_553 = vector.broadcast %sub3A_552 : f32 to vector<16xf32>
        %sub3A_554 = arith.subf %mul3A_551, %sub3A_553 : vector<16xf32>
        %mul3A_555 = arith.mulf %get3A_545, %sub3A_554 : vector<16xf32>
        %sub3A_556 = arith.constant 1.000000e+00 : f32
        %sub3A_557 = vector.broadcast %sub3A_556 : f32 to vector<16xf32>
        %sub3A_558 = arith.subf %sub3A_557, %mul3A_555 : vector<16xf32>
        %max3A_559 = arith.constant 0.000000e+00 : f32
        %max3A_560 = vector.broadcast %max3A_559 : f32 to vector<16xf32>
        %max3A_561 = arith.maximumf %sub3A_558, %max3A_560 : vector<16xf32>
        %bitcast3A_562 = vector.bitcast %sub3A_558 : vector<16xf32> to vector<16xi32>
        %ge3A_563 = arith.constant -2147483648 : i32
        %ge3A_564 = vector.broadcast %ge3A_563 : i32 to vector<16xi32>
        %ge3A_565 = arith.cmpi uge, %bitcast3A_562, %ge3A_564 : vector<16xi32>
        %not3A_566 = arith.constant dense<-1> : vector<16xi32>
        %not3A_567 = arith.xori %bitcast3A_562, %not3A_566 : vector<16xi32>
        %or3A_568 = arith.constant -2147483648 : i32
        %or3A_569 = vector.broadcast %or3A_568 : i32 to vector<16xi32>
        %or3A_570 = arith.ori %bitcast3A_562, %or3A_569 : vector<16xi32>
        %select_n3A_571 = arith.select %ge3A_565, %not3A_567, %or3A_570 : vector<16xi1>, vector<16xi32>
        %not3A_572 = arith.constant dense<-1> : vector<16xi32>
        %not3A_573 = arith.xori %select_n3A_571, %not3A_572 : vector<16xi32>
        %broadcast_in_dim3A_574 = arith.constant 15 : i32
        %broadcast_in_dim3A_575 = vector.broadcast %broadcast_in_dim3A_574 : i32 to vector<16xi32>
        %shift_right_logical3A_576 = arith.shrui %not3A_573, %broadcast_in_dim3A_575 : vector<16xi32>
        %convert_element_type3A_577 = arith.fptosi %get3A_548 : vector<16xf32> to vector<16xi32>
        %mul3A_578 = arith.constant 131072 : i32
        %mul3A_579 = vector.broadcast %mul3A_578 : i32 to vector<16xi32>
        %mul3A_580 = arith.muli %convert_element_type3A_577, %mul3A_579 : vector<16xi32>
        %add3A_581 = arith.addi %shift_right_logical3A_576, %mul3A_580 : vector<16xi32>
        %swap3A_582 = arith.index_cast %scan3A_293 : i32 to index
        %swap3A_583 = arith.constant 80 : index
        %swap3A_584 = tpu.vector_load %arg10[%swap3A_582, %swap3A_583] {strides = array<i32>} : memref<32x128xi32, #tpu.memory_space<vmem>>, vector<16xi32>,
        tpu.vector_store %arg10[%swap3A_582, %swap3A_583], %add3A_581 {strides = array<i32>} : memref<32x128xi32, #tpu.memory_space<vmem>>, vector<16xi32>,
        %add3A_585 = arith.constant 262144 : i32
        %add3A_586 = vector.broadcast %add3A_585 : i32 to vector<16xi32>
        %add3A_587 = arith.addi %add3A_581, %add3A_586 : vector<16xi32>
        %swap3A_588 = arith.index_cast %scan3A_293 : i32 to index
        %swap3A_589 = arith.constant 80 : index
        %swap3A_590 = tpu.vector_load %arg11[%swap3A_588, %swap3A_589] {strides = array<i32>} : memref<32x128xi32, #tpu.memory_space<vmem>>, vector<16xi32>,
        tpu.vector_store %arg11[%swap3A_588, %swap3A_589], %add3A_587 {strides = array<i32>} : memref<32x128xi32, #tpu.memory_space<vmem>>, vector<16xi32>,
        %swap3A_591 = arith.index_cast %scan3A_293 : i32 to index
        %swap3A_592 = arith.constant 80 : index
        %swap3A_593 = tpu.vector_load %arg12[%swap3A_591, %swap3A_592] {strides = array<i32>} : memref<32x128xf32, #tpu.memory_space<vmem>>, vector<16xf32>,
        tpu.vector_store %arg12[%swap3A_591, %swap3A_592], %max3A_561 {strides = array<i32>} : memref<32x128xf32, #tpu.memory_space<vmem>>, vector<16xf32>,
        %get3A_594 = arith.index_cast %scan3A_293 : i32 to index
        %get3A_595 = arith.constant 96 : index
        %get3A_596 = tpu.vector_load %arg8[%get3A_594, %get3A_595] {strides = array<i32>} : memref<32x128xf32, #tpu.memory_space<vmem>>, vector<16xf32>,
        %get3A_597 = arith.index_cast %scan3A_293 : i32 to index
        %get3A_598 = arith.constant 96 : index
        %get3A_599 = tpu.vector_load %arg9[%get3A_597, %get3A_598] {strides = array<i32>} : memref<32x128xf32, #tpu.memory_space<vmem>>, vector<16xf32>,
        %mul3A_600 = arith.constant 2.000000e+00 : f32
        %mul3A_601 = vector.broadcast %mul3A_600 : f32 to vector<16xf32>
        %mul3A_602 = arith.mulf %mul3A_601, %get3A_599 : vector<16xf32>
        %sub3A_603 = arith.constant 1.000000e+00 : f32
        %sub3A_604 = vector.broadcast %sub3A_603 : f32 to vector<16xf32>
        %sub3A_605 = arith.subf %mul3A_602, %sub3A_604 : vector<16xf32>
        %mul3A_606 = arith.mulf %get3A_596, %sub3A_605 : vector<16xf32>
        %sub3A_607 = arith.constant 1.000000e+00 : f32
        %sub3A_608 = vector.broadcast %sub3A_607 : f32 to vector<16xf32>
        %sub3A_609 = arith.subf %sub3A_608, %mul3A_606 : vector<16xf32>
        %max3A_610 = arith.constant 0.000000e+00 : f32
        %max3A_611 = vector.broadcast %max3A_610 : f32 to vector<16xf32>
        %max3A_612 = arith.maximumf %sub3A_609, %max3A_611 : vector<16xf32>
        %bitcast3A_613 = vector.bitcast %sub3A_609 : vector<16xf32> to vector<16xi32>
        %ge3A_614 = arith.constant -2147483648 : i32
        %ge3A_615 = vector.broadcast %ge3A_614 : i32 to vector<16xi32>
        %ge3A_616 = arith.cmpi uge, %bitcast3A_613, %ge3A_615 : vector<16xi32>
        %not3A_617 = arith.constant dense<-1> : vector<16xi32>
        %not3A_618 = arith.xori %bitcast3A_613, %not3A_617 : vector<16xi32>
        %or3A_619 = arith.constant -2147483648 : i32
        %or3A_620 = vector.broadcast %or3A_619 : i32 to vector<16xi32>
        %or3A_621 = arith.ori %bitcast3A_613, %or3A_620 : vector<16xi32>
        %select_n3A_622 = arith.select %ge3A_616, %not3A_618, %or3A_621 : vector<16xi1>, vector<16xi32>
        %not3A_623 = arith.constant dense<-1> : vector<16xi32>
        %not3A_624 = arith.xori %select_n3A_622, %not3A_623 : vector<16xi32>
        %broadcast_in_dim3A_625 = arith.constant 15 : i32
        %broadcast_in_dim3A_626 = vector.broadcast %broadcast_in_dim3A_625 : i32 to vector<16xi32>
        %shift_right_logical3A_627 = arith.shrui %not3A_624, %broadcast_in_dim3A_626 : vector<16xi32>
        %convert_element_type3A_628 = arith.fptosi %get3A_599 : vector<16xf32> to vector<16xi32>
        %mul3A_629 = arith.constant 131072 : i32
        %mul3A_630 = vector.broadcast %mul3A_629 : i32 to vector<16xi32>
        %mul3A_631 = arith.muli %convert_element_type3A_628, %mul3A_630 : vector<16xi32>
        %add3A_632 = arith.addi %shift_right_logical3A_627, %mul3A_631 : vector<16xi32>
        %swap3A_633 = arith.index_cast %scan3A_293 : i32 to index
        %swap3A_634 = arith.constant 96 : index
        %swap3A_635 = tpu.vector_load %arg10[%swap3A_633, %swap3A_634] {strides = array<i32>} : memref<32x128xi32, #tpu.memory_space<vmem>>, vector<16xi32>,
        tpu.vector_store %arg10[%swap3A_633, %swap3A_634], %add3A_632 {strides = array<i32>} : memref<32x128xi32, #tpu.memory_space<vmem>>, vector<16xi32>,
        %add3A_636 = arith.constant 262144 : i32
        %add3A_637 = vector.broadcast %add3A_636 : i32 to vector<16xi32>
        %add3A_638 = arith.addi %add3A_632, %add3A_637 : vector<16xi32>
        %swap3A_639 = arith.index_cast %scan3A_293 : i32 to index
        %swap3A_640 = arith.constant 96 : index
        %swap3A_641 = tpu.vector_load %arg11[%swap3A_639, %swap3A_640] {strides = array<i32>} : memref<32x128xi32, #tpu.memory_space<vmem>>, vector<16xi32>,
        tpu.vector_store %arg11[%swap3A_639, %swap3A_640], %add3A_638 {strides = array<i32>} : memref<32x128xi32, #tpu.memory_space<vmem>>, vector<16xi32>,
        %swap3A_642 = arith.index_cast %scan3A_293 : i32 to index
        %swap3A_643 = arith.constant 96 : index
        %swap3A_644 = tpu.vector_load %arg12[%swap3A_642, %swap3A_643] {strides = array<i32>} : memref<32x128xf32, #tpu.memory_space<vmem>>, vector<16xf32>,
        tpu.vector_store %arg12[%swap3A_642, %swap3A_643], %max3A_612 {strides = array<i32>} : memref<32x128xf32, #tpu.memory_space<vmem>>, vector<16xf32>,
        %get3A_645 = arith.index_cast %scan3A_293 : i32 to index
        %get3A_646 = arith.constant 112 : index
        %get3A_647 = tpu.vector_load %arg8[%get3A_645, %get3A_646] {strides = array<i32>} : memref<32x128xf32, #tpu.memory_space<vmem>>, vector<16xf32>,
        %get3A_648 = arith.index_cast %scan3A_293 : i32 to index
        %get3A_649 = arith.constant 112 : index
        %get3A_650 = tpu.vector_load %arg9[%get3A_648, %get3A_649] {strides = array<i32>} : memref<32x128xf32, #tpu.memory_space<vmem>>, vector<16xf32>,
        %mul3A_651 = arith.constant 2.000000e+00 : f32
        %mul3A_652 = vector.broadcast %mul3A_651 : f32 to vector<16xf32>
        %mul3A_653 = arith.mulf %mul3A_652, %get3A_650 : vector<16xf32>
        %sub3A_654 = arith.constant 1.000000e+00 : f32
        %sub3A_655 = vector.broadcast %sub3A_654 : f32 to vector<16xf32>
        %sub3A_656 = arith.subf %mul3A_653, %sub3A_655 : vector<16xf32>
        %mul3A_657 = arith.mulf %get3A_647, %sub3A_656 : vector<16xf32>
        %sub3A_658 = arith.constant 1.000000e+00 : f32
        %sub3A_659 = vector.broadcast %sub3A_658 : f32 to vector<16xf32>
        %sub3A_660 = arith.subf %sub3A_659, %mul3A_657 : vector<16xf32>
        %max3A_661 = arith.constant 0.000000e+00 : f32
        %max3A_662 = vector.broadcast %max3A_661 : f32 to vector<16xf32>
        %max3A_663 = arith.maximumf %sub3A_660, %max3A_662 : vector<16xf32>
        %bitcast3A_664 = vector.bitcast %sub3A_660 : vector<16xf32> to vector<16xi32>
        %ge3A_665 = arith.constant -2147483648 : i32
        %ge3A_666 = vector.broadcast %ge3A_665 : i32 to vector<16xi32>
        %ge3A_667 = arith.cmpi uge, %bitcast3A_664, %ge3A_666 : vector<16xi32>
        %not3A_668 = arith.constant dense<-1> : vector<16xi32>
        %not3A_669 = arith.xori %bitcast3A_664, %not3A_668 : vector<16xi32>
        %or3A_670 = arith.constant -2147483648 : i32
        %or3A_671 = vector.broadcast %or3A_670 : i32 to vector<16xi32>
        %or3A_672 = arith.ori %bitcast3A_664, %or3A_671 : vector<16xi32>
        %select_n3A_673 = arith.select %ge3A_667, %not3A_669, %or3A_672 : vector<16xi1>, vector<16xi32>
        %not3A_674 = arith.constant dense<-1> : vector<16xi32>
        %not3A_675 = arith.xori %select_n3A_673, %not3A_674 : vector<16xi32>
        %broadcast_in_dim3A_676 = arith.constant 15 : i32
        %broadcast_in_dim3A_677 = vector.broadcast %broadcast_in_dim3A_676 : i32 to vector<16xi32>
        %shift_right_logical3A_678 = arith.shrui %not3A_675, %broadcast_in_dim3A_677 : vector<16xi32>
        %convert_element_type3A_679 = arith.fptosi %get3A_650 : vector<16xf32> to vector<16xi32>
        %mul3A_680 = arith.constant 131072 : i32
        %mul3A_681 = vector.broadcast %mul3A_680 : i32 to vector<16xi32>
        %mul3A_682 = arith.muli %convert_element_type3A_679, %mul3A_681 : vector<16xi32>
        %add3A_683 = arith.addi %shift_right_logical3A_678, %mul3A_682 : vector<16xi32>
        %swap3A_684 = arith.index_cast %scan3A_293 : i32 to index
        %swap3A_685 = arith.constant 112 : index
        %swap3A_686 = tpu.vector_load %arg10[%swap3A_684, %swap3A_685] {strides = array<i32>} : memref<32x128xi32, #tpu.memory_space<vmem>>, vector<16xi32>,
        tpu.vector_store %arg10[%swap3A_684, %swap3A_685], %add3A_683 {strides = array<i32>} : memref<32x128xi32, #tpu.memory_space<vmem>>, vector<16xi32>,
        %add3A_687 = arith.constant 262144 : i32
        %add3A_688 = vector.broadcast %add3A_687 : i32 to vector<16xi32>
        %add3A_689 = arith.addi %add3A_683, %add3A_688 : vector<16xi32>
        %swap3A_690 = arith.index_cast %scan3A_293 : i32 to index
        %swap3A_691 = arith.constant 112 : index
        %swap3A_692 = tpu.vector_load %arg11[%swap3A_690, %swap3A_691] {strides = array<i32>} : memref<32x128xi32, #tpu.memory_space<vmem>>, vector<16xi32>,
        tpu.vector_store %arg11[%swap3A_690, %swap3A_691], %add3A_689 {strides = array<i32>} : memref<32x128xi32, #tpu.memory_space<vmem>>, vector<16xi32>,
        %swap3A_693 = arith.index_cast %scan3A_293 : i32 to index
        %swap3A_694 = arith.constant 112 : index
        %swap3A_695 = tpu.vector_load %arg12[%swap3A_693, %swap3A_694] {strides = array<i32>} : memref<32x128xf32, #tpu.memory_space<vmem>>, vector<16xf32>,
        tpu.vector_store %arg12[%swap3A_693, %swap3A_694], %max3A_663 {strides = array<i32>} : memref<32x128xf32, #tpu.memory_space<vmem>>, vector<16xf32>,
        %scan3A_696 = arith.constant 0 : i32
        scf.yield %scan3A_696 : i32
      }
      %scan3A_53 = arith.constant 32 : i32
      %scan3A_54 = arith.constant 0 : i32
      %scan3A_55 = arith.constant 0 : i32
      %scan3A_56 = arith.constant 32 : i32
      %scan3A_57 = arith.addi %scan3A_55, %scan3A_56 : i32
      %scan3A_58 = arith.constant 1 : i32
      %scan3A_59 = scf.for %scan3A_293 = %scan3A_55 to %scan3A_57 step %scan3A_58 iter_args(%scan3A_294 = %scan3A_54) -> (i32)  : i32 {
        %dma_start3A = arith.constant 0 : i32
        %dma_start3A_295 = tpu.memref_slice %arg18[%scan3A_293, %dma_start3A] : memref<32x128xf32, #tpu.memory_space<vmem>> -> memref<1x128xf32, #tpu.memory_space<vmem>>
        %dma_start3A_296 = tpu.memref_squeeze %dma_start3A_295 : memref<1x128xf32, #tpu.memory_space<vmem>> -> memref<128xf32, #tpu.memory_space<vmem>>
        %dma_start3A_297 = arith.constant 0 : i32
        %dma_start3A_298 = tpu.memref_slice %arg10[%scan3A_293, %dma_start3A_297] : memref<32x128xi32, #tpu.memory_space<vmem>> -> memref<1x128xi32, #tpu.memory_space<vmem>>
        %dma_start3A_299 = tpu.memref_squeeze %dma_start3A_298 : memref<1x128xi32, #tpu.memory_space<vmem>> -> memref<128xi32, #tpu.memory_space<vmem>>
        %dma_start3A_300 = arith.constant 0 : i32
        %dma_start3A_301 = tpu.memref_slice %arg5[%dma_start3A_300] : memref<524288xf32, #tpu.memory_space<vmem_shared>> -> memref<524288xf32, #tpu.memory_space<vmem_shared>>
        tpu.enqueue_indirect_dma source(%dma_start3A_296 : memref<128xf32, #tpu.memory_space<vmem>>) target(%dma_start3A_301 : memref<524288xf32, #tpu.memory_space<vmem_shared>>) offsets(%dma_start3A_299 : memref<128xi32, #tpu.memory_space<vmem>>) semaphore(%arg26 : memref<!tpu.dma_semaphore, #tpu.memory_space<semaphore_mem>>) {add = true}
        %dma_start3A_302 = arith.constant 0 : i32
        %dma_start3A_303 = tpu.memref_slice %arg12[%scan3A_293, %dma_start3A_302] : memref<32x128xf32, #tpu.memory_space<vmem>> -> memref<1x128xf32, #tpu.memory_space<vmem>>
        %dma_start3A_304 = tpu.memref_squeeze %dma_start3A_303 : memref<1x128xf32, #tpu.memory_space<vmem>> -> memref<128xf32, #tpu.memory_space<vmem>>
        %dma_start3A_305 = arith.constant 0 : i32
        %dma_start3A_306 = tpu.memref_slice %arg11[%scan3A_293, %dma_start3A_305] : memref<32x128xi32, #tpu.memory_space<vmem>> -> memref<1x128xi32, #tpu.memory_space<vmem>>
        %dma_start3A_307 = tpu.memref_squeeze %dma_start3A_306 : memref<1x128xi32, #tpu.memory_space<vmem>> -> memref<128xi32, #tpu.memory_space<vmem>>
        %dma_start3A_308 = arith.constant 0 : i32
        %dma_start3A_309 = tpu.memref_slice %arg5[%dma_start3A_308] : memref<524288xf32, #tpu.memory_space<vmem_shared>> -> memref<524288xf32, #tpu.memory_space<vmem_shared>>
        tpu.enqueue_indirect_dma source(%dma_start3A_304 : memref<128xf32, #tpu.memory_space<vmem>>) target(%dma_start3A_309 : memref<524288xf32, #tpu.memory_space<vmem_shared>>) offsets(%dma_start3A_307 : memref<128xi32, #tpu.memory_space<vmem>>) semaphore(%arg26 : memref<!tpu.dma_semaphore, #tpu.memory_space<semaphore_mem>>) {add = true}
        %scan3A_310 = arith.constant 0 : i32
        scf.yield %scan3A_310 : i32
      }
      %scan3A_60 = arith.constant 32 : i32
      %add3A_61 = arith.constant 32 : i32
      %add3A_62 = arith.addi %add3A_44, %add3A_61 : i32
      "tpu.region"() ({
        %run_scoped3A = tpu.sem_alloc : memref<!tpu.dma_semaphore, #tpu.memory_space<semaphore_mem>>
        %dma_start3A = arith.constant 0 : i32
        %dma_start3A_293 = tpu.memref_slice %arg2[%add3A_62, %dma_start3A] : memref<16384x128xf32, #tpu.memory_space<hbm>> -> memref<32x128xf32, #tpu.memory_space<hbm>>
        %dma_start3A_294 = arith.constant 0 : i32
        %dma_start3A_295 = tpu.memref_slice %arg2[%add3A_62, %dma_start3A_294] : memref<16384x128xf32, #tpu.memory_space<hbm>> -> memref<32x128xf32, #tpu.memory_space<hbm>>
        tpu.enqueue_dma source(%dma_start3A_295 : memref<32x128xf32, #tpu.memory_space<hbm>>) target(%arg13 : memref<32x128xf32, #tpu.memory_space<vmem>>) target_semaphore(%run_scoped3A : memref<!tpu.dma_semaphore, #tpu.memory_space<semaphore_mem>>)
        %dma_wait3A = arith.constant 0 : i32
        %dma_wait3A_296 = tpu.memref_slice %arg2[%add3A_62, %dma_wait3A] : memref<16384x128xf32, #tpu.memory_space<hbm>> -> memref<32x128xf32, #tpu.memory_space<hbm>>
        %dma_wait3A_297 = arith.constant 0 : i32
        %dma_wait3A_298 = tpu.memref_slice %arg2[%add3A_62, %dma_wait3A_297] : memref<16384x128xf32, #tpu.memory_space<hbm>> -> memref<32x128xf32, #tpu.memory_space<hbm>>
        tpu.wait_dma2 semaphore(%run_scoped3A : memref<!tpu.dma_semaphore, #tpu.memory_space<semaphore_mem>>) src(%dma_wait3A_298 : memref<32x128xf32, #tpu.memory_space<hbm>>) dst(%arg13 : memref<32x128xf32, #tpu.memory_space<vmem>>)
        tpu.yield
      }) : () -> ()
      "tpu.region"() ({
        %run_scoped3A = tpu.sem_alloc : memref<!tpu.dma_semaphore, #tpu.memory_space<semaphore_mem>>
        %dma_start3A = arith.constant 0 : i32
        %dma_start3A_293 = tpu.memref_slice %arg3[%add3A_62, %dma_start3A] : memref<16384x128xf32, #tpu.memory_space<hbm>> -> memref<32x128xf32, #tpu.memory_space<hbm>>
        %dma_start3A_294 = arith.constant 0 : i32
        %dma_start3A_295 = tpu.memref_slice %arg3[%add3A_62, %dma_start3A_294] : memref<16384x128xf32, #tpu.memory_space<hbm>> -> memref<32x128xf32, #tpu.memory_space<hbm>>
        tpu.enqueue_dma source(%dma_start3A_295 : memref<32x128xf32, #tpu.memory_space<hbm>>) target(%arg14 : memref<32x128xf32, #tpu.memory_space<vmem>>) target_semaphore(%run_scoped3A : memref<!tpu.dma_semaphore, #tpu.memory_space<semaphore_mem>>)
        %dma_wait3A = arith.constant 0 : i32
        %dma_wait3A_296 = tpu.memref_slice %arg3[%add3A_62, %dma_wait3A] : memref<16384x128xf32, #tpu.memory_space<hbm>> -> memref<32x128xf32, #tpu.memory_space<hbm>>
        %dma_wait3A_297 = arith.constant 0 : i32
        %dma_wait3A_298 = tpu.memref_slice %arg3[%add3A_62, %dma_wait3A_297] : memref<16384x128xf32, #tpu.memory_space<hbm>> -> memref<32x128xf32, #tpu.memory_space<hbm>>
        tpu.wait_dma2 semaphore(%run_scoped3A : memref<!tpu.dma_semaphore, #tpu.memory_space<semaphore_mem>>) src(%dma_wait3A_298 : memref<32x128xf32, #tpu.memory_space<hbm>>) dst(%arg14 : memref<32x128xf32, #tpu.memory_space<vmem>>)
        tpu.yield
      }) : () -> ()
      %scan3A_63 = arith.constant 0 : i32
      %scan3A_64 = arith.constant 0 : i32
      %scan3A_65 = arith.constant 32 : i32
      %scan3A_66 = arith.addi %scan3A_64, %scan3A_65 : i32
      %scan3A_67 = arith.constant 1 : i32
      %scan3A_68 = scf.for %scan3A_293 = %scan3A_64 to %scan3A_66 step %scan3A_67 iter_args(%scan3A_294 = %scan3A_63) -> (i32)  : i32 {
        %get3A_295 = arith.index_cast %scan3A_293 : i32 to index
        %get3A_296 = arith.constant 0 : index
        %get3A_297 = tpu.vector_load %arg13[%get3A_295, %get3A_296] {strides = array<i32>} : memref<32x128xf32, #tpu.memory_space<vmem>>, vector<16xf32>,
        %get3A_298 = arith.index_cast %scan3A_293 : i32 to index
        %get3A_299 = arith.constant 0 : index
        %get3A_300 = tpu.vector_load %arg14[%get3A_298, %get3A_299] {strides = array<i32>} : memref<32x128xf32, #tpu.memory_space<vmem>>, vector<16xf32>,
        %mul3A_301 = arith.constant 2.000000e+00 : f32
        %mul3A_302 = vector.broadcast %mul3A_301 : f32 to vector<16xf32>
        %mul3A_303 = arith.mulf %mul3A_302, %get3A_300 : vector<16xf32>
        %sub3A = arith.constant 1.000000e+00 : f32
        %sub3A_304 = vector.broadcast %sub3A : f32 to vector<16xf32>
        %sub3A_305 = arith.subf %mul3A_303, %sub3A_304 : vector<16xf32>
        %mul3A_306 = arith.mulf %get3A_297, %sub3A_305 : vector<16xf32>
        %sub3A_307 = arith.constant 1.000000e+00 : f32
        %sub3A_308 = vector.broadcast %sub3A_307 : f32 to vector<16xf32>
        %sub3A_309 = arith.subf %sub3A_308, %mul3A_306 : vector<16xf32>
        %max3A = arith.constant 0.000000e+00 : f32
        %max3A_310 = vector.broadcast %max3A : f32 to vector<16xf32>
        %max3A_311 = arith.maximumf %sub3A_309, %max3A_310 : vector<16xf32>
        %bitcast3A = vector.bitcast %sub3A_309 : vector<16xf32> to vector<16xi32>
        %ge3A = arith.constant -2147483648 : i32
        %ge3A_312 = vector.broadcast %ge3A : i32 to vector<16xi32>
        %ge3A_313 = arith.cmpi uge, %bitcast3A, %ge3A_312 : vector<16xi32>
        %not3A = arith.constant dense<-1> : vector<16xi32>
        %not3A_314 = arith.xori %bitcast3A, %not3A : vector<16xi32>
        %or3A = arith.constant -2147483648 : i32
        %or3A_315 = vector.broadcast %or3A : i32 to vector<16xi32>
        %or3A_316 = arith.ori %bitcast3A, %or3A_315 : vector<16xi32>
        %select_n3A_317 = arith.select %ge3A_313, %not3A_314, %or3A_316 : vector<16xi1>, vector<16xi32>
        %not3A_318 = arith.constant dense<-1> : vector<16xi32>
        %not3A_319 = arith.xori %select_n3A_317, %not3A_318 : vector<16xi32>
        %broadcast_in_dim3A_320 = arith.constant 15 : i32
        %broadcast_in_dim3A_321 = vector.broadcast %broadcast_in_dim3A_320 : i32 to vector<16xi32>
        %shift_right_logical3A = arith.shrui %not3A_319, %broadcast_in_dim3A_321 : vector<16xi32>
        %convert_element_type3A_322 = arith.fptosi %get3A_300 : vector<16xf32> to vector<16xi32>
        %mul3A_323 = arith.constant 131072 : i32
        %mul3A_324 = vector.broadcast %mul3A_323 : i32 to vector<16xi32>
        %mul3A_325 = arith.muli %convert_element_type3A_322, %mul3A_324 : vector<16xi32>
        %add3A_326 = arith.addi %shift_right_logical3A, %mul3A_325 : vector<16xi32>
        %swap3A_327 = arith.index_cast %scan3A_293 : i32 to index
        %swap3A_328 = arith.constant 0 : index
        %swap3A_329 = tpu.vector_load %arg15[%swap3A_327, %swap3A_328] {strides = array<i32>} : memref<32x128xi32, #tpu.memory_space<vmem>>, vector<16xi32>,
        tpu.vector_store %arg15[%swap3A_327, %swap3A_328], %add3A_326 {strides = array<i32>} : memref<32x128xi32, #tpu.memory_space<vmem>>, vector<16xi32>,
        %add3A_330 = arith.constant 262144 : i32
        %add3A_331 = vector.broadcast %add3A_330 : i32 to vector<16xi32>
        %add3A_332 = arith.addi %add3A_326, %add3A_331 : vector<16xi32>
        %swap3A_333 = arith.index_cast %scan3A_293 : i32 to index
        %swap3A_334 = arith.constant 0 : index
        %swap3A_335 = tpu.vector_load %arg16[%swap3A_333, %swap3A_334] {strides = array<i32>} : memref<32x128xi32, #tpu.memory_space<vmem>>, vector<16xi32>,
        tpu.vector_store %arg16[%swap3A_333, %swap3A_334], %add3A_332 {strides = array<i32>} : memref<32x128xi32, #tpu.memory_space<vmem>>, vector<16xi32>,
        %swap3A_336 = arith.index_cast %scan3A_293 : i32 to index
        %swap3A_337 = arith.constant 0 : index
        %swap3A_338 = tpu.vector_load %arg17[%swap3A_336, %swap3A_337] {strides = array<i32>} : memref<32x128xf32, #tpu.memory_space<vmem>>, vector<16xf32>,
        tpu.vector_store %arg17[%swap3A_336, %swap3A_337], %max3A_311 {strides = array<i32>} : memref<32x128xf32, #tpu.memory_space<vmem>>, vector<16xf32>,
        %get3A_339 = arith.index_cast %scan3A_293 : i32 to index
        %get3A_340 = arith.constant 16 : index
        %get3A_341 = tpu.vector_load %arg13[%get3A_339, %get3A_340] {strides = array<i32>} : memref<32x128xf32, #tpu.memory_space<vmem>>, vector<16xf32>,
        %get3A_342 = arith.index_cast %scan3A_293 : i32 to index
        %get3A_343 = arith.constant 16 : index
        %get3A_344 = tpu.vector_load %arg14[%get3A_342, %get3A_343] {strides = array<i32>} : memref<32x128xf32, #tpu.memory_space<vmem>>, vector<16xf32>,
        %mul3A_345 = arith.constant 2.000000e+00 : f32
        %mul3A_346 = vector.broadcast %mul3A_345 : f32 to vector<16xf32>
        %mul3A_347 = arith.mulf %mul3A_346, %get3A_344 : vector<16xf32>
        %sub3A_348 = arith.constant 1.000000e+00 : f32
        %sub3A_349 = vector.broadcast %sub3A_348 : f32 to vector<16xf32>
        %sub3A_350 = arith.subf %mul3A_347, %sub3A_349 : vector<16xf32>
        %mul3A_351 = arith.mulf %get3A_341, %sub3A_350 : vector<16xf32>
        %sub3A_352 = arith.constant 1.000000e+00 : f32
        %sub3A_353 = vector.broadcast %sub3A_352 : f32 to vector<16xf32>
        %sub3A_354 = arith.subf %sub3A_353, %mul3A_351 : vector<16xf32>
        %max3A_355 = arith.constant 0.000000e+00 : f32
        %max3A_356 = vector.broadcast %max3A_355 : f32 to vector<16xf32>
        %max3A_357 = arith.maximumf %sub3A_354, %max3A_356 : vector<16xf32>
        %bitcast3A_358 = vector.bitcast %sub3A_354 : vector<16xf32> to vector<16xi32>
        %ge3A_359 = arith.constant -2147483648 : i32
        %ge3A_360 = vector.broadcast %ge3A_359 : i32 to vector<16xi32>
        %ge3A_361 = arith.cmpi uge, %bitcast3A_358, %ge3A_360 : vector<16xi32>
        %not3A_362 = arith.constant dense<-1> : vector<16xi32>
        %not3A_363 = arith.xori %bitcast3A_358, %not3A_362 : vector<16xi32>
        %or3A_364 = arith.constant -2147483648 : i32
        %or3A_365 = vector.broadcast %or3A_364 : i32 to vector<16xi32>
        %or3A_366 = arith.ori %bitcast3A_358, %or3A_365 : vector<16xi32>
        %select_n3A_367 = arith.select %ge3A_361, %not3A_363, %or3A_366 : vector<16xi1>, vector<16xi32>
        %not3A_368 = arith.constant dense<-1> : vector<16xi32>
        %not3A_369 = arith.xori %select_n3A_367, %not3A_368 : vector<16xi32>
        %broadcast_in_dim3A_370 = arith.constant 15 : i32
        %broadcast_in_dim3A_371 = vector.broadcast %broadcast_in_dim3A_370 : i32 to vector<16xi32>
        %shift_right_logical3A_372 = arith.shrui %not3A_369, %broadcast_in_dim3A_371 : vector<16xi32>
        %convert_element_type3A_373 = arith.fptosi %get3A_344 : vector<16xf32> to vector<16xi32>
        %mul3A_374 = arith.constant 131072 : i32
        %mul3A_375 = vector.broadcast %mul3A_374 : i32 to vector<16xi32>
        %mul3A_376 = arith.muli %convert_element_type3A_373, %mul3A_375 : vector<16xi32>
        %add3A_377 = arith.addi %shift_right_logical3A_372, %mul3A_376 : vector<16xi32>
        %swap3A_378 = arith.index_cast %scan3A_293 : i32 to index
        %swap3A_379 = arith.constant 16 : index
        %swap3A_380 = tpu.vector_load %arg15[%swap3A_378, %swap3A_379] {strides = array<i32>} : memref<32x128xi32, #tpu.memory_space<vmem>>, vector<16xi32>,
        tpu.vector_store %arg15[%swap3A_378, %swap3A_379], %add3A_377 {strides = array<i32>} : memref<32x128xi32, #tpu.memory_space<vmem>>, vector<16xi32>,
        %add3A_381 = arith.constant 262144 : i32
        %add3A_382 = vector.broadcast %add3A_381 : i32 to vector<16xi32>
        %add3A_383 = arith.addi %add3A_377, %add3A_382 : vector<16xi32>
        %swap3A_384 = arith.index_cast %scan3A_293 : i32 to index
        %swap3A_385 = arith.constant 16 : index
        %swap3A_386 = tpu.vector_load %arg16[%swap3A_384, %swap3A_385] {strides = array<i32>} : memref<32x128xi32, #tpu.memory_space<vmem>>, vector<16xi32>,
        tpu.vector_store %arg16[%swap3A_384, %swap3A_385], %add3A_383 {strides = array<i32>} : memref<32x128xi32, #tpu.memory_space<vmem>>, vector<16xi32>,
        %swap3A_387 = arith.index_cast %scan3A_293 : i32 to index
        %swap3A_388 = arith.constant 16 : index
        %swap3A_389 = tpu.vector_load %arg17[%swap3A_387, %swap3A_388] {strides = array<i32>} : memref<32x128xf32, #tpu.memory_space<vmem>>, vector<16xf32>,
        tpu.vector_store %arg17[%swap3A_387, %swap3A_388], %max3A_357 {strides = array<i32>} : memref<32x128xf32, #tpu.memory_space<vmem>>, vector<16xf32>,
        %get3A_390 = arith.index_cast %scan3A_293 : i32 to index
        %get3A_391 = arith.constant 32 : index
        %get3A_392 = tpu.vector_load %arg13[%get3A_390, %get3A_391] {strides = array<i32>} : memref<32x128xf32, #tpu.memory_space<vmem>>, vector<16xf32>,
        %get3A_393 = arith.index_cast %scan3A_293 : i32 to index
        %get3A_394 = arith.constant 32 : index
        %get3A_395 = tpu.vector_load %arg14[%get3A_393, %get3A_394] {strides = array<i32>} : memref<32x128xf32, #tpu.memory_space<vmem>>, vector<16xf32>,
        %mul3A_396 = arith.constant 2.000000e+00 : f32
        %mul3A_397 = vector.broadcast %mul3A_396 : f32 to vector<16xf32>
        %mul3A_398 = arith.mulf %mul3A_397, %get3A_395 : vector<16xf32>
        %sub3A_399 = arith.constant 1.000000e+00 : f32
        %sub3A_400 = vector.broadcast %sub3A_399 : f32 to vector<16xf32>
        %sub3A_401 = arith.subf %mul3A_398, %sub3A_400 : vector<16xf32>
        %mul3A_402 = arith.mulf %get3A_392, %sub3A_401 : vector<16xf32>
        %sub3A_403 = arith.constant 1.000000e+00 : f32
        %sub3A_404 = vector.broadcast %sub3A_403 : f32 to vector<16xf32>
        %sub3A_405 = arith.subf %sub3A_404, %mul3A_402 : vector<16xf32>
        %max3A_406 = arith.constant 0.000000e+00 : f32
        %max3A_407 = vector.broadcast %max3A_406 : f32 to vector<16xf32>
        %max3A_408 = arith.maximumf %sub3A_405, %max3A_407 : vector<16xf32>
        %bitcast3A_409 = vector.bitcast %sub3A_405 : vector<16xf32> to vector<16xi32>
        %ge3A_410 = arith.constant -2147483648 : i32
        %ge3A_411 = vector.broadcast %ge3A_410 : i32 to vector<16xi32>
        %ge3A_412 = arith.cmpi uge, %bitcast3A_409, %ge3A_411 : vector<16xi32>
        %not3A_413 = arith.constant dense<-1> : vector<16xi32>
        %not3A_414 = arith.xori %bitcast3A_409, %not3A_413 : vector<16xi32>
        %or3A_415 = arith.constant -2147483648 : i32
        %or3A_416 = vector.broadcast %or3A_415 : i32 to vector<16xi32>
        %or3A_417 = arith.ori %bitcast3A_409, %or3A_416 : vector<16xi32>
        %select_n3A_418 = arith.select %ge3A_412, %not3A_414, %or3A_417 : vector<16xi1>, vector<16xi32>
        %not3A_419 = arith.constant dense<-1> : vector<16xi32>
        %not3A_420 = arith.xori %select_n3A_418, %not3A_419 : vector<16xi32>
        %broadcast_in_dim3A_421 = arith.constant 15 : i32
        %broadcast_in_dim3A_422 = vector.broadcast %broadcast_in_dim3A_421 : i32 to vector<16xi32>
        %shift_right_logical3A_423 = arith.shrui %not3A_420, %broadcast_in_dim3A_422 : vector<16xi32>
        %convert_element_type3A_424 = arith.fptosi %get3A_395 : vector<16xf32> to vector<16xi32>
        %mul3A_425 = arith.constant 131072 : i32
        %mul3A_426 = vector.broadcast %mul3A_425 : i32 to vector<16xi32>
        %mul3A_427 = arith.muli %convert_element_type3A_424, %mul3A_426 : vector<16xi32>
        %add3A_428 = arith.addi %shift_right_logical3A_423, %mul3A_427 : vector<16xi32>
        %swap3A_429 = arith.index_cast %scan3A_293 : i32 to index
        %swap3A_430 = arith.constant 32 : index
        %swap3A_431 = tpu.vector_load %arg15[%swap3A_429, %swap3A_430] {strides = array<i32>} : memref<32x128xi32, #tpu.memory_space<vmem>>, vector<16xi32>,
        tpu.vector_store %arg15[%swap3A_429, %swap3A_430], %add3A_428 {strides = array<i32>} : memref<32x128xi32, #tpu.memory_space<vmem>>, vector<16xi32>,
        %add3A_432 = arith.constant 262144 : i32
        %add3A_433 = vector.broadcast %add3A_432 : i32 to vector<16xi32>
        %add3A_434 = arith.addi %add3A_428, %add3A_433 : vector<16xi32>
        %swap3A_435 = arith.index_cast %scan3A_293 : i32 to index
        %swap3A_436 = arith.constant 32 : index
        %swap3A_437 = tpu.vector_load %arg16[%swap3A_435, %swap3A_436] {strides = array<i32>} : memref<32x128xi32, #tpu.memory_space<vmem>>, vector<16xi32>,
        tpu.vector_store %arg16[%swap3A_435, %swap3A_436], %add3A_434 {strides = array<i32>} : memref<32x128xi32, #tpu.memory_space<vmem>>, vector<16xi32>,
        %swap3A_438 = arith.index_cast %scan3A_293 : i32 to index
        %swap3A_439 = arith.constant 32 : index
        %swap3A_440 = tpu.vector_load %arg17[%swap3A_438, %swap3A_439] {strides = array<i32>} : memref<32x128xf32, #tpu.memory_space<vmem>>, vector<16xf32>,
        tpu.vector_store %arg17[%swap3A_438, %swap3A_439], %max3A_408 {strides = array<i32>} : memref<32x128xf32, #tpu.memory_space<vmem>>, vector<16xf32>,
        %get3A_441 = arith.index_cast %scan3A_293 : i32 to index
        %get3A_442 = arith.constant 48 : index
        %get3A_443 = tpu.vector_load %arg13[%get3A_441, %get3A_442] {strides = array<i32>} : memref<32x128xf32, #tpu.memory_space<vmem>>, vector<16xf32>,
        %get3A_444 = arith.index_cast %scan3A_293 : i32 to index
        %get3A_445 = arith.constant 48 : index
        %get3A_446 = tpu.vector_load %arg14[%get3A_444, %get3A_445] {strides = array<i32>} : memref<32x128xf32, #tpu.memory_space<vmem>>, vector<16xf32>,
        %mul3A_447 = arith.constant 2.000000e+00 : f32
        %mul3A_448 = vector.broadcast %mul3A_447 : f32 to vector<16xf32>
        %mul3A_449 = arith.mulf %mul3A_448, %get3A_446 : vector<16xf32>
        %sub3A_450 = arith.constant 1.000000e+00 : f32
        %sub3A_451 = vector.broadcast %sub3A_450 : f32 to vector<16xf32>
        %sub3A_452 = arith.subf %mul3A_449, %sub3A_451 : vector<16xf32>
        %mul3A_453 = arith.mulf %get3A_443, %sub3A_452 : vector<16xf32>
        %sub3A_454 = arith.constant 1.000000e+00 : f32
        %sub3A_455 = vector.broadcast %sub3A_454 : f32 to vector<16xf32>
        %sub3A_456 = arith.subf %sub3A_455, %mul3A_453 : vector<16xf32>
        %max3A_457 = arith.constant 0.000000e+00 : f32
        %max3A_458 = vector.broadcast %max3A_457 : f32 to vector<16xf32>
        %max3A_459 = arith.maximumf %sub3A_456, %max3A_458 : vector<16xf32>
        %bitcast3A_460 = vector.bitcast %sub3A_456 : vector<16xf32> to vector<16xi32>
        %ge3A_461 = arith.constant -2147483648 : i32
        %ge3A_462 = vector.broadcast %ge3A_461 : i32 to vector<16xi32>
        %ge3A_463 = arith.cmpi uge, %bitcast3A_460, %ge3A_462 : vector<16xi32>
        %not3A_464 = arith.constant dense<-1> : vector<16xi32>
        %not3A_465 = arith.xori %bitcast3A_460, %not3A_464 : vector<16xi32>
        %or3A_466 = arith.constant -2147483648 : i32
        %or3A_467 = vector.broadcast %or3A_466 : i32 to vector<16xi32>
        %or3A_468 = arith.ori %bitcast3A_460, %or3A_467 : vector<16xi32>
        %select_n3A_469 = arith.select %ge3A_463, %not3A_465, %or3A_468 : vector<16xi1>, vector<16xi32>
        %not3A_470 = arith.constant dense<-1> : vector<16xi32>
        %not3A_471 = arith.xori %select_n3A_469, %not3A_470 : vector<16xi32>
        %broadcast_in_dim3A_472 = arith.constant 15 : i32
        %broadcast_in_dim3A_473 = vector.broadcast %broadcast_in_dim3A_472 : i32 to vector<16xi32>
        %shift_right_logical3A_474 = arith.shrui %not3A_471, %broadcast_in_dim3A_473 : vector<16xi32>
        %convert_element_type3A_475 = arith.fptosi %get3A_446 : vector<16xf32> to vector<16xi32>
        %mul3A_476 = arith.constant 131072 : i32
        %mul3A_477 = vector.broadcast %mul3A_476 : i32 to vector<16xi32>
        %mul3A_478 = arith.muli %convert_element_type3A_475, %mul3A_477 : vector<16xi32>
        %add3A_479 = arith.addi %shift_right_logical3A_474, %mul3A_478 : vector<16xi32>
        %swap3A_480 = arith.index_cast %scan3A_293 : i32 to index
        %swap3A_481 = arith.constant 48 : index
        %swap3A_482 = tpu.vector_load %arg15[%swap3A_480, %swap3A_481] {strides = array<i32>} : memref<32x128xi32, #tpu.memory_space<vmem>>, vector<16xi32>,
        tpu.vector_store %arg15[%swap3A_480, %swap3A_481], %add3A_479 {strides = array<i32>} : memref<32x128xi32, #tpu.memory_space<vmem>>, vector<16xi32>,
        %add3A_483 = arith.constant 262144 : i32
        %add3A_484 = vector.broadcast %add3A_483 : i32 to vector<16xi32>
        %add3A_485 = arith.addi %add3A_479, %add3A_484 : vector<16xi32>
        %swap3A_486 = arith.index_cast %scan3A_293 : i32 to index
        %swap3A_487 = arith.constant 48 : index
        %swap3A_488 = tpu.vector_load %arg16[%swap3A_486, %swap3A_487] {strides = array<i32>} : memref<32x128xi32, #tpu.memory_space<vmem>>, vector<16xi32>,
        tpu.vector_store %arg16[%swap3A_486, %swap3A_487], %add3A_485 {strides = array<i32>} : memref<32x128xi32, #tpu.memory_space<vmem>>, vector<16xi32>,
        %swap3A_489 = arith.index_cast %scan3A_293 : i32 to index
        %swap3A_490 = arith.constant 48 : index
        %swap3A_491 = tpu.vector_load %arg17[%swap3A_489, %swap3A_490] {strides = array<i32>} : memref<32x128xf32, #tpu.memory_space<vmem>>, vector<16xf32>,
        tpu.vector_store %arg17[%swap3A_489, %swap3A_490], %max3A_459 {strides = array<i32>} : memref<32x128xf32, #tpu.memory_space<vmem>>, vector<16xf32>,
        %get3A_492 = arith.index_cast %scan3A_293 : i32 to index
        %get3A_493 = arith.constant 64 : index
        %get3A_494 = tpu.vector_load %arg13[%get3A_492, %get3A_493] {strides = array<i32>} : memref<32x128xf32, #tpu.memory_space<vmem>>, vector<16xf32>,
        %get3A_495 = arith.index_cast %scan3A_293 : i32 to index
        %get3A_496 = arith.constant 64 : index
        %get3A_497 = tpu.vector_load %arg14[%get3A_495, %get3A_496] {strides = array<i32>} : memref<32x128xf32, #tpu.memory_space<vmem>>, vector<16xf32>,
        %mul3A_498 = arith.constant 2.000000e+00 : f32
        %mul3A_499 = vector.broadcast %mul3A_498 : f32 to vector<16xf32>
        %mul3A_500 = arith.mulf %mul3A_499, %get3A_497 : vector<16xf32>
        %sub3A_501 = arith.constant 1.000000e+00 : f32
        %sub3A_502 = vector.broadcast %sub3A_501 : f32 to vector<16xf32>
        %sub3A_503 = arith.subf %mul3A_500, %sub3A_502 : vector<16xf32>
        %mul3A_504 = arith.mulf %get3A_494, %sub3A_503 : vector<16xf32>
        %sub3A_505 = arith.constant 1.000000e+00 : f32
        %sub3A_506 = vector.broadcast %sub3A_505 : f32 to vector<16xf32>
        %sub3A_507 = arith.subf %sub3A_506, %mul3A_504 : vector<16xf32>
        %max3A_508 = arith.constant 0.000000e+00 : f32
        %max3A_509 = vector.broadcast %max3A_508 : f32 to vector<16xf32>
        %max3A_510 = arith.maximumf %sub3A_507, %max3A_509 : vector<16xf32>
        %bitcast3A_511 = vector.bitcast %sub3A_507 : vector<16xf32> to vector<16xi32>
        %ge3A_512 = arith.constant -2147483648 : i32
        %ge3A_513 = vector.broadcast %ge3A_512 : i32 to vector<16xi32>
        %ge3A_514 = arith.cmpi uge, %bitcast3A_511, %ge3A_513 : vector<16xi32>
        %not3A_515 = arith.constant dense<-1> : vector<16xi32>
        %not3A_516 = arith.xori %bitcast3A_511, %not3A_515 : vector<16xi32>
        %or3A_517 = arith.constant -2147483648 : i32
        %or3A_518 = vector.broadcast %or3A_517 : i32 to vector<16xi32>
        %or3A_519 = arith.ori %bitcast3A_511, %or3A_518 : vector<16xi32>
        %select_n3A_520 = arith.select %ge3A_514, %not3A_516, %or3A_519 : vector<16xi1>, vector<16xi32>
        %not3A_521 = arith.constant dense<-1> : vector<16xi32>
        %not3A_522 = arith.xori %select_n3A_520, %not3A_521 : vector<16xi32>
        %broadcast_in_dim3A_523 = arith.constant 15 : i32
        %broadcast_in_dim3A_524 = vector.broadcast %broadcast_in_dim3A_523 : i32 to vector<16xi32>
        %shift_right_logical3A_525 = arith.shrui %not3A_522, %broadcast_in_dim3A_524 : vector<16xi32>
        %convert_element_type3A_526 = arith.fptosi %get3A_497 : vector<16xf32> to vector<16xi32>
        %mul3A_527 = arith.constant 131072 : i32
        %mul3A_528 = vector.broadcast %mul3A_527 : i32 to vector<16xi32>
        %mul3A_529 = arith.muli %convert_element_type3A_526, %mul3A_528 : vector<16xi32>
        %add3A_530 = arith.addi %shift_right_logical3A_525, %mul3A_529 : vector<16xi32>
        %swap3A_531 = arith.index_cast %scan3A_293 : i32 to index
        %swap3A_532 = arith.constant 64 : index
        %swap3A_533 = tpu.vector_load %arg15[%swap3A_531, %swap3A_532] {strides = array<i32>} : memref<32x128xi32, #tpu.memory_space<vmem>>, vector<16xi32>,
        tpu.vector_store %arg15[%swap3A_531, %swap3A_532], %add3A_530 {strides = array<i32>} : memref<32x128xi32, #tpu.memory_space<vmem>>, vector<16xi32>,
        %add3A_534 = arith.constant 262144 : i32
        %add3A_535 = vector.broadcast %add3A_534 : i32 to vector<16xi32>
        %add3A_536 = arith.addi %add3A_530, %add3A_535 : vector<16xi32>
        %swap3A_537 = arith.index_cast %scan3A_293 : i32 to index
        %swap3A_538 = arith.constant 64 : index
        %swap3A_539 = tpu.vector_load %arg16[%swap3A_537, %swap3A_538] {strides = array<i32>} : memref<32x128xi32, #tpu.memory_space<vmem>>, vector<16xi32>,
        tpu.vector_store %arg16[%swap3A_537, %swap3A_538], %add3A_536 {strides = array<i32>} : memref<32x128xi32, #tpu.memory_space<vmem>>, vector<16xi32>,
        %swap3A_540 = arith.index_cast %scan3A_293 : i32 to index
        %swap3A_541 = arith.constant 64 : index
        %swap3A_542 = tpu.vector_load %arg17[%swap3A_540, %swap3A_541] {strides = array<i32>} : memref<32x128xf32, #tpu.memory_space<vmem>>, vector<16xf32>,
        tpu.vector_store %arg17[%swap3A_540, %swap3A_541], %max3A_510 {strides = array<i32>} : memref<32x128xf32, #tpu.memory_space<vmem>>, vector<16xf32>,
        %get3A_543 = arith.index_cast %scan3A_293 : i32 to index
        %get3A_544 = arith.constant 80 : index
        %get3A_545 = tpu.vector_load %arg13[%get3A_543, %get3A_544] {strides = array<i32>} : memref<32x128xf32, #tpu.memory_space<vmem>>, vector<16xf32>,
        %get3A_546 = arith.index_cast %scan3A_293 : i32 to index
        %get3A_547 = arith.constant 80 : index
        %get3A_548 = tpu.vector_load %arg14[%get3A_546, %get3A_547] {strides = array<i32>} : memref<32x128xf32, #tpu.memory_space<vmem>>, vector<16xf32>,
        %mul3A_549 = arith.constant 2.000000e+00 : f32
        %mul3A_550 = vector.broadcast %mul3A_549 : f32 to vector<16xf32>
        %mul3A_551 = arith.mulf %mul3A_550, %get3A_548 : vector<16xf32>
        %sub3A_552 = arith.constant 1.000000e+00 : f32
        %sub3A_553 = vector.broadcast %sub3A_552 : f32 to vector<16xf32>
        %sub3A_554 = arith.subf %mul3A_551, %sub3A_553 : vector<16xf32>
        %mul3A_555 = arith.mulf %get3A_545, %sub3A_554 : vector<16xf32>
        %sub3A_556 = arith.constant 1.000000e+00 : f32
        %sub3A_557 = vector.broadcast %sub3A_556 : f32 to vector<16xf32>
        %sub3A_558 = arith.subf %sub3A_557, %mul3A_555 : vector<16xf32>
        %max3A_559 = arith.constant 0.000000e+00 : f32
        %max3A_560 = vector.broadcast %max3A_559 : f32 to vector<16xf32>
        %max3A_561 = arith.maximumf %sub3A_558, %max3A_560 : vector<16xf32>
        %bitcast3A_562 = vector.bitcast %sub3A_558 : vector<16xf32> to vector<16xi32>
        %ge3A_563 = arith.constant -2147483648 : i32
        %ge3A_564 = vector.broadcast %ge3A_563 : i32 to vector<16xi32>
        %ge3A_565 = arith.cmpi uge, %bitcast3A_562, %ge3A_564 : vector<16xi32>
        %not3A_566 = arith.constant dense<-1> : vector<16xi32>
        %not3A_567 = arith.xori %bitcast3A_562, %not3A_566 : vector<16xi32>
        %or3A_568 = arith.constant -2147483648 : i32
        %or3A_569 = vector.broadcast %or3A_568 : i32 to vector<16xi32>
        %or3A_570 = arith.ori %bitcast3A_562, %or3A_569 : vector<16xi32>
        %select_n3A_571 = arith.select %ge3A_565, %not3A_567, %or3A_570 : vector<16xi1>, vector<16xi32>
        %not3A_572 = arith.constant dense<-1> : vector<16xi32>
        %not3A_573 = arith.xori %select_n3A_571, %not3A_572 : vector<16xi32>
        %broadcast_in_dim3A_574 = arith.constant 15 : i32
        %broadcast_in_dim3A_575 = vector.broadcast %broadcast_in_dim3A_574 : i32 to vector<16xi32>
        %shift_right_logical3A_576 = arith.shrui %not3A_573, %broadcast_in_dim3A_575 : vector<16xi32>
        %convert_element_type3A_577 = arith.fptosi %get3A_548 : vector<16xf32> to vector<16xi32>
        %mul3A_578 = arith.constant 131072 : i32
        %mul3A_579 = vector.broadcast %mul3A_578 : i32 to vector<16xi32>
        %mul3A_580 = arith.muli %convert_element_type3A_577, %mul3A_579 : vector<16xi32>
        %add3A_581 = arith.addi %shift_right_logical3A_576, %mul3A_580 : vector<16xi32>
        %swap3A_582 = arith.index_cast %scan3A_293 : i32 to index
        %swap3A_583 = arith.constant 80 : index
        %swap3A_584 = tpu.vector_load %arg15[%swap3A_582, %swap3A_583] {strides = array<i32>} : memref<32x128xi32, #tpu.memory_space<vmem>>, vector<16xi32>,
        tpu.vector_store %arg15[%swap3A_582, %swap3A_583], %add3A_581 {strides = array<i32>} : memref<32x128xi32, #tpu.memory_space<vmem>>, vector<16xi32>,
        %add3A_585 = arith.constant 262144 : i32
        %add3A_586 = vector.broadcast %add3A_585 : i32 to vector<16xi32>
        %add3A_587 = arith.addi %add3A_581, %add3A_586 : vector<16xi32>
        %swap3A_588 = arith.index_cast %scan3A_293 : i32 to index
        %swap3A_589 = arith.constant 80 : index
        %swap3A_590 = tpu.vector_load %arg16[%swap3A_588, %swap3A_589] {strides = array<i32>} : memref<32x128xi32, #tpu.memory_space<vmem>>, vector<16xi32>,
        tpu.vector_store %arg16[%swap3A_588, %swap3A_589], %add3A_587 {strides = array<i32>} : memref<32x128xi32, #tpu.memory_space<vmem>>, vector<16xi32>,
        %swap3A_591 = arith.index_cast %scan3A_293 : i32 to index
        %swap3A_592 = arith.constant 80 : index
        %swap3A_593 = tpu.vector_load %arg17[%swap3A_591, %swap3A_592] {strides = array<i32>} : memref<32x128xf32, #tpu.memory_space<vmem>>, vector<16xf32>,
        tpu.vector_store %arg17[%swap3A_591, %swap3A_592], %max3A_561 {strides = array<i32>} : memref<32x128xf32, #tpu.memory_space<vmem>>, vector<16xf32>,
        %get3A_594 = arith.index_cast %scan3A_293 : i32 to index
        %get3A_595 = arith.constant 96 : index
        %get3A_596 = tpu.vector_load %arg13[%get3A_594, %get3A_595] {strides = array<i32>} : memref<32x128xf32, #tpu.memory_space<vmem>>, vector<16xf32>,
        %get3A_597 = arith.index_cast %scan3A_293 : i32 to index
        %get3A_598 = arith.constant 96 : index
        %get3A_599 = tpu.vector_load %arg14[%get3A_597, %get3A_598] {strides = array<i32>} : memref<32x128xf32, #tpu.memory_space<vmem>>, vector<16xf32>,
        %mul3A_600 = arith.constant 2.000000e+00 : f32
        %mul3A_601 = vector.broadcast %mul3A_600 : f32 to vector<16xf32>
        %mul3A_602 = arith.mulf %mul3A_601, %get3A_599 : vector<16xf32>
        %sub3A_603 = arith.constant 1.000000e+00 : f32
        %sub3A_604 = vector.broadcast %sub3A_603 : f32 to vector<16xf32>
        %sub3A_605 = arith.subf %mul3A_602, %sub3A_604 : vector<16xf32>
        %mul3A_606 = arith.mulf %get3A_596, %sub3A_605 : vector<16xf32>
        %sub3A_607 = arith.constant 1.000000e+00 : f32
        %sub3A_608 = vector.broadcast %sub3A_607 : f32 to vector<16xf32>
        %sub3A_609 = arith.subf %sub3A_608, %mul3A_606 : vector<16xf32>
        %max3A_610 = arith.constant 0.000000e+00 : f32
        %max3A_611 = vector.broadcast %max3A_610 : f32 to vector<16xf32>
        %max3A_612 = arith.maximumf %sub3A_609, %max3A_611 : vector<16xf32>
        %bitcast3A_613 = vector.bitcast %sub3A_609 : vector<16xf32> to vector<16xi32>
        %ge3A_614 = arith.constant -2147483648 : i32
        %ge3A_615 = vector.broadcast %ge3A_614 : i32 to vector<16xi32>
        %ge3A_616 = arith.cmpi uge, %bitcast3A_613, %ge3A_615 : vector<16xi32>
        %not3A_617 = arith.constant dense<-1> : vector<16xi32>
        %not3A_618 = arith.xori %bitcast3A_613, %not3A_617 : vector<16xi32>
        %or3A_619 = arith.constant -2147483648 : i32
        %or3A_620 = vector.broadcast %or3A_619 : i32 to vector<16xi32>
        %or3A_621 = arith.ori %bitcast3A_613, %or3A_620 : vector<16xi32>
        %select_n3A_622 = arith.select %ge3A_616, %not3A_618, %or3A_621 : vector<16xi1>, vector<16xi32>
        %not3A_623 = arith.constant dense<-1> : vector<16xi32>
        %not3A_624 = arith.xori %select_n3A_622, %not3A_623 : vector<16xi32>
        %broadcast_in_dim3A_625 = arith.constant 15 : i32
        %broadcast_in_dim3A_626 = vector.broadcast %broadcast_in_dim3A_625 : i32 to vector<16xi32>
        %shift_right_logical3A_627 = arith.shrui %not3A_624, %broadcast_in_dim3A_626 : vector<16xi32>
        %convert_element_type3A_628 = arith.fptosi %get3A_599 : vector<16xf32> to vector<16xi32>
        %mul3A_629 = arith.constant 131072 : i32
        %mul3A_630 = vector.broadcast %mul3A_629 : i32 to vector<16xi32>
        %mul3A_631 = arith.muli %convert_element_type3A_628, %mul3A_630 : vector<16xi32>
        %add3A_632 = arith.addi %shift_right_logical3A_627, %mul3A_631 : vector<16xi32>
        %swap3A_633 = arith.index_cast %scan3A_293 : i32 to index
        %swap3A_634 = arith.constant 96 : index
        %swap3A_635 = tpu.vector_load %arg15[%swap3A_633, %swap3A_634] {strides = array<i32>} : memref<32x128xi32, #tpu.memory_space<vmem>>, vector<16xi32>,
        tpu.vector_store %arg15[%swap3A_633, %swap3A_634], %add3A_632 {strides = array<i32>} : memref<32x128xi32, #tpu.memory_space<vmem>>, vector<16xi32>,
        %add3A_636 = arith.constant 262144 : i32
        %add3A_637 = vector.broadcast %add3A_636 : i32 to vector<16xi32>
        %add3A_638 = arith.addi %add3A_632, %add3A_637 : vector<16xi32>
        %swap3A_639 = arith.index_cast %scan3A_293 : i32 to index
        %swap3A_640 = arith.constant 96 : index
        %swap3A_641 = tpu.vector_load %arg16[%swap3A_639, %swap3A_640] {strides = array<i32>} : memref<32x128xi32, #tpu.memory_space<vmem>>, vector<16xi32>,
        tpu.vector_store %arg16[%swap3A_639, %swap3A_640], %add3A_638 {strides = array<i32>} : memref<32x128xi32, #tpu.memory_space<vmem>>, vector<16xi32>,
        %swap3A_642 = arith.index_cast %scan3A_293 : i32 to index
        %swap3A_643 = arith.constant 96 : index
        %swap3A_644 = tpu.vector_load %arg17[%swap3A_642, %swap3A_643] {strides = array<i32>} : memref<32x128xf32, #tpu.memory_space<vmem>>, vector<16xf32>,
        tpu.vector_store %arg17[%swap3A_642, %swap3A_643], %max3A_612 {strides = array<i32>} : memref<32x128xf32, #tpu.memory_space<vmem>>, vector<16xf32>,
        %get3A_645 = arith.index_cast %scan3A_293 : i32 to index
        %get3A_646 = arith.constant 112 : index
        %get3A_647 = tpu.vector_load %arg13[%get3A_645, %get3A_646] {strides = array<i32>} : memref<32x128xf32, #tpu.memory_space<vmem>>, vector<16xf32>,
        %get3A_648 = arith.index_cast %scan3A_293 : i32 to index
        %get3A_649 = arith.constant 112 : index
        %get3A_650 = tpu.vector_load %arg14[%get3A_648, %get3A_649] {strides = array<i32>} : memref<32x128xf32, #tpu.memory_space<vmem>>, vector<16xf32>,
        %mul3A_651 = arith.constant 2.000000e+00 : f32
        %mul3A_652 = vector.broadcast %mul3A_651 : f32 to vector<16xf32>
        %mul3A_653 = arith.mulf %mul3A_652, %get3A_650 : vector<16xf32>
        %sub3A_654 = arith.constant 1.000000e+00 : f32
        %sub3A_655 = vector.broadcast %sub3A_654 : f32 to vector<16xf32>
        %sub3A_656 = arith.subf %mul3A_653, %sub3A_655 : vector<16xf32>
        %mul3A_657 = arith.mulf %get3A_647, %sub3A_656 : vector<16xf32>
        %sub3A_658 = arith.constant 1.000000e+00 : f32
        %sub3A_659 = vector.broadcast %sub3A_658 : f32 to vector<16xf32>
        %sub3A_660 = arith.subf %sub3A_659, %mul3A_657 : vector<16xf32>
        %max3A_661 = arith.constant 0.000000e+00 : f32
        %max3A_662 = vector.broadcast %max3A_661 : f32 to vector<16xf32>
        %max3A_663 = arith.maximumf %sub3A_660, %max3A_662 : vector<16xf32>
        %bitcast3A_664 = vector.bitcast %sub3A_660 : vector<16xf32> to vector<16xi32>
        %ge3A_665 = arith.constant -2147483648 : i32
        %ge3A_666 = vector.broadcast %ge3A_665 : i32 to vector<16xi32>
        %ge3A_667 = arith.cmpi uge, %bitcast3A_664, %ge3A_666 : vector<16xi32>
        %not3A_668 = arith.constant dense<-1> : vector<16xi32>
        %not3A_669 = arith.xori %bitcast3A_664, %not3A_668 : vector<16xi32>
        %or3A_670 = arith.constant -2147483648 : i32
        %or3A_671 = vector.broadcast %or3A_670 : i32 to vector<16xi32>
        %or3A_672 = arith.ori %bitcast3A_664, %or3A_671 : vector<16xi32>
        %select_n3A_673 = arith.select %ge3A_667, %not3A_669, %or3A_672 : vector<16xi1>, vector<16xi32>
        %not3A_674 = arith.constant dense<-1> : vector<16xi32>
        %not3A_675 = arith.xori %select_n3A_673, %not3A_674 : vector<16xi32>
        %broadcast_in_dim3A_676 = arith.constant 15 : i32
        %broadcast_in_dim3A_677 = vector.broadcast %broadcast_in_dim3A_676 : i32 to vector<16xi32>
        %shift_right_logical3A_678 = arith.shrui %not3A_675, %broadcast_in_dim3A_677 : vector<16xi32>
        %convert_element_type3A_679 = arith.fptosi %get3A_650 : vector<16xf32> to vector<16xi32>
        %mul3A_680 = arith.constant 131072 : i32
        %mul3A_681 = vector.broadcast %mul3A_680 : i32 to vector<16xi32>
        %mul3A_682 = arith.muli %convert_element_type3A_679, %mul3A_681 : vector<16xi32>
        %add3A_683 = arith.addi %shift_right_logical3A_678, %mul3A_682 : vector<16xi32>
        %swap3A_684 = arith.index_cast %scan3A_293 : i32 to index
        %swap3A_685 = arith.constant 112 : index
        %swap3A_686 = tpu.vector_load %arg15[%swap3A_684, %swap3A_685] {strides = array<i32>} : memref<32x128xi32, #tpu.memory_space<vmem>>, vector<16xi32>,
        tpu.vector_store %arg15[%swap3A_684, %swap3A_685], %add3A_683 {strides = array<i32>} : memref<32x128xi32, #tpu.memory_space<vmem>>, vector<16xi32>,
        %add3A_687 = arith.constant 262144 : i32
        %add3A_688 = vector.broadcast %add3A_687 : i32 to vector<16xi32>
        %add3A_689 = arith.addi %add3A_683, %add3A_688 : vector<16xi32>
        %swap3A_690 = arith.index_cast %scan3A_293 : i32 to index
        %swap3A_691 = arith.constant 112 : index
        %swap3A_692 = tpu.vector_load %arg16[%swap3A_690, %swap3A_691] {strides = array<i32>} : memref<32x128xi32, #tpu.memory_space<vmem>>, vector<16xi32>,
        tpu.vector_store %arg16[%swap3A_690, %swap3A_691], %add3A_689 {strides = array<i32>} : memref<32x128xi32, #tpu.memory_space<vmem>>, vector<16xi32>,
        %swap3A_693 = arith.index_cast %scan3A_293 : i32 to index
        %swap3A_694 = arith.constant 112 : index
        %swap3A_695 = tpu.vector_load %arg17[%swap3A_693, %swap3A_694] {strides = array<i32>} : memref<32x128xf32, #tpu.memory_space<vmem>>, vector<16xf32>,
        tpu.vector_store %arg17[%swap3A_693, %swap3A_694], %max3A_663 {strides = array<i32>} : memref<32x128xf32, #tpu.memory_space<vmem>>, vector<16xf32>,
        %scan3A_696 = arith.constant 0 : i32
        scf.yield %scan3A_696 : i32
      }
      %scan3A_69 = arith.constant 32 : i32
      %scan3A_70 = arith.constant 0 : i32
      %scan3A_71 = arith.constant 0 : i32
      %scan3A_72 = arith.constant 32 : i32
      %scan3A_73 = arith.addi %scan3A_71, %scan3A_72 : i32
      %scan3A_74 = arith.constant 1 : i32
      %scan3A_75 = scf.for %scan3A_293 = %scan3A_71 to %scan3A_73 step %scan3A_74 iter_args(%scan3A_294 = %scan3A_70) -> (i32)  : i32 {
        %dma_wait3A = arith.constant 0 : i32
        %dma_wait3A_295 = tpu.memref_slice %arg18[%scan3A_293, %dma_wait3A] : memref<32x128xf32, #tpu.memory_space<vmem>> -> memref<1x128xf32, #tpu.memory_space<vmem>>
        %dma_wait3A_296 = tpu.memref_squeeze %dma_wait3A_295 : memref<1x128xf32, #tpu.memory_space<vmem>> -> memref<128xf32, #tpu.memory_space<vmem>>
        %dma_wait3A_297 = arith.constant 0 : i32
        %dma_wait3A_298 = tpu.memref_slice %arg10[%scan3A_293, %dma_wait3A_297] : memref<32x128xi32, #tpu.memory_space<vmem>> -> memref<1x128xi32, #tpu.memory_space<vmem>>
        %dma_wait3A_299 = tpu.memref_squeeze %dma_wait3A_298 : memref<1x128xi32, #tpu.memory_space<vmem>> -> memref<128xi32, #tpu.memory_space<vmem>>
        %dma_wait3A_300 = arith.constant 0 : i32
        %dma_wait3A_301 = tpu.memref_slice %arg5[%dma_wait3A_300] : memref<524288xf32, #tpu.memory_space<vmem_shared>> -> memref<524288xf32, #tpu.memory_space<vmem_shared>>
        tpu.wait_indirect_dma semaphore(%arg26 : memref<!tpu.dma_semaphore, #tpu.memory_space<semaphore_mem>>) src(%dma_wait3A_296 : memref<128xf32, #tpu.memory_space<vmem>>) dst(%dma_wait3A_301 : memref<524288xf32, #tpu.memory_space<vmem_shared>>)
        %dma_wait3A_302 = arith.constant 0 : i32
        %dma_wait3A_303 = tpu.memref_slice %arg12[%scan3A_293, %dma_wait3A_302] : memref<32x128xf32, #tpu.memory_space<vmem>> -> memref<1x128xf32, #tpu.memory_space<vmem>>
        %dma_wait3A_304 = tpu.memref_squeeze %dma_wait3A_303 : memref<1x128xf32, #tpu.memory_space<vmem>> -> memref<128xf32, #tpu.memory_space<vmem>>
        %dma_wait3A_305 = arith.constant 0 : i32
        %dma_wait3A_306 = tpu.memref_slice %arg11[%scan3A_293, %dma_wait3A_305] : memref<32x128xi32, #tpu.memory_space<vmem>> -> memref<1x128xi32, #tpu.memory_space<vmem>>
        %dma_wait3A_307 = tpu.memref_squeeze %dma_wait3A_306 : memref<1x128xi32, #tpu.memory_space<vmem>> -> memref<128xi32, #tpu.memory_space<vmem>>
        %dma_wait3A_308 = arith.constant 0 : i32
        %dma_wait3A_309 = tpu.memref_slice %arg5[%dma_wait3A_308] : memref<524288xf32, #tpu.memory_space<vmem_shared>> -> memref<524288xf32, #tpu.memory_space<vmem_shared>>
        tpu.wait_indirect_dma semaphore(%arg26 : memref<!tpu.dma_semaphore, #tpu.memory_space<semaphore_mem>>) src(%dma_wait3A_304 : memref<128xf32, #tpu.memory_space<vmem>>) dst(%dma_wait3A_309 : memref<524288xf32, #tpu.memory_space<vmem_shared>>)
        %scan3A_310 = arith.constant 0 : i32
        scf.yield %scan3A_310 : i32
      }
      %scan3A_76 = arith.constant 32 : i32
      %scan3A_77 = arith.constant 0 : i32
      %scan3A_78 = arith.constant 0 : i32
      %scan3A_79 = arith.constant 32 : i32
      %scan3A_80 = arith.addi %scan3A_78, %scan3A_79 : i32
      %scan3A_81 = arith.constant 1 : i32
      %scan3A_82 = scf.for %scan3A_293 = %scan3A_78 to %scan3A_80 step %scan3A_81 iter_args(%scan3A_294 = %scan3A_77) -> (i32)  : i32 {
        %dma_start3A = arith.constant 0 : i32
        %dma_start3A_295 = tpu.memref_slice %arg18[%scan3A_293, %dma_start3A] : memref<32x128xf32, #tpu.memory_space<vmem>> -> memref<1x128xf32, #tpu.memory_space<vmem>>
        %dma_start3A_296 = tpu.memref_squeeze %dma_start3A_295 : memref<1x128xf32, #tpu.memory_space<vmem>> -> memref<128xf32, #tpu.memory_space<vmem>>
        %dma_start3A_297 = arith.constant 0 : i32
        %dma_start3A_298 = tpu.memref_slice %arg15[%scan3A_293, %dma_start3A_297] : memref<32x128xi32, #tpu.memory_space<vmem>> -> memref<1x128xi32, #tpu.memory_space<vmem>>
        %dma_start3A_299 = tpu.memref_squeeze %dma_start3A_298 : memref<1x128xi32, #tpu.memory_space<vmem>> -> memref<128xi32, #tpu.memory_space<vmem>>
        %dma_start3A_300 = arith.constant 0 : i32
        %dma_start3A_301 = tpu.memref_slice %arg5[%dma_start3A_300] : memref<524288xf32, #tpu.memory_space<vmem_shared>> -> memref<524288xf32, #tpu.memory_space<vmem_shared>>
        tpu.enqueue_indirect_dma source(%dma_start3A_296 : memref<128xf32, #tpu.memory_space<vmem>>) target(%dma_start3A_301 : memref<524288xf32, #tpu.memory_space<vmem_shared>>) offsets(%dma_start3A_299 : memref<128xi32, #tpu.memory_space<vmem>>) semaphore(%arg26 : memref<!tpu.dma_semaphore, #tpu.memory_space<semaphore_mem>>) {add = true}
        %dma_start3A_302 = arith.constant 0 : i32
        %dma_start3A_303 = tpu.memref_slice %arg17[%scan3A_293, %dma_start3A_302] : memref<32x128xf32, #tpu.memory_space<vmem>> -> memref<1x128xf32, #tpu.memory_space<vmem>>
        %dma_start3A_304 = tpu.memref_squeeze %dma_start3A_303 : memref<1x128xf32, #tpu.memory_space<vmem>> -> memref<128xf32, #tpu.memory_space<vmem>>
        %dma_start3A_305 = arith.constant 0 : i32
        %dma_start3A_306 = tpu.memref_slice %arg16[%scan3A_293, %dma_start3A_305] : memref<32x128xi32, #tpu.memory_space<vmem>> -> memref<1x128xi32, #tpu.memory_space<vmem>>
        %dma_start3A_307 = tpu.memref_squeeze %dma_start3A_306 : memref<1x128xi32, #tpu.memory_space<vmem>> -> memref<128xi32, #tpu.memory_space<vmem>>
        %dma_start3A_308 = arith.constant 0 : i32
        %dma_start3A_309 = tpu.memref_slice %arg5[%dma_start3A_308] : memref<524288xf32, #tpu.memory_space<vmem_shared>> -> memref<524288xf32, #tpu.memory_space<vmem_shared>>
        tpu.enqueue_indirect_dma source(%dma_start3A_304 : memref<128xf32, #tpu.memory_space<vmem>>) target(%dma_start3A_309 : memref<524288xf32, #tpu.memory_space<vmem_shared>>) offsets(%dma_start3A_307 : memref<128xi32, #tpu.memory_space<vmem>>) semaphore(%arg26 : memref<!tpu.dma_semaphore, #tpu.memory_space<semaphore_mem>>) {add = true}
        %scan3A_310 = arith.constant 0 : i32
        scf.yield %scan3A_310 : i32
      }
      %scan3A_83 = arith.constant 32 : i32
      %add3A_84 = arith.constant 64 : i32
      %add3A_85 = arith.addi %add3A_44, %add3A_84 : i32
      "tpu.region"() ({
        %run_scoped3A = tpu.sem_alloc : memref<!tpu.dma_semaphore, #tpu.memory_space<semaphore_mem>>
        %dma_start3A = arith.constant 0 : i32
        %dma_start3A_293 = tpu.memref_slice %arg2[%add3A_85, %dma_start3A] : memref<16384x128xf32, #tpu.memory_space<hbm>> -> memref<32x128xf32, #tpu.memory_space<hbm>>
        %dma_start3A_294 = arith.constant 0 : i32
        %dma_start3A_295 = tpu.memref_slice %arg2[%add3A_85, %dma_start3A_294] : memref<16384x128xf32, #tpu.memory_space<hbm>> -> memref<32x128xf32, #tpu.memory_space<hbm>>
        tpu.enqueue_dma source(%dma_start3A_295 : memref<32x128xf32, #tpu.memory_space<hbm>>) target(%arg8 : memref<32x128xf32, #tpu.memory_space<vmem>>) target_semaphore(%run_scoped3A : memref<!tpu.dma_semaphore, #tpu.memory_space<semaphore_mem>>)
        %dma_wait3A = arith.constant 0 : i32
        %dma_wait3A_296 = tpu.memref_slice %arg2[%add3A_85, %dma_wait3A] : memref<16384x128xf32, #tpu.memory_space<hbm>> -> memref<32x128xf32, #tpu.memory_space<hbm>>
        %dma_wait3A_297 = arith.constant 0 : i32
        %dma_wait3A_298 = tpu.memref_slice %arg2[%add3A_85, %dma_wait3A_297] : memref<16384x128xf32, #tpu.memory_space<hbm>> -> memref<32x128xf32, #tpu.memory_space<hbm>>
        tpu.wait_dma2 semaphore(%run_scoped3A : memref<!tpu.dma_semaphore, #tpu.memory_space<semaphore_mem>>) src(%dma_wait3A_298 : memref<32x128xf32, #tpu.memory_space<hbm>>) dst(%arg8 : memref<32x128xf32, #tpu.memory_space<vmem>>)
        tpu.yield
      }) : () -> ()
      "tpu.region"() ({
        %run_scoped3A = tpu.sem_alloc : memref<!tpu.dma_semaphore, #tpu.memory_space<semaphore_mem>>
        %dma_start3A = arith.constant 0 : i32
        %dma_start3A_293 = tpu.memref_slice %arg3[%add3A_85, %dma_start3A] : memref<16384x128xf32, #tpu.memory_space<hbm>> -> memref<32x128xf32, #tpu.memory_space<hbm>>
        %dma_start3A_294 = arith.constant 0 : i32
        %dma_start3A_295 = tpu.memref_slice %arg3[%add3A_85, %dma_start3A_294] : memref<16384x128xf32, #tpu.memory_space<hbm>> -> memref<32x128xf32, #tpu.memory_space<hbm>>
        tpu.enqueue_dma source(%dma_start3A_295 : memref<32x128xf32, #tpu.memory_space<hbm>>) target(%arg9 : memref<32x128xf32, #tpu.memory_space<vmem>>) target_semaphore(%run_scoped3A : memref<!tpu.dma_semaphore, #tpu.memory_space<semaphore_mem>>)
        %dma_wait3A = arith.constant 0 : i32
        %dma_wait3A_296 = tpu.memref_slice %arg3[%add3A_85, %dma_wait3A] : memref<16384x128xf32, #tpu.memory_space<hbm>> -> memref<32x128xf32, #tpu.memory_space<hbm>>
        %dma_wait3A_297 = arith.constant 0 : i32
        %dma_wait3A_298 = tpu.memref_slice %arg3[%add3A_85, %dma_wait3A_297] : memref<16384x128xf32, #tpu.memory_space<hbm>> -> memref<32x128xf32, #tpu.memory_space<hbm>>
        tpu.wait_dma2 semaphore(%run_scoped3A : memref<!tpu.dma_semaphore, #tpu.memory_space<semaphore_mem>>) src(%dma_wait3A_298 : memref<32x128xf32, #tpu.memory_space<hbm>>) dst(%arg9 : memref<32x128xf32, #tpu.memory_space<vmem>>)
        tpu.yield
      }) : () -> ()
      %scan3A_86 = arith.constant 0 : i32
      %scan3A_87 = arith.constant 0 : i32
      %scan3A_88 = arith.constant 32 : i32
      %scan3A_89 = arith.addi %scan3A_87, %scan3A_88 : i32
      %scan3A_90 = arith.constant 1 : i32
      %scan3A_91 = scf.for %scan3A_293 = %scan3A_87 to %scan3A_89 step %scan3A_90 iter_args(%scan3A_294 = %scan3A_86) -> (i32)  : i32 {
        %get3A_295 = arith.index_cast %scan3A_293 : i32 to index
        %get3A_296 = arith.constant 0 : index
        %get3A_297 = tpu.vector_load %arg8[%get3A_295, %get3A_296] {strides = array<i32>} : memref<32x128xf32, #tpu.memory_space<vmem>>, vector<16xf32>,
        %get3A_298 = arith.index_cast %scan3A_293 : i32 to index
        %get3A_299 = arith.constant 0 : index
        %get3A_300 = tpu.vector_load %arg9[%get3A_298, %get3A_299] {strides = array<i32>} : memref<32x128xf32, #tpu.memory_space<vmem>>, vector<16xf32>,
        %mul3A_301 = arith.constant 2.000000e+00 : f32
        %mul3A_302 = vector.broadcast %mul3A_301 : f32 to vector<16xf32>
        %mul3A_303 = arith.mulf %mul3A_302, %get3A_300 : vector<16xf32>
        %sub3A = arith.constant 1.000000e+00 : f32
        %sub3A_304 = vector.broadcast %sub3A : f32 to vector<16xf32>
        %sub3A_305 = arith.subf %mul3A_303, %sub3A_304 : vector<16xf32>
        %mul3A_306 = arith.mulf %get3A_297, %sub3A_305 : vector<16xf32>
        %sub3A_307 = arith.constant 1.000000e+00 : f32
        %sub3A_308 = vector.broadcast %sub3A_307 : f32 to vector<16xf32>
        %sub3A_309 = arith.subf %sub3A_308, %mul3A_306 : vector<16xf32>
        %max3A = arith.constant 0.000000e+00 : f32
        %max3A_310 = vector.broadcast %max3A : f32 to vector<16xf32>
        %max3A_311 = arith.maximumf %sub3A_309, %max3A_310 : vector<16xf32>
        %bitcast3A = vector.bitcast %sub3A_309 : vector<16xf32> to vector<16xi32>
        %ge3A = arith.constant -2147483648 : i32
        %ge3A_312 = vector.broadcast %ge3A : i32 to vector<16xi32>
        %ge3A_313 = arith.cmpi uge, %bitcast3A, %ge3A_312 : vector<16xi32>
        %not3A = arith.constant dense<-1> : vector<16xi32>
        %not3A_314 = arith.xori %bitcast3A, %not3A : vector<16xi32>
        %or3A = arith.constant -2147483648 : i32
        %or3A_315 = vector.broadcast %or3A : i32 to vector<16xi32>
        %or3A_316 = arith.ori %bitcast3A, %or3A_315 : vector<16xi32>
        %select_n3A_317 = arith.select %ge3A_313, %not3A_314, %or3A_316 : vector<16xi1>, vector<16xi32>
        %not3A_318 = arith.constant dense<-1> : vector<16xi32>
        %not3A_319 = arith.xori %select_n3A_317, %not3A_318 : vector<16xi32>
        %broadcast_in_dim3A_320 = arith.constant 15 : i32
        %broadcast_in_dim3A_321 = vector.broadcast %broadcast_in_dim3A_320 : i32 to vector<16xi32>
        %shift_right_logical3A = arith.shrui %not3A_319, %broadcast_in_dim3A_321 : vector<16xi32>
        %convert_element_type3A_322 = arith.fptosi %get3A_300 : vector<16xf32> to vector<16xi32>
        %mul3A_323 = arith.constant 131072 : i32
        %mul3A_324 = vector.broadcast %mul3A_323 : i32 to vector<16xi32>
        %mul3A_325 = arith.muli %convert_element_type3A_322, %mul3A_324 : vector<16xi32>
        %add3A_326 = arith.addi %shift_right_logical3A, %mul3A_325 : vector<16xi32>
        %swap3A_327 = arith.index_cast %scan3A_293 : i32 to index
        %swap3A_328 = arith.constant 0 : index
        %swap3A_329 = tpu.vector_load %arg10[%swap3A_327, %swap3A_328] {strides = array<i32>} : memref<32x128xi32, #tpu.memory_space<vmem>>, vector<16xi32>,
        tpu.vector_store %arg10[%swap3A_327, %swap3A_328], %add3A_326 {strides = array<i32>} : memref<32x128xi32, #tpu.memory_space<vmem>>, vector<16xi32>,
        %add3A_330 = arith.constant 262144 : i32
        %add3A_331 = vector.broadcast %add3A_330 : i32 to vector<16xi32>
        %add3A_332 = arith.addi %add3A_326, %add3A_331 : vector<16xi32>
        %swap3A_333 = arith.index_cast %scan3A_293 : i32 to index
        %swap3A_334 = arith.constant 0 : index
        %swap3A_335 = tpu.vector_load %arg11[%swap3A_333, %swap3A_334] {strides = array<i32>} : memref<32x128xi32, #tpu.memory_space<vmem>>, vector<16xi32>,
        tpu.vector_store %arg11[%swap3A_333, %swap3A_334], %add3A_332 {strides = array<i32>} : memref<32x128xi32, #tpu.memory_space<vmem>>, vector<16xi32>,
        %swap3A_336 = arith.index_cast %scan3A_293 : i32 to index
        %swap3A_337 = arith.constant 0 : index
        %swap3A_338 = tpu.vector_load %arg12[%swap3A_336, %swap3A_337] {strides = array<i32>} : memref<32x128xf32, #tpu.memory_space<vmem>>, vector<16xf32>,
        tpu.vector_store %arg12[%swap3A_336, %swap3A_337], %max3A_311 {strides = array<i32>} : memref<32x128xf32, #tpu.memory_space<vmem>>, vector<16xf32>,
        %get3A_339 = arith.index_cast %scan3A_293 : i32 to index
        %get3A_340 = arith.constant 16 : index
        %get3A_341 = tpu.vector_load %arg8[%get3A_339, %get3A_340] {strides = array<i32>} : memref<32x128xf32, #tpu.memory_space<vmem>>, vector<16xf32>,
        %get3A_342 = arith.index_cast %scan3A_293 : i32 to index
        %get3A_343 = arith.constant 16 : index
        %get3A_344 = tpu.vector_load %arg9[%get3A_342, %get3A_343] {strides = array<i32>} : memref<32x128xf32, #tpu.memory_space<vmem>>, vector<16xf32>,
        %mul3A_345 = arith.constant 2.000000e+00 : f32
        %mul3A_346 = vector.broadcast %mul3A_345 : f32 to vector<16xf32>
        %mul3A_347 = arith.mulf %mul3A_346, %get3A_344 : vector<16xf32>
        %sub3A_348 = arith.constant 1.000000e+00 : f32
        %sub3A_349 = vector.broadcast %sub3A_348 : f32 to vector<16xf32>
        %sub3A_350 = arith.subf %mul3A_347, %sub3A_349 : vector<16xf32>
        %mul3A_351 = arith.mulf %get3A_341, %sub3A_350 : vector<16xf32>
        %sub3A_352 = arith.constant 1.000000e+00 : f32
        %sub3A_353 = vector.broadcast %sub3A_352 : f32 to vector<16xf32>
        %sub3A_354 = arith.subf %sub3A_353, %mul3A_351 : vector<16xf32>
        %max3A_355 = arith.constant 0.000000e+00 : f32
        %max3A_356 = vector.broadcast %max3A_355 : f32 to vector<16xf32>
        %max3A_357 = arith.maximumf %sub3A_354, %max3A_356 : vector<16xf32>
        %bitcast3A_358 = vector.bitcast %sub3A_354 : vector<16xf32> to vector<16xi32>
        %ge3A_359 = arith.constant -2147483648 : i32
        %ge3A_360 = vector.broadcast %ge3A_359 : i32 to vector<16xi32>
        %ge3A_361 = arith.cmpi uge, %bitcast3A_358, %ge3A_360 : vector<16xi32>
        %not3A_362 = arith.constant dense<-1> : vector<16xi32>
        %not3A_363 = arith.xori %bitcast3A_358, %not3A_362 : vector<16xi32>
        %or3A_364 = arith.constant -2147483648 : i32
        %or3A_365 = vector.broadcast %or3A_364 : i32 to vector<16xi32>
        %or3A_366 = arith.ori %bitcast3A_358, %or3A_365 : vector<16xi32>
        %select_n3A_367 = arith.select %ge3A_361, %not3A_363, %or3A_366 : vector<16xi1>, vector<16xi32>
        %not3A_368 = arith.constant dense<-1> : vector<16xi32>
        %not3A_369 = arith.xori %select_n3A_367, %not3A_368 : vector<16xi32>
        %broadcast_in_dim3A_370 = arith.constant 15 : i32
        %broadcast_in_dim3A_371 = vector.broadcast %broadcast_in_dim3A_370 : i32 to vector<16xi32>
        %shift_right_logical3A_372 = arith.shrui %not3A_369, %broadcast_in_dim3A_371 : vector<16xi32>
        %convert_element_type3A_373 = arith.fptosi %get3A_344 : vector<16xf32> to vector<16xi32>
        %mul3A_374 = arith.constant 131072 : i32
        %mul3A_375 = vector.broadcast %mul3A_374 : i32 to vector<16xi32>
        %mul3A_376 = arith.muli %convert_element_type3A_373, %mul3A_375 : vector<16xi32>
        %add3A_377 = arith.addi %shift_right_logical3A_372, %mul3A_376 : vector<16xi32>
        %swap3A_378 = arith.index_cast %scan3A_293 : i32 to index
        %swap3A_379 = arith.constant 16 : index
        %swap3A_380 = tpu.vector_load %arg10[%swap3A_378, %swap3A_379] {strides = array<i32>} : memref<32x128xi32, #tpu.memory_space<vmem>>, vector<16xi32>,
        tpu.vector_store %arg10[%swap3A_378, %swap3A_379], %add3A_377 {strides = array<i32>} : memref<32x128xi32, #tpu.memory_space<vmem>>, vector<16xi32>,
        %add3A_381 = arith.constant 262144 : i32
        %add3A_382 = vector.broadcast %add3A_381 : i32 to vector<16xi32>
        %add3A_383 = arith.addi %add3A_377, %add3A_382 : vector<16xi32>
        %swap3A_384 = arith.index_cast %scan3A_293 : i32 to index
        %swap3A_385 = arith.constant 16 : index
        %swap3A_386 = tpu.vector_load %arg11[%swap3A_384, %swap3A_385] {strides = array<i32>} : memref<32x128xi32, #tpu.memory_space<vmem>>, vector<16xi32>,
        tpu.vector_store %arg11[%swap3A_384, %swap3A_385], %add3A_383 {strides = array<i32>} : memref<32x128xi32, #tpu.memory_space<vmem>>, vector<16xi32>,
        %swap3A_387 = arith.index_cast %scan3A_293 : i32 to index
        %swap3A_388 = arith.constant 16 : index
        %swap3A_389 = tpu.vector_load %arg12[%swap3A_387, %swap3A_388] {strides = array<i32>} : memref<32x128xf32, #tpu.memory_space<vmem>>, vector<16xf32>,
        tpu.vector_store %arg12[%swap3A_387, %swap3A_388], %max3A_357 {strides = array<i32>} : memref<32x128xf32, #tpu.memory_space<vmem>>, vector<16xf32>,
        %get3A_390 = arith.index_cast %scan3A_293 : i32 to index
        %get3A_391 = arith.constant 32 : index
        %get3A_392 = tpu.vector_load %arg8[%get3A_390, %get3A_391] {strides = array<i32>} : memref<32x128xf32, #tpu.memory_space<vmem>>, vector<16xf32>,
        %get3A_393 = arith.index_cast %scan3A_293 : i32 to index
        %get3A_394 = arith.constant 32 : index
        %get3A_395 = tpu.vector_load %arg9[%get3A_393, %get3A_394] {strides = array<i32>} : memref<32x128xf32, #tpu.memory_space<vmem>>, vector<16xf32>,
        %mul3A_396 = arith.constant 2.000000e+00 : f32
        %mul3A_397 = vector.broadcast %mul3A_396 : f32 to vector<16xf32>
        %mul3A_398 = arith.mulf %mul3A_397, %get3A_395 : vector<16xf32>
        %sub3A_399 = arith.constant 1.000000e+00 : f32
        %sub3A_400 = vector.broadcast %sub3A_399 : f32 to vector<16xf32>
        %sub3A_401 = arith.subf %mul3A_398, %sub3A_400 : vector<16xf32>
        %mul3A_402 = arith.mulf %get3A_392, %sub3A_401 : vector<16xf32>
        %sub3A_403 = arith.constant 1.000000e+00 : f32
        %sub3A_404 = vector.broadcast %sub3A_403 : f32 to vector<16xf32>
        %sub3A_405 = arith.subf %sub3A_404, %mul3A_402 : vector<16xf32>
        %max3A_406 = arith.constant 0.000000e+00 : f32
        %max3A_407 = vector.broadcast %max3A_406 : f32 to vector<16xf32>
        %max3A_408 = arith.maximumf %sub3A_405, %max3A_407 : vector<16xf32>
        %bitcast3A_409 = vector.bitcast %sub3A_405 : vector<16xf32> to vector<16xi32>
        %ge3A_410 = arith.constant -2147483648 : i32
        %ge3A_411 = vector.broadcast %ge3A_410 : i32 to vector<16xi32>
        %ge3A_412 = arith.cmpi uge, %bitcast3A_409, %ge3A_411 : vector<16xi32>
        %not3A_413 = arith.constant dense<-1> : vector<16xi32>
        %not3A_414 = arith.xori %bitcast3A_409, %not3A_413 : vector<16xi32>
        %or3A_415 = arith.constant -2147483648 : i32
        %or3A_416 = vector.broadcast %or3A_415 : i32 to vector<16xi32>
        %or3A_417 = arith.ori %bitcast3A_409, %or3A_416 : vector<16xi32>
        %select_n3A_418 = arith.select %ge3A_412, %not3A_414, %or3A_417 : vector<16xi1>, vector<16xi32>
        %not3A_419 = arith.constant dense<-1> : vector<16xi32>
        %not3A_420 = arith.xori %select_n3A_418, %not3A_419 : vector<16xi32>
        %broadcast_in_dim3A_421 = arith.constant 15 : i32
        %broadcast_in_dim3A_422 = vector.broadcast %broadcast_in_dim3A_421 : i32 to vector<16xi32>
        %shift_right_logical3A_423 = arith.shrui %not3A_420, %broadcast_in_dim3A_422 : vector<16xi32>
        %convert_element_type3A_424 = arith.fptosi %get3A_395 : vector<16xf32> to vector<16xi32>
        %mul3A_425 = arith.constant 131072 : i32
        %mul3A_426 = vector.broadcast %mul3A_425 : i32 to vector<16xi32>
        %mul3A_427 = arith.muli %convert_element_type3A_424, %mul3A_426 : vector<16xi32>
        %add3A_428 = arith.addi %shift_right_logical3A_423, %mul3A_427 : vector<16xi32>
        %swap3A_429 = arith.index_cast %scan3A_293 : i32 to index
        %swap3A_430 = arith.constant 32 : index
        %swap3A_431 = tpu.vector_load %arg10[%swap3A_429, %swap3A_430] {strides = array<i32>} : memref<32x128xi32, #tpu.memory_space<vmem>>, vector<16xi32>,
        tpu.vector_store %arg10[%swap3A_429, %swap3A_430], %add3A_428 {strides = array<i32>} : memref<32x128xi32, #tpu.memory_space<vmem>>, vector<16xi32>,
        %add3A_432 = arith.constant 262144 : i32
        %add3A_433 = vector.broadcast %add3A_432 : i32 to vector<16xi32>
        %add3A_434 = arith.addi %add3A_428, %add3A_433 : vector<16xi32>
        %swap3A_435 = arith.index_cast %scan3A_293 : i32 to index
        %swap3A_436 = arith.constant 32 : index
        %swap3A_437 = tpu.vector_load %arg11[%swap3A_435, %swap3A_436] {strides = array<i32>} : memref<32x128xi32, #tpu.memory_space<vmem>>, vector<16xi32>,
        tpu.vector_store %arg11[%swap3A_435, %swap3A_436], %add3A_434 {strides = array<i32>} : memref<32x128xi32, #tpu.memory_space<vmem>>, vector<16xi32>,
        %swap3A_438 = arith.index_cast %scan3A_293 : i32 to index
        %swap3A_439 = arith.constant 32 : index
        %swap3A_440 = tpu.vector_load %arg12[%swap3A_438, %swap3A_439] {strides = array<i32>} : memref<32x128xf32, #tpu.memory_space<vmem>>, vector<16xf32>,
        tpu.vector_store %arg12[%swap3A_438, %swap3A_439], %max3A_408 {strides = array<i32>} : memref<32x128xf32, #tpu.memory_space<vmem>>, vector<16xf32>,
        %get3A_441 = arith.index_cast %scan3A_293 : i32 to index
        %get3A_442 = arith.constant 48 : index
        %get3A_443 = tpu.vector_load %arg8[%get3A_441, %get3A_442] {strides = array<i32>} : memref<32x128xf32, #tpu.memory_space<vmem>>, vector<16xf32>,
        %get3A_444 = arith.index_cast %scan3A_293 : i32 to index
        %get3A_445 = arith.constant 48 : index
        %get3A_446 = tpu.vector_load %arg9[%get3A_444, %get3A_445] {strides = array<i32>} : memref<32x128xf32, #tpu.memory_space<vmem>>, vector<16xf32>,
        %mul3A_447 = arith.constant 2.000000e+00 : f32
        %mul3A_448 = vector.broadcast %mul3A_447 : f32 to vector<16xf32>
        %mul3A_449 = arith.mulf %mul3A_448, %get3A_446 : vector<16xf32>
        %sub3A_450 = arith.constant 1.000000e+00 : f32
        %sub3A_451 = vector.broadcast %sub3A_450 : f32 to vector<16xf32>
        %sub3A_452 = arith.subf %mul3A_449, %sub3A_451 : vector<16xf32>
        %mul3A_453 = arith.mulf %get3A_443, %sub3A_452 : vector<16xf32>
        %sub3A_454 = arith.constant 1.000000e+00 : f32
        %sub3A_455 = vector.broadcast %sub3A_454 : f32 to vector<16xf32>
        %sub3A_456 = arith.subf %sub3A_455, %mul3A_453 : vector<16xf32>
        %max3A_457 = arith.constant 0.000000e+00 : f32
        %max3A_458 = vector.broadcast %max3A_457 : f32 to vector<16xf32>
        %max3A_459 = arith.maximumf %sub3A_456, %max3A_458 : vector<16xf32>
        %bitcast3A_460 = vector.bitcast %sub3A_456 : vector<16xf32> to vector<16xi32>
        %ge3A_461 = arith.constant -2147483648 : i32
        %ge3A_462 = vector.broadcast %ge3A_461 : i32 to vector<16xi32>
        %ge3A_463 = arith.cmpi uge, %bitcast3A_460, %ge3A_462 : vector<16xi32>
        %not3A_464 = arith.constant dense<-1> : vector<16xi32>
        %not3A_465 = arith.xori %bitcast3A_460, %not3A_464 : vector<16xi32>
        %or3A_466 = arith.constant -2147483648 : i32
        %or3A_467 = vector.broadcast %or3A_466 : i32 to vector<16xi32>
        %or3A_468 = arith.ori %bitcast3A_460, %or3A_467 : vector<16xi32>
        %select_n3A_469 = arith.select %ge3A_463, %not3A_465, %or3A_468 : vector<16xi1>, vector<16xi32>
        %not3A_470 = arith.constant dense<-1> : vector<16xi32>
        %not3A_471 = arith.xori %select_n3A_469, %not3A_470 : vector<16xi32>
        %broadcast_in_dim3A_472 = arith.constant 15 : i32
        %broadcast_in_dim3A_473 = vector.broadcast %broadcast_in_dim3A_472 : i32 to vector<16xi32>
        %shift_right_logical3A_474 = arith.shrui %not3A_471, %broadcast_in_dim3A_473 : vector<16xi32>
        %convert_element_type3A_475 = arith.fptosi %get3A_446 : vector<16xf32> to vector<16xi32>
        %mul3A_476 = arith.constant 131072 : i32
        %mul3A_477 = vector.broadcast %mul3A_476 : i32 to vector<16xi32>
        %mul3A_478 = arith.muli %convert_element_type3A_475, %mul3A_477 : vector<16xi32>
        %add3A_479 = arith.addi %shift_right_logical3A_474, %mul3A_478 : vector<16xi32>
        %swap3A_480 = arith.index_cast %scan3A_293 : i32 to index
        %swap3A_481 = arith.constant 48 : index
        %swap3A_482 = tpu.vector_load %arg10[%swap3A_480, %swap3A_481] {strides = array<i32>} : memref<32x128xi32, #tpu.memory_space<vmem>>, vector<16xi32>,
        tpu.vector_store %arg10[%swap3A_480, %swap3A_481], %add3A_479 {strides = array<i32>} : memref<32x128xi32, #tpu.memory_space<vmem>>, vector<16xi32>,
        %add3A_483 = arith.constant 262144 : i32
        %add3A_484 = vector.broadcast %add3A_483 : i32 to vector<16xi32>
        %add3A_485 = arith.addi %add3A_479, %add3A_484 : vector<16xi32>
        %swap3A_486 = arith.index_cast %scan3A_293 : i32 to index
        %swap3A_487 = arith.constant 48 : index
        %swap3A_488 = tpu.vector_load %arg11[%swap3A_486, %swap3A_487] {strides = array<i32>} : memref<32x128xi32, #tpu.memory_space<vmem>>, vector<16xi32>,
        tpu.vector_store %arg11[%swap3A_486, %swap3A_487], %add3A_485 {strides = array<i32>} : memref<32x128xi32, #tpu.memory_space<vmem>>, vector<16xi32>,
        %swap3A_489 = arith.index_cast %scan3A_293 : i32 to index
        %swap3A_490 = arith.constant 48 : index
        %swap3A_491 = tpu.vector_load %arg12[%swap3A_489, %swap3A_490] {strides = array<i32>} : memref<32x128xf32, #tpu.memory_space<vmem>>, vector<16xf32>,
        tpu.vector_store %arg12[%swap3A_489, %swap3A_490], %max3A_459 {strides = array<i32>} : memref<32x128xf32, #tpu.memory_space<vmem>>, vector<16xf32>,
        %get3A_492 = arith.index_cast %scan3A_293 : i32 to index
        %get3A_493 = arith.constant 64 : index
        %get3A_494 = tpu.vector_load %arg8[%get3A_492, %get3A_493] {strides = array<i32>} : memref<32x128xf32, #tpu.memory_space<vmem>>, vector<16xf32>,
        %get3A_495 = arith.index_cast %scan3A_293 : i32 to index
        %get3A_496 = arith.constant 64 : index
        %get3A_497 = tpu.vector_load %arg9[%get3A_495, %get3A_496] {strides = array<i32>} : memref<32x128xf32, #tpu.memory_space<vmem>>, vector<16xf32>,
        %mul3A_498 = arith.constant 2.000000e+00 : f32
        %mul3A_499 = vector.broadcast %mul3A_498 : f32 to vector<16xf32>
        %mul3A_500 = arith.mulf %mul3A_499, %get3A_497 : vector<16xf32>
        %sub3A_501 = arith.constant 1.000000e+00 : f32
        %sub3A_502 = vector.broadcast %sub3A_501 : f32 to vector<16xf32>
        %sub3A_503 = arith.subf %mul3A_500, %sub3A_502 : vector<16xf32>
        %mul3A_504 = arith.mulf %get3A_494, %sub3A_503 : vector<16xf32>
        %sub3A_505 = arith.constant 1.000000e+00 : f32
        %sub3A_506 = vector.broadcast %sub3A_505 : f32 to vector<16xf32>
        %sub3A_507 = arith.subf %sub3A_506, %mul3A_504 : vector<16xf32>
        %max3A_508 = arith.constant 0.000000e+00 : f32
        %max3A_509 = vector.broadcast %max3A_508 : f32 to vector<16xf32>
        %max3A_510 = arith.maximumf %sub3A_507, %max3A_509 : vector<16xf32>
        %bitcast3A_511 = vector.bitcast %sub3A_507 : vector<16xf32> to vector<16xi32>
        %ge3A_512 = arith.constant -2147483648 : i32
        %ge3A_513 = vector.broadcast %ge3A_512 : i32 to vector<16xi32>
        %ge3A_514 = arith.cmpi uge, %bitcast3A_511, %ge3A_513 : vector<16xi32>
        %not3A_515 = arith.constant dense<-1> : vector<16xi32>
        %not3A_516 = arith.xori %bitcast3A_511, %not3A_515 : vector<16xi32>
        %or3A_517 = arith.constant -2147483648 : i32
        %or3A_518 = vector.broadcast %or3A_517 : i32 to vector<16xi32>
        %or3A_519 = arith.ori %bitcast3A_511, %or3A_518 : vector<16xi32>
        %select_n3A_520 = arith.select %ge3A_514, %not3A_516, %or3A_519 : vector<16xi1>, vector<16xi32>
        %not3A_521 = arith.constant dense<-1> : vector<16xi32>
        %not3A_522 = arith.xori %select_n3A_520, %not3A_521 : vector<16xi32>
        %broadcast_in_dim3A_523 = arith.constant 15 : i32
        %broadcast_in_dim3A_524 = vector.broadcast %broadcast_in_dim3A_523 : i32 to vector<16xi32>
        %shift_right_logical3A_525 = arith.shrui %not3A_522, %broadcast_in_dim3A_524 : vector<16xi32>
        %convert_element_type3A_526 = arith.fptosi %get3A_497 : vector<16xf32> to vector<16xi32>
        %mul3A_527 = arith.constant 131072 : i32
        %mul3A_528 = vector.broadcast %mul3A_527 : i32 to vector<16xi32>
        %mul3A_529 = arith.muli %convert_element_type3A_526, %mul3A_528 : vector<16xi32>
        %add3A_530 = arith.addi %shift_right_logical3A_525, %mul3A_529 : vector<16xi32>
        %swap3A_531 = arith.index_cast %scan3A_293 : i32 to index
        %swap3A_532 = arith.constant 64 : index
        %swap3A_533 = tpu.vector_load %arg10[%swap3A_531, %swap3A_532] {strides = array<i32>} : memref<32x128xi32, #tpu.memory_space<vmem>>, vector<16xi32>,
        tpu.vector_store %arg10[%swap3A_531, %swap3A_532], %add3A_530 {strides = array<i32>} : memref<32x128xi32, #tpu.memory_space<vmem>>, vector<16xi32>,
        %add3A_534 = arith.constant 262144 : i32
        %add3A_535 = vector.broadcast %add3A_534 : i32 to vector<16xi32>
        %add3A_536 = arith.addi %add3A_530, %add3A_535 : vector<16xi32>
        %swap3A_537 = arith.index_cast %scan3A_293 : i32 to index
        %swap3A_538 = arith.constant 64 : index
        %swap3A_539 = tpu.vector_load %arg11[%swap3A_537, %swap3A_538] {strides = array<i32>} : memref<32x128xi32, #tpu.memory_space<vmem>>, vector<16xi32>,
        tpu.vector_store %arg11[%swap3A_537, %swap3A_538], %add3A_536 {strides = array<i32>} : memref<32x128xi32, #tpu.memory_space<vmem>>, vector<16xi32>,
        %swap3A_540 = arith.index_cast %scan3A_293 : i32 to index
        %swap3A_541 = arith.constant 64 : index
        %swap3A_542 = tpu.vector_load %arg12[%swap3A_540, %swap3A_541] {strides = array<i32>} : memref<32x128xf32, #tpu.memory_space<vmem>>, vector<16xf32>,
        tpu.vector_store %arg12[%swap3A_540, %swap3A_541], %max3A_510 {strides = array<i32>} : memref<32x128xf32, #tpu.memory_space<vmem>>, vector<16xf32>,
        %get3A_543 = arith.index_cast %scan3A_293 : i32 to index
        %get3A_544 = arith.constant 80 : index
        %get3A_545 = tpu.vector_load %arg8[%get3A_543, %get3A_544] {strides = array<i32>} : memref<32x128xf32, #tpu.memory_space<vmem>>, vector<16xf32>,
        %get3A_546 = arith.index_cast %scan3A_293 : i32 to index
        %get3A_547 = arith.constant 80 : index
        %get3A_548 = tpu.vector_load %arg9[%get3A_546, %get3A_547] {strides = array<i32>} : memref<32x128xf32, #tpu.memory_space<vmem>>, vector<16xf32>,
        %mul3A_549 = arith.constant 2.000000e+00 : f32
        %mul3A_550 = vector.broadcast %mul3A_549 : f32 to vector<16xf32>
        %mul3A_551 = arith.mulf %mul3A_550, %get3A_548 : vector<16xf32>
        %sub3A_552 = arith.constant 1.000000e+00 : f32
        %sub3A_553 = vector.broadcast %sub3A_552 : f32 to vector<16xf32>
        %sub3A_554 = arith.subf %mul3A_551, %sub3A_553 : vector<16xf32>
        %mul3A_555 = arith.mulf %get3A_545, %sub3A_554 : vector<16xf32>
        %sub3A_556 = arith.constant 1.000000e+00 : f32
        %sub3A_557 = vector.broadcast %sub3A_556 : f32 to vector<16xf32>
        %sub3A_558 = arith.subf %sub3A_557, %mul3A_555 : vector<16xf32>
        %max3A_559 = arith.constant 0.000000e+00 : f32
        %max3A_560 = vector.broadcast %max3A_559 : f32 to vector<16xf32>
        %max3A_561 = arith.maximumf %sub3A_558, %max3A_560 : vector<16xf32>
        %bitcast3A_562 = vector.bitcast %sub3A_558 : vector<16xf32> to vector<16xi32>
        %ge3A_563 = arith.constant -2147483648 : i32
        %ge3A_564 = vector.broadcast %ge3A_563 : i32 to vector<16xi32>
        %ge3A_565 = arith.cmpi uge, %bitcast3A_562, %ge3A_564 : vector<16xi32>
        %not3A_566 = arith.constant dense<-1> : vector<16xi32>
        %not3A_567 = arith.xori %bitcast3A_562, %not3A_566 : vector<16xi32>
        %or3A_568 = arith.constant -2147483648 : i32
        %or3A_569 = vector.broadcast %or3A_568 : i32 to vector<16xi32>
        %or3A_570 = arith.ori %bitcast3A_562, %or3A_569 : vector<16xi32>
        %select_n3A_571 = arith.select %ge3A_565, %not3A_567, %or3A_570 : vector<16xi1>, vector<16xi32>
        %not3A_572 = arith.constant dense<-1> : vector<16xi32>
        %not3A_573 = arith.xori %select_n3A_571, %not3A_572 : vector<16xi32>
        %broadcast_in_dim3A_574 = arith.constant 15 : i32
        %broadcast_in_dim3A_575 = vector.broadcast %broadcast_in_dim3A_574 : i32 to vector<16xi32>
        %shift_right_logical3A_576 = arith.shrui %not3A_573, %broadcast_in_dim3A_575 : vector<16xi32>
        %convert_element_type3A_577 = arith.fptosi %get3A_548 : vector<16xf32> to vector<16xi32>
        %mul3A_578 = arith.constant 131072 : i32
        %mul3A_579 = vector.broadcast %mul3A_578 : i32 to vector<16xi32>
        %mul3A_580 = arith.muli %convert_element_type3A_577, %mul3A_579 : vector<16xi32>
        %add3A_581 = arith.addi %shift_right_logical3A_576, %mul3A_580 : vector<16xi32>
        %swap3A_582 = arith.index_cast %scan3A_293 : i32 to index
        %swap3A_583 = arith.constant 80 : index
        %swap3A_584 = tpu.vector_load %arg10[%swap3A_582, %swap3A_583] {strides = array<i32>} : memref<32x128xi32, #tpu.memory_space<vmem>>, vector<16xi32>,
        tpu.vector_store %arg10[%swap3A_582, %swap3A_583], %add3A_581 {strides = array<i32>} : memref<32x128xi32, #tpu.memory_space<vmem>>, vector<16xi32>,
        %add3A_585 = arith.constant 262144 : i32
        %add3A_586 = vector.broadcast %add3A_585 : i32 to vector<16xi32>
        %add3A_587 = arith.addi %add3A_581, %add3A_586 : vector<16xi32>
        %swap3A_588 = arith.index_cast %scan3A_293 : i32 to index
        %swap3A_589 = arith.constant 80 : index
        %swap3A_590 = tpu.vector_load %arg11[%swap3A_588, %swap3A_589] {strides = array<i32>} : memref<32x128xi32, #tpu.memory_space<vmem>>, vector<16xi32>,
        tpu.vector_store %arg11[%swap3A_588, %swap3A_589], %add3A_587 {strides = array<i32>} : memref<32x128xi32, #tpu.memory_space<vmem>>, vector<16xi32>,
        %swap3A_591 = arith.index_cast %scan3A_293 : i32 to index
        %swap3A_592 = arith.constant 80 : index
        %swap3A_593 = tpu.vector_load %arg12[%swap3A_591, %swap3A_592] {strides = array<i32>} : memref<32x128xf32, #tpu.memory_space<vmem>>, vector<16xf32>,
        tpu.vector_store %arg12[%swap3A_591, %swap3A_592], %max3A_561 {strides = array<i32>} : memref<32x128xf32, #tpu.memory_space<vmem>>, vector<16xf32>,
        %get3A_594 = arith.index_cast %scan3A_293 : i32 to index
        %get3A_595 = arith.constant 96 : index
        %get3A_596 = tpu.vector_load %arg8[%get3A_594, %get3A_595] {strides = array<i32>} : memref<32x128xf32, #tpu.memory_space<vmem>>, vector<16xf32>,
        %get3A_597 = arith.index_cast %scan3A_293 : i32 to index
        %get3A_598 = arith.constant 96 : index
        %get3A_599 = tpu.vector_load %arg9[%get3A_597, %get3A_598] {strides = array<i32>} : memref<32x128xf32, #tpu.memory_space<vmem>>, vector<16xf32>,
        %mul3A_600 = arith.constant 2.000000e+00 : f32
        %mul3A_601 = vector.broadcast %mul3A_600 : f32 to vector<16xf32>
        %mul3A_602 = arith.mulf %mul3A_601, %get3A_599 : vector<16xf32>
        %sub3A_603 = arith.constant 1.000000e+00 : f32
        %sub3A_604 = vector.broadcast %sub3A_603 : f32 to vector<16xf32>
        %sub3A_605 = arith.subf %mul3A_602, %sub3A_604 : vector<16xf32>
        %mul3A_606 = arith.mulf %get3A_596, %sub3A_605 : vector<16xf32>
        %sub3A_607 = arith.constant 1.000000e+00 : f32
        %sub3A_608 = vector.broadcast %sub3A_607 : f32 to vector<16xf32>
        %sub3A_609 = arith.subf %sub3A_608, %mul3A_606 : vector<16xf32>
        %max3A_610 = arith.constant 0.000000e+00 : f32
        %max3A_611 = vector.broadcast %max3A_610 : f32 to vector<16xf32>
        %max3A_612 = arith.maximumf %sub3A_609, %max3A_611 : vector<16xf32>
        %bitcast3A_613 = vector.bitcast %sub3A_609 : vector<16xf32> to vector<16xi32>
        %ge3A_614 = arith.constant -2147483648 : i32
        %ge3A_615 = vector.broadcast %ge3A_614 : i32 to vector<16xi32>
        %ge3A_616 = arith.cmpi uge, %bitcast3A_613, %ge3A_615 : vector<16xi32>
        %not3A_617 = arith.constant dense<-1> : vector<16xi32>
        %not3A_618 = arith.xori %bitcast3A_613, %not3A_617 : vector<16xi32>
        %or3A_619 = arith.constant -2147483648 : i32
        %or3A_620 = vector.broadcast %or3A_619 : i32 to vector<16xi32>
        %or3A_621 = arith.ori %bitcast3A_613, %or3A_620 : vector<16xi32>
        %select_n3A_622 = arith.select %ge3A_616, %not3A_618, %or3A_621 : vector<16xi1>, vector<16xi32>
        %not3A_623 = arith.constant dense<-1> : vector<16xi32>
        %not3A_624 = arith.xori %select_n3A_622, %not3A_623 : vector<16xi32>
        %broadcast_in_dim3A_625 = arith.constant 15 : i32
        %broadcast_in_dim3A_626 = vector.broadcast %broadcast_in_dim3A_625 : i32 to vector<16xi32>
        %shift_right_logical3A_627 = arith.shrui %not3A_624, %broadcast_in_dim3A_626 : vector<16xi32>
        %convert_element_type3A_628 = arith.fptosi %get3A_599 : vector<16xf32> to vector<16xi32>
        %mul3A_629 = arith.constant 131072 : i32
        %mul3A_630 = vector.broadcast %mul3A_629 : i32 to vector<16xi32>
        %mul3A_631 = arith.muli %convert_element_type3A_628, %mul3A_630 : vector<16xi32>
        %add3A_632 = arith.addi %shift_right_logical3A_627, %mul3A_631 : vector<16xi32>
        %swap3A_633 = arith.index_cast %scan3A_293 : i32 to index
        %swap3A_634 = arith.constant 96 : index
        %swap3A_635 = tpu.vector_load %arg10[%swap3A_633, %swap3A_634] {strides = array<i32>} : memref<32x128xi32, #tpu.memory_space<vmem>>, vector<16xi32>,
        tpu.vector_store %arg10[%swap3A_633, %swap3A_634], %add3A_632 {strides = array<i32>} : memref<32x128xi32, #tpu.memory_space<vmem>>, vector<16xi32>,
        %add3A_636 = arith.constant 262144 : i32
        %add3A_637 = vector.broadcast %add3A_636 : i32 to vector<16xi32>
        %add3A_638 = arith.addi %add3A_632, %add3A_637 : vector<16xi32>
        %swap3A_639 = arith.index_cast %scan3A_293 : i32 to index
        %swap3A_640 = arith.constant 96 : index
        %swap3A_641 = tpu.vector_load %arg11[%swap3A_639, %swap3A_640] {strides = array<i32>} : memref<32x128xi32, #tpu.memory_space<vmem>>, vector<16xi32>,
        tpu.vector_store %arg11[%swap3A_639, %swap3A_640], %add3A_638 {strides = array<i32>} : memref<32x128xi32, #tpu.memory_space<vmem>>, vector<16xi32>,
        %swap3A_642 = arith.index_cast %scan3A_293 : i32 to index
        %swap3A_643 = arith.constant 96 : index
        %swap3A_644 = tpu.vector_load %arg12[%swap3A_642, %swap3A_643] {strides = array<i32>} : memref<32x128xf32, #tpu.memory_space<vmem>>, vector<16xf32>,
        tpu.vector_store %arg12[%swap3A_642, %swap3A_643], %max3A_612 {strides = array<i32>} : memref<32x128xf32, #tpu.memory_space<vmem>>, vector<16xf32>,
        %get3A_645 = arith.index_cast %scan3A_293 : i32 to index
        %get3A_646 = arith.constant 112 : index
        %get3A_647 = tpu.vector_load %arg8[%get3A_645, %get3A_646] {strides = array<i32>} : memref<32x128xf32, #tpu.memory_space<vmem>>, vector<16xf32>,
        %get3A_648 = arith.index_cast %scan3A_293 : i32 to index
        %get3A_649 = arith.constant 112 : index
        %get3A_650 = tpu.vector_load %arg9[%get3A_648, %get3A_649] {strides = array<i32>} : memref<32x128xf32, #tpu.memory_space<vmem>>, vector<16xf32>,
        %mul3A_651 = arith.constant 2.000000e+00 : f32
        %mul3A_652 = vector.broadcast %mul3A_651 : f32 to vector<16xf32>
        %mul3A_653 = arith.mulf %mul3A_652, %get3A_650 : vector<16xf32>
        %sub3A_654 = arith.constant 1.000000e+00 : f32
        %sub3A_655 = vector.broadcast %sub3A_654 : f32 to vector<16xf32>
        %sub3A_656 = arith.subf %mul3A_653, %sub3A_655 : vector<16xf32>
        %mul3A_657 = arith.mulf %get3A_647, %sub3A_656 : vector<16xf32>
        %sub3A_658 = arith.constant 1.000000e+00 : f32
        %sub3A_659 = vector.broadcast %sub3A_658 : f32 to vector<16xf32>
        %sub3A_660 = arith.subf %sub3A_659, %mul3A_657 : vector<16xf32>
        %max3A_661 = arith.constant 0.000000e+00 : f32
        %max3A_662 = vector.broadcast %max3A_661 : f32 to vector<16xf32>
        %max3A_663 = arith.maximumf %sub3A_660, %max3A_662 : vector<16xf32>
        %bitcast3A_664 = vector.bitcast %sub3A_660 : vector<16xf32> to vector<16xi32>
        %ge3A_665 = arith.constant -2147483648 : i32
        %ge3A_666 = vector.broadcast %ge3A_665 : i32 to vector<16xi32>
        %ge3A_667 = arith.cmpi uge, %bitcast3A_664, %ge3A_666 : vector<16xi32>
        %not3A_668 = arith.constant dense<-1> : vector<16xi32>
        %not3A_669 = arith.xori %bitcast3A_664, %not3A_668 : vector<16xi32>
        %or3A_670 = arith.constant -2147483648 : i32
        %or3A_671 = vector.broadcast %or3A_670 : i32 to vector<16xi32>
        %or3A_672 = arith.ori %bitcast3A_664, %or3A_671 : vector<16xi32>
        %select_n3A_673 = arith.select %ge3A_667, %not3A_669, %or3A_672 : vector<16xi1>, vector<16xi32>
        %not3A_674 = arith.constant dense<-1> : vector<16xi32>
        %not3A_675 = arith.xori %select_n3A_673, %not3A_674 : vector<16xi32>
        %broadcast_in_dim3A_676 = arith.constant 15 : i32
        %broadcast_in_dim3A_677 = vector.broadcast %broadcast_in_dim3A_676 : i32 to vector<16xi32>
        %shift_right_logical3A_678 = arith.shrui %not3A_675, %broadcast_in_dim3A_677 : vector<16xi32>
        %convert_element_type3A_679 = arith.fptosi %get3A_650 : vector<16xf32> to vector<16xi32>
        %mul3A_680 = arith.constant 131072 : i32
        %mul3A_681 = vector.broadcast %mul3A_680 : i32 to vector<16xi32>
        %mul3A_682 = arith.muli %convert_element_type3A_679, %mul3A_681 : vector<16xi32>
        %add3A_683 = arith.addi %shift_right_logical3A_678, %mul3A_682 : vector<16xi32>
        %swap3A_684 = arith.index_cast %scan3A_293 : i32 to index
        %swap3A_685 = arith.constant 112 : index
        %swap3A_686 = tpu.vector_load %arg10[%swap3A_684, %swap3A_685] {strides = array<i32>} : memref<32x128xi32, #tpu.memory_space<vmem>>, vector<16xi32>,
        tpu.vector_store %arg10[%swap3A_684, %swap3A_685], %add3A_683 {strides = array<i32>} : memref<32x128xi32, #tpu.memory_space<vmem>>, vector<16xi32>,
        %add3A_687 = arith.constant 262144 : i32
        %add3A_688 = vector.broadcast %add3A_687 : i32 to vector<16xi32>
        %add3A_689 = arith.addi %add3A_683, %add3A_688 : vector<16xi32>
        %swap3A_690 = arith.index_cast %scan3A_293 : i32 to index
        %swap3A_691 = arith.constant 112 : index
        %swap3A_692 = tpu.vector_load %arg11[%swap3A_690, %swap3A_691] {strides = array<i32>} : memref<32x128xi32, #tpu.memory_space<vmem>>, vector<16xi32>,
        tpu.vector_store %arg11[%swap3A_690, %swap3A_691], %add3A_689 {strides = array<i32>} : memref<32x128xi32, #tpu.memory_space<vmem>>, vector<16xi32>,
        %swap3A_693 = arith.index_cast %scan3A_293 : i32 to index
        %swap3A_694 = arith.constant 112 : index
        %swap3A_695 = tpu.vector_load %arg12[%swap3A_693, %swap3A_694] {strides = array<i32>} : memref<32x128xf32, #tpu.memory_space<vmem>>, vector<16xf32>,
        tpu.vector_store %arg12[%swap3A_693, %swap3A_694], %max3A_663 {strides = array<i32>} : memref<32x128xf32, #tpu.memory_space<vmem>>, vector<16xf32>,
        %scan3A_696 = arith.constant 0 : i32
        scf.yield %scan3A_696 : i32
      }
      %scan3A_92 = arith.constant 32 : i32
      %scan3A_93 = arith.constant 0 : i32
      %scan3A_94 = arith.constant 0 : i32
      %scan3A_95 = arith.constant 32 : i32
      %scan3A_96 = arith.addi %scan3A_94, %scan3A_95 : i32
      %scan3A_97 = arith.constant 1 : i32
      %scan3A_98 = scf.for %scan3A_293 = %scan3A_94 to %scan3A_96 step %scan3A_97 iter_args(%scan3A_294 = %scan3A_93) -> (i32)  : i32 {
        %dma_wait3A = arith.constant 0 : i32
        %dma_wait3A_295 = tpu.memref_slice %arg18[%scan3A_293, %dma_wait3A] : memref<32x128xf32, #tpu.memory_space<vmem>> -> memref<1x128xf32, #tpu.memory_space<vmem>>
        %dma_wait3A_296 = tpu.memref_squeeze %dma_wait3A_295 : memref<1x128xf32, #tpu.memory_space<vmem>> -> memref<128xf32, #tpu.memory_space<vmem>>
        %dma_wait3A_297 = arith.constant 0 : i32
        %dma_wait3A_298 = tpu.memref_slice %arg15[%scan3A_293, %dma_wait3A_297] : memref<32x128xi32, #tpu.memory_space<vmem>> -> memref<1x128xi32, #tpu.memory_space<vmem>>
        %dma_wait3A_299 = tpu.memref_squeeze %dma_wait3A_298 : memref<1x128xi32, #tpu.memory_space<vmem>> -> memref<128xi32, #tpu.memory_space<vmem>>
        %dma_wait3A_300 = arith.constant 0 : i32
        %dma_wait3A_301 = tpu.memref_slice %arg5[%dma_wait3A_300] : memref<524288xf32, #tpu.memory_space<vmem_shared>> -> memref<524288xf32, #tpu.memory_space<vmem_shared>>
        tpu.wait_indirect_dma semaphore(%arg26 : memref<!tpu.dma_semaphore, #tpu.memory_space<semaphore_mem>>) src(%dma_wait3A_296 : memref<128xf32, #tpu.memory_space<vmem>>) dst(%dma_wait3A_301 : memref<524288xf32, #tpu.memory_space<vmem_shared>>)
        %dma_wait3A_302 = arith.constant 0 : i32
        %dma_wait3A_303 = tpu.memref_slice %arg17[%scan3A_293, %dma_wait3A_302] : memref<32x128xf32, #tpu.memory_space<vmem>> -> memref<1x128xf32, #tpu.memory_space<vmem>>
        %dma_wait3A_304 = tpu.memref_squeeze %dma_wait3A_303 : memref<1x128xf32, #tpu.memory_space<vmem>> -> memref<128xf32, #tpu.memory_space<vmem>>
        %dma_wait3A_305 = arith.constant 0 : i32
        %dma_wait3A_306 = tpu.memref_slice %arg16[%scan3A_293, %dma_wait3A_305] : memref<32x128xi32, #tpu.memory_space<vmem>> -> memref<1x128xi32, #tpu.memory_space<vmem>>
        %dma_wait3A_307 = tpu.memref_squeeze %dma_wait3A_306 : memref<1x128xi32, #tpu.memory_space<vmem>> -> memref<128xi32, #tpu.memory_space<vmem>>
        %dma_wait3A_308 = arith.constant 0 : i32
        %dma_wait3A_309 = tpu.memref_slice %arg5[%dma_wait3A_308] : memref<524288xf32, #tpu.memory_space<vmem_shared>> -> memref<524288xf32, #tpu.memory_space<vmem_shared>>
        tpu.wait_indirect_dma semaphore(%arg26 : memref<!tpu.dma_semaphore, #tpu.memory_space<semaphore_mem>>) src(%dma_wait3A_304 : memref<128xf32, #tpu.memory_space<vmem>>) dst(%dma_wait3A_309 : memref<524288xf32, #tpu.memory_space<vmem_shared>>)
        %scan3A_310 = arith.constant 0 : i32
        scf.yield %scan3A_310 : i32
      }
      %scan3A_99 = arith.constant 32 : i32
      %scan3A_100 = arith.constant 0 : i32
      %scan3A_101 = arith.constant 0 : i32
      %scan3A_102 = arith.constant 32 : i32
      %scan3A_103 = arith.addi %scan3A_101, %scan3A_102 : i32
      %scan3A_104 = arith.constant 1 : i32
      %scan3A_105 = scf.for %scan3A_293 = %scan3A_101 to %scan3A_103 step %scan3A_104 iter_args(%scan3A_294 = %scan3A_100) -> (i32)  : i32 {
        %dma_start3A = arith.constant 0 : i32
        %dma_start3A_295 = tpu.memref_slice %arg18[%scan3A_293, %dma_start3A] : memref<32x128xf32, #tpu.memory_space<vmem>> -> memref<1x128xf32, #tpu.memory_space<vmem>>
        %dma_start3A_296 = tpu.memref_squeeze %dma_start3A_295 : memref<1x128xf32, #tpu.memory_space<vmem>> -> memref<128xf32, #tpu.memory_space<vmem>>
        %dma_start3A_297 = arith.constant 0 : i32
        %dma_start3A_298 = tpu.memref_slice %arg10[%scan3A_293, %dma_start3A_297] : memref<32x128xi32, #tpu.memory_space<vmem>> -> memref<1x128xi32, #tpu.memory_space<vmem>>
        %dma_start3A_299 = tpu.memref_squeeze %dma_start3A_298 : memref<1x128xi32, #tpu.memory_space<vmem>> -> memref<128xi32, #tpu.memory_space<vmem>>
        %dma_start3A_300 = arith.constant 0 : i32
        %dma_start3A_301 = tpu.memref_slice %arg5[%dma_start3A_300] : memref<524288xf32, #tpu.memory_space<vmem_shared>> -> memref<524288xf32, #tpu.memory_space<vmem_shared>>
        tpu.enqueue_indirect_dma source(%dma_start3A_296 : memref<128xf32, #tpu.memory_space<vmem>>) target(%dma_start3A_301 : memref<524288xf32, #tpu.memory_space<vmem_shared>>) offsets(%dma_start3A_299 : memref<128xi32, #tpu.memory_space<vmem>>) semaphore(%arg26 : memref<!tpu.dma_semaphore, #tpu.memory_space<semaphore_mem>>) {add = true}
        %dma_start3A_302 = arith.constant 0 : i32
        %dma_start3A_303 = tpu.memref_slice %arg12[%scan3A_293, %dma_start3A_302] : memref<32x128xf32, #tpu.memory_space<vmem>> -> memref<1x128xf32, #tpu.memory_space<vmem>>
        %dma_start3A_304 = tpu.memref_squeeze %dma_start3A_303 : memref<1x128xf32, #tpu.memory_space<vmem>> -> memref<128xf32, #tpu.memory_space<vmem>>
        %dma_start3A_305 = arith.constant 0 : i32
        %dma_start3A_306 = tpu.memref_slice %arg11[%scan3A_293, %dma_start3A_305] : memref<32x128xi32, #tpu.memory_space<vmem>> -> memref<1x128xi32, #tpu.memory_space<vmem>>
        %dma_start3A_307 = tpu.memref_squeeze %dma_start3A_306 : memref<1x128xi32, #tpu.memory_space<vmem>> -> memref<128xi32, #tpu.memory_space<vmem>>
        %dma_start3A_308 = arith.constant 0 : i32
        %dma_start3A_309 = tpu.memref_slice %arg5[%dma_start3A_308] : memref<524288xf32, #tpu.memory_space<vmem_shared>> -> memref<524288xf32, #tpu.memory_space<vmem_shared>>
        tpu.enqueue_indirect_dma source(%dma_start3A_304 : memref<128xf32, #tpu.memory_space<vmem>>) target(%dma_start3A_309 : memref<524288xf32, #tpu.memory_space<vmem_shared>>) offsets(%dma_start3A_307 : memref<128xi32, #tpu.memory_space<vmem>>) semaphore(%arg26 : memref<!tpu.dma_semaphore, #tpu.memory_space<semaphore_mem>>) {add = true}
        %scan3A_310 = arith.constant 0 : i32
        scf.yield %scan3A_310 : i32
      }
      %scan3A_106 = arith.constant 32 : i32
      %add3A_107 = arith.constant 96 : i32
      %add3A_108 = arith.addi %add3A_44, %add3A_107 : i32
      "tpu.region"() ({
        %run_scoped3A = tpu.sem_alloc : memref<!tpu.dma_semaphore, #tpu.memory_space<semaphore_mem>>
        %dma_start3A = arith.constant 0 : i32
        %dma_start3A_293 = tpu.memref_slice %arg2[%add3A_108, %dma_start3A] : memref<16384x128xf32, #tpu.memory_space<hbm>> -> memref<32x128xf32, #tpu.memory_space<hbm>>
        %dma_start3A_294 = arith.constant 0 : i32
        %dma_start3A_295 = tpu.memref_slice %arg2[%add3A_108, %dma_start3A_294] : memref<16384x128xf32, #tpu.memory_space<hbm>> -> memref<32x128xf32, #tpu.memory_space<hbm>>
        tpu.enqueue_dma source(%dma_start3A_295 : memref<32x128xf32, #tpu.memory_space<hbm>>) target(%arg13 : memref<32x128xf32, #tpu.memory_space<vmem>>) target_semaphore(%run_scoped3A : memref<!tpu.dma_semaphore, #tpu.memory_space<semaphore_mem>>)
        %dma_wait3A = arith.constant 0 : i32
        %dma_wait3A_296 = tpu.memref_slice %arg2[%add3A_108, %dma_wait3A] : memref<16384x128xf32, #tpu.memory_space<hbm>> -> memref<32x128xf32, #tpu.memory_space<hbm>>
        %dma_wait3A_297 = arith.constant 0 : i32
        %dma_wait3A_298 = tpu.memref_slice %arg2[%add3A_108, %dma_wait3A_297] : memref<16384x128xf32, #tpu.memory_space<hbm>> -> memref<32x128xf32, #tpu.memory_space<hbm>>
        tpu.wait_dma2 semaphore(%run_scoped3A : memref<!tpu.dma_semaphore, #tpu.memory_space<semaphore_mem>>) src(%dma_wait3A_298 : memref<32x128xf32, #tpu.memory_space<hbm>>) dst(%arg13 : memref<32x128xf32, #tpu.memory_space<vmem>>)
        tpu.yield
      }) : () -> ()
      "tpu.region"() ({
        %run_scoped3A = tpu.sem_alloc : memref<!tpu.dma_semaphore, #tpu.memory_space<semaphore_mem>>
        %dma_start3A = arith.constant 0 : i32
        %dma_start3A_293 = tpu.memref_slice %arg3[%add3A_108, %dma_start3A] : memref<16384x128xf32, #tpu.memory_space<hbm>> -> memref<32x128xf32, #tpu.memory_space<hbm>>
        %dma_start3A_294 = arith.constant 0 : i32
        %dma_start3A_295 = tpu.memref_slice %arg3[%add3A_108, %dma_start3A_294] : memref<16384x128xf32, #tpu.memory_space<hbm>> -> memref<32x128xf32, #tpu.memory_space<hbm>>
        tpu.enqueue_dma source(%dma_start3A_295 : memref<32x128xf32, #tpu.memory_space<hbm>>) target(%arg14 : memref<32x128xf32, #tpu.memory_space<vmem>>) target_semaphore(%run_scoped3A : memref<!tpu.dma_semaphore, #tpu.memory_space<semaphore_mem>>)
        %dma_wait3A = arith.constant 0 : i32
        %dma_wait3A_296 = tpu.memref_slice %arg3[%add3A_108, %dma_wait3A] : memref<16384x128xf32, #tpu.memory_space<hbm>> -> memref<32x128xf32, #tpu.memory_space<hbm>>
        %dma_wait3A_297 = arith.constant 0 : i32
        %dma_wait3A_298 = tpu.memref_slice %arg3[%add3A_108, %dma_wait3A_297] : memref<16384x128xf32, #tpu.memory_space<hbm>> -> memref<32x128xf32, #tpu.memory_space<hbm>>
        tpu.wait_dma2 semaphore(%run_scoped3A : memref<!tpu.dma_semaphore, #tpu.memory_space<semaphore_mem>>) src(%dma_wait3A_298 : memref<32x128xf32, #tpu.memory_space<hbm>>) dst(%arg14 : memref<32x128xf32, #tpu.memory_space<vmem>>)
        tpu.yield
      }) : () -> ()
      %scan3A_109 = arith.constant 0 : i32
      %scan3A_110 = arith.constant 0 : i32
      %scan3A_111 = arith.constant 32 : i32
      %scan3A_112 = arith.addi %scan3A_110, %scan3A_111 : i32
      %scan3A_113 = arith.constant 1 : i32
      %scan3A_114 = scf.for %scan3A_293 = %scan3A_110 to %scan3A_112 step %scan3A_113 iter_args(%scan3A_294 = %scan3A_109) -> (i32)  : i32 {
        %get3A_295 = arith.index_cast %scan3A_293 : i32 to index
        %get3A_296 = arith.constant 0 : index
        %get3A_297 = tpu.vector_load %arg13[%get3A_295, %get3A_296] {strides = array<i32>} : memref<32x128xf32, #tpu.memory_space<vmem>>, vector<16xf32>,
        %get3A_298 = arith.index_cast %scan3A_293 : i32 to index
        %get3A_299 = arith.constant 0 : index
        %get3A_300 = tpu.vector_load %arg14[%get3A_298, %get3A_299] {strides = array<i32>} : memref<32x128xf32, #tpu.memory_space<vmem>>, vector<16xf32>,
        %mul3A_301 = arith.constant 2.000000e+00 : f32
        %mul3A_302 = vector.broadcast %mul3A_301 : f32 to vector<16xf32>
        %mul3A_303 = arith.mulf %mul3A_302, %get3A_300 : vector<16xf32>
        %sub3A = arith.constant 1.000000e+00 : f32
        %sub3A_304 = vector.broadcast %sub3A : f32 to vector<16xf32>
        %sub3A_305 = arith.subf %mul3A_303, %sub3A_304 : vector<16xf32>
        %mul3A_306 = arith.mulf %get3A_297, %sub3A_305 : vector<16xf32>
        %sub3A_307 = arith.constant 1.000000e+00 : f32
        %sub3A_308 = vector.broadcast %sub3A_307 : f32 to vector<16xf32>
        %sub3A_309 = arith.subf %sub3A_308, %mul3A_306 : vector<16xf32>
        %max3A = arith.constant 0.000000e+00 : f32
        %max3A_310 = vector.broadcast %max3A : f32 to vector<16xf32>
        %max3A_311 = arith.maximumf %sub3A_309, %max3A_310 : vector<16xf32>
        %bitcast3A = vector.bitcast %sub3A_309 : vector<16xf32> to vector<16xi32>
        %ge3A = arith.constant -2147483648 : i32
        %ge3A_312 = vector.broadcast %ge3A : i32 to vector<16xi32>
        %ge3A_313 = arith.cmpi uge, %bitcast3A, %ge3A_312 : vector<16xi32>
        %not3A = arith.constant dense<-1> : vector<16xi32>
        %not3A_314 = arith.xori %bitcast3A, %not3A : vector<16xi32>
        %or3A = arith.constant -2147483648 : i32
        %or3A_315 = vector.broadcast %or3A : i32 to vector<16xi32>
        %or3A_316 = arith.ori %bitcast3A, %or3A_315 : vector<16xi32>
        %select_n3A_317 = arith.select %ge3A_313, %not3A_314, %or3A_316 : vector<16xi1>, vector<16xi32>
        %not3A_318 = arith.constant dense<-1> : vector<16xi32>
        %not3A_319 = arith.xori %select_n3A_317, %not3A_318 : vector<16xi32>
        %broadcast_in_dim3A_320 = arith.constant 15 : i32
        %broadcast_in_dim3A_321 = vector.broadcast %broadcast_in_dim3A_320 : i32 to vector<16xi32>
        %shift_right_logical3A = arith.shrui %not3A_319, %broadcast_in_dim3A_321 : vector<16xi32>
        %convert_element_type3A_322 = arith.fptosi %get3A_300 : vector<16xf32> to vector<16xi32>
        %mul3A_323 = arith.constant 131072 : i32
        %mul3A_324 = vector.broadcast %mul3A_323 : i32 to vector<16xi32>
        %mul3A_325 = arith.muli %convert_element_type3A_322, %mul3A_324 : vector<16xi32>
        %add3A_326 = arith.addi %shift_right_logical3A, %mul3A_325 : vector<16xi32>
        %swap3A_327 = arith.index_cast %scan3A_293 : i32 to index
        %swap3A_328 = arith.constant 0 : index
        %swap3A_329 = tpu.vector_load %arg15[%swap3A_327, %swap3A_328] {strides = array<i32>} : memref<32x128xi32, #tpu.memory_space<vmem>>, vector<16xi32>,
        tpu.vector_store %arg15[%swap3A_327, %swap3A_328], %add3A_326 {strides = array<i32>} : memref<32x128xi32, #tpu.memory_space<vmem>>, vector<16xi32>,
        %add3A_330 = arith.constant 262144 : i32
        %add3A_331 = vector.broadcast %add3A_330 : i32 to vector<16xi32>
        %add3A_332 = arith.addi %add3A_326, %add3A_331 : vector<16xi32>
        %swap3A_333 = arith.index_cast %scan3A_293 : i32 to index
        %swap3A_334 = arith.constant 0 : index
        %swap3A_335 = tpu.vector_load %arg16[%swap3A_333, %swap3A_334] {strides = array<i32>} : memref<32x128xi32, #tpu.memory_space<vmem>>, vector<16xi32>,
        tpu.vector_store %arg16[%swap3A_333, %swap3A_334], %add3A_332 {strides = array<i32>} : memref<32x128xi32, #tpu.memory_space<vmem>>, vector<16xi32>,
        %swap3A_336 = arith.index_cast %scan3A_293 : i32 to index
        %swap3A_337 = arith.constant 0 : index
        %swap3A_338 = tpu.vector_load %arg17[%swap3A_336, %swap3A_337] {strides = array<i32>} : memref<32x128xf32, #tpu.memory_space<vmem>>, vector<16xf32>,
        tpu.vector_store %arg17[%swap3A_336, %swap3A_337], %max3A_311 {strides = array<i32>} : memref<32x128xf32, #tpu.memory_space<vmem>>, vector<16xf32>,
        %get3A_339 = arith.index_cast %scan3A_293 : i32 to index
        %get3A_340 = arith.constant 16 : index
        %get3A_341 = tpu.vector_load %arg13[%get3A_339, %get3A_340] {strides = array<i32>} : memref<32x128xf32, #tpu.memory_space<vmem>>, vector<16xf32>,
        %get3A_342 = arith.index_cast %scan3A_293 : i32 to index
        %get3A_343 = arith.constant 16 : index
        %get3A_344 = tpu.vector_load %arg14[%get3A_342, %get3A_343] {strides = array<i32>} : memref<32x128xf32, #tpu.memory_space<vmem>>, vector<16xf32>,
        %mul3A_345 = arith.constant 2.000000e+00 : f32
        %mul3A_346 = vector.broadcast %mul3A_345 : f32 to vector<16xf32>
        %mul3A_347 = arith.mulf %mul3A_346, %get3A_344 : vector<16xf32>
        %sub3A_348 = arith.constant 1.000000e+00 : f32
        %sub3A_349 = vector.broadcast %sub3A_348 : f32 to vector<16xf32>
        %sub3A_350 = arith.subf %mul3A_347, %sub3A_349 : vector<16xf32>
        %mul3A_351 = arith.mulf %get3A_341, %sub3A_350 : vector<16xf32>
        %sub3A_352 = arith.constant 1.000000e+00 : f32
        %sub3A_353 = vector.broadcast %sub3A_352 : f32 to vector<16xf32>
        %sub3A_354 = arith.subf %sub3A_353, %mul3A_351 : vector<16xf32>
        %max3A_355 = arith.constant 0.000000e+00 : f32
        %max3A_356 = vector.broadcast %max3A_355 : f32 to vector<16xf32>
        %max3A_357 = arith.maximumf %sub3A_354, %max3A_356 : vector<16xf32>
        %bitcast3A_358 = vector.bitcast %sub3A_354 : vector<16xf32> to vector<16xi32>
        %ge3A_359 = arith.constant -2147483648 : i32
        %ge3A_360 = vector.broadcast %ge3A_359 : i32 to vector<16xi32>
        %ge3A_361 = arith.cmpi uge, %bitcast3A_358, %ge3A_360 : vector<16xi32>
        %not3A_362 = arith.constant dense<-1> : vector<16xi32>
        %not3A_363 = arith.xori %bitcast3A_358, %not3A_362 : vector<16xi32>
        %or3A_364 = arith.constant -2147483648 : i32
        %or3A_365 = vector.broadcast %or3A_364 : i32 to vector<16xi32>
        %or3A_366 = arith.ori %bitcast3A_358, %or3A_365 : vector<16xi32>
        %select_n3A_367 = arith.select %ge3A_361, %not3A_363, %or3A_366 : vector<16xi1>, vector<16xi32>
        %not3A_368 = arith.constant dense<-1> : vector<16xi32>
        %not3A_369 = arith.xori %select_n3A_367, %not3A_368 : vector<16xi32>
        %broadcast_in_dim3A_370 = arith.constant 15 : i32
        %broadcast_in_dim3A_371 = vector.broadcast %broadcast_in_dim3A_370 : i32 to vector<16xi32>
        %shift_right_logical3A_372 = arith.shrui %not3A_369, %broadcast_in_dim3A_371 : vector<16xi32>
        %convert_element_type3A_373 = arith.fptosi %get3A_344 : vector<16xf32> to vector<16xi32>
        %mul3A_374 = arith.constant 131072 : i32
        %mul3A_375 = vector.broadcast %mul3A_374 : i32 to vector<16xi32>
        %mul3A_376 = arith.muli %convert_element_type3A_373, %mul3A_375 : vector<16xi32>
        %add3A_377 = arith.addi %shift_right_logical3A_372, %mul3A_376 : vector<16xi32>
        %swap3A_378 = arith.index_cast %scan3A_293 : i32 to index
        %swap3A_379 = arith.constant 16 : index
        %swap3A_380 = tpu.vector_load %arg15[%swap3A_378, %swap3A_379] {strides = array<i32>} : memref<32x128xi32, #tpu.memory_space<vmem>>, vector<16xi32>,
        tpu.vector_store %arg15[%swap3A_378, %swap3A_379], %add3A_377 {strides = array<i32>} : memref<32x128xi32, #tpu.memory_space<vmem>>, vector<16xi32>,
        %add3A_381 = arith.constant 262144 : i32
        %add3A_382 = vector.broadcast %add3A_381 : i32 to vector<16xi32>
        %add3A_383 = arith.addi %add3A_377, %add3A_382 : vector<16xi32>
        %swap3A_384 = arith.index_cast %scan3A_293 : i32 to index
        %swap3A_385 = arith.constant 16 : index
        %swap3A_386 = tpu.vector_load %arg16[%swap3A_384, %swap3A_385] {strides = array<i32>} : memref<32x128xi32, #tpu.memory_space<vmem>>, vector<16xi32>,
        tpu.vector_store %arg16[%swap3A_384, %swap3A_385], %add3A_383 {strides = array<i32>} : memref<32x128xi32, #tpu.memory_space<vmem>>, vector<16xi32>,
        %swap3A_387 = arith.index_cast %scan3A_293 : i32 to index
        %swap3A_388 = arith.constant 16 : index
        %swap3A_389 = tpu.vector_load %arg17[%swap3A_387, %swap3A_388] {strides = array<i32>} : memref<32x128xf32, #tpu.memory_space<vmem>>, vector<16xf32>,
        tpu.vector_store %arg17[%swap3A_387, %swap3A_388], %max3A_357 {strides = array<i32>} : memref<32x128xf32, #tpu.memory_space<vmem>>, vector<16xf32>,
        %get3A_390 = arith.index_cast %scan3A_293 : i32 to index
        %get3A_391 = arith.constant 32 : index
        %get3A_392 = tpu.vector_load %arg13[%get3A_390, %get3A_391] {strides = array<i32>} : memref<32x128xf32, #tpu.memory_space<vmem>>, vector<16xf32>,
        %get3A_393 = arith.index_cast %scan3A_293 : i32 to index
        %get3A_394 = arith.constant 32 : index
        %get3A_395 = tpu.vector_load %arg14[%get3A_393, %get3A_394] {strides = array<i32>} : memref<32x128xf32, #tpu.memory_space<vmem>>, vector<16xf32>,
        %mul3A_396 = arith.constant 2.000000e+00 : f32
        %mul3A_397 = vector.broadcast %mul3A_396 : f32 to vector<16xf32>
        %mul3A_398 = arith.mulf %mul3A_397, %get3A_395 : vector<16xf32>
        %sub3A_399 = arith.constant 1.000000e+00 : f32
        %sub3A_400 = vector.broadcast %sub3A_399 : f32 to vector<16xf32>
        %sub3A_401 = arith.subf %mul3A_398, %sub3A_400 : vector<16xf32>
        %mul3A_402 = arith.mulf %get3A_392, %sub3A_401 : vector<16xf32>
        %sub3A_403 = arith.constant 1.000000e+00 : f32
        %sub3A_404 = vector.broadcast %sub3A_403 : f32 to vector<16xf32>
        %sub3A_405 = arith.subf %sub3A_404, %mul3A_402 : vector<16xf32>
        %max3A_406 = arith.constant 0.000000e+00 : f32
        %max3A_407 = vector.broadcast %max3A_406 : f32 to vector<16xf32>
        %max3A_408 = arith.maximumf %sub3A_405, %max3A_407 : vector<16xf32>
        %bitcast3A_409 = vector.bitcast %sub3A_405 : vector<16xf32> to vector<16xi32>
        %ge3A_410 = arith.constant -2147483648 : i32
        %ge3A_411 = vector.broadcast %ge3A_410 : i32 to vector<16xi32>
        %ge3A_412 = arith.cmpi uge, %bitcast3A_409, %ge3A_411 : vector<16xi32>
        %not3A_413 = arith.constant dense<-1> : vector<16xi32>
        %not3A_414 = arith.xori %bitcast3A_409, %not3A_413 : vector<16xi32>
        %or3A_415 = arith.constant -2147483648 : i32
        %or3A_416 = vector.broadcast %or3A_415 : i32 to vector<16xi32>
        %or3A_417 = arith.ori %bitcast3A_409, %or3A_416 : vector<16xi32>
        %select_n3A_418 = arith.select %ge3A_412, %not3A_414, %or3A_417 : vector<16xi1>, vector<16xi32>
        %not3A_419 = arith.constant dense<-1> : vector<16xi32>
        %not3A_420 = arith.xori %select_n3A_418, %not3A_419 : vector<16xi32>
        %broadcast_in_dim3A_421 = arith.constant 15 : i32
        %broadcast_in_dim3A_422 = vector.broadcast %broadcast_in_dim3A_421 : i32 to vector<16xi32>
        %shift_right_logical3A_423 = arith.shrui %not3A_420, %broadcast_in_dim3A_422 : vector<16xi32>
        %convert_element_type3A_424 = arith.fptosi %get3A_395 : vector<16xf32> to vector<16xi32>
        %mul3A_425 = arith.constant 131072 : i32
        %mul3A_426 = vector.broadcast %mul3A_425 : i32 to vector<16xi32>
        %mul3A_427 = arith.muli %convert_element_type3A_424, %mul3A_426 : vector<16xi32>
        %add3A_428 = arith.addi %shift_right_logical3A_423, %mul3A_427 : vector<16xi32>
        %swap3A_429 = arith.index_cast %scan3A_293 : i32 to index
        %swap3A_430 = arith.constant 32 : index
        %swap3A_431 = tpu.vector_load %arg15[%swap3A_429, %swap3A_430] {strides = array<i32>} : memref<32x128xi32, #tpu.memory_space<vmem>>, vector<16xi32>,
        tpu.vector_store %arg15[%swap3A_429, %swap3A_430], %add3A_428 {strides = array<i32>} : memref<32x128xi32, #tpu.memory_space<vmem>>, vector<16xi32>,
        %add3A_432 = arith.constant 262144 : i32
        %add3A_433 = vector.broadcast %add3A_432 : i32 to vector<16xi32>
        %add3A_434 = arith.addi %add3A_428, %add3A_433 : vector<16xi32>
        %swap3A_435 = arith.index_cast %scan3A_293 : i32 to index
        %swap3A_436 = arith.constant 32 : index
        %swap3A_437 = tpu.vector_load %arg16[%swap3A_435, %swap3A_436] {strides = array<i32>} : memref<32x128xi32, #tpu.memory_space<vmem>>, vector<16xi32>,
        tpu.vector_store %arg16[%swap3A_435, %swap3A_436], %add3A_434 {strides = array<i32>} : memref<32x128xi32, #tpu.memory_space<vmem>>, vector<16xi32>,
        %swap3A_438 = arith.index_cast %scan3A_293 : i32 to index
        %swap3A_439 = arith.constant 32 : index
        %swap3A_440 = tpu.vector_load %arg17[%swap3A_438, %swap3A_439] {strides = array<i32>} : memref<32x128xf32, #tpu.memory_space<vmem>>, vector<16xf32>,
        tpu.vector_store %arg17[%swap3A_438, %swap3A_439], %max3A_408 {strides = array<i32>} : memref<32x128xf32, #tpu.memory_space<vmem>>, vector<16xf32>,
        %get3A_441 = arith.index_cast %scan3A_293 : i32 to index
        %get3A_442 = arith.constant 48 : index
        %get3A_443 = tpu.vector_load %arg13[%get3A_441, %get3A_442] {strides = array<i32>} : memref<32x128xf32, #tpu.memory_space<vmem>>, vector<16xf32>,
        %get3A_444 = arith.index_cast %scan3A_293 : i32 to index
        %get3A_445 = arith.constant 48 : index
        %get3A_446 = tpu.vector_load %arg14[%get3A_444, %get3A_445] {strides = array<i32>} : memref<32x128xf32, #tpu.memory_space<vmem>>, vector<16xf32>,
        %mul3A_447 = arith.constant 2.000000e+00 : f32
        %mul3A_448 = vector.broadcast %mul3A_447 : f32 to vector<16xf32>
        %mul3A_449 = arith.mulf %mul3A_448, %get3A_446 : vector<16xf32>
        %sub3A_450 = arith.constant 1.000000e+00 : f32
        %sub3A_451 = vector.broadcast %sub3A_450 : f32 to vector<16xf32>
        %sub3A_452 = arith.subf %mul3A_449, %sub3A_451 : vector<16xf32>
        %mul3A_453 = arith.mulf %get3A_443, %sub3A_452 : vector<16xf32>
        %sub3A_454 = arith.constant 1.000000e+00 : f32
        %sub3A_455 = vector.broadcast %sub3A_454 : f32 to vector<16xf32>
        %sub3A_456 = arith.subf %sub3A_455, %mul3A_453 : vector<16xf32>
        %max3A_457 = arith.constant 0.000000e+00 : f32
        %max3A_458 = vector.broadcast %max3A_457 : f32 to vector<16xf32>
        %max3A_459 = arith.maximumf %sub3A_456, %max3A_458 : vector<16xf32>
        %bitcast3A_460 = vector.bitcast %sub3A_456 : vector<16xf32> to vector<16xi32>
        %ge3A_461 = arith.constant -2147483648 : i32
        %ge3A_462 = vector.broadcast %ge3A_461 : i32 to vector<16xi32>
        %ge3A_463 = arith.cmpi uge, %bitcast3A_460, %ge3A_462 : vector<16xi32>
        %not3A_464 = arith.constant dense<-1> : vector<16xi32>
        %not3A_465 = arith.xori %bitcast3A_460, %not3A_464 : vector<16xi32>
        %or3A_466 = arith.constant -2147483648 : i32
        %or3A_467 = vector.broadcast %or3A_466 : i32 to vector<16xi32>
        %or3A_468 = arith.ori %bitcast3A_460, %or3A_467 : vector<16xi32>
        %select_n3A_469 = arith.select %ge3A_463, %not3A_465, %or3A_468 : vector<16xi1>, vector<16xi32>
        %not3A_470 = arith.constant dense<-1> : vector<16xi32>
        %not3A_471 = arith.xori %select_n3A_469, %not3A_470 : vector<16xi32>
        %broadcast_in_dim3A_472 = arith.constant 15 : i32
        %broadcast_in_dim3A_473 = vector.broadcast %broadcast_in_dim3A_472 : i32 to vector<16xi32>
        %shift_right_logical3A_474 = arith.shrui %not3A_471, %broadcast_in_dim3A_473 : vector<16xi32>
        %convert_element_type3A_475 = arith.fptosi %get3A_446 : vector<16xf32> to vector<16xi32>
        %mul3A_476 = arith.constant 131072 : i32
        %mul3A_477 = vector.broadcast %mul3A_476 : i32 to vector<16xi32>
        %mul3A_478 = arith.muli %convert_element_type3A_475, %mul3A_477 : vector<16xi32>
        %add3A_479 = arith.addi %shift_right_logical3A_474, %mul3A_478 : vector<16xi32>
        %swap3A_480 = arith.index_cast %scan3A_293 : i32 to index
        %swap3A_481 = arith.constant 48 : index
        %swap3A_482 = tpu.vector_load %arg15[%swap3A_480, %swap3A_481] {strides = array<i32>} : memref<32x128xi32, #tpu.memory_space<vmem>>, vector<16xi32>,
        tpu.vector_store %arg15[%swap3A_480, %swap3A_481], %add3A_479 {strides = array<i32>} : memref<32x128xi32, #tpu.memory_space<vmem>>, vector<16xi32>,
        %add3A_483 = arith.constant 262144 : i32
        %add3A_484 = vector.broadcast %add3A_483 : i32 to vector<16xi32>
        %add3A_485 = arith.addi %add3A_479, %add3A_484 : vector<16xi32>
        %swap3A_486 = arith.index_cast %scan3A_293 : i32 to index
        %swap3A_487 = arith.constant 48 : index
        %swap3A_488 = tpu.vector_load %arg16[%swap3A_486, %swap3A_487] {strides = array<i32>} : memref<32x128xi32, #tpu.memory_space<vmem>>, vector<16xi32>,
        tpu.vector_store %arg16[%swap3A_486, %swap3A_487], %add3A_485 {strides = array<i32>} : memref<32x128xi32, #tpu.memory_space<vmem>>, vector<16xi32>,
        %swap3A_489 = arith.index_cast %scan3A_293 : i32 to index
        %swap3A_490 = arith.constant 48 : index
        %swap3A_491 = tpu.vector_load %arg17[%swap3A_489, %swap3A_490] {strides = array<i32>} : memref<32x128xf32, #tpu.memory_space<vmem>>, vector<16xf32>,
        tpu.vector_store %arg17[%swap3A_489, %swap3A_490], %max3A_459 {strides = array<i32>} : memref<32x128xf32, #tpu.memory_space<vmem>>, vector<16xf32>,
        %get3A_492 = arith.index_cast %scan3A_293 : i32 to index
        %get3A_493 = arith.constant 64 : index
        %get3A_494 = tpu.vector_load %arg13[%get3A_492, %get3A_493] {strides = array<i32>} : memref<32x128xf32, #tpu.memory_space<vmem>>, vector<16xf32>,
        %get3A_495 = arith.index_cast %scan3A_293 : i32 to index
        %get3A_496 = arith.constant 64 : index
        %get3A_497 = tpu.vector_load %arg14[%get3A_495, %get3A_496] {strides = array<i32>} : memref<32x128xf32, #tpu.memory_space<vmem>>, vector<16xf32>,
        %mul3A_498 = arith.constant 2.000000e+00 : f32
        %mul3A_499 = vector.broadcast %mul3A_498 : f32 to vector<16xf32>
        %mul3A_500 = arith.mulf %mul3A_499, %get3A_497 : vector<16xf32>
        %sub3A_501 = arith.constant 1.000000e+00 : f32
        %sub3A_502 = vector.broadcast %sub3A_501 : f32 to vector<16xf32>
        %sub3A_503 = arith.subf %mul3A_500, %sub3A_502 : vector<16xf32>
        %mul3A_504 = arith.mulf %get3A_494, %sub3A_503 : vector<16xf32>
        %sub3A_505 = arith.constant 1.000000e+00 : f32
        %sub3A_506 = vector.broadcast %sub3A_505 : f32 to vector<16xf32>
        %sub3A_507 = arith.subf %sub3A_506, %mul3A_504 : vector<16xf32>
        %max3A_508 = arith.constant 0.000000e+00 : f32
        %max3A_509 = vector.broadcast %max3A_508 : f32 to vector<16xf32>
        %max3A_510 = arith.maximumf %sub3A_507, %max3A_509 : vector<16xf32>
        %bitcast3A_511 = vector.bitcast %sub3A_507 : vector<16xf32> to vector<16xi32>
        %ge3A_512 = arith.constant -2147483648 : i32
        %ge3A_513 = vector.broadcast %ge3A_512 : i32 to vector<16xi32>
        %ge3A_514 = arith.cmpi uge, %bitcast3A_511, %ge3A_513 : vector<16xi32>
        %not3A_515 = arith.constant dense<-1> : vector<16xi32>
        %not3A_516 = arith.xori %bitcast3A_511, %not3A_515 : vector<16xi32>
        %or3A_517 = arith.constant -2147483648 : i32
        %or3A_518 = vector.broadcast %or3A_517 : i32 to vector<16xi32>
        %or3A_519 = arith.ori %bitcast3A_511, %or3A_518 : vector<16xi32>
        %select_n3A_520 = arith.select %ge3A_514, %not3A_516, %or3A_519 : vector<16xi1>, vector<16xi32>
        %not3A_521 = arith.constant dense<-1> : vector<16xi32>
        %not3A_522 = arith.xori %select_n3A_520, %not3A_521 : vector<16xi32>
        %broadcast_in_dim3A_523 = arith.constant 15 : i32
        %broadcast_in_dim3A_524 = vector.broadcast %broadcast_in_dim3A_523 : i32 to vector<16xi32>
        %shift_right_logical3A_525 = arith.shrui %not3A_522, %broadcast_in_dim3A_524 : vector<16xi32>
        %convert_element_type3A_526 = arith.fptosi %get3A_497 : vector<16xf32> to vector<16xi32>
        %mul3A_527 = arith.constant 131072 : i32
        %mul3A_528 = vector.broadcast %mul3A_527 : i32 to vector<16xi32>
        %mul3A_529 = arith.muli %convert_element_type3A_526, %mul3A_528 : vector<16xi32>
        %add3A_530 = arith.addi %shift_right_logical3A_525, %mul3A_529 : vector<16xi32>
        %swap3A_531 = arith.index_cast %scan3A_293 : i32 to index
        %swap3A_532 = arith.constant 64 : index
        %swap3A_533 = tpu.vector_load %arg15[%swap3A_531, %swap3A_532] {strides = array<i32>} : memref<32x128xi32, #tpu.memory_space<vmem>>, vector<16xi32>,
        tpu.vector_store %arg15[%swap3A_531, %swap3A_532], %add3A_530 {strides = array<i32>} : memref<32x128xi32, #tpu.memory_space<vmem>>, vector<16xi32>,
        %add3A_534 = arith.constant 262144 : i32
        %add3A_535 = vector.broadcast %add3A_534 : i32 to vector<16xi32>
        %add3A_536 = arith.addi %add3A_530, %add3A_535 : vector<16xi32>
        %swap3A_537 = arith.index_cast %scan3A_293 : i32 to index
        %swap3A_538 = arith.constant 64 : index
        %swap3A_539 = tpu.vector_load %arg16[%swap3A_537, %swap3A_538] {strides = array<i32>} : memref<32x128xi32, #tpu.memory_space<vmem>>, vector<16xi32>,
        tpu.vector_store %arg16[%swap3A_537, %swap3A_538], %add3A_536 {strides = array<i32>} : memref<32x128xi32, #tpu.memory_space<vmem>>, vector<16xi32>,
        %swap3A_540 = arith.index_cast %scan3A_293 : i32 to index
        %swap3A_541 = arith.constant 64 : index
        %swap3A_542 = tpu.vector_load %arg17[%swap3A_540, %swap3A_541] {strides = array<i32>} : memref<32x128xf32, #tpu.memory_space<vmem>>, vector<16xf32>,
        tpu.vector_store %arg17[%swap3A_540, %swap3A_541], %max3A_510 {strides = array<i32>} : memref<32x128xf32, #tpu.memory_space<vmem>>, vector<16xf32>,
        %get3A_543 = arith.index_cast %scan3A_293 : i32 to index
        %get3A_544 = arith.constant 80 : index
        %get3A_545 = tpu.vector_load %arg13[%get3A_543, %get3A_544] {strides = array<i32>} : memref<32x128xf32, #tpu.memory_space<vmem>>, vector<16xf32>,
        %get3A_546 = arith.index_cast %scan3A_293 : i32 to index
        %get3A_547 = arith.constant 80 : index
        %get3A_548 = tpu.vector_load %arg14[%get3A_546, %get3A_547] {strides = array<i32>} : memref<32x128xf32, #tpu.memory_space<vmem>>, vector<16xf32>,
        %mul3A_549 = arith.constant 2.000000e+00 : f32
        %mul3A_550 = vector.broadcast %mul3A_549 : f32 to vector<16xf32>
        %mul3A_551 = arith.mulf %mul3A_550, %get3A_548 : vector<16xf32>
        %sub3A_552 = arith.constant 1.000000e+00 : f32
        %sub3A_553 = vector.broadcast %sub3A_552 : f32 to vector<16xf32>
        %sub3A_554 = arith.subf %mul3A_551, %sub3A_553 : vector<16xf32>
        %mul3A_555 = arith.mulf %get3A_545, %sub3A_554 : vector<16xf32>
        %sub3A_556 = arith.constant 1.000000e+00 : f32
        %sub3A_557 = vector.broadcast %sub3A_556 : f32 to vector<16xf32>
        %sub3A_558 = arith.subf %sub3A_557, %mul3A_555 : vector<16xf32>
        %max3A_559 = arith.constant 0.000000e+00 : f32
        %max3A_560 = vector.broadcast %max3A_559 : f32 to vector<16xf32>
        %max3A_561 = arith.maximumf %sub3A_558, %max3A_560 : vector<16xf32>
        %bitcast3A_562 = vector.bitcast %sub3A_558 : vector<16xf32> to vector<16xi32>
        %ge3A_563 = arith.constant -2147483648 : i32
        %ge3A_564 = vector.broadcast %ge3A_563 : i32 to vector<16xi32>
        %ge3A_565 = arith.cmpi uge, %bitcast3A_562, %ge3A_564 : vector<16xi32>
        %not3A_566 = arith.constant dense<-1> : vector<16xi32>
        %not3A_567 = arith.xori %bitcast3A_562, %not3A_566 : vector<16xi32>
        %or3A_568 = arith.constant -2147483648 : i32
        %or3A_569 = vector.broadcast %or3A_568 : i32 to vector<16xi32>
        %or3A_570 = arith.ori %bitcast3A_562, %or3A_569 : vector<16xi32>
        %select_n3A_571 = arith.select %ge3A_565, %not3A_567, %or3A_570 : vector<16xi1>, vector<16xi32>
        %not3A_572 = arith.constant dense<-1> : vector<16xi32>
        %not3A_573 = arith.xori %select_n3A_571, %not3A_572 : vector<16xi32>
        %broadcast_in_dim3A_574 = arith.constant 15 : i32
        %broadcast_in_dim3A_575 = vector.broadcast %broadcast_in_dim3A_574 : i32 to vector<16xi32>
        %shift_right_logical3A_576 = arith.shrui %not3A_573, %broadcast_in_dim3A_575 : vector<16xi32>
        %convert_element_type3A_577 = arith.fptosi %get3A_548 : vector<16xf32> to vector<16xi32>
        %mul3A_578 = arith.constant 131072 : i32
        %mul3A_579 = vector.broadcast %mul3A_578 : i32 to vector<16xi32>
        %mul3A_580 = arith.muli %convert_element_type3A_577, %mul3A_579 : vector<16xi32>
        %add3A_581 = arith.addi %shift_right_logical3A_576, %mul3A_580 : vector<16xi32>
        %swap3A_582 = arith.index_cast %scan3A_293 : i32 to index
        %swap3A_583 = arith.constant 80 : index
        %swap3A_584 = tpu.vector_load %arg15[%swap3A_582, %swap3A_583] {strides = array<i32>} : memref<32x128xi32, #tpu.memory_space<vmem>>, vector<16xi32>,
        tpu.vector_store %arg15[%swap3A_582, %swap3A_583], %add3A_581 {strides = array<i32>} : memref<32x128xi32, #tpu.memory_space<vmem>>, vector<16xi32>,
        %add3A_585 = arith.constant 262144 : i32
        %add3A_586 = vector.broadcast %add3A_585 : i32 to vector<16xi32>
        %add3A_587 = arith.addi %add3A_581, %add3A_586 : vector<16xi32>
        %swap3A_588 = arith.index_cast %scan3A_293 : i32 to index
        %swap3A_589 = arith.constant 80 : index
        %swap3A_590 = tpu.vector_load %arg16[%swap3A_588, %swap3A_589] {strides = array<i32>} : memref<32x128xi32, #tpu.memory_space<vmem>>, vector<16xi32>,
        tpu.vector_store %arg16[%swap3A_588, %swap3A_589], %add3A_587 {strides = array<i32>} : memref<32x128xi32, #tpu.memory_space<vmem>>, vector<16xi32>,
        %swap3A_591 = arith.index_cast %scan3A_293 : i32 to index
        %swap3A_592 = arith.constant 80 : index
        %swap3A_593 = tpu.vector_load %arg17[%swap3A_591, %swap3A_592] {strides = array<i32>} : memref<32x128xf32, #tpu.memory_space<vmem>>, vector<16xf32>,
        tpu.vector_store %arg17[%swap3A_591, %swap3A_592], %max3A_561 {strides = array<i32>} : memref<32x128xf32, #tpu.memory_space<vmem>>, vector<16xf32>,
        %get3A_594 = arith.index_cast %scan3A_293 : i32 to index
        %get3A_595 = arith.constant 96 : index
        %get3A_596 = tpu.vector_load %arg13[%get3A_594, %get3A_595] {strides = array<i32>} : memref<32x128xf32, #tpu.memory_space<vmem>>, vector<16xf32>,
        %get3A_597 = arith.index_cast %scan3A_293 : i32 to index
        %get3A_598 = arith.constant 96 : index
        %get3A_599 = tpu.vector_load %arg14[%get3A_597, %get3A_598] {strides = array<i32>} : memref<32x128xf32, #tpu.memory_space<vmem>>, vector<16xf32>,
        %mul3A_600 = arith.constant 2.000000e+00 : f32
        %mul3A_601 = vector.broadcast %mul3A_600 : f32 to vector<16xf32>
        %mul3A_602 = arith.mulf %mul3A_601, %get3A_599 : vector<16xf32>
        %sub3A_603 = arith.constant 1.000000e+00 : f32
        %sub3A_604 = vector.broadcast %sub3A_603 : f32 to vector<16xf32>
        %sub3A_605 = arith.subf %mul3A_602, %sub3A_604 : vector<16xf32>
        %mul3A_606 = arith.mulf %get3A_596, %sub3A_605 : vector<16xf32>
        %sub3A_607 = arith.constant 1.000000e+00 : f32
        %sub3A_608 = vector.broadcast %sub3A_607 : f32 to vector<16xf32>
        %sub3A_609 = arith.subf %sub3A_608, %mul3A_606 : vector<16xf32>
        %max3A_610 = arith.constant 0.000000e+00 : f32
        %max3A_611 = vector.broadcast %max3A_610 : f32 to vector<16xf32>
        %max3A_612 = arith.maximumf %sub3A_609, %max3A_611 : vector<16xf32>
        %bitcast3A_613 = vector.bitcast %sub3A_609 : vector<16xf32> to vector<16xi32>
        %ge3A_614 = arith.constant -2147483648 : i32
        %ge3A_615 = vector.broadcast %ge3A_614 : i32 to vector<16xi32>
        %ge3A_616 = arith.cmpi uge, %bitcast3A_613, %ge3A_615 : vector<16xi32>
        %not3A_617 = arith.constant dense<-1> : vector<16xi32>
        %not3A_618 = arith.xori %bitcast3A_613, %not3A_617 : vector<16xi32>
        %or3A_619 = arith.constant -2147483648 : i32
        %or3A_620 = vector.broadcast %or3A_619 : i32 to vector<16xi32>
        %or3A_621 = arith.ori %bitcast3A_613, %or3A_620 : vector<16xi32>
        %select_n3A_622 = arith.select %ge3A_616, %not3A_618, %or3A_621 : vector<16xi1>, vector<16xi32>
        %not3A_623 = arith.constant dense<-1> : vector<16xi32>
        %not3A_624 = arith.xori %select_n3A_622, %not3A_623 : vector<16xi32>
        %broadcast_in_dim3A_625 = arith.constant 15 : i32
        %broadcast_in_dim3A_626 = vector.broadcast %broadcast_in_dim3A_625 : i32 to vector<16xi32>
        %shift_right_logical3A_627 = arith.shrui %not3A_624, %broadcast_in_dim3A_626 : vector<16xi32>
        %convert_element_type3A_628 = arith.fptosi %get3A_599 : vector<16xf32> to vector<16xi32>
        %mul3A_629 = arith.constant 131072 : i32
        %mul3A_630 = vector.broadcast %mul3A_629 : i32 to vector<16xi32>
        %mul3A_631 = arith.muli %convert_element_type3A_628, %mul3A_630 : vector<16xi32>
        %add3A_632 = arith.addi %shift_right_logical3A_627, %mul3A_631 : vector<16xi32>
        %swap3A_633 = arith.index_cast %scan3A_293 : i32 to index
        %swap3A_634 = arith.constant 96 : index
        %swap3A_635 = tpu.vector_load %arg15[%swap3A_633, %swap3A_634] {strides = array<i32>} : memref<32x128xi32, #tpu.memory_space<vmem>>, vector<16xi32>,
        tpu.vector_store %arg15[%swap3A_633, %swap3A_634], %add3A_632 {strides = array<i32>} : memref<32x128xi32, #tpu.memory_space<vmem>>, vector<16xi32>,
        %add3A_636 = arith.constant 262144 : i32
        %add3A_637 = vector.broadcast %add3A_636 : i32 to vector<16xi32>
        %add3A_638 = arith.addi %add3A_632, %add3A_637 : vector<16xi32>
        %swap3A_639 = arith.index_cast %scan3A_293 : i32 to index
        %swap3A_640 = arith.constant 96 : index
        %swap3A_641 = tpu.vector_load %arg16[%swap3A_639, %swap3A_640] {strides = array<i32>} : memref<32x128xi32, #tpu.memory_space<vmem>>, vector<16xi32>,
        tpu.vector_store %arg16[%swap3A_639, %swap3A_640], %add3A_638 {strides = array<i32>} : memref<32x128xi32, #tpu.memory_space<vmem>>, vector<16xi32>,
        %swap3A_642 = arith.index_cast %scan3A_293 : i32 to index
        %swap3A_643 = arith.constant 96 : index
        %swap3A_644 = tpu.vector_load %arg17[%swap3A_642, %swap3A_643] {strides = array<i32>} : memref<32x128xf32, #tpu.memory_space<vmem>>, vector<16xf32>,
        tpu.vector_store %arg17[%swap3A_642, %swap3A_643], %max3A_612 {strides = array<i32>} : memref<32x128xf32, #tpu.memory_space<vmem>>, vector<16xf32>,
        %get3A_645 = arith.index_cast %scan3A_293 : i32 to index
        %get3A_646 = arith.constant 112 : index
        %get3A_647 = tpu.vector_load %arg13[%get3A_645, %get3A_646] {strides = array<i32>} : memref<32x128xf32, #tpu.memory_space<vmem>>, vector<16xf32>,
        %get3A_648 = arith.index_cast %scan3A_293 : i32 to index
        %get3A_649 = arith.constant 112 : index
        %get3A_650 = tpu.vector_load %arg14[%get3A_648, %get3A_649] {strides = array<i32>} : memref<32x128xf32, #tpu.memory_space<vmem>>, vector<16xf32>,
        %mul3A_651 = arith.constant 2.000000e+00 : f32
        %mul3A_652 = vector.broadcast %mul3A_651 : f32 to vector<16xf32>
        %mul3A_653 = arith.mulf %mul3A_652, %get3A_650 : vector<16xf32>
        %sub3A_654 = arith.constant 1.000000e+00 : f32
        %sub3A_655 = vector.broadcast %sub3A_654 : f32 to vector<16xf32>
        %sub3A_656 = arith.subf %mul3A_653, %sub3A_655 : vector<16xf32>
        %mul3A_657 = arith.mulf %get3A_647, %sub3A_656 : vector<16xf32>
        %sub3A_658 = arith.constant 1.000000e+00 : f32
        %sub3A_659 = vector.broadcast %sub3A_658 : f32 to vector<16xf32>
        %sub3A_660 = arith.subf %sub3A_659, %mul3A_657 : vector<16xf32>
        %max3A_661 = arith.constant 0.000000e+00 : f32
        %max3A_662 = vector.broadcast %max3A_661 : f32 to vector<16xf32>
        %max3A_663 = arith.maximumf %sub3A_660, %max3A_662 : vector<16xf32>
        %bitcast3A_664 = vector.bitcast %sub3A_660 : vector<16xf32> to vector<16xi32>
        %ge3A_665 = arith.constant -2147483648 : i32
        %ge3A_666 = vector.broadcast %ge3A_665 : i32 to vector<16xi32>
        %ge3A_667 = arith.cmpi uge, %bitcast3A_664, %ge3A_666 : vector<16xi32>
        %not3A_668 = arith.constant dense<-1> : vector<16xi32>
        %not3A_669 = arith.xori %bitcast3A_664, %not3A_668 : vector<16xi32>
        %or3A_670 = arith.constant -2147483648 : i32
        %or3A_671 = vector.broadcast %or3A_670 : i32 to vector<16xi32>
        %or3A_672 = arith.ori %bitcast3A_664, %or3A_671 : vector<16xi32>
        %select_n3A_673 = arith.select %ge3A_667, %not3A_669, %or3A_672 : vector<16xi1>, vector<16xi32>
        %not3A_674 = arith.constant dense<-1> : vector<16xi32>
        %not3A_675 = arith.xori %select_n3A_673, %not3A_674 : vector<16xi32>
        %broadcast_in_dim3A_676 = arith.constant 15 : i32
        %broadcast_in_dim3A_677 = vector.broadcast %broadcast_in_dim3A_676 : i32 to vector<16xi32>
        %shift_right_logical3A_678 = arith.shrui %not3A_675, %broadcast_in_dim3A_677 : vector<16xi32>
        %convert_element_type3A_679 = arith.fptosi %get3A_650 : vector<16xf32> to vector<16xi32>
        %mul3A_680 = arith.constant 131072 : i32
        %mul3A_681 = vector.broadcast %mul3A_680 : i32 to vector<16xi32>
        %mul3A_682 = arith.muli %convert_element_type3A_679, %mul3A_681 : vector<16xi32>
        %add3A_683 = arith.addi %shift_right_logical3A_678, %mul3A_682 : vector<16xi32>
        %swap3A_684 = arith.index_cast %scan3A_293 : i32 to index
        %swap3A_685 = arith.constant 112 : index
        %swap3A_686 = tpu.vector_load %arg15[%swap3A_684, %swap3A_685] {strides = array<i32>} : memref<32x128xi32, #tpu.memory_space<vmem>>, vector<16xi32>,
        tpu.vector_store %arg15[%swap3A_684, %swap3A_685], %add3A_683 {strides = array<i32>} : memref<32x128xi32, #tpu.memory_space<vmem>>, vector<16xi32>,
        %add3A_687 = arith.constant 262144 : i32
        %add3A_688 = vector.broadcast %add3A_687 : i32 to vector<16xi32>
        %add3A_689 = arith.addi %add3A_683, %add3A_688 : vector<16xi32>
        %swap3A_690 = arith.index_cast %scan3A_293 : i32 to index
        %swap3A_691 = arith.constant 112 : index
        %swap3A_692 = tpu.vector_load %arg16[%swap3A_690, %swap3A_691] {strides = array<i32>} : memref<32x128xi32, #tpu.memory_space<vmem>>, vector<16xi32>,
        tpu.vector_store %arg16[%swap3A_690, %swap3A_691], %add3A_689 {strides = array<i32>} : memref<32x128xi32, #tpu.memory_space<vmem>>, vector<16xi32>,
        %swap3A_693 = arith.index_cast %scan3A_293 : i32 to index
        %swap3A_694 = arith.constant 112 : index
        %swap3A_695 = tpu.vector_load %arg17[%swap3A_693, %swap3A_694] {strides = array<i32>} : memref<32x128xf32, #tpu.memory_space<vmem>>, vector<16xf32>,
        tpu.vector_store %arg17[%swap3A_693, %swap3A_694], %max3A_663 {strides = array<i32>} : memref<32x128xf32, #tpu.memory_space<vmem>>, vector<16xf32>,
        %scan3A_696 = arith.constant 0 : i32
        scf.yield %scan3A_696 : i32
      }
      %scan3A_115 = arith.constant 32 : i32
      %scan3A_116 = arith.constant 0 : i32
      %scan3A_117 = arith.constant 0 : i32
      %scan3A_118 = arith.constant 32 : i32
      %scan3A_119 = arith.addi %scan3A_117, %scan3A_118 : i32
      %scan3A_120 = arith.constant 1 : i32
      %scan3A_121 = scf.for %scan3A_293 = %scan3A_117 to %scan3A_119 step %scan3A_120 iter_args(%scan3A_294 = %scan3A_116) -> (i32)  : i32 {
        %dma_wait3A = arith.constant 0 : i32
        %dma_wait3A_295 = tpu.memref_slice %arg18[%scan3A_293, %dma_wait3A] : memref<32x128xf32, #tpu.memory_space<vmem>> -> memref<1x128xf32, #tpu.memory_space<vmem>>
        %dma_wait3A_296 = tpu.memref_squeeze %dma_wait3A_295 : memref<1x128xf32, #tpu.memory_space<vmem>> -> memref<128xf32, #tpu.memory_space<vmem>>
        %dma_wait3A_297 = arith.constant 0 : i32
        %dma_wait3A_298 = tpu.memref_slice %arg10[%scan3A_293, %dma_wait3A_297] : memref<32x128xi32, #tpu.memory_space<vmem>> -> memref<1x128xi32, #tpu.memory_space<vmem>>
        %dma_wait3A_299 = tpu.memref_squeeze %dma_wait3A_298 : memref<1x128xi32, #tpu.memory_space<vmem>> -> memref<128xi32, #tpu.memory_space<vmem>>
        %dma_wait3A_300 = arith.constant 0 : i32
        %dma_wait3A_301 = tpu.memref_slice %arg5[%dma_wait3A_300] : memref<524288xf32, #tpu.memory_space<vmem_shared>> -> memref<524288xf32, #tpu.memory_space<vmem_shared>>
        tpu.wait_indirect_dma semaphore(%arg26 : memref<!tpu.dma_semaphore, #tpu.memory_space<semaphore_mem>>) src(%dma_wait3A_296 : memref<128xf32, #tpu.memory_space<vmem>>) dst(%dma_wait3A_301 : memref<524288xf32, #tpu.memory_space<vmem_shared>>)
        %dma_wait3A_302 = arith.constant 0 : i32
        %dma_wait3A_303 = tpu.memref_slice %arg12[%scan3A_293, %dma_wait3A_302] : memref<32x128xf32, #tpu.memory_space<vmem>> -> memref<1x128xf32, #tpu.memory_space<vmem>>
        %dma_wait3A_304 = tpu.memref_squeeze %dma_wait3A_303 : memref<1x128xf32, #tpu.memory_space<vmem>> -> memref<128xf32, #tpu.memory_space<vmem>>
        %dma_wait3A_305 = arith.constant 0 : i32
        %dma_wait3A_306 = tpu.memref_slice %arg11[%scan3A_293, %dma_wait3A_305] : memref<32x128xi32, #tpu.memory_space<vmem>> -> memref<1x128xi32, #tpu.memory_space<vmem>>
        %dma_wait3A_307 = tpu.memref_squeeze %dma_wait3A_306 : memref<1x128xi32, #tpu.memory_space<vmem>> -> memref<128xi32, #tpu.memory_space<vmem>>
        %dma_wait3A_308 = arith.constant 0 : i32
        %dma_wait3A_309 = tpu.memref_slice %arg5[%dma_wait3A_308] : memref<524288xf32, #tpu.memory_space<vmem_shared>> -> memref<524288xf32, #tpu.memory_space<vmem_shared>>
        tpu.wait_indirect_dma semaphore(%arg26 : memref<!tpu.dma_semaphore, #tpu.memory_space<semaphore_mem>>) src(%dma_wait3A_304 : memref<128xf32, #tpu.memory_space<vmem>>) dst(%dma_wait3A_309 : memref<524288xf32, #tpu.memory_space<vmem_shared>>)
        %scan3A_310 = arith.constant 0 : i32
        scf.yield %scan3A_310 : i32
      }
      %scan3A_122 = arith.constant 32 : i32
      %scan3A_123 = arith.constant 0 : i32
      %scan3A_124 = arith.constant 0 : i32
      %scan3A_125 = arith.constant 32 : i32
      %scan3A_126 = arith.addi %scan3A_124, %scan3A_125 : i32
      %scan3A_127 = arith.constant 1 : i32
      %scan3A_128 = scf.for %scan3A_293 = %scan3A_124 to %scan3A_126 step %scan3A_127 iter_args(%scan3A_294 = %scan3A_123) -> (i32)  : i32 {
        %dma_start3A = arith.constant 0 : i32
        %dma_start3A_295 = tpu.memref_slice %arg18[%scan3A_293, %dma_start3A] : memref<32x128xf32, #tpu.memory_space<vmem>> -> memref<1x128xf32, #tpu.memory_space<vmem>>
        %dma_start3A_296 = tpu.memref_squeeze %dma_start3A_295 : memref<1x128xf32, #tpu.memory_space<vmem>> -> memref<128xf32, #tpu.memory_space<vmem>>
        %dma_start3A_297 = arith.constant 0 : i32
        %dma_start3A_298 = tpu.memref_slice %arg15[%scan3A_293, %dma_start3A_297] : memref<32x128xi32, #tpu.memory_space<vmem>> -> memref<1x128xi32, #tpu.memory_space<vmem>>
        %dma_start3A_299 = tpu.memref_squeeze %dma_start3A_298 : memref<1x128xi32, #tpu.memory_space<vmem>> -> memref<128xi32, #tpu.memory_space<vmem>>
        %dma_start3A_300 = arith.constant 0 : i32
        %dma_start3A_301 = tpu.memref_slice %arg5[%dma_start3A_300] : memref<524288xf32, #tpu.memory_space<vmem_shared>> -> memref<524288xf32, #tpu.memory_space<vmem_shared>>
        tpu.enqueue_indirect_dma source(%dma_start3A_296 : memref<128xf32, #tpu.memory_space<vmem>>) target(%dma_start3A_301 : memref<524288xf32, #tpu.memory_space<vmem_shared>>) offsets(%dma_start3A_299 : memref<128xi32, #tpu.memory_space<vmem>>) semaphore(%arg26 : memref<!tpu.dma_semaphore, #tpu.memory_space<semaphore_mem>>) {add = true}
        %dma_start3A_302 = arith.constant 0 : i32
        %dma_start3A_303 = tpu.memref_slice %arg17[%scan3A_293, %dma_start3A_302] : memref<32x128xf32, #tpu.memory_space<vmem>> -> memref<1x128xf32, #tpu.memory_space<vmem>>
        %dma_start3A_304 = tpu.memref_squeeze %dma_start3A_303 : memref<1x128xf32, #tpu.memory_space<vmem>> -> memref<128xf32, #tpu.memory_space<vmem>>
        %dma_start3A_305 = arith.constant 0 : i32
        %dma_start3A_306 = tpu.memref_slice %arg16[%scan3A_293, %dma_start3A_305] : memref<32x128xi32, #tpu.memory_space<vmem>> -> memref<1x128xi32, #tpu.memory_space<vmem>>
        %dma_start3A_307 = tpu.memref_squeeze %dma_start3A_306 : memref<1x128xi32, #tpu.memory_space<vmem>> -> memref<128xi32, #tpu.memory_space<vmem>>
        %dma_start3A_308 = arith.constant 0 : i32
        %dma_start3A_309 = tpu.memref_slice %arg5[%dma_start3A_308] : memref<524288xf32, #tpu.memory_space<vmem_shared>> -> memref<524288xf32, #tpu.memory_space<vmem_shared>>
        tpu.enqueue_indirect_dma source(%dma_start3A_304 : memref<128xf32, #tpu.memory_space<vmem>>) target(%dma_start3A_309 : memref<524288xf32, #tpu.memory_space<vmem_shared>>) offsets(%dma_start3A_307 : memref<128xi32, #tpu.memory_space<vmem>>) semaphore(%arg26 : memref<!tpu.dma_semaphore, #tpu.memory_space<semaphore_mem>>) {add = true}
        %scan3A_310 = arith.constant 0 : i32
        scf.yield %scan3A_310 : i32
      }
      %scan3A_129 = arith.constant 32 : i32
      %scan3A_130 = arith.constant 0 : i32
      %scan3A_131 = arith.constant 0 : i32
      %scan3A_132 = arith.constant 32 : i32
      %scan3A_133 = arith.addi %scan3A_131, %scan3A_132 : i32
      %scan3A_134 = arith.constant 1 : i32
      %scan3A_135 = scf.for %scan3A_293 = %scan3A_131 to %scan3A_133 step %scan3A_134 iter_args(%scan3A_294 = %scan3A_130) -> (i32)  : i32 {
        %dma_wait3A = arith.constant 0 : i32
        %dma_wait3A_295 = tpu.memref_slice %arg18[%scan3A_293, %dma_wait3A] : memref<32x128xf32, #tpu.memory_space<vmem>> -> memref<1x128xf32, #tpu.memory_space<vmem>>
        %dma_wait3A_296 = tpu.memref_squeeze %dma_wait3A_295 : memref<1x128xf32, #tpu.memory_space<vmem>> -> memref<128xf32, #tpu.memory_space<vmem>>
        %dma_wait3A_297 = arith.constant 0 : i32
        %dma_wait3A_298 = tpu.memref_slice %arg15[%scan3A_293, %dma_wait3A_297] : memref<32x128xi32, #tpu.memory_space<vmem>> -> memref<1x128xi32, #tpu.memory_space<vmem>>
        %dma_wait3A_299 = tpu.memref_squeeze %dma_wait3A_298 : memref<1x128xi32, #tpu.memory_space<vmem>> -> memref<128xi32, #tpu.memory_space<vmem>>
        %dma_wait3A_300 = arith.constant 0 : i32
        %dma_wait3A_301 = tpu.memref_slice %arg5[%dma_wait3A_300] : memref<524288xf32, #tpu.memory_space<vmem_shared>> -> memref<524288xf32, #tpu.memory_space<vmem_shared>>
        tpu.wait_indirect_dma semaphore(%arg26 : memref<!tpu.dma_semaphore, #tpu.memory_space<semaphore_mem>>) src(%dma_wait3A_296 : memref<128xf32, #tpu.memory_space<vmem>>) dst(%dma_wait3A_301 : memref<524288xf32, #tpu.memory_space<vmem_shared>>)
        %dma_wait3A_302 = arith.constant 0 : i32
        %dma_wait3A_303 = tpu.memref_slice %arg17[%scan3A_293, %dma_wait3A_302] : memref<32x128xf32, #tpu.memory_space<vmem>> -> memref<1x128xf32, #tpu.memory_space<vmem>>
        %dma_wait3A_304 = tpu.memref_squeeze %dma_wait3A_303 : memref<1x128xf32, #tpu.memory_space<vmem>> -> memref<128xf32, #tpu.memory_space<vmem>>
        %dma_wait3A_305 = arith.constant 0 : i32
        %dma_wait3A_306 = tpu.memref_slice %arg16[%scan3A_293, %dma_wait3A_305] : memref<32x128xi32, #tpu.memory_space<vmem>> -> memref<1x128xi32, #tpu.memory_space<vmem>>
        %dma_wait3A_307 = tpu.memref_squeeze %dma_wait3A_306 : memref<1x128xi32, #tpu.memory_space<vmem>> -> memref<128xi32, #tpu.memory_space<vmem>>
        %dma_wait3A_308 = arith.constant 0 : i32
        %dma_wait3A_309 = tpu.memref_slice %arg5[%dma_wait3A_308] : memref<524288xf32, #tpu.memory_space<vmem_shared>> -> memref<524288xf32, #tpu.memory_space<vmem_shared>>
        tpu.wait_indirect_dma semaphore(%arg26 : memref<!tpu.dma_semaphore, #tpu.memory_space<semaphore_mem>>) src(%dma_wait3A_304 : memref<128xf32, #tpu.memory_space<vmem>>) dst(%dma_wait3A_309 : memref<524288xf32, #tpu.memory_space<vmem_shared>>)
        %scan3A_310 = arith.constant 0 : i32
        scf.yield %scan3A_310 : i32
      }
      %scan3A_136 = arith.constant 32 : i32
      %barrier3A_137 = arith.constant 0 : index
      tpu.barrier barrier_id(%barrier3A_137)
      %mul3A_138 = arith.constant 8192 : i32
      %mul3A_139 = arith.muli %arg1, %mul3A_138 : i32
      %add3A_140 = arith.constant 0 : i32
      %add3A_141 = arith.addi %add3A_140, %mul3A_139 : i32
      "tpu.region"() ({
        %run_scoped3A = tpu.sem_alloc : memref<!tpu.dma_semaphore, #tpu.memory_space<semaphore_mem>>
        %dma_start3A = tpu.memref_slice %arg5[%add3A_141] : memref<524288xf32, #tpu.memory_space<vmem_shared>> -> memref<8192xf32, #tpu.memory_space<vmem_shared>>
        %dma_start3A_293 = tpu.memref_slice %arg5[%add3A_141] : memref<524288xf32, #tpu.memory_space<vmem_shared>> -> memref<8192xf32, #tpu.memory_space<vmem_shared>>
        tpu.enqueue_dma source(%dma_start3A_293 : memref<8192xf32, #tpu.memory_space<vmem_shared>>) target(%arg20 : memref<8192xf32, #tpu.memory_space<vmem>>) target_semaphore(%run_scoped3A : memref<!tpu.dma_semaphore, #tpu.memory_space<semaphore_mem>>)
        %dma_wait3A = tpu.memref_slice %arg5[%add3A_141] : memref<524288xf32, #tpu.memory_space<vmem_shared>> -> memref<8192xf32, #tpu.memory_space<vmem_shared>>
        %dma_wait3A_294 = tpu.memref_slice %arg5[%add3A_141] : memref<524288xf32, #tpu.memory_space<vmem_shared>> -> memref<8192xf32, #tpu.memory_space<vmem_shared>>
        tpu.wait_dma2 semaphore(%run_scoped3A : memref<!tpu.dma_semaphore, #tpu.memory_space<semaphore_mem>>) src(%dma_wait3A_294 : memref<8192xf32, #tpu.memory_space<vmem_shared>>) dst(%arg20 : memref<8192xf32, #tpu.memory_space<vmem>>)
        tpu.yield
      }) : () -> ()
      %mul3A_142 = arith.constant 8192 : i32
      %mul3A_143 = arith.muli %arg1, %mul3A_142 : i32
      %add3A_144 = arith.constant 131072 : i32
      %add3A_145 = arith.addi %add3A_144, %mul3A_143 : i32
      "tpu.region"() ({
        %run_scoped3A = tpu.sem_alloc : memref<!tpu.dma_semaphore, #tpu.memory_space<semaphore_mem>>
        %dma_start3A = tpu.memref_slice %arg5[%add3A_145] : memref<524288xf32, #tpu.memory_space<vmem_shared>> -> memref<8192xf32, #tpu.memory_space<vmem_shared>>
        %dma_start3A_293 = tpu.memref_slice %arg5[%add3A_145] : memref<524288xf32, #tpu.memory_space<vmem_shared>> -> memref<8192xf32, #tpu.memory_space<vmem_shared>>
        tpu.enqueue_dma source(%dma_start3A_293 : memref<8192xf32, #tpu.memory_space<vmem_shared>>) target(%arg21 : memref<8192xf32, #tpu.memory_space<vmem>>) target_semaphore(%run_scoped3A : memref<!tpu.dma_semaphore, #tpu.memory_space<semaphore_mem>>)
        %dma_wait3A = tpu.memref_slice %arg5[%add3A_145] : memref<524288xf32, #tpu.memory_space<vmem_shared>> -> memref<8192xf32, #tpu.memory_space<vmem_shared>>
        %dma_wait3A_294 = tpu.memref_slice %arg5[%add3A_145] : memref<524288xf32, #tpu.memory_space<vmem_shared>> -> memref<8192xf32, #tpu.memory_space<vmem_shared>>
        tpu.wait_dma2 semaphore(%run_scoped3A : memref<!tpu.dma_semaphore, #tpu.memory_space<semaphore_mem>>) src(%dma_wait3A_294 : memref<8192xf32, #tpu.memory_space<vmem_shared>>) dst(%arg21 : memref<8192xf32, #tpu.memory_space<vmem>>)
        tpu.yield
      }) : () -> ()
      %mul3A_146 = arith.constant 8192 : i32
      %mul3A_147 = arith.muli %arg1, %mul3A_146 : i32
      %add3A_148 = arith.constant 262144 : i32
      %add3A_149 = arith.addi %add3A_148, %mul3A_147 : i32
      "tpu.region"() ({
        %run_scoped3A = tpu.sem_alloc : memref<!tpu.dma_semaphore, #tpu.memory_space<semaphore_mem>>
        %dma_start3A = tpu.memref_slice %arg5[%add3A_149] : memref<524288xf32, #tpu.memory_space<vmem_shared>> -> memref<8192xf32, #tpu.memory_space<vmem_shared>>
        %dma_start3A_293 = tpu.memref_slice %arg5[%add3A_149] : memref<524288xf32, #tpu.memory_space<vmem_shared>> -> memref<8192xf32, #tpu.memory_space<vmem_shared>>
        tpu.enqueue_dma source(%dma_start3A_293 : memref<8192xf32, #tpu.memory_space<vmem_shared>>) target(%arg22 : memref<8192xf32, #tpu.memory_space<vmem>>) target_semaphore(%run_scoped3A : memref<!tpu.dma_semaphore, #tpu.memory_space<semaphore_mem>>)
        %dma_wait3A = tpu.memref_slice %arg5[%add3A_149] : memref<524288xf32, #tpu.memory_space<vmem_shared>> -> memref<8192xf32, #tpu.memory_space<vmem_shared>>
        %dma_wait3A_294 = tpu.memref_slice %arg5[%add3A_149] : memref<524288xf32, #tpu.memory_space<vmem_shared>> -> memref<8192xf32, #tpu.memory_space<vmem_shared>>
        tpu.wait_dma2 semaphore(%run_scoped3A : memref<!tpu.dma_semaphore, #tpu.memory_space<semaphore_mem>>) src(%dma_wait3A_294 : memref<8192xf32, #tpu.memory_space<vmem_shared>>) dst(%arg22 : memref<8192xf32, #tpu.memory_space<vmem>>)
        tpu.yield
      }) : () -> ()
      %mul3A_150 = arith.constant 8192 : i32
      %mul3A_151 = arith.muli %arg1, %mul3A_150 : i32
      %add3A_152 = arith.constant 393216 : i32
      %add3A_153 = arith.addi %add3A_152, %mul3A_151 : i32
      "tpu.region"() ({
        %run_scoped3A = tpu.sem_alloc : memref<!tpu.dma_semaphore, #tpu.memory_space<semaphore_mem>>
        %dma_start3A = tpu.memref_slice %arg5[%add3A_153] : memref<524288xf32, #tpu.memory_space<vmem_shared>> -> memref<8192xf32, #tpu.memory_space<vmem_shared>>
        %dma_start3A_293 = tpu.memref_slice %arg5[%add3A_153] : memref<524288xf32, #tpu.memory_space<vmem_shared>> -> memref<8192xf32, #tpu.memory_space<vmem_shared>>
        tpu.enqueue_dma source(%dma_start3A_293 : memref<8192xf32, #tpu.memory_space<vmem_shared>>) target(%arg23 : memref<8192xf32, #tpu.memory_space<vmem>>) target_semaphore(%run_scoped3A : memref<!tpu.dma_semaphore, #tpu.memory_space<semaphore_mem>>)
        %dma_wait3A = tpu.memref_slice %arg5[%add3A_153] : memref<524288xf32, #tpu.memory_space<vmem_shared>> -> memref<8192xf32, #tpu.memory_space<vmem_shared>>
        %dma_wait3A_294 = tpu.memref_slice %arg5[%add3A_153] : memref<524288xf32, #tpu.memory_space<vmem_shared>> -> memref<8192xf32, #tpu.memory_space<vmem_shared>>
        tpu.wait_dma2 semaphore(%run_scoped3A : memref<!tpu.dma_semaphore, #tpu.memory_space<semaphore_mem>>) src(%dma_wait3A_294 : memref<8192xf32, #tpu.memory_space<vmem_shared>>) dst(%arg23 : memref<8192xf32, #tpu.memory_space<vmem>>)
        tpu.yield
      }) : () -> ()
      %scan3A_154 = arith.constant 0 : i32
      %scan3A_155 = arith.constant 512 : i32
      %scan3A_156 = arith.addi %scan3A_154, %scan3A_155 : i32
      %scan3A_157 = arith.constant 1 : i32
      %scan3A_158:2 = scf.for %scan3A_293 = %scan3A_154 to %scan3A_156 step %scan3A_157 iter_args(%scan3A_294 = %broadcast_in_dim3A_0, %scan3A_295 = %broadcast_in_dim3A_0) -> (vector<16xf32>, vector<16xf32>)  : i32 {
        %mul3A_296 = arith.constant 16 : i32
        %mul3A_297 = arith.muli %scan3A_293, %mul3A_296 : i32
        %get3A_298 = arith.index_cast %mul3A_297 : i32 to index
        %get3A_299 = tpu.vector_load %arg21[%get3A_298] {strides = array<i32>} : memref<8192xf32, #tpu.memory_space<vmem>>, vector<16xf32>,
        %get3A_300 = arith.index_cast %mul3A_297 : i32 to index
        %get3A_301 = tpu.vector_load %arg20[%get3A_300] {strides = array<i32>} : memref<8192xf32, #tpu.memory_space<vmem>>, vector<16xf32>,
        %add3A_302 = arith.addf %scan3A_294, %get3A_299 : vector<16xf32>
        %add3A_303 = arith.addf %add3A_302, %get3A_301 : vector<16xf32>
        %add3A_304 = arith.addf %scan3A_295, %get3A_299 : vector<16xf32>
        scf.yield %add3A_303, %add3A_304 : vector<16xf32>, vector<16xf32>
      }
      %scan3A_159 = arith.constant 512 : i32
      %reduce_sum3A = arith.constant true
      %reduce_sum3A_160 = vector.broadcast %reduce_sum3A : i1 to vector<16xi1>
      %reduce_sum3A_161 = tpu.scan <sum>, %scan3A_158#0 masked %reduce_sum3A_160 : vector<16xf32>, vector<16xi1> -> vector<16xf32>
      %reduce_sum3A_162 = vector.extract %reduce_sum3A_161[15] : f32 from vector<16xf32>
      %reduce_sum3A_163 = arith.constant true
      %reduce_sum3A_164 = vector.broadcast %reduce_sum3A_163 : i1 to vector<16xi1>
      %reduce_sum3A_165 = tpu.scan <sum>, %scan3A_158#1 masked %reduce_sum3A_164 : vector<16xf32>, vector<16xi1> -> vector<16xf32>
      %reduce_sum3A_166 = vector.extract %reduce_sum3A_165[15] : f32 from vector<16xf32>
      %eq3A = arith.constant 0 : i32
      %eq3A_167 = vector.broadcast %eq3A : i32 to vector<16xi32>
      %eq3A_168 = arith.cmpi eq, %iota3A, %eq3A_167 : vector<16xi32>
      %eq3A_169 = arith.constant 1 : i32
      %eq3A_170 = vector.broadcast %eq3A_169 : i32 to vector<16xi32>
      %eq3A_171 = arith.cmpi eq, %iota3A, %eq3A_170 : vector<16xi32>
      %jit3A = arith.constant 0.000000e+00 : f32
      %broadcast_in_dim3A_172 = vector.broadcast %reduce_sum3A_166 : f32 to vector<16xf32>
      %broadcast_in_dim3A_173 = vector.broadcast %jit3A : f32 to vector<16xf32>
      %select_n3A = arith.select %eq3A_171, %broadcast_in_dim3A_172, %broadcast_in_dim3A_173 : vector<16xi1>, vector<16xf32>
      %broadcast_in_dim3A_174 = vector.broadcast %reduce_sum3A_162 : f32 to vector<16xf32>
      %select_n3A_175 = arith.select %eq3A_168, %broadcast_in_dim3A_174, %select_n3A : vector<16xi1>, vector<16xf32>
      %swap3A = arith.constant 0 : index
      %swap3A_176 = tpu.vector_load %arg25[%swap3A] {strides = array<i32>} : memref<16xf32, #tpu.memory_space<vmem>>, vector<16xf32>,
      tpu.vector_store %arg25[%swap3A], %select_n3A_175 {strides = array<i32>} : memref<16xf32, #tpu.memory_space<vmem>>, vector<16xf32>,
      %mul3A_177 = arith.constant 16 : i32
      %mul3A_178 = arith.muli %arg1, %mul3A_177 : i32
      "tpu.region"() ({
        %run_scoped3A = tpu.sem_alloc : memref<!tpu.dma_semaphore, #tpu.memory_space<semaphore_mem>>
        %dma_start3A = tpu.memref_slice %arg6[%mul3A_178] : memref<256xf32, #tpu.memory_space<vmem_shared>> -> memref<16xf32, #tpu.memory_space<vmem_shared>>
        %dma_start3A_293 = tpu.memref_slice %arg6[%mul3A_178] : memref<256xf32, #tpu.memory_space<vmem_shared>> -> memref<16xf32, #tpu.memory_space<vmem_shared>>
        tpu.enqueue_dma source(%arg25 : memref<16xf32, #tpu.memory_space<vmem>>) target(%dma_start3A_293 : memref<16xf32, #tpu.memory_space<vmem_shared>>) target_semaphore(%run_scoped3A : memref<!tpu.dma_semaphore, #tpu.memory_space<semaphore_mem>>)
        %dma_wait3A = tpu.memref_slice %arg6[%mul3A_178] : memref<256xf32, #tpu.memory_space<vmem_shared>> -> memref<16xf32, #tpu.memory_space<vmem_shared>>
        %dma_wait3A_294 = tpu.memref_slice %arg6[%mul3A_178] : memref<256xf32, #tpu.memory_space<vmem_shared>> -> memref<16xf32, #tpu.memory_space<vmem_shared>>
        tpu.wait_dma2 semaphore(%run_scoped3A : memref<!tpu.dma_semaphore, #tpu.memory_space<semaphore_mem>>) src(%arg25 : memref<16xf32, #tpu.memory_space<vmem>>) dst(%dma_wait3A_294 : memref<16xf32, #tpu.memory_space<vmem_shared>>)
        tpu.yield
      }) : () -> ()
      %barrier3A_179 = arith.constant 0 : index
      tpu.barrier barrier_id(%barrier3A_179)
      "tpu.region"() ({
        %run_scoped3A = tpu.sem_alloc : memref<!tpu.dma_semaphore, #tpu.memory_space<semaphore_mem>>
        tpu.enqueue_dma source(%arg6 : memref<256xf32, #tpu.memory_space<vmem_shared>>) target(%arg24 : memref<256xf32, #tpu.memory_space<vmem>>) target_semaphore(%run_scoped3A : memref<!tpu.dma_semaphore, #tpu.memory_space<semaphore_mem>>)
        tpu.wait_dma2 semaphore(%run_scoped3A : memref<!tpu.dma_semaphore, #tpu.memory_space<semaphore_mem>>) src(%arg6 : memref<256xf32, #tpu.memory_space<vmem_shared>>) dst(%arg24 : memref<256xf32, #tpu.memory_space<vmem>>)
        tpu.yield
      }) : () -> ()
      %mul3A_180 = arith.constant 16 : i32
      %mul3A_181 = vector.broadcast %mul3A_180 : i32 to vector<16xi32>
      %mul3A_182 = arith.muli %iota3A, %mul3A_181 : vector<16xi32>
      %gather3A = tpu.vector_load_idx %arg24[%mul3A_182] : memref<256xf32, #tpu.memory_space<vmem>>[vector<16xi32>], vector<16xf32>,
      %mul3A_183 = arith.constant 16 : i32
      %mul3A_184 = vector.broadcast %mul3A_183 : i32 to vector<16xi32>
      %mul3A_185 = arith.muli %iota3A, %mul3A_184 : vector<16xi32>
      %add3A_186 = arith.constant 1 : i32
      %add3A_187 = vector.broadcast %add3A_186 : i32 to vector<16xi32>
      %add3A_188 = arith.addi %mul3A_185, %add3A_187 : vector<16xi32>
      %gather3A_189 = tpu.vector_load_idx %arg24[%add3A_188] : memref<256xf32, #tpu.memory_space<vmem>>[vector<16xi32>], vector<16xf32>,
      %lt3A = vector.broadcast %arg1 : i32 to vector<16xi32>
      %lt3A_190 = arith.cmpi slt, %iota3A, %lt3A : vector<16xi32>
      %jit3A_191 = arith.constant 0.000000e+00 : f32
      %broadcast_in_dim3A_192 = vector.broadcast %jit3A_191 : f32 to vector<16xf32>
      %select_n3A_193 = arith.select %lt3A_190, %gather3A, %broadcast_in_dim3A_192 : vector<16xi1>, vector<16xf32>
      %reduce_sum3A_194 = arith.constant true
      %reduce_sum3A_195 = vector.broadcast %reduce_sum3A_194 : i1 to vector<16xi1>
      %reduce_sum3A_196 = tpu.scan <sum>, %select_n3A_193 masked %reduce_sum3A_195 : vector<16xf32>, vector<16xi1> -> vector<16xf32>
      %reduce_sum3A_197 = vector.extract %reduce_sum3A_196[15] : f32 from vector<16xf32>
      %jit3A_198 = arith.constant 0.000000e+00 : f32
      %broadcast_in_dim3A_199 = vector.broadcast %jit3A_198 : f32 to vector<16xf32>
      %select_n3A_200 = arith.select %lt3A_190, %gather3A_189, %broadcast_in_dim3A_199 : vector<16xi1>, vector<16xf32>
      %reduce_sum3A_201 = arith.constant true
      %reduce_sum3A_202 = vector.broadcast %reduce_sum3A_201 : i1 to vector<16xi1>
      %reduce_sum3A_203 = tpu.scan <sum>, %select_n3A_200 masked %reduce_sum3A_202 : vector<16xf32>, vector<16xi1> -> vector<16xf32>
      %reduce_sum3A_204 = vector.extract %reduce_sum3A_203[15] : f32 from vector<16xf32>
      %reduce_sum3A_205 = arith.constant true
      %reduce_sum3A_206 = vector.broadcast %reduce_sum3A_205 : i1 to vector<16xi1>
      %reduce_sum3A_207 = tpu.scan <sum>, %gather3A_189 masked %reduce_sum3A_206 : vector<16xf32>, vector<16xi1> -> vector<16xf32>
      %reduce_sum3A_208 = vector.extract %reduce_sum3A_207[15] : f32 from vector<16xf32>
      %scan3A_209 = arith.constant 0 : i32
      %scan3A_210 = arith.constant 512 : i32
      %scan3A_211 = arith.addi %scan3A_209, %scan3A_210 : i32
      %scan3A_212 = arith.constant 1 : i32
      %scan3A_213:3 = scf.for %scan3A_293 = %scan3A_209 to %scan3A_211 step %scan3A_212 iter_args(%scan3A_294 = %reduce_sum3A_197, %scan3A_295 = %reduce_sum3A_204, %scan3A_296 = %broadcast_in_dim3A_0) -> (f32, f32, vector<16xf32>)  : i32 {
        %mul3A_297 = arith.constant 16 : i32
        %mul3A_298 = arith.muli %scan3A_293, %mul3A_297 : i32
        %get3A_299 = arith.index_cast %mul3A_298 : i32 to index
        %get3A_300 = tpu.vector_load %arg21[%get3A_299] {strides = array<i32>} : memref<8192xf32, #tpu.memory_space<vmem>>, vector<16xf32>,
        %get3A_301 = arith.index_cast %mul3A_298 : i32 to index
        %get3A_302 = tpu.vector_load %arg20[%get3A_301] {strides = array<i32>} : memref<8192xf32, #tpu.memory_space<vmem>>, vector<16xf32>,
        %reduce_sum3A_303 = arith.constant true
        %reduce_sum3A_304 = vector.broadcast %reduce_sum3A_303 : i1 to vector<16xi1>
        %reduce_sum3A_305 = tpu.scan <sum>, %get3A_300 masked %reduce_sum3A_304 : vector<16xf32>, vector<16xi1> -> vector<16xf32>
        %reduce_sum3A_306 = vector.extract %reduce_sum3A_305[15] : f32 from vector<16xf32>
        %reduce_sum3A_307 = arith.constant true
        %reduce_sum3A_308 = vector.broadcast %reduce_sum3A_307 : i1 to vector<16xi1>
        %reduce_sum3A_309 = tpu.scan <sum>, %get3A_302 masked %reduce_sum3A_308 : vector<16xf32>, vector<16xi1> -> vector<16xf32>
        %reduce_sum3A_310 = vector.extract %reduce_sum3A_309[15] : f32 from vector<16xf32>
        %add3A_311 = arith.addf %reduce_sum3A_306, %reduce_sum3A_310 : f32
        %gt3A = arith.constant 0.000000e+00 : f32
        %gt3A_312 = arith.cmpf ogt, %add3A_311, %gt3A : f32
        %convert_element_type3A_313 = arith.extui %gt3A_312 : i1 to i32
        %cond3A_314 = arith.constant 0 : i32
        %cond3A_315 = arith.cmpi ne, %convert_element_type3A_313, %cond3A_314 : i32
        %cond3A_316 = scf.if %cond3A_315 -> (vector<16xf32>) {
          %get3A_320 = arith.index_cast %mul3A_298 : i32 to index
          %get3A_321 = tpu.vector_load %arg23[%get3A_320] {strides = array<i32>} : memref<8192xf32, #tpu.memory_space<vmem>>, vector<16xf32>,
          %get3A_322 = arith.index_cast %mul3A_298 : i32 to index
          %get3A_323 = tpu.vector_load %arg22[%get3A_322] {strides = array<i32>} : memref<8192xf32, #tpu.memory_space<vmem>>, vector<16xf32>,
          %add3A_324 = arith.addf %get3A_300, %get3A_302 : vector<16xf32>
          %broadcast_in_dim3A_325 = arith.constant true
          %broadcast_in_dim3A_326 = vector.broadcast %broadcast_in_dim3A_325 : i1 to vector<16xi1>
          %masked_cumsum3A = tpu.scan <sum>, %add3A_324 masked %broadcast_in_dim3A_326 : vector<16xf32>, vector<16xi1> -> vector<16xf32>
          %broadcast_in_dim3A_327 = arith.constant true
          %broadcast_in_dim3A_328 = vector.broadcast %broadcast_in_dim3A_327 : i1 to vector<16xi1>
          %masked_cumsum3A_329 = tpu.scan <sum>, %get3A_300 masked %broadcast_in_dim3A_328 : vector<16xf32>, vector<16xi1> -> vector<16xf32>
          %add3A_330 = vector.broadcast %scan3A_294 : f32 to vector<16xf32>
          %add3A_331 = arith.addf %add3A_330, %masked_cumsum3A : vector<16xf32>
          %add3A_332 = vector.broadcast %scan3A_295 : f32 to vector<16xf32>
          %add3A_333 = arith.addf %add3A_332, %masked_cumsum3A_329 : vector<16xf32>
          %sub3A = arith.subf %add3A_331, %get3A_300 : vector<16xf32>
          %sub3A_334 = arith.subf %sub3A, %get3A_302 : vector<16xf32>
          %sub3A_335 = arith.subf %add3A_333, %get3A_300 : vector<16xf32>
          %add3A_336 = arith.addf %sub3A_334, %get3A_300 : vector<16xf32>
          %gt3A_337 = arith.constant 0.000000e+00 : f32
          %gt3A_338 = vector.broadcast %gt3A_337 : f32 to vector<16xf32>
          %gt3A_339 = arith.cmpf ogt, %sub3A_334, %gt3A_338 : vector<16xf32>
          %sub3A_340 = vector.broadcast %reduce_sum3A_208 : f32 to vector<16xf32>
          %sub3A_341 = arith.subf %sub3A_340, %sub3A_335 : vector<16xf32>
          %add3A_342 = vector.broadcast %reduce_sum3A_208 : f32 to vector<16xf32>
          %add3A_343 = arith.addf %add3A_342, %sub3A_334 : vector<16xf32>
          %sub3A_344 = arith.subf %add3A_343, %sub3A_335 : vector<16xf32>
          %max3A = arith.constant 1.000000e-30 : f32
          %max3A_345 = vector.broadcast %max3A : f32 to vector<16xf32>
          %max3A_346 = arith.maximumf %sub3A_344, %max3A_345 : vector<16xf32>
          %div3A = arith.divf %sub3A_341, %max3A_346 : vector<16xf32>
          %sub3A_347 = arith.constant 1.000000e+00 : f32
          %sub3A_348 = vector.broadcast %sub3A_347 : f32 to vector<16xf32>
          %sub3A_349 = arith.subf %sub3A_348, %div3A : vector<16xf32>
          %jit3A_350 = arith.constant 0.000000e+00 : f32
          %broadcast_in_dim3A_351 = vector.broadcast %jit3A_350 : f32 to vector<16xf32>
          %select_n3A_352 = arith.select %gt3A_339, %sub3A_349, %broadcast_in_dim3A_351 : vector<16xi1>, vector<16xf32>
          %gt3A_353 = arith.constant 0.000000e+00 : f32
          %gt3A_354 = vector.broadcast %gt3A_353 : f32 to vector<16xf32>
          %gt3A_355 = arith.cmpf ogt, %add3A_336, %gt3A_354 : vector<16xf32>
          %sub3A_356 = vector.broadcast %reduce_sum3A_208 : f32 to vector<16xf32>
          %sub3A_357 = arith.subf %sub3A_356, %add3A_333 : vector<16xf32>
          %add3A_358 = vector.broadcast %reduce_sum3A_208 : f32 to vector<16xf32>
          %add3A_359 = arith.addf %add3A_358, %add3A_336 : vector<16xf32>
          %sub3A_360 = arith.subf %add3A_359, %add3A_333 : vector<16xf32>
          %max3A_361 = arith.constant 1.000000e-30 : f32
          %max3A_362 = vector.broadcast %max3A_361 : f32 to vector<16xf32>
          %max3A_363 = arith.maximumf %sub3A_360, %max3A_362 : vector<16xf32>
          %div3A_364 = arith.divf %sub3A_357, %max3A_363 : vector<16xf32>
          %sub3A_365 = arith.constant 1.000000e+00 : f32
          %sub3A_366 = vector.broadcast %sub3A_365 : f32 to vector<16xf32>
          %sub3A_367 = arith.subf %sub3A_366, %div3A_364 : vector<16xf32>
          %jit3A_368 = arith.constant 0.000000e+00 : f32
          %broadcast_in_dim3A_369 = vector.broadcast %jit3A_368 : f32 to vector<16xf32>
          %select_n3A_370 = arith.select %gt3A_355, %sub3A_367, %broadcast_in_dim3A_369 : vector<16xi1>, vector<16xf32>
          %gt3A_371 = arith.constant 0.000000e+00 : f32
          %gt3A_372 = vector.broadcast %gt3A_371 : f32 to vector<16xf32>
          %gt3A_373 = arith.cmpf ogt, %add3A_331, %gt3A_372 : vector<16xf32>
          %sub3A_374 = vector.broadcast %reduce_sum3A_208 : f32 to vector<16xf32>
          %sub3A_375 = arith.subf %sub3A_374, %add3A_333 : vector<16xf32>
          %add3A_376 = vector.broadcast %reduce_sum3A_208 : f32 to vector<16xf32>
          %add3A_377 = arith.addf %add3A_376, %add3A_331 : vector<16xf32>
          %sub3A_378 = arith.subf %add3A_377, %add3A_333 : vector<16xf32>
          %max3A_379 = arith.constant 1.000000e-30 : f32
          %max3A_380 = vector.broadcast %max3A_379 : f32 to vector<16xf32>
          %max3A_381 = arith.maximumf %sub3A_378, %max3A_380 : vector<16xf32>
          %div3A_382 = arith.divf %sub3A_375, %max3A_381 : vector<16xf32>
          %sub3A_383 = arith.constant 1.000000e+00 : f32
          %sub3A_384 = vector.broadcast %sub3A_383 : f32 to vector<16xf32>
          %sub3A_385 = arith.subf %sub3A_384, %div3A_382 : vector<16xf32>
          %jit3A_386 = arith.constant 0.000000e+00 : f32
          %broadcast_in_dim3A_387 = vector.broadcast %jit3A_386 : f32 to vector<16xf32>
          %select_n3A_388 = arith.select %gt3A_373, %sub3A_385, %broadcast_in_dim3A_387 : vector<16xi1>, vector<16xf32>
          %gt3A_389 = arith.constant 0.000000e+00 : f32
          %gt3A_390 = vector.broadcast %gt3A_389 : f32 to vector<16xf32>
          %gt3A_391 = arith.cmpf ogt, %get3A_300, %gt3A_390 : vector<16xf32>
          %max3A_392 = arith.constant 1.000000e+00 : f32
          %max3A_393 = vector.broadcast %max3A_392 : f32 to vector<16xf32>
          %max3A_394 = arith.maximumf %get3A_300, %max3A_393 : vector<16xf32>
          %div3A_395 = arith.divf %get3A_321, %max3A_394 : vector<16xf32>
          %sub3A_396 = arith.subf %select_n3A_370, %select_n3A_352 : vector<16xf32>
          %mul3A_397 = arith.mulf %div3A_395, %sub3A_396 : vector<16xf32>
          %jit3A_398 = arith.constant 0.000000e+00 : f32
          %broadcast_in_dim3A_399 = vector.broadcast %jit3A_398 : f32 to vector<16xf32>
          %select_n3A_400 = arith.select %gt3A_391, %mul3A_397, %broadcast_in_dim3A_399 : vector<16xi1>, vector<16xf32>
          %gt3A_401 = arith.constant 0.000000e+00 : f32
          %gt3A_402 = vector.broadcast %gt3A_401 : f32 to vector<16xf32>
          %gt3A_403 = arith.cmpf ogt, %get3A_302, %gt3A_402 : vector<16xf32>
          %max3A_404 = arith.constant 1.000000e+00 : f32
          %max3A_405 = vector.broadcast %max3A_404 : f32 to vector<16xf32>
          %max3A_406 = arith.maximumf %get3A_302, %max3A_405 : vector<16xf32>
          %div3A_407 = arith.divf %get3A_323, %max3A_406 : vector<16xf32>
          %sub3A_408 = arith.subf %select_n3A_388, %select_n3A_370 : vector<16xf32>
          %mul3A_409 = arith.mulf %div3A_407, %sub3A_408 : vector<16xf32>
          %jit3A_410 = arith.constant 0.000000e+00 : f32
          %broadcast_in_dim3A_411 = vector.broadcast %jit3A_410 : f32 to vector<16xf32>
          %select_n3A_412 = arith.select %gt3A_403, %mul3A_409, %broadcast_in_dim3A_411 : vector<16xi1>, vector<16xf32>
          %add3A_413 = arith.addf %select_n3A_400, %select_n3A_412 : vector<16xf32>
          %add3A_414 = arith.addf %scan3A_296, %add3A_413 : vector<16xf32>
          scf.yield %add3A_414 : vector<16xf32>
        } else {
          scf.yield %scan3A_296 : vector<16xf32>
        }
        %add3A_317 = arith.addf %scan3A_294, %reduce_sum3A_306 : f32
        %add3A_318 = arith.addf %add3A_317, %reduce_sum3A_310 : f32
        %add3A_319 = arith.addf %scan3A_295, %reduce_sum3A_306 : f32
        scf.yield %add3A_318, %add3A_319, %cond3A_316 : f32, f32, vector<16xf32>
      }
      %scan3A_214 = arith.constant 512 : i32
      %swap3A_215 = arith.constant 0 : index
      %swap3A_216 = tpu.vector_load %arg25[%swap3A_215] {strides = array<i32>} : memref<16xf32, #tpu.memory_space<vmem>>, vector<16xf32>,
      tpu.vector_store %arg25[%swap3A_215], %scan3A_213#2 {strides = array<i32>} : memref<16xf32, #tpu.memory_space<vmem>>, vector<16xf32>,
      %mul3A_217 = arith.constant 16 : i32
      %mul3A_218 = arith.muli %arg1, %mul3A_217 : i32
      "tpu.region"() ({
        %run_scoped3A = tpu.sem_alloc : memref<!tpu.dma_semaphore, #tpu.memory_space<semaphore_mem>>
        %dma_start3A = tpu.memref_slice %arg7[%mul3A_218] : memref<256xf32, #tpu.memory_space<vmem_shared>> -> memref<16xf32, #tpu.memory_space<vmem_shared>>
        %dma_start3A_293 = tpu.memref_slice %arg7[%mul3A_218] : memref<256xf32, #tpu.memory_space<vmem_shared>> -> memref<16xf32, #tpu.memory_space<vmem_shared>>
        tpu.enqueue_dma source(%arg25 : memref<16xf32, #tpu.memory_space<vmem>>) target(%dma_start3A_293 : memref<16xf32, #tpu.memory_space<vmem_shared>>) target_semaphore(%run_scoped3A : memref<!tpu.dma_semaphore, #tpu.memory_space<semaphore_mem>>)
        %dma_wait3A = tpu.memref_slice %arg7[%mul3A_218] : memref<256xf32, #tpu.memory_space<vmem_shared>> -> memref<16xf32, #tpu.memory_space<vmem_shared>>
        %dma_wait3A_294 = tpu.memref_slice %arg7[%mul3A_218] : memref<256xf32, #tpu.memory_space<vmem_shared>> -> memref<16xf32, #tpu.memory_space<vmem_shared>>
        tpu.wait_dma2 semaphore(%run_scoped3A : memref<!tpu.dma_semaphore, #tpu.memory_space<semaphore_mem>>) src(%arg25 : memref<16xf32, #tpu.memory_space<vmem>>) dst(%dma_wait3A_294 : memref<16xf32, #tpu.memory_space<vmem_shared>>)
        tpu.yield
      }) : () -> ()
      %barrier3A_219 = arith.constant 0 : index
      tpu.barrier barrier_id(%barrier3A_219)
      "tpu.region"() ({
        %run_scoped3A = tpu.sem_alloc : memref<!tpu.dma_semaphore, #tpu.memory_space<semaphore_mem>>
        tpu.enqueue_dma source(%arg7 : memref<256xf32, #tpu.memory_space<vmem_shared>>) target(%arg24 : memref<256xf32, #tpu.memory_space<vmem>>) target_semaphore(%run_scoped3A : memref<!tpu.dma_semaphore, #tpu.memory_space<semaphore_mem>>)
        tpu.wait_dma2 semaphore(%run_scoped3A : memref<!tpu.dma_semaphore, #tpu.memory_space<semaphore_mem>>) src(%arg7 : memref<256xf32, #tpu.memory_space<vmem_shared>>) dst(%arg24 : memref<256xf32, #tpu.memory_space<vmem>>)
        tpu.yield
      }) : () -> ()
      %get3A = arith.constant 0 : index
      %get3A_220 = tpu.vector_load %arg24[%get3A] {strides = array<i32>} : memref<256xf32, #tpu.memory_space<vmem>>, vector<16xf32>,
      %add3A_221 = arith.addf %broadcast_in_dim3A_0, %get3A_220 : vector<16xf32>
      %get3A_222 = arith.constant 16 : index
      %get3A_223 = tpu.vector_load %arg24[%get3A_222] {strides = array<i32>} : memref<256xf32, #tpu.memory_space<vmem>>, vector<16xf32>,
      %add3A_224 = arith.addf %add3A_221, %get3A_223 : vector<16xf32>
      %get3A_225 = arith.constant 32 : index
      %get3A_226 = tpu.vector_load %arg24[%get3A_225] {strides = array<i32>} : memref<256xf32, #tpu.memory_space<vmem>>, vector<16xf32>,
      %add3A_227 = arith.addf %add3A_224, %get3A_226 : vector<16xf32>
      %get3A_228 = arith.constant 48 : index
      %get3A_229 = tpu.vector_load %arg24[%get3A_228] {strides = array<i32>} : memref<256xf32, #tpu.memory_space<vmem>>, vector<16xf32>,
      %add3A_230 = arith.addf %add3A_227, %get3A_229 : vector<16xf32>
      %get3A_231 = arith.constant 64 : index
      %get3A_232 = tpu.vector_load %arg24[%get3A_231] {strides = array<i32>} : memref<256xf32, #tpu.memory_space<vmem>>, vector<16xf32>,
      %add3A_233 = arith.addf %add3A_230, %get3A_232 : vector<16xf32>
      %get3A_234 = arith.constant 80 : index
      %get3A_235 = tpu.vector_load %arg24[%get3A_234] {strides = array<i32>} : memref<256xf32, #tpu.memory_space<vmem>>, vector<16xf32>,
      %add3A_236 = arith.addf %add3A_233, %get3A_235 : vector<16xf32>
      %get3A_237 = arith.constant 96 : index
      %get3A_238 = tpu.vector_load %arg24[%get3A_237] {strides = array<i32>} : memref<256xf32, #tpu.memory_space<vmem>>, vector<16xf32>,
      %add3A_239 = arith.addf %add3A_236, %get3A_238 : vector<16xf32>
      %get3A_240 = arith.constant 112 : index
      %get3A_241 = tpu.vector_load %arg24[%get3A_240] {strides = array<i32>} : memref<256xf32, #tpu.memory_space<vmem>>, vector<16xf32>,
      %add3A_242 = arith.addf %add3A_239, %get3A_241 : vector<16xf32>
      %get3A_243 = arith.constant 128 : index
      %get3A_244 = tpu.vector_load %arg24[%get3A_243] {strides = array<i32>} : memref<256xf32, #tpu.memory_space<vmem>>, vector<16xf32>,
      %add3A_245 = arith.addf %add3A_242, %get3A_244 : vector<16xf32>
      %get3A_246 = arith.constant 144 : index
      %get3A_247 = tpu.vector_load %arg24[%get3A_246] {strides = array<i32>} : memref<256xf32, #tpu.memory_space<vmem>>, vector<16xf32>,
      %add3A_248 = arith.addf %add3A_245, %get3A_247 : vector<16xf32>
      %get3A_249 = arith.constant 160 : index
      %get3A_250 = tpu.vector_load %arg24[%get3A_249] {strides = array<i32>} : memref<256xf32, #tpu.memory_space<vmem>>, vector<16xf32>,
      %add3A_251 = arith.addf %add3A_248, %get3A_250 : vector<16xf32>
      %get3A_252 = arith.constant 176 : index
      %get3A_253 = tpu.vector_load %arg24[%get3A_252] {strides = array<i32>} : memref<256xf32, #tpu.memory_space<vmem>>, vector<16xf32>,
      %add3A_254 = arith.addf %add3A_251, %get3A_253 : vector<16xf32>
      %get3A_255 = arith.constant 192 : index
      %get3A_256 = tpu.vector_load %arg24[%get3A_255] {strides = array<i32>} : memref<256xf32, #tpu.memory_space<vmem>>, vector<16xf32>,
      %add3A_257 = arith.addf %add3A_254, %get3A_256 : vector<16xf32>
      %get3A_258 = arith.constant 208 : index
      %get3A_259 = tpu.vector_load %arg24[%get3A_258] {strides = array<i32>} : memref<256xf32, #tpu.memory_space<vmem>>, vector<16xf32>,
      %add3A_260 = arith.addf %add3A_257, %get3A_259 : vector<16xf32>
      %get3A_261 = arith.constant 224 : index
      %get3A_262 = tpu.vector_load %arg24[%get3A_261] {strides = array<i32>} : memref<256xf32, #tpu.memory_space<vmem>>, vector<16xf32>,
      %add3A_263 = arith.addf %add3A_260, %get3A_262 : vector<16xf32>
      %get3A_264 = arith.constant 240 : index
      %get3A_265 = tpu.vector_load %arg24[%get3A_264] {strides = array<i32>} : memref<256xf32, #tpu.memory_space<vmem>>, vector<16xf32>,
      %add3A_266 = arith.addf %add3A_263, %get3A_265 : vector<16xf32>
      %reduce_sum3A_267 = arith.constant true
      %reduce_sum3A_268 = vector.broadcast %reduce_sum3A_267 : i1 to vector<16xi1>
      %reduce_sum3A_269 = tpu.scan <sum>, %add3A_266 masked %reduce_sum3A_268 : vector<16xf32>, vector<16xi1> -> vector<16xf32>
      %reduce_sum3A_270 = vector.extract %reduce_sum3A_269[15] : f32 from vector<16xf32>
      %mul3A_271 = arith.constant 8192 : i32
      %mul3A_272 = arith.muli %arg1, %mul3A_271 : i32
      %add3A_273 = arith.constant 0 : i32
      %add3A_274 = arith.addi %add3A_273, %mul3A_272 : i32
      "tpu.region"() ({
        %run_scoped3A = tpu.sem_alloc : memref<!tpu.dma_semaphore, #tpu.memory_space<semaphore_mem>>
        %dma_start3A = tpu.memref_slice %arg5[%add3A_274] : memref<524288xf32, #tpu.memory_space<vmem_shared>> -> memref<8192xf32, #tpu.memory_space<vmem_shared>>
        %dma_start3A_293 = tpu.memref_slice %arg5[%add3A_274] : memref<524288xf32, #tpu.memory_space<vmem_shared>> -> memref<8192xf32, #tpu.memory_space<vmem_shared>>
        tpu.enqueue_dma source(%arg19 : memref<8192xf32, #tpu.memory_space<vmem>>) target(%dma_start3A_293 : memref<8192xf32, #tpu.memory_space<vmem_shared>>) target_semaphore(%run_scoped3A : memref<!tpu.dma_semaphore, #tpu.memory_space<semaphore_mem>>)
        %dma_wait3A = tpu.memref_slice %arg5[%add3A_274] : memref<524288xf32, #tpu.memory_space<vmem_shared>> -> memref<8192xf32, #tpu.memory_space<vmem_shared>>
        %dma_wait3A_294 = tpu.memref_slice %arg5[%add3A_274] : memref<524288xf32, #tpu.memory_space<vmem_shared>> -> memref<8192xf32, #tpu.memory_space<vmem_shared>>
        tpu.wait_dma2 semaphore(%run_scoped3A : memref<!tpu.dma_semaphore, #tpu.memory_space<semaphore_mem>>) src(%arg19 : memref<8192xf32, #tpu.memory_space<vmem>>) dst(%dma_wait3A_294 : memref<8192xf32, #tpu.memory_space<vmem_shared>>)
        tpu.yield
      }) : () -> ()
      %mul3A_275 = arith.constant 8192 : i32
      %mul3A_276 = arith.muli %arg1, %mul3A_275 : i32
      %add3A_277 = arith.constant 131072 : i32
      %add3A_278 = arith.addi %add3A_277, %mul3A_276 : i32
      "tpu.region"() ({
        %run_scoped3A = tpu.sem_alloc : memref<!tpu.dma_semaphore, #tpu.memory_space<semaphore_mem>>
        %dma_start3A = tpu.memref_slice %arg5[%add3A_278] : memref<524288xf32, #tpu.memory_space<vmem_shared>> -> memref<8192xf32, #tpu.memory_space<vmem_shared>>
        %dma_start3A_293 = tpu.memref_slice %arg5[%add3A_278] : memref<524288xf32, #tpu.memory_space<vmem_shared>> -> memref<8192xf32, #tpu.memory_space<vmem_shared>>
        tpu.enqueue_dma source(%arg19 : memref<8192xf32, #tpu.memory_space<vmem>>) target(%dma_start3A_293 : memref<8192xf32, #tpu.memory_space<vmem_shared>>) target_semaphore(%run_scoped3A : memref<!tpu.dma_semaphore, #tpu.memory_space<semaphore_mem>>)
        %dma_wait3A = tpu.memref_slice %arg5[%add3A_278] : memref<524288xf32, #tpu.memory_space<vmem_shared>> -> memref<8192xf32, #tpu.memory_space<vmem_shared>>
        %dma_wait3A_294 = tpu.memref_slice %arg5[%add3A_278] : memref<524288xf32, #tpu.memory_space<vmem_shared>> -> memref<8192xf32, #tpu.memory_space<vmem_shared>>
        tpu.wait_dma2 semaphore(%run_scoped3A : memref<!tpu.dma_semaphore, #tpu.memory_space<semaphore_mem>>) src(%arg19 : memref<8192xf32, #tpu.memory_space<vmem>>) dst(%dma_wait3A_294 : memref<8192xf32, #tpu.memory_space<vmem_shared>>)
        tpu.yield
      }) : () -> ()
      %mul3A_279 = arith.constant 8192 : i32
      %mul3A_280 = arith.muli %arg1, %mul3A_279 : i32
      %add3A_281 = arith.constant 262144 : i32
      %add3A_282 = arith.addi %add3A_281, %mul3A_280 : i32
      "tpu.region"() ({
        %run_scoped3A = tpu.sem_alloc : memref<!tpu.dma_semaphore, #tpu.memory_space<semaphore_mem>>
        %dma_start3A = tpu.memref_slice %arg5[%add3A_282] : memref<524288xf32, #tpu.memory_space<vmem_shared>> -> memref<8192xf32, #tpu.memory_space<vmem_shared>>
        %dma_start3A_293 = tpu.memref_slice %arg5[%add3A_282] : memref<524288xf32, #tpu.memory_space<vmem_shared>> -> memref<8192xf32, #tpu.memory_space<vmem_shared>>
        tpu.enqueue_dma source(%arg19 : memref<8192xf32, #tpu.memory_space<vmem>>) target(%dma_start3A_293 : memref<8192xf32, #tpu.memory_space<vmem_shared>>) target_semaphore(%run_scoped3A : memref<!tpu.dma_semaphore, #tpu.memory_space<semaphore_mem>>)
        %dma_wait3A = tpu.memref_slice %arg5[%add3A_282] : memref<524288xf32, #tpu.memory_space<vmem_shared>> -> memref<8192xf32, #tpu.memory_space<vmem_shared>>
        %dma_wait3A_294 = tpu.memref_slice %arg5[%add3A_282] : memref<524288xf32, #tpu.memory_space<vmem_shared>> -> memref<8192xf32, #tpu.memory_space<vmem_shared>>
        tpu.wait_dma2 semaphore(%run_scoped3A : memref<!tpu.dma_semaphore, #tpu.memory_space<semaphore_mem>>) src(%arg19 : memref<8192xf32, #tpu.memory_space<vmem>>) dst(%dma_wait3A_294 : memref<8192xf32, #tpu.memory_space<vmem_shared>>)
        tpu.yield
      }) : () -> ()
      %mul3A_283 = arith.constant 8192 : i32
      %mul3A_284 = arith.muli %arg1, %mul3A_283 : i32
      %add3A_285 = arith.constant 393216 : i32
      %add3A_286 = arith.addi %add3A_285, %mul3A_284 : i32
      "tpu.region"() ({
        %run_scoped3A = tpu.sem_alloc : memref<!tpu.dma_semaphore, #tpu.memory_space<semaphore_mem>>
        %dma_start3A = tpu.memref_slice %arg5[%add3A_286] : memref<524288xf32, #tpu.memory_space<vmem_shared>> -> memref<8192xf32, #tpu.memory_space<vmem_shared>>
        %dma_start3A_293 = tpu.memref_slice %arg5[%add3A_286] : memref<524288xf32, #tpu.memory_space<vmem_shared>> -> memref<8192xf32, #tpu.memory_space<vmem_shared>>
        tpu.enqueue_dma source(%arg19 : memref<8192xf32, #tpu.memory_space<vmem>>) target(%dma_start3A_293 : memref<8192xf32, #tpu.memory_space<vmem_shared>>) target_semaphore(%run_scoped3A : memref<!tpu.dma_semaphore, #tpu.memory_space<semaphore_mem>>)
        %dma_wait3A = tpu.memref_slice %arg5[%add3A_286] : memref<524288xf32, #tpu.memory_space<vmem_shared>> -> memref<8192xf32, #tpu.memory_space<vmem_shared>>
        %dma_wait3A_294 = tpu.memref_slice %arg5[%add3A_286] : memref<524288xf32, #tpu.memory_space<vmem_shared>> -> memref<8192xf32, #tpu.memory_space<vmem_shared>>
        tpu.wait_dma2 semaphore(%run_scoped3A : memref<!tpu.dma_semaphore, #tpu.memory_space<semaphore_mem>>) src(%arg19 : memref<8192xf32, #tpu.memory_space<vmem>>) dst(%dma_wait3A_294 : memref<8192xf32, #tpu.memory_space<vmem_shared>>)
        tpu.yield
      }) : () -> ()
      %eq3A_287 = arith.constant 0 : i32
      %eq3A_288 = arith.cmpi eq, %arg1, %eq3A_287 : i32
      %convert_element_type3A_289 = arith.extui %eq3A_288 : i1 to i32
      %cond3A = arith.constant 0 : i32
      %cond3A_290 = arith.cmpi ne, %convert_element_type3A_289, %cond3A : i32
      scf.if %cond3A_290 {
        %broadcast_in_dim3A_293 = arith.constant 1.000000e+00 : f32
        %broadcast_in_dim3A_294 = vector.broadcast %broadcast_in_dim3A_293 : f32 to vector<16xf32>
        %mul3A_295 = vector.broadcast %reduce_sum3A_270 : f32 to vector<16xf32>
        %mul3A_296 = arith.mulf %broadcast_in_dim3A_294, %mul3A_295 : vector<16xf32>
        %swap3A_297 = arith.constant 0 : index
        %swap3A_298 = tpu.vector_load %arg25[%swap3A_297] {strides = array<i32>} : memref<16xf32, #tpu.memory_space<vmem>>, vector<16xf32>,
        tpu.vector_store %arg25[%swap3A_297], %mul3A_296 {strides = array<i32>} : memref<16xf32, #tpu.memory_space<vmem>>, vector<16xf32>,
        "tpu.region"() ({
          %run_scoped3A = tpu.sem_alloc : memref<!tpu.dma_semaphore, #tpu.memory_space<semaphore_mem>>
          %dma_start3A = arith.constant 0 : i32
          %dma_start3A_299 = tpu.memref_slice %arg4[%add3A_39, %dma_start3A] : memref<8x16xf32, #tpu.memory_space<hbm>> -> memref<1x16xf32, #tpu.memory_space<hbm>>
          %dma_start3A_300 = tpu.memref_squeeze %dma_start3A_299 : memref<1x16xf32, #tpu.memory_space<hbm>> -> memref<16xf32, #tpu.memory_space<hbm>>
          %dma_start3A_301 = arith.constant 0 : i32
          %dma_start3A_302 = tpu.memref_slice %arg4[%add3A_39, %dma_start3A_301] : memref<8x16xf32, #tpu.memory_space<hbm>> -> memref<1x16xf32, #tpu.memory_space<hbm>>
          %dma_start3A_303 = tpu.memref_squeeze %dma_start3A_302 : memref<1x16xf32, #tpu.memory_space<hbm>> -> memref<16xf32, #tpu.memory_space<hbm>>
          tpu.enqueue_dma source(%arg25 : memref<16xf32, #tpu.memory_space<vmem>>) target(%dma_start3A_303 : memref<16xf32, #tpu.memory_space<hbm>>) target_semaphore(%run_scoped3A : memref<!tpu.dma_semaphore, #tpu.memory_space<semaphore_mem>>)
          %dma_wait3A = arith.constant 0 : i32
          %dma_wait3A_304 = tpu.memref_slice %arg4[%add3A_39, %dma_wait3A] : memref<8x16xf32, #tpu.memory_space<hbm>> -> memref<1x16xf32, #tpu.memory_space<hbm>>
          %dma_wait3A_305 = tpu.memref_squeeze %dma_wait3A_304 : memref<1x16xf32, #tpu.memory_space<hbm>> -> memref<16xf32, #tpu.memory_space<hbm>>
          %dma_wait3A_306 = arith.constant 0 : i32
          %dma_wait3A_307 = tpu.memref_slice %arg4[%add3A_39, %dma_wait3A_306] : memref<8x16xf32, #tpu.memory_space<hbm>> -> memref<1x16xf32, #tpu.memory_space<hbm>>
          %dma_wait3A_308 = tpu.memref_squeeze %dma_wait3A_307 : memref<1x16xf32, #tpu.memory_space<hbm>> -> memref<16xf32, #tpu.memory_space<hbm>>
          tpu.wait_dma2 semaphore(%run_scoped3A : memref<!tpu.dma_semaphore, #tpu.memory_space<semaphore_mem>>) src(%arg25 : memref<16xf32, #tpu.memory_space<vmem>>) dst(%dma_wait3A_308 : memref<16xf32, #tpu.memory_space<hbm>>)
          tpu.yield
        }) : () -> ()
      } else {
      }
      %barrier3A_291 = arith.constant 0 : index
      tpu.barrier barrier_id(%barrier3A_291)
      %scan3A_292 = arith.constant 0 : i32
      scf.yield %scan3A_292 : i32
    }
    %scan3A_34 = arith.constant 4 : i32
    return
  }
}

</mosaic_0001>

<sc_bundles>
// kernel: kernel.3.cloned.1.call-start
scs
__scs_entry_jumppad:
0x0: {  	(pc) =	sbr.rel $0x88, $3  }
0x1: {  	(tag) =	ssettag $0x0;
	lr =	simm.s32 $0x1  }
0x2: {  	[smem:$0x3F9F] =	sst lr;
	_ =	strace $0xD0000000  }
0x3: {  	_ = 	snop  }
0x4: {  	_ = 	snop  }
0x5: {  	_ = 	snop  }
0x6: {  	_ = 	snop  }
0x7: {  	_ = 	snop  }
__scs_overlays_trampoline_lowered:
0x8: {  	[smem:$0x3FAE] =	sst s0  }
0x9: {  	[smem:$0x3FAF] =	sst s1  }
0xa: {  	[smem:$0x3FB0] =	sst s2  }
0xb: {  	[smem:$0x3FB1] =	sst s3  }
0xc: {  	[smem:$0x3FB2] =	sst s4  }
0xd: {  	[smem:$0x3FB3] =	sst s5  }
0xe: {  	[smem:$0x3FB4] =	sst s6  }
0xf: {  	[smem:$0x3FB5] =	sst s7  }
0x10: {  	[smem:$0x3FB6] =	sst s8  }
0x11: {  	[smem:$0x3FB7] =	sst s9;
	s0 =	simm.s32 @!p0 $0x0  }
0x12: {  	s1 =	sld [smem:$0x3F9D];
	s0 =	simm.s32 @p0 $0x1  }
0x13: {  	[smem:$0x3FB8] =	sst s0;
	s0 =	simm.s32 @!p1 $0x0  }
0x14: {  	s2 =	sld [smem:$0x3F9C];
	s0 =	simm.s32 @p1 $0x1  }
0x15: {  	[smem:$0x3FB9] =	sst s0;
	s0 =	simm.s32 @!p2 $0x0  }
0x16: {  	s3 =	sld [smem:$0x3FDB];
	s0 =	simm.s32 @p2 $0x1  }
0x17: {  	s4 =	simm.s32 $0x1BF5;
	[smem:$0x3FBB] =	sst s0  }
0x18: {  	s0 =	sld [smem:$0x3F9E];
	_ =	swait.ge [sflag:s4], $0x0  }
0x19: {  	s7 =	sld [smem:$0x3F9F]  }
0x1a: {  	s8 =	sadd.s32 $0xFFFFE003, lr  }
0x1b: {  	s9 =	sadd.s32 $0xFFFFFEF7, lr;
	s5 =	simm.s32 $0xFFFFFFFF;
	p2 =	slt.u32 s8, $0xFFFFF086  }
0x1c: {  	p1 =	slt.u32 s9, $0xF7A;
	s5 =	simm.s32 @!p2 $0x0  }
0x1d: {  	s5 =	simm.s32 @p1 $0x1;
	p0 =	seq.s32 s7, s2  }
0x1e: {  	s7 =	smul.u32 @!p0 $0xF7A, s2;
	p2 =	seq.s32 @!p0 s5, $0x0  }
0x1f: {  	s9 =	smul.u32 $0xF7A, s1;
	s8 =	simm.s32 @!p0 $0x1BF5;
	p2 =	por !p2, p0  }
0x20: {  	[sflag:s8] =	ssyncset.s32 @!p0 $0xFFFFF086;
	s6 =	sadd.s32 @!p0 s3, s7;
	s7 =	simm.s32 @!p0 $0x108  }
0x21: {  	s3 =	sadd.s32 s3, s9;
	s6 =	sadd.s32 @!p0 $0x88, s6;
	s7 =	simm.s32 @p2 $0x1082  }
0x22: {  	[simem:s7], [sflag:s8] =	dma.local @!p0 [hbm:s6], $0xF7A  }
0x23: {  	s9 =	sor.u32 $0xD0000000, s2;
	s6 =	simm.s32 $0x108;
	_ =	swait.ge @!p0 [sflag:s8], $0x0  }
0x24: {  	s3 =	sadd.s32 $0x88, s3;
	s6 =	simm.s32 @!p1 $0x1082;
	[sflag:s4] =	ssyncset.s32 $0xFFFFF086  }
0x25: {  	[simem:s6], [sflag:s4] =	dma.local [hbm:s3], $0xF7A  }
0x26: {  	[smem:$0x3F9F] =	sst s1;
	(tag) =	ssettag s2;
	_ =	strace s9  }
0x27: {  	s1 =	sld [smem:$0x3FAF]  }
0x28: {  	s2 =	sld [smem:$0x3FB0]  }
0x29: {  	s4 =	sld [smem:$0x3FB2]  }
0x2a: {  	p0 =	seq.s32 s5, $0x0;
	s5 =	sld [smem:$0x3FB3]  }
0x2b: {  	s6 =	sld [smem:$0x3FB4]  }
0x2c: {  	s7 =	sld [smem:$0x3FB5]  }
0x2d: {  	s3 =	simm.s32 $0x108;
	s8 =	sld [smem:$0x3FB6]  }
0x2e: {  	s3 =	simm.s32 @!p0 $0x1082;
	s9 =	sld [smem:$0x3FB7]  }
0x2f: {  	lr =	sadd.s32 s0, s3;
	s0 =	sld [smem:$0x3FAE]  }
0x30: {  	s3 =	sld [smem:$0x3FB1]  }
0x31: {  	[smem:$0x3FBA] =	sst s10  }
0x32: {  	s10 =	sld [smem:$0x3FB8];
	_ =	sdelay $0x3  }
0x33: {  	p0 =	seq.s32 s10, $0x1;
	s10 =	sld [smem:$0x3FBA];
	_ =	sdelay $0x3  }
0x34: {  	[smem:$0x3FBA] =	sst s10  }
0x35: {  	s10 =	sld [smem:$0x3FB9];
	_ =	sdelay $0x3  }
0x36: {  	p1 =	seq.s32 s10, $0x1;
	s10 =	sld [smem:$0x3FBA];
	_ =	sdelay $0x3  }
0x37: {  	[smem:$0x3FBA] =	sst s10  }
0x38: {  	s10 =	sld [smem:$0x3FBB]  }
0x39: {  	_ = 	snop;
	(pc) =	sbr.ind lr, $3  }
0x3a: {  	_ = 	snop  }
0x3b: {  	_ = 	snop  }
0x3c: {  	p2 =	seq.s32 s10, $0x1;
	s10 =	sld [smem:$0x3FBA]  }
0x3d: {  	_ =	shalt  }
0x3e: {  	_ =	shalt  }
0x3f: {  	_ =	shalt  }
0x40: {  	_ =	shalt  }
0x41: {  	_ =	shalt  }
0x42: {  	_ =	shalt  }
0x43: {  	_ =	shalt  }
0x44: {  	_ =	shalt  }
0x45: {  	_ =	shalt  }
0x46: {  	_ =	shalt  }
0x47: {  	_ =	shalt  }
0x48: {  	_ =	shalt  }
0x49: {  	_ =	shalt  }
0x4a: {  	_ =	shalt  }
0x4b: {  	_ =	shalt  }
0x4c: {  	_ =	shalt  }
0x4d: {  	_ =	shalt  }
0x4e: {  	_ =	shalt  }
0x4f: {  	_ =	shalt  }
0x50: {  	_ =	shalt  }
0x51: {  	_ =	shalt  }
0x52: {  	_ =	shalt  }
0x53: {  	_ =	shalt  }
0x54: {  	_ =	shalt  }
0x55: {  	_ =	shalt  }
0x56: {  	_ =	shalt  }
0x57: {  	_ =	shalt  }
0x58: {  	_ =	shalt  }
0x59: {  	_ =	shalt  }
0x5a: {  	_ =	shalt  }
0x5b: {  	_ =	shalt  }
0x5c: {  	_ =	shalt  }
0x5d: {  	_ =	shalt  }
0x5e: {  	_ =	shalt  }
0x5f: {  	_ =	shalt  }
0x60: {  	_ =	shalt  }
0x61: {  	_ =	shalt  }
0x62: {  	_ =	shalt  }
0x63: {  	_ =	shalt  }
0x64: {  	_ =	shalt  }
0x65: {  	_ =	shalt  }
0x66: {  	_ =	shalt  }
0x67: {  	_ =	shalt  }
0x68: {  	_ =	shalt  }
0x69: {  	_ =	shalt  }
0x6a: {  	_ =	shalt  }
0x6b: {  	_ =	shalt  }
0x6c: {  	_ =	shalt  }
0x6d: {  	_ =	shalt  }
0x6e: {  	_ =	shalt  }
0x6f: {  	_ =	shalt  }
0x70: {  	_ =	shalt  }
0x71: {  	_ =	shalt  }
0x72: {  	_ =	shalt  }
0x73: {  	_ =	shalt  }
0x74: {  	_ =	shalt  }
0x75: {  	_ =	shalt  }
0x76: {  	_ =	shalt  }
0x77: {  	_ =	shalt  }
0x78: {  	_ =	shalt  }
0x79: {  	_ =	shalt  }
0x7a: {  	_ =	shalt  }
0x7b: {  	_ =	shalt  }
0x7c: {  	_ =	shalt  }
0x7d: {  	_ =	shalt  }
0x7e: {  	_ =	shalt  }
0x7f: {  	_ =	shalt  }
0x80: {  	_ =	shalt  }
0x81: {  	_ =	shalt  }
0x82: {  	_ =	shalt  }
0x83: {  	_ =	shalt  }
0x84: {  	_ =	shalt  }
0x85: {  	_ =	shalt  }
0x86: {  	_ =	shalt  }
0x87: {  	_ =	shalt  }
.Lfunc_end0:
.L_simem_size_0:
called_computation_lowered:
.L_overlay_start_0:
0x88: {  	s2 =	sld [smem:$0x3FD9]  }
0x89: {  	s3 =	sld [smem:$0x3FFE];
	_ =	sdelay $0x1  }
0x8a: {  	s1 =	srdreg.scid  }
0x8b: {  	s0 =	sand.u32 $0x1, s1  }
0x8c: {  	s16 =	sshll.u32 s0, $0xA;
	s2 =	sadd.s32 s3, s2  }
0x8d: {  	s2 =	sadd.s32 s2, s16  }
0x8e: {  	[smem:$0x3FC6] =	sst s2  }
0x8f: {  	_ = 	snop  }
0x90: {  	(tm) =	ssettm $0x1  }
0x91: {  	s17 =	sld [smem:$0x3FFB];
	_ =	sdelay $0x3  }
0x92: {  	_ =	strace s17  }
0x93: {  	s2 =	sld [smem:$0x3FFC];
	_ =	sdelay $0x3  }
0x94: {  	_ =	strace s2  }
0x95: {  	s2 =	sld [smem:$0x3FFD];
	_ =	sdelay $0x3  }
0x96: {  	_ =	strace s2  }
0x97: {  	_ =	strace $0x8FFFFFFF  }
0x98: {  	s18 =	sld [smem:$0x3FDB];
	_ =	sdelay $0x1  }
0x99: {  	s19 =	simm.s32 $_scs_section_size  }
0x9a: {  	s4 =	simm.s32 $_size__tile_overlayer_lowered;
	s5 =	simm.s32 $_tile_overlayer_lowered  }
0x9b: {  	s22 =	simm.s32 $0x1BFF;
	s21 =	sshll.u32 s5, $0x1;
	s2 =	sadd.s32 s19, s18  }
0x9c: {  	s6 =	simm.s32 $0x0;
	s20 =	sshll.u32 s4, $0x1;
	s4 =	sadd.s32 s21, s2  }
0x9d: {  	[timem:s6], [sflag:s22] =	dma.local [hbm:s4], s20  }
0x9e: {  	_ =	swait.ge [sflag:s22], s20  }
0x9f: {  	s3 =	ssub.s32 $0x0, s20;
	[sflag:s22] =	ssyncset.done $0x0  }
0xa0: {  	[sflag:s22] =	ssyncadd.s32 s3;
	_ =	sdelay $0x1  }
0xa1: {  	s23 =	simm.s32 $0x1B8B  }
0xa2: {  	_ =	swait.ge [sflag:s23], $0x1  }
0xa3: {  	[sflag:s23] =	ssyncset.done $0x0  }
0xa4: {  	s25 =	simm.s32 $0x1B8E;
	s24 =	sld [smem:$0x3FFE];
	[sflag:s23] =	ssyncadd.s32 $0xFFFFFFFF  }
0xa5: {  	s26 =	simm.s32 $execute0_lowered;
	[smem:$0x3FD2] =	sst s25  }
0xa6: {  	s4 =	sshll.u32 s26, $0x1;
	_ =	strace $0x80000046;
	[dreg:$0x1] =	wrdreg $0xFFFFFFFF  }
0xa7: {  	s28 =	simm.s32 $_size_execute0_lowered;
	s2 =	sadd.s32 s2, s4;
	[dreg:$0x0] =	wrdreg $0x0  }
0xa8: {  	s4 =	sshll.u32 s28, $0x1;
	[dreg:$0x2] =	wrdreg s2  }
0xa9: {  	[dreg:$0x3] =	wrdreg s4  }
0xaa: {  	[dreg:$0x4] =	wrdreg $0xC0  }
0xab: {  	_ =	task [dreg:s6], $0x5FFFF  }
0xac: {  	[dreg:$0x1] =	wrdreg $0xFFFFFFFF  }
0xad: {  	[dreg:$0x0] =	wrdreg $0x60  }
0xae: {  	[dreg:$0x2] =	wrdreg s24  }
0xaf: {  	[dreg:$0x3] =	wrdreg $0x0  }
0xb0: {  	[dreg:$0x4] =	wrdreg $0x80000  }
0xb1: {  	[dreg:$0x5] =	wrdreg $0x80100  }
0xb2: {  	[dreg:$0x6] =	wrdreg $0x9  }
0xb3: {  	_ =	task.clear_ibuf [dreg:s6], $0x7FFFF;
	_ =	strace $0x90000046  }
0xb4: {  	s29 =	simm.s32 $0x9;
	_ =	strace $0x80000048  }
0xb5: {  	_ =	swait.ge [sflag:s29], $0x1  }
0xb6: {  	[sflag:s29] =	ssyncadd.s32 $0xFFFFFFFF  }
0xb7: {  	_ =	strace $0x90000048  }
0xb8: {  	_ =	sfence  }
0xb9: {  	s30 =	sld [smem:$0x0];
	_ =	sdelay $0x2  }
0xba: {  	s31 =	sshll.u32 s1, $0xD;
	s1 =	sshrl.u32 s1, $0x2  }
0xbb: {  	s3 =	sand.u32 $0x4000, s31;
	s1 =	sadd.s32 s1, s30  }
0xbc: {  	s0 =	sor.u32 s3, s0;
	s1 =	sshll.u32 s1, $0x11  }
0xbd: {  	s0 =	sor.u32 s1, s0  }
0xbe: {  	s0 =	sadd.s32 $0x8F2B, s0  }
0xbf: {  	[sflag:s0] =	ssyncadd.remote.s32 $0x1  }
0xc0: {  	_ =	sfence.sel $0xFFFF  }
0xc1: {  	[dreg:$0x0] =	wrdreg $0xFFFFFFFF;
	(pc) =	sbr.abs _section_cstart, $3  }
0xc2: {  	[dreg:$0x1] =	wrdreg $0xFFFFFFFF  }
0xc3: {  	_ =	task.clear_ibuf [dreg:s6], $0x2FFFF;
	_ =	strace $0x9FFFFFFF  }
0xc4: {  	(tm) =	ssettm $0x7FFFFFFF  }
0xc5: {  	_ =	shalt  }
tec
execute0_lowered:
.L_overlay_start_1:
0x0: {  	(tag) =	ssettag $0x1  }
0x1: {  	s0 =	rddreg [dreg:$0x0]  }
0x2: {  	s1 =	rddreg [dreg:$0x1]  }
0x3: {  	s12 =	rddreg [dreg:$0x2]  }
0x4: {  	s13 =	rddreg [dreg:$0x3];
	s14 =	simm.s32 $0x0  }
0x5: {  	s2 =	srdreg.scid;
	s3 =	stileid.u32;
	s17 =	simm.s32 $0x13020  }
0x6: {  	s18 =	simm.s32 $0x2;
	s20 =	simm.s32 $0x9020;
	s21 =	simm.s32 $0x80  }
0x7: {  	s22 =	simm.s32 $0xD020;
	s23 =	simm.s32 $0xE020;
	s24 =	simm.s32 $0x1  }
0x8: {  	s30 =	simm.s32 $0x1D120;
	s31 =	simm.s32 $0x1D020;
	[smem:$0x7FF] =	sst s14  }
0x9: {  	s2 =	sand.u32 $0x1, s2;
	s5 =	sadd.s32 $0x200, s0;
	s6 =	sadd.s32 $0x40200, s0  }
0xa: {  	s8 =	sshll.u32 s3, $0xD;
	s0 =	sadd.s32 $0x80200, s0;
	s26 =	sshll.u32 s3, $0xB  }
0xb: {  	s28 =	sshll.u32 s3, $0x4;
	p0 =	sne.s32 s3, $0x0;
	_ =	strace $0x80000047  }
0xc: {  	s4 =	ssub.s32 $0x2, s2;
	[dreg:$0x6] =	wrdreg s0;
	s8 =	sadd.s32 s8, s1  }
0xd: {  	s2 =	sshll.u32 s2, $0x2;
	[dreg:$0x8] =	wrdreg s26;
	s7 =	sshrl.u32 s4, $0x1  }
0xe: {  	s29 =	sadd.s32 s28, s12;
	[dreg:$0x7] =	wrdreg s2;
	s25 =	ssub.s32 s4, s7  }
0xf: {  	s9 =	sadd.s32 $0x20000, s8;
	[dreg:$0x9] =	wrdreg s29;
	s0 =	smax.u32 s25, $0x1  }
0x10: {  	v0 =	vimm.f32 $0.0e+00;
	s2 =	sadd.s32 s28, s13;
	[dreg:$0xb] =	wrdreg s0;
	s0 =	simm.s32 @!p0 $0x0  }
0x11: {  	v1 =	vimm.f32 $1.000000000e+00;
	v2 =	vlaneseq.u32;
	v3 =	vmov s3;
	s10 =	sadd.s32 $0x40000, s8;
	[dreg:$0xa] =	wrdreg s2;
	s0 =	simm.s32 @p0 $0x1  }
0x12: {  	vm1 =	vcmask $0x704;
	vm2 =	vcmask $0x3F04;
	vm0 =	vgt.u32 v3, v2;
	s11 =	sadd.s32 $0x60000, s8;
	s13 =	simm.s32 $0x8020;
	[smem:$0x7FD] =	sst s0  }
.LBB2_1:
0x13: {  	s0 =	simm.s32 $0x0  }
.LBB2_2:
0x14: {  	p0 =	sne.s32 s0, $0x7FC0  }
.Ltmp0:
0x15: {  	_ = 	snop;
	(pc) =	sbr.rel @p0 .LBB2_2-.Ltmp0, $3  }
0x16: {  	_ =	sdelay $0x1  }
0x17: {  	s2 =	sshra.s32 s0, $0x2  }
0x18: {  	s0 =	sadd.s32 $0x40, s0;
	[tilespmem:s2+$0x13020] =	vst v0  }
0x19: {  	[dreg:$0x5] =	wrdreg s14;
	s0 =	simm.s32 $0x0;
	s2 =	simm.s32 $0x200  }
.LBB2_4:
0x1a: {  	p0 =	sne.s32 s2, $0x3E00;
	[tilespmem:s0+$0x12090] =	vst v1  }
0x1b: {  	[tilespmem:s0+$0x12020] =	vst v1  }
0x1c: {  	[tilespmem:s0+$0x12030] =	vst v1  }
.Ltmp1:
0x1d: {  	[tilespmem:s0+$0x12040] =	vst v1;
	(pc) =	sbr.rel @p0 .LBB2_4-.Ltmp1, $4  }
0x1e: {  	[tilespmem:s0+$0x12050] =	vst v1  }
0x1f: {  	[tilespmem:s0+$0x12060] =	vst v1  }
0x20: {  	[tilespmem:s0+$0x12070] =	vst v1  }
0x21: {  	[tilespmem:s0+$0x12080] =	vst v1;
	s0 =	sshra.s32 s2, $0x2;
	s2 =	sadd.s32 $0x200, s2  }
0x22: {  	[tilespmem:s0+$0x12090] =	vst v1  }
0x23: {  	[tilespmem:s0+$0x12020] =	vst v1  }
0x24: {  	[tilespmem:s0+$0x12030] =	vst v1  }
0x25: {  	[tilespmem:s0+$0x12040] =	vst v1  }
0x26: {  	[tilespmem:s0+$0x12050] =	vst v1  }
0x27: {  	[tilespmem:s0+$0x12060] =	vst v1  }
0x28: {  	[tilespmem:s0+$0x12070] =	vst v1  }
0x29: {  	[tilespmem:s0+$0x12080] =	vst v1  }
0x2a: {  	[spmem:s8] =	stream.linear.scatter [tilespmem:s17], [sflag:$0x2], $0x2000, $0x38;
	[tilespmem:$0x1D1A0] =	vst v63  }
0x2b: {  	_ =	swait.ge [sflag:s18], $0x2000  }
0x2c: {  	[sflag:s18] =	ssyncset.done $0x0  }
0x2d: {  	[sflag:s18] =	ssyncadd.s32 $0xFFFFE000  }
0x2e: {  	[spmem:s9] =	stream.linear.scatter [tilespmem:s17], [sflag:$0x2], $0x2000, $0x38;
	[tilespmem:$0x1D1A0] =	vst v63  }
0x2f: {  	_ =	swait.ge [sflag:s18], $0x2000  }
0x30: {  	[sflag:s18] =	ssyncset.done $0x0  }
0x31: {  	[sflag:s18] =	ssyncadd.s32 $0xFFFFE000  }
0x32: {  	[spmem:s10] =	stream.linear.scatter [tilespmem:s17], [sflag:$0x2], $0x2000, $0x38;
	[tilespmem:$0x1D1A0] =	vst v63  }
0x33: {  	_ =	swait.ge [sflag:s18], $0x2000  }
0x34: {  	[sflag:s18] =	ssyncset.done $0x0  }
0x35: {  	[sflag:s18] =	ssyncadd.s32 $0xFFFFE000  }
0x36: {  	[spmem:s11] =	stream.linear.scatter [tilespmem:s17], [sflag:$0x2], $0x2000, $0x38;
	[tilespmem:$0x1D1A0] =	vst v63  }
0x37: {  	_ =	swait.ge [sflag:s18], $0x2000  }
0x38: {  	[sflag:s18] =	ssyncset.done $0x0  }
0x39: {  	[sflag:s18] =	ssyncadd.s32 $0xFFFFE000  }
0x3a: {  	s0 =	simm.s32 $0x0;
	s16 =	simm.s32 $0x0;
	[bflag:$0x0] =	sbarrier.arrive $0xFFFF  }
.LBB2_6:
0x3b: {  	s2 =	rddreg [dreg:$0x7]  }
0x3c: {  	s4 =	sadd.s32 s2, s16  }
0x3d: {  	s3 =	rddreg [dreg:$0x8];
	s2 =	sshll.u32 s4, $0xF  }
0x3e: {  	s2 =	sor.u32 s3, s2  }
0x3f: {  	s3 =	sadd.s32 s5, s2  }
0x40: {  	[tilespmem:s13], [sflag:$0x2] =	stream.linear.gather [hbm4b:s3+s0], $0x1000, $0x38;
	[tilespmem:$0x1D1A0] =	vst v63  }
0x41: {  	_ =	swait.ge [sflag:s18], $0x1000  }
0x42: {  	[sflag:s18] =	ssyncset.done $0x0  }
0x43: {  	s29 =	sadd.s32 s6, s2;
	[sflag:s18] =	ssyncadd.s32 $0xFFFFF000  }
0x44: {  	[tilespmem:s20], [sflag:$0x2] =	stream.linear.gather [hbm4b:s29+s0], $0x1000, $0x38;
	[tilespmem:$0x1D1A0] =	vst v63  }
0x45: {  	_ =	swait.ge [sflag:s18], $0x1000  }
0x46: {  	[sflag:s18] =	ssyncset.done $0x0  }
0x47: {  	s3 =	simm.s32 $0x0;
	[sflag:s18] =	ssyncadd.s32 $0xFFFFF000  }
0x48: {  	v4 =	vld [tilespmem:s3+$0x9090]  }
0x49: {  	v3 =	vld [tilespmem:s3+$0x9020]  }
0x4a: {  	v5 =	vld [tilespmem:s3+$0x9030]  }
0x4b: {  	v6 =	vld [tilespmem:s3+$0x9040]  }
0x4c: {  	v8 =	vld [tilespmem:s3+$0x9050]  }
0x4d: {  	v11 =	vld [tilespmem:s3+$0x9060]  }
0x4e: {  	v16 =	vld [tilespmem:s3+$0x9080];
	_ =	sdelay $0x1  }
0x4f: {  	v10 =	vadd.f32 v3, v3;
	v3 =	vtrunc.f32 v3;
	v13 =	vtrunc.f32 v5  }
0x50: {  	v9 =	vadd.f32 v4, v4;
	v15 =	vtrunc.f32 v6;
	v18 =	vtrunc.f32 v8  }
0x51: {  	v19 =	vadd.f32 v11, v11;
	v11 =	vtrunc.f32 v11;
	v4 =	vtrunc.f32 v4  }
0x52: {  	v23 =	vadd.f32 v16, v16;
	v16 =	vtrunc.f32 v16;
	v17 =	vcvt.f32.s32 v3  }
0x53: {  	v7 =	vld [tilespmem:s3+$0x8090];
	v12 =	vadd.f32 v5, v5;
	v4 =	vcvt.f32.s32 v4;
	v13 =	vcvt.f32.s32 v13  }
0x54: {  	v20 =	vld [tilespmem:s3+$0x8050];
	v14 =	vadd.f32 v6, v6;
	v15 =	vcvt.f32.s32 v15;
	v18 =	vcvt.f32.s32 v18  }
0x55: {  	v5 =	vld [tilespmem:s3+$0x9070];
	v11 =	vcvt.f32.s32 v11;
	v9 =	vadd.f32 $-1.000000000e+00, v9;
	v10 =	vadd.f32 $-1.000000000e+00, v10  }
0x56: {  	v6 =	vld [tilespmem:s3+$0x8020];
	v16 =	vcvt.f32.s32 v16;
	v12 =	vadd.f32 $-1.000000000e+00, v12;
	v19 =	vadd.f32 $-1.000000000e+00, v19  }
0x57: {  	v25 =	vld [tilespmem:s3+$0x8080];
	v23 =	vadd.f32 $-1.000000000e+00, v23;
	v4 =	vshll.u32 v4, $0x11;
	v17 =	vshll.u32 v17, $0x11  }
0x58: {  	v63 =	vshll.u32 v13, $0x11;
	v15 =	vshll.u32 v15, $0x11;
	v3 =	vmul.f32 v9, v7;
	v7 =	vld [tilespmem:s3+$0x8030]  }
0x59: {  	v28 =	vshll.u32 v18, $0x11;
	v9 =	vadd.f32 $-1.000000000e+00, v14;
	v14 =	vadd.f32 v8, v8;
	v8 =	vld [tilespmem:s3+$0x8040]  }
0x5a: {  	v21 =	vadd.f32 v5, v5;
	v22 =	vtrunc.f32 v5;
	v5 =	vld [tilespmem:s3+$0x8060];
	v3 =	vsub.f32 $1.000000000e+00, v3  }
0x5b: {  	v13 =	vshll.u32 v16, $0x11;
	v6 =	vmul.f32 v10, v6;
	v10 =	vld [tilespmem:s3+$0x8070];
	v22 =	vcvt.f32.s32 v22  }
0x5c: {  	v14 =	vadd.f32 $-1.000000000e+00, v14;
	v21 =	vadd.f32 $-1.000000000e+00, v21;
	v24 =	vand.u32 $0x7FFFFFFF, v3  }
0x5d: {  	vm3 =	vlt.s32 v3, $0x0;
	v22 =	vshll.u32 v22, $0x11;
	v24 =	vxor.u32 $0x80000000, v24  }
0x5e: {  	v7 =	vmul.f32 v12, v7;
	v8 =	vmul.f32 v9, v8;
	v24 =	vxor.u32 $0xFFFFFFFF, v24  }
0x5f: {  	v12 =	vmul.f32 v14, v20;
	v14 =	vmul.f32 v19, v5;
	v24 =	vsel vm3, v3, v24  }
0x60: {  	v20 =	vmul.f32 v23, v25;
	v10 =	vmul.f32 v21, v10;
	v9 =	vshrl.u32 v24, $0x1  }
0x61: {  	v5 =	vsub.f32 $1.000000000e+00, v7;
	v7 =	vsub.f32 $1.000000000e+00, v14;
	v9 =	vshrl.u32 v9, $0xE  }
0x62: {  	v10 =	vsub.f32 $1.000000000e+00, v10;
	v19 =	vor.u32 v9, v4;
	v4 =	vsub.f32 $1.000000000e+00, v6  }
0x63: {  	vm4 =	vlt.s32 v5, $0x0;
	v6 =	vsub.f32 $1.000000000e+00, v8;
	v9 =	vsub.f32 $1.000000000e+00, v12  }
0x64: {  	v12 =	vand.u32 $0x7FFFFFFF, v5;
	v8 =	vsub.f32 $1.000000000e+00, v20;
	v61 =	vand.u32 $0x7FFFFFFF, v7  }
0x65: {  	v62 =	vand.u32 $0x7FFFFFFF, v10;
	vm14 =	vlt.s32 v10, $0x0;
	v59 =	vadd.s32 $0x40000, v19  }
0x66: {  	v12 =	vxor.u32 $0x80000000, v12;
	v24 =	vxor.u32 $0x80000000, v61;
	v25 =	vxor.u32 $0x80000000, v62  }
0x67: {  	[tilespmem:s3+$0xA090] =	vst v19;
	v19 =	vshll.u32 v11, $0x11;
	v60 =	vand.u32 $0x7FFFFFFF, v4;
	v14 =	vand.u32 $0x7FFFFFFF, v6  }
0x68: {  	v20 =	vand.u32 $0x7FFFFFFF, v9;
	v26 =	vand.u32 $0x7FFFFFFF, v8;
	v12 =	vxor.u32 $0xFFFFFFFF, v12  }
0x69: {  	v24 =	vxor.u32 $0xFFFFFFFF, v24;
	v25 =	vxor.u32 $0xFFFFFFFF, v25;
	vm3 =	vlt.s32 v4, $0x0  }
0x6a: {  	vm5 =	vlt.s32 v6, $0x0;
	vm6 =	vlt.s32 v9, $0x0;
	vm15 =	vlt.s32 v8, $0x0  }
0x6b: {  	v23 =	vxor.u32 $0x80000000, v60;
	v14 =	vxor.u32 $0x80000000, v14;
	v20 =	vxor.u32 $0x80000000, v20  }
0x6c: {  	v26 =	vxor.u32 $0x80000000, v26;
	v12 =	vsel vm4, v5, v12;
	v25 =	vsel vm14, v10, v25  }
0x6d: {  	v23 =	vxor.u32 $0xFFFFFFFF, v23;
	v14 =	vxor.u32 $0xFFFFFFFF, v14;
	v20 =	vxor.u32 $0xFFFFFFFF, v20  }
0x6e: {  	v26 =	vxor.u32 $0xFFFFFFFF, v26;
	v12 =	vshrl.u32 v12, $0x1;
	v25 =	vshrl.u32 v25, $0x1  }
0x6f: {  	v23 =	vsel vm3, v4, v23;
	vm3 =	vlt.s32 v7, $0x0;
	v14 =	vsel vm5, v6, v14  }
0x70: {  	v20 =	vsel vm6, v9, v20;
	v26 =	vsel vm15, v8, v26;
	v27 =	vshrl.u32 v12, $0xE  }
0x71: {  	v25 =	vshrl.u32 v25, $0xE;
	v24 =	vsel vm3, v7, v24;
	v23 =	vshrl.u32 v23, $0x1  }
0x72: {  	v14 =	vshrl.u32 v14, $0x1;
	v20 =	vshrl.u32 v20, $0x1;
	v12 =	vshrl.u32 v26, $0x1  }
0x73: {  	v24 =	vshrl.u32 v24, $0x1;
	v23 =	vshrl.u32 v23, $0xE;
	v14 =	vshrl.u32 v14, $0xE  }
0x74: {  	v20 =	vshrl.u32 v20, $0xE;
	v12 =	vshrl.u32 v12, $0xE;
	v24 =	vshrl.u32 v24, $0xE  }
0x75: {  	[tilespmem:s3+$0xB090] =	vst v59;
	v18 =	vor.u32 v23, v17;
	v17 =	vor.u32 v27, v63;
	v11 =	vor.u32 v14, v15  }
0x76: {  	s25 =	simm.s32 $0x80;
	s26 =	simm.s32 $0x400;
	v16 =	vor.u32 v20, v28;
	v14 =	vor.u32 v25, v22;
	[tilespmem:s3+$0xA020] =	vst v18;
	v15 =	vor.u32 v24, v19  }
.LBB2_7:
0x77: {  	p1 =	sne.s32 s26, $0x3E00;
	v19 =	vld [tilespmem:s25+$0x9090];
	v18 =	vadd.s32 $0x40000, v18;
	[tilespmem:s3+$0xA030] =	vst v17;
	v17 =	vadd.s32 $0x40000, v17;
	v20 =	vor.u32 v12, v13  }
0x78: {  	v13 =	vadd.s32 $0x40000, v11;
	v21 =	vadd.s32 $0x40000, v15;
	v12 =	vld [tilespmem:s25+$0x9020];
	[tilespmem:s3+$0xB020] =	vst v18;
	v18 =	vadd.s32 $0x40000, v16  }
0x79: {  	v4 =	vmax.f32 v4, $0.0e+00;
	v23 =	vadd.s32 $0x40000, v20;
	v22 =	vld [tilespmem:s25+$0x9030];
	[tilespmem:s3+$0xB030] =	vst v17;
	v17 =	vadd.s32 $0x40000, v14  }
0x7a: {  	v5 =	vmax.f32 v5, $0.0e+00;
	v6 =	vmax.f32 v6, $0.0e+00;
	v9 =	vmax.f32 v9, $0.0e+00;
	v24 =	vld [tilespmem:s25+$0x9040];
	[tilespmem:s3+$0xB040] =	vst v13  }
0x7b: {  	v7 =	vmax.f32 v7, $0.0e+00;
	v10 =	vmax.f32 v10, $0.0e+00;
	v8 =	vmax.f32 v8, $0.0e+00;
	v25 =	vld [tilespmem:s25+$0x8090];
	[tilespmem:s3+$0xB050] =	vst v18  }
0x7c: {  	v18 =	vld [tilespmem:s25+$0x9050];
	v13 =	vadd.f32 v19, v19;
	[tilespmem:s3+$0xB060] =	vst v21;
	v21 =	vmax.f32 v3, $0.0e+00  }
0x7d: {  	v3 =	vadd.f32 v12, v12;
	v26 =	vtrunc.f32 v12;
	v27 =	vld [tilespmem:s25+$0x9060];
	[tilespmem:s3+$0xB070] =	vst v17  }
0x7e: {  	v17 =	vadd.f32 v22, v22;
	v12 =	vtrunc.f32 v22;
	v22 =	vld [tilespmem:s25+$0x9070];
	v28 =	vadd.f32 $-1.000000000e+00, v13;
	[tilespmem:s3+$0xB080] =	vst v23  }
0x7f: {  	v23 =	vadd.f32 $-1.000000000e+00, v3;
	v3 =	vadd.f32 v24, v24;
	v13 =	vtrunc.f32 v24;
	v24 =	vld [tilespmem:s25+$0x9080];
	[tilespmem:s3+$0xA040] =	vst v11  }
0x80: {  	v11 =	vcvt.f32.s32 v26;
	v29 =	vld [tilespmem:s25+$0x8020];
	v17 =	vadd.f32 $-1.000000000e+00, v17;
	v25 =	vmul.f32 v28, v25;
	[tilespmem:s3+$0xA050] =	vst v16  }
0x81: {  	v16 =	vld [tilespmem:s25+$0x8030];
	v26 =	vadd.f32 $-1.000000000e+00, v3;
	v28 =	vadd.f32 v18, v18;
	v18 =	vtrunc.f32 v18;
	[tilespmem:s3+$0xA060] =	vst v15  }
0x82: {  	v15 =	vld [tilespmem:s25+$0x8040];
	v30 =	vadd.f32 v27, v27;
	v27 =	vtrunc.f32 v27;
	v3 =	vsub.f32 $1.000000000e+00, v25;
	[tilespmem:s3+$0xA070] =	vst v14  }
0x83: {  	v14 =	vld [tilespmem:s25+$0x8050];
	v25 =	vadd.f32 $-1.000000000e+00, v28;
	v28 =	vadd.f32 v22, v22;
	v22 =	vtrunc.f32 v22;
	[tilespmem:s3+$0xA080] =	vst v20  }
0x84: {  	v20 =	vld [tilespmem:s25+$0x8060];
	v30 =	vadd.f32 $-1.000000000e+00, v30;
	v31 =	vadd.f32 v24, v24;
	v32 =	vand.u32 $0x7FFFFFFF, v3;
	[tilespmem:s3+$0xC020] =	vst v4  }
0x85: {  	v4 =	vmul.f32 v23, v29;
	v23 =	vld [tilespmem:s25+$0x8070];
	v28 =	vadd.f32 $-1.000000000e+00, v28;
	v29 =	vxor.u32 $0x80000000, v32;
	[tilespmem:s3+$0xC030] =	vst v5  }
0x86: {  	v19 =	vtrunc.f32 v19;
	vm3 =	vlt.s32 v3, $0x0;
	v5 =	vld [tilespmem:s25+$0x8080];
	v29 =	vxor.u32 $0xFFFFFFFF, v29;
	[tilespmem:s3+$0xC040] =	vst v6  }
0x87: {  	v19 =	vcvt.f32.s32 v19;
	v6 =	vadd.f32 $-1.000000000e+00, v31;
	v29 =	vsel vm3, v3, v29;
	[tilespmem:s3+$0xC050] =	vst v9  }
0x88: {  	v9 =	vmul.f32 v17, v16;
	v15 =	vmul.f32 v26, v15;
	v16 =	vshrl.u32 v29, $0x1;
	[tilespmem:s3+$0xC060] =	vst v7  }
0x89: {  	v7 =	vmul.f32 v25, v14;
	v14 =	vshrl.u32 v16, $0xE;
	v16 =	vshll.u32 v19, $0x11;
	[tilespmem:s3+$0xC070] =	vst v10  }
0x8a: {  	v10 =	vmul.f32 v30, v20;
	v17 =	vmul.f32 v28, v23;
	v14 =	vor.u32 v14, v16;
	[tilespmem:s3+$0xC080] =	vst v8  }
0x8b: {  	v4 =	vsub.f32 $1.000000000e+00, v4;
	v8 =	vmul.f32 v6, v5;
	[tilespmem:s25+$0xA090] =	vst v14;
	v14 =	vadd.s32 $0x40000, v14  }
0x8c: {  	v5 =	vsub.f32 $1.000000000e+00, v9;
	v6 =	vsub.f32 $1.000000000e+00, v15;
	v15 =	vtrunc.f32 v24;
	[tilespmem:s25+$0xB090] =	vst v14  }
0x8d: {  	v9 =	vsub.f32 $1.000000000e+00, v7;
	v7 =	vsub.f32 $1.000000000e+00, v10;
	v14 =	vand.u32 $0x7FFFFFFF, v4;
	[tilespmem:s3+$0xC090] =	vst v21;
	s3 =	smov.u32 s25  }
0x8e: {  	v10 =	vsub.f32 $1.000000000e+00, v17;
	v16 =	vand.u32 $0x7FFFFFFF, v5;
	v8 =	vsub.f32 $1.000000000e+00, v8  }
0x8f: {  	v17 =	vand.u32 $0x7FFFFFFF, v6;
	v19 =	vand.u32 $0x7FFFFFFF, v9;
	v20 =	vand.u32 $0x7FFFFFFF, v7  }
0x90: {  	v14 =	vxor.u32 $0x80000000, v14;
	v21 =	vand.u32 $0x7FFFFFFF, v10;
	v23 =	vand.u32 $0x7FFFFFFF, v8  }
0x91: {  	v16 =	vxor.u32 $0x80000000, v16;
	v17 =	vxor.u32 $0x80000000, v17;
	v19 =	vxor.u32 $0x80000000, v19  }
0x92: {  	v20 =	vxor.u32 $0x80000000, v20;
	v21 =	vxor.u32 $0x80000000, v21;
	v23 =	vxor.u32 $0x80000000, v23  }
0x93: {  	v14 =	vxor.u32 $0xFFFFFFFF, v14;
	v16 =	vxor.u32 $0xFFFFFFFF, v16;
	v17 =	vxor.u32 $0xFFFFFFFF, v17  }
0x94: {  	v19 =	vxor.u32 $0xFFFFFFFF, v19;
	v20 =	vxor.u32 $0xFFFFFFFF, v20;
	v21 =	vxor.u32 $0xFFFFFFFF, v21  }
0x95: {  	vm3 =	vlt.s32 v4, $0x0;
	vm4 =	vlt.s32 v5, $0x0;
	v23 =	vxor.u32 $0xFFFFFFFF, v23  }
0x96: {  	vm5 =	vlt.s32 v6, $0x0;
	vm6 =	vlt.s32 v9, $0x0;
	vm7 =	vlt.s32 v7, $0x0  }
0x97: {  	v14 =	vsel vm3, v4, v14;
	vm3 =	vlt.s32 v10, $0x0;
	vm8 =	vlt.s32 v8, $0x0  }
0x98: {  	v16 =	vsel vm4, v5, v16;
	v17 =	vsel vm5, v6, v17;
	v19 =	vsel vm6, v9, v19  }
0x99: {  	v20 =	vsel vm7, v7, v20;
	v21 =	vsel vm3, v10, v21;
	v23 =	vsel vm8, v8, v23  }
0x9a: {  	v13 =	vcvt.f32.s32 v13;
	v24 =	vcvt.f32.s32 v12;
	v14 =	vshrl.u32 v14, $0x1  }
0x9b: {  	v12 =	vshrl.u32 v16, $0x1;
	v16 =	vcvt.f32.s32 v18;
	v18 =	vcvt.f32.s32 v27  }
0x9c: {  	v22 =	vcvt.f32.s32 v22;
	v15 =	vcvt.f32.s32 v15;
	v17 =	vshrl.u32 v17, $0x1  }
0x9d: {  	v19 =	vshrl.u32 v19, $0x1;
	v20 =	vshrl.u32 v20, $0x1;
	v21 =	vshrl.u32 v21, $0x1  }
0x9e: {  	v14 =	vshrl.u32 v14, $0xE;
	v25 =	vshrl.u32 v12, $0xE;
	v12 =	vshrl.u32 v23, $0x1  }
0x9f: {  	v19 =	vshrl.u32 v19, $0xE;
	v20 =	vshrl.u32 v20, $0xE;
	v23 =	vshrl.u32 v17, $0xE  }
.Ltmp2:
0xa0: {  	v11 =	vshll.u32 v11, $0x11;
	v21 =	vshrl.u32 v21, $0xE;
	v12 =	vshrl.u32 v12, $0xE;
	(pc) =	sbr.rel @p1 .LBB2_7-.Ltmp2, $4  }
0xa1: {  	v17 =	vshll.u32 v24, $0x11;
	v24 =	vshll.u32 v13, $0x11;
	v16 =	vshll.u32 v16, $0x11  }
0xa2: {  	v22 =	vshll.u32 v22, $0x11;
	v26 =	vshll.u32 v18, $0x11;
	v13 =	vshll.u32 v15, $0x11  }
0xa3: {  	v18 =	vor.u32 v14, v11;
	v17 =	vor.u32 v25, v17;
	v11 =	vor.u32 v23, v24  }
0xa4: {  	s25 =	sshra.s32 s26, $0x2;
	s26 =	sadd.s32 $0x200, s26;
	v16 =	vor.u32 v19, v16;
	v15 =	vor.u32 v20, v26;
	v14 =	vor.u32 v21, v22;
	[tilespmem:s3+$0xA020] =	vst v18  }
0xa5: {  	v19 =	vld [tilespmem:s25+$0x9090];
	[tilespmem:s3+$0xA030] =	vst v17;
	v18 =	vadd.s32 $0x40000, v18  }
0xa6: {  	v39 =	vadd.s32 $0x40000, v17;
	v40 =	vadd.s32 $0x40000, v11;
	v41 =	vadd.s32 $0x40000, v16;
	v20 =	vld [tilespmem:s25+$0x9020];
	[tilespmem:s3+$0xB020] =	vst v18  }
0xa7: {  	v42 =	vadd.s32 $0x40000, v15;
	v43 =	vadd.s32 $0x40000, v14;
	v12 =	vor.u32 v12, v13;
	v18 =	vld [tilespmem:s25+$0x9030];
	[tilespmem:s3+$0xB030] =	vst v39  }
0xa8: {  	v4 =	vmax.f32 v4, $0.0e+00;
	v5 =	vmax.f32 v5, $0.0e+00;
	v6 =	vmax.f32 v6, $0.0e+00;
	v21 =	vld [tilespmem:s25+$0x9040]  }
0xa9: {  	v9 =	vmax.f32 v9, $0.0e+00;
	v7 =	vmax.f32 v7, $0.0e+00;
	v10 =	vmax.f32 v10, $0.0e+00;
	[tilespmem:s3+$0xB040] =	vst v40  }
0xaa: {  	v8 =	vmax.f32 v8, $0.0e+00;
	v26 =	vmax.f32 v3, $0.0e+00;
	v13 =	vadd.s32 $0x40000, v12;
	v22 =	vld [tilespmem:s25+$0x8090];
	[tilespmem:s3+$0xB050] =	vst v41  }
0xab: {  	v23 =	vld [tilespmem:s25+$0x9050];
	[tilespmem:s3+$0xB060] =	vst v42;
	v44 =	vadd.f32 v19, v19;
	v19 =	vtrunc.f32 v19;
	v3 =	vadd.f32 v20, v20  }
0xac: {  	v24 =	vld [tilespmem:s25+$0x9060];
	[tilespmem:s3+$0xB070] =	vst v43;
	v45 =	vtrunc.f32 v20;
	v19 =	vcvt.f32.s32 v19;
	v46 =	vadd.f32 v18, v18  }
0xad: {  	v17 =	vld [tilespmem:s25+$0x9070];
	[tilespmem:s3+$0xB080] =	vst v13;
	v18 =	vtrunc.f32 v18;
	v28 =	vadd.f32 $-1.000000000e+00, v3;
	v3 =	vadd.f32 v21, v21  }
0xae: {  	v13 =	vld [tilespmem:s25+$0x9080];
	[tilespmem:s3+$0xA040] =	vst v11;
	v47 =	vtrunc.f32 v21;
	v19 =	vshll.u32 v19, $0x11;
	v18 =	vcvt.f32.s32 v18  }
0xaf: {  	v11 =	vld [tilespmem:s25+$0x8020];
	[tilespmem:s3+$0xA050] =	vst v16;
	v16 =	vadd.f32 $-1.000000000e+00, v44;
	v20 =	vadd.f32 $-1.000000000e+00, v46;
	v42 =	vcvt.f32.s32 v47  }
0xb0: {  	v25 =	vld [tilespmem:s25+$0x8030];
	[tilespmem:s3+$0xA060] =	vst v15;
	v15 =	vcvt.f32.s32 v45;
	v49 =	vadd.f32 $-1.000000000e+00, v3;
	v29 =	vadd.f32 v23, v23  }
0xb1: {  	v50 =	vtrunc.f32 v23;
	v18 =	vshll.u32 v18, $0x11;
	v16 =	vmul.f32 v16, v22  }
0xb2: {  	v27 =	vld [tilespmem:s25+$0x8040];
	[tilespmem:s3+$0xA070] =	vst v14;
	v51 =	vadd.f32 v24, v24;
	v24 =	vtrunc.f32 v24;
	v29 =	vadd.f32 $-1.000000000e+00, v29  }
0xb3: {  	v48 =	vld [tilespmem:s25+$0x8050];
	[tilespmem:s3+$0xA080] =	vst v12;
	v30 =	vadd.f32 v17, v17;
	v53 =	vtrunc.f32 v17;
	v12 =	vcvt.f32.s32 v50  }
0xb4: {  	v44 =	vcvt.f32.s32 v24;
	v15 =	vshll.u32 v15, $0x11;
	v3 =	vsub.f32 $1.000000000e+00, v16  }
0xb5: {  	v54 =	vadd.f32 $-1.000000000e+00, v51;
	v32 =	vadd.f32 v13, v13;
	v13 =	vtrunc.f32 v13  }
0xb6: {  	v52 =	vld [tilespmem:s25+$0x8060];
	[tilespmem:s3+$0xC020] =	vst v4;
	v4 =	vcvt.f32.s32 v53;
	v11 =	vmul.f32 v28, v11;
	v56 =	vadd.f32 $-1.000000000e+00, v30  }
0xb7: {  	v46 =	vcvt.f32.s32 v13;
	v12 =	vshll.u32 v12, $0x11;
	v55 =	vand.u32 $0x7FFFFFFF, v3  }
0xb8: {  	v31 =	vld [tilespmem:s25+$0x8070];
	[tilespmem:s3+$0xC030] =	vst v5;
	vm3 =	vlt.s32 v3, $0x0;
	v58 =	vadd.f32 $-1.000000000e+00, v32;
	v20 =	vmul.f32 v20, v25  }
0xb9: {  	v57 =	vld [tilespmem:s25+$0x8080];
	[tilespmem:s3+$0xC060] =	vst v7;
	v7 =	vshll.u32 v42, $0x11;
	v4 =	vshll.u32 v4, $0x11;
	v23 =	vxor.u32 $0x80000000, v55  }
0xba: {  	v22 =	vmul.f32 v49, v27;
	v11 =	vsub.f32 $1.000000000e+00, v11;
	v23 =	vxor.u32 $0xFFFFFFFF, v23  }
0xbb: {  	v21 =	vmul.f32 v29, v48;
	v20 =	vsub.f32 $1.000000000e+00, v20;
	v23 =	vsel vm3, v3, v23  }
0xbc: {  	v16 =	vmul.f32 v54, v52;
	v22 =	vsub.f32 $1.000000000e+00, v22;
	v61 =	vand.u32 $0x7FFFFFFF, v11  }
0xbd: {  	vm3 =	vlt.s32 v11, $0x0;
	v52 =	vshll.u32 v44, $0x11;
	v3 =	vmax.f32 v3, $0.0e+00  }
0xbe: {  	[tilespmem:s3+$0xC040] =	vst v6;
	v23 =	vshrl.u32 v23, $0x1;
	v5 =	vmul.f32 v56, v31;
	v21 =	vsub.f32 $1.000000000e+00, v21  }
0xbf: {  	[tilespmem:s3+$0xC050] =	vst v9;
	v62 =	vand.u32 $0x7FFFFFFF, v20;
	v25 =	vxor.u32 $0x80000000, v61;
	v23 =	vshrl.u32 v23, $0xE  }
0xc0: {  	[tilespmem:s3+$0xC070] =	vst v10;
	v60 =	vmul.f32 v58, v57;
	v16 =	vsub.f32 $1.000000000e+00, v16;
	v25 =	vxor.u32 $0xFFFFFFFF, v25  }
0xc1: {  	[tilespmem:s3+$0xC080] =	vst v8;
	v63 =	vand.u32 $0x7FFFFFFF, v22;
	v59 =	vor.u32 v23, v19;
	v25 =	vsel vm3, v11, v25  }
0xc2: {  	v27 =	vxor.u32 $0x80000000, v62;
	v23 =	vadd.s32 $0x40000, v59;
	v41 =	vshrl.u32 v25, $0x1;
	[tilespmem:s25+$0xA090] =	vst v59  }
0xc3: {  	v58 =	vmax.f32 v11, $0.0e+00;
	v5 =	vsub.f32 $1.000000000e+00, v5;
	v9 =	vshrl.u32 v41, $0xE;
	[tilespmem:s25+$0xB090] =	vst v23  }
0xc4: {  	v36 =	vand.u32 $0x7FFFFFFF, v21;
	v28 =	vxor.u32 $0x80000000, v63;
	[tilespmem:s3+$0xC090] =	vst v26;
	v9 =	vor.u32 v9, v15  }
0xc5: {  	v27 =	vxor.u32 $0xFFFFFFFF, v27;
	vm3 =	vlt.s32 v20, $0x0;
	v61 =	vmax.f32 v21, $0.0e+00;
	[tilespmem:s25+$0xA020] =	vst v9  }
0xc6: {  	v19 =	vsub.f32 $1.000000000e+00, v60;
	v37 =	vand.u32 $0x7FFFFFFF, v16;
	v59 =	vmax.f32 v20, $0.0e+00;
	[tilespmem:s25+$0xC020] =	vst v58  }
0xc7: {  	v29 =	vxor.u32 $0x80000000, v36;
	v28 =	vxor.u32 $0xFFFFFFFF, v28;
	v60 =	vmax.f32 v22, $0.0e+00;
	[tilespmem:s25+$0xC030] =	vst v59  }
0xc8: {  	v27 =	vsel vm3, v20, v27;
	vm3 =	vlt.s32 v22, $0x0;
	v62 =	vmax.f32 v16, $0.0e+00;
	[tilespmem:s25+$0xC040] =	vst v60  }
0xc9: {  	v38 =	vand.u32 $0x7FFFFFFF, v5;
	v30 =	vxor.u32 $0x80000000, v37;
	v29 =	vxor.u32 $0xFFFFFFFF, v29;
	[tilespmem:s25+$0xC050] =	vst v61  }
0xca: {  	v28 =	vsel vm3, v22, v28;
	v43 =	vshrl.u32 v27, $0x1;
	v63 =	vmax.f32 v19, $0.0e+00;
	[tilespmem:s25+$0xC060] =	vst v62  }
0xcb: {  	vm3 =	vlt.s32 v21, $0x0;
	v31 =	vxor.u32 $0x80000000, v38;
	v14 =	vshrl.u32 v43, $0xE;
	[tilespmem:s25+$0xC080] =	vst v63  }
0xcc: {  	v30 =	vxor.u32 $0xFFFFFFFF, v30;
	v29 =	vsel vm3, v21, v29;
	v14 =	vor.u32 v14, v18;
	[tilespmem:s25+$0xC090] =	vst v3  }
0xcd: {  	vm3 =	vlt.s32 v16, $0x0;
	v45 =	vshrl.u32 v28, $0x1;
	v9 =	vadd.s32 $0x40000, v9;
	[tilespmem:s25+$0xA030] =	vst v14  }
0xce: {  	v31 =	vxor.u32 $0xFFFFFFFF, v31;
	v50 =	vshrl.u32 v45, $0xE;
	v14 =	vadd.s32 $0x40000, v14;
	[tilespmem:s25+$0xB020] =	vst v9  }
0xcf: {  	v30 =	vsel vm3, v16, v30;
	vm3 =	vlt.s32 v5, $0x0;
	v7 =	vor.u32 v50, v7;
	[tilespmem:s25+$0xB030] =	vst v14  }
0xd0: {  	v47 =	vshrl.u32 v29, $0x1;
	v31 =	vsel vm3, v5, v31;
	v5 =	vmax.f32 v5, $0.0e+00;
	[tilespmem:s25+$0xA040] =	vst v7  }
0xd1: {  	v39 =	vand.u32 $0x7FFFFFFF, v19;
	v13 =	vshrl.u32 v47, $0xE;
	v54 =	vadd.s32 $0x40000, v7;
	[tilespmem:s25+$0xC070] =	vst v5  }
0xd2: {  	v32 =	vxor.u32 $0x80000000, v39;
	v48 =	vshrl.u32 v30, $0x1;
	v53 =	vor.u32 v13, v12;
	[tilespmem:s25+$0xB040] =	vst v54  }
0xd3: {  	v40 =	vxor.u32 $0xFFFFFFFF, v32;
	v51 =	vshrl.u32 v48, $0xE;
	v13 =	vadd.s32 $0x40000, v53;
	[tilespmem:s25+$0xA050] =	vst v53  }
0xd4: {  	vm3 =	vlt.s32 v19, $0x0;
	v49 =	vshrl.u32 v31, $0x1;
	v9 =	vor.u32 v51, v52;
	[tilespmem:s25+$0xB050] =	vst v13  }
0xd5: {  	v6 =	vsel vm3, v19, v40;
	v17 =	vshrl.u32 v49, $0xE;
	v55 =	vadd.s32 $0x40000, v9;
	[tilespmem:s25+$0xA060] =	vst v9  }
0xd6: {  	v6 =	vshrl.u32 v6, $0x1;
	v4 =	vor.u32 v17, v4;
	[tilespmem:s25+$0xB060] =	vst v55  }
0xd7: {  	v8 =	vshll.u32 v46, $0x11;
	v6 =	vshrl.u32 v6, $0xE;
	v56 =	vadd.s32 $0x40000, v4;
	[tilespmem:s25+$0xA070] =	vst v4  }
0xd8: {  	v6 =	vor.u32 v6, v8;
	[tilespmem:s25+$0xB070] =	vst v56  }
0xd9: {  	v57 =	vadd.s32 $0x40000, v6;
	[tilespmem:s25+$0xA080] =	vst v6  }
0xda: {  	s29 =	simm.s32 $0x12020;
	s7 =	simm.s32 $0xA020;
	[tilespmem:s25+$0xB080] =	vst v57  }
0xdb: {  	[spmem:s1] =	stream.indirect.scatter.add.f32 [tilespmem:s29], [sflag:$0x1], $0x1, s7, s21, $0xb8;
	[tilespmem:$0x1D1A0] =	vst v63  }
0xdc: {  	s12 =	simm.s32 $0xB020;
	s3 =	simm.s32 $0x200;
	s7 =	simm.s32 $0xC020  }
.LBB2_9:
0xdd: {  	[spmem:s1] =	stream.indirect.scatter.add.f32 [tilespmem:s7], [sflag:$0x1], $0x1, s12, s21, $0xb8;
	[tilespmem:$0x1D1A0] =	vst v63  }
0xde: {  	s7 =	smov.u32 s3;
	p0 =	sne.s32 s3, $0x3E00  }
.Ltmp3:
0xdf: {  	s3 =	sadd.s32 $0x200, s3;
	(pc) =	sbr.rel @p0 .LBB2_9-.Ltmp3, $4  }
0xe0: {  	s12 =	sshra.s32 s7, $0x2  }
0xe1: {  	s7 =	sadd.s32 $0x12020, s12;
	s25 =	sadd.s32 $0xA020, s12  }
0xe2: {  	[spmem:s1] =	stream.indirect.scatter.add.f32 [tilespmem:s7], [sflag:$0x1], $0x1, s25, s21, $0xb8;
	[tilespmem:$0x1D1A0] =	vst v63  }
0xe3: {  	s7 =	sadd.s32 $0xC020, s12;
	s12 =	sadd.s32 $0xB020, s12  }
0xe4: {  	[spmem:s1] =	stream.indirect.scatter.add.f32 [tilespmem:s7], [sflag:$0x1], $0x1, s12, s21, $0xb8;
	[tilespmem:$0x1D1A0] =	vst v63  }
0xe5: {  	s3 =	sor.u32 $0x200, s2  }
0xe6: {  	s29 =	simm.s32 $0x0;
	s28 =	sadd.s32 s5, s3  }
0xe7: {  	[tilespmem:s22], [sflag:$0x2] =	stream.linear.gather [hbm4b:s28+s29], $0x1000, $0x38;
	[tilespmem:$0x1D1A0] =	vst v63  }
0xe8: {  	_ =	swait.ge [sflag:s18], $0x1000  }
0xe9: {  	[sflag:s18] =	ssyncset.done $0x0  }
0xea: {  	s3 =	sadd.s32 s6, s3;
	[sflag:s18] =	ssyncadd.s32 $0xFFFFF000  }
0xeb: {  	[tilespmem:s23], [sflag:$0x2] =	stream.linear.gather [hbm4b:s3+s29], $0x1000, $0x38;
	[tilespmem:$0x1D1A0] =	vst v63  }
0xec: {  	_ =	swait.ge [sflag:s18], $0x1000  }
0xed: {  	[sflag:s18] =	ssyncset.done $0x0  }
0xee: {  	s3 =	simm.s32 $0x0;
	[sflag:s18] =	ssyncadd.s32 $0xFFFFF000  }
0xef: {  	v4 =	vld [tilespmem:s3+$0xE090]  }
0xf0: {  	v3 =	vld [tilespmem:s3+$0xE020]  }
0xf1: {  	v5 =	vld [tilespmem:s3+$0xE030]  }
0xf2: {  	v6 =	vld [tilespmem:s3+$0xE040]  }
0xf3: {  	v8 =	vld [tilespmem:s3+$0xE050]  }
0xf4: {  	v11 =	vld [tilespmem:s3+$0xE060]  }
0xf5: {  	v16 =	vld [tilespmem:s3+$0xE080];
	_ =	sdelay $0x1  }
0xf6: {  	v10 =	vadd.f32 v3, v3;
	v3 =	vtrunc.f32 v3;
	v13 =	vtrunc.f32 v5  }
0xf7: {  	v9 =	vadd.f32 v4, v4;
	v15 =	vtrunc.f32 v6;
	v18 =	vtrunc.f32 v8  }
0xf8: {  	v19 =	vadd.f32 v11, v11;
	v11 =	vtrunc.f32 v11;
	v4 =	vtrunc.f32 v4  }
0xf9: {  	v23 =	vadd.f32 v16, v16;
	v16 =	vtrunc.f32 v16;
	v17 =	vcvt.f32.s32 v3  }
0xfa: {  	v7 =	vld [tilespmem:s3+$0xD090];
	v12 =	vadd.f32 v5, v5;
	v4 =	vcvt.f32.s32 v4;
	v13 =	vcvt.f32.s32 v13  }
0xfb: {  	v20 =	vld [tilespmem:s3+$0xD050];
	v14 =	vadd.f32 v6, v6;
	v15 =	vcvt.f32.s32 v15;
	v18 =	vcvt.f32.s32 v18  }
0xfc: {  	v5 =	vld [tilespmem:s3+$0xE070];
	v11 =	vcvt.f32.s32 v11;
	v9 =	vadd.f32 $-1.000000000e+00, v9;
	v10 =	vadd.f32 $-1.000000000e+00, v10  }
0xfd: {  	v6 =	vld [tilespmem:s3+$0xD020];
	v16 =	vcvt.f32.s32 v16;
	v12 =	vadd.f32 $-1.000000000e+00, v12;
	v19 =	vadd.f32 $-1.000000000e+00, v19  }
0xfe: {  	v25 =	vld [tilespmem:s3+$0xD080];
	v23 =	vadd.f32 $-1.000000000e+00, v23;
	v4 =	vshll.u32 v4, $0x11;
	v17 =	vshll.u32 v17, $0x11  }
0xff: {  	v63 =	vshll.u32 v13, $0x11;
	v15 =	vshll.u32 v15, $0x11;
	v3 =	vmul.f32 v9, v7;
	v7 =	vld [tilespmem:s3+$0xD030]  }
0x100: {  	v28 =	vshll.u32 v18, $0x11;
	v9 =	vadd.f32 $-1.000000000e+00, v14;
	v14 =	vadd.f32 v8, v8;
	v8 =	vld [tilespmem:s3+$0xD040]  }
0x101: {  	v21 =	vadd.f32 v5, v5;
	v22 =	vtrunc.f32 v5;
	v5 =	vld [tilespmem:s3+$0xD060];
	v3 =	vsub.f32 $1.000000000e+00, v3  }
0x102: {  	v13 =	vshll.u32 v16, $0x11;
	v6 =	vmul.f32 v10, v6;
	v10 =	vld [tilespmem:s3+$0xD070];
	v22 =	vcvt.f32.s32 v22  }
0x103: {  	v14 =	vadd.f32 $-1.000000000e+00, v14;
	v21 =	vadd.f32 $-1.000000000e+00, v21;
	v24 =	vand.u32 $0x7FFFFFFF, v3  }
0x104: {  	vm3 =	vlt.s32 v3, $0x0;
	v22 =	vshll.u32 v22, $0x11;
	v24 =	vxor.u32 $0x80000000, v24  }
0x105: {  	v7 =	vmul.f32 v12, v7;
	v8 =	vmul.f32 v9, v8;
	v24 =	vxor.u32 $0xFFFFFFFF, v24  }
0x106: {  	v12 =	vmul.f32 v14, v20;
	v14 =	vmul.f32 v19, v5;
	v24 =	vsel vm3, v3, v24  }
0x107: {  	v20 =	vmul.f32 v23, v25;
	v10 =	vmul.f32 v21, v10;
	v9 =	vshrl.u32 v24, $0x1  }
0x108: {  	v5 =	vsub.f32 $1.000000000e+00, v7;
	v7 =	vsub.f32 $1.000000000e+00, v14;
	v9 =	vshrl.u32 v9, $0xE  }
0x109: {  	v10 =	vsub.f32 $1.000000000e+00, v10;
	v19 =	vor.u32 v9, v4;
	v4 =	vsub.f32 $1.000000000e+00, v6  }
0x10a: {  	vm4 =	vlt.s32 v5, $0x0;
	v6 =	vsub.f32 $1.000000000e+00, v8;
	v9 =	vsub.f32 $1.000000000e+00, v12  }
0x10b: {  	v12 =	vand.u32 $0x7FFFFFFF, v5;
	v8 =	vsub.f32 $1.000000000e+00, v20;
	v61 =	vand.u32 $0x7FFFFFFF, v7  }
0x10c: {  	v62 =	vand.u32 $0x7FFFFFFF, v10;
	vm14 =	vlt.s32 v10, $0x0;
	v59 =	vadd.s32 $0x40000, v19  }
0x10d: {  	v12 =	vxor.u32 $0x80000000, v12;
	v24 =	vxor.u32 $0x80000000, v61;
	v25 =	vxor.u32 $0x80000000, v62  }
0x10e: {  	[tilespmem:s3+$0xF090] =	vst v19;
	v19 =	vshll.u32 v11, $0x11;
	v60 =	vand.u32 $0x7FFFFFFF, v4;
	v14 =	vand.u32 $0x7FFFFFFF, v6  }
0x10f: {  	v20 =	vand.u32 $0x7FFFFFFF, v9;
	v26 =	vand.u32 $0x7FFFFFFF, v8;
	v12 =	vxor.u32 $0xFFFFFFFF, v12  }
0x110: {  	v24 =	vxor.u32 $0xFFFFFFFF, v24;
	v25 =	vxor.u32 $0xFFFFFFFF, v25;
	vm3 =	vlt.s32 v4, $0x0  }
0x111: {  	vm5 =	vlt.s32 v6, $0x0;
	vm6 =	vlt.s32 v9, $0x0;
	vm15 =	vlt.s32 v8, $0x0  }
0x112: {  	v23 =	vxor.u32 $0x80000000, v60;
	v14 =	vxor.u32 $0x80000000, v14;
	v20 =	vxor.u32 $0x80000000, v20  }
0x113: {  	v26 =	vxor.u32 $0x80000000, v26;
	v12 =	vsel vm4, v5, v12;
	v25 =	vsel vm14, v10, v25  }
0x114: {  	v23 =	vxor.u32 $0xFFFFFFFF, v23;
	v14 =	vxor.u32 $0xFFFFFFFF, v14;
	v20 =	vxor.u32 $0xFFFFFFFF, v20  }
0x115: {  	v26 =	vxor.u32 $0xFFFFFFFF, v26;
	v12 =	vshrl.u32 v12, $0x1;
	v25 =	vshrl.u32 v25, $0x1  }
0x116: {  	v23 =	vsel vm3, v4, v23;
	vm3 =	vlt.s32 v7, $0x0;
	v14 =	vsel vm5, v6, v14  }
0x117: {  	v20 =	vsel vm6, v9, v20;
	v26 =	vsel vm15, v8, v26;
	v27 =	vshrl.u32 v12, $0xE  }
0x118: {  	v25 =	vshrl.u32 v25, $0xE;
	v24 =	vsel vm3, v7, v24;
	v23 =	vshrl.u32 v23, $0x1  }
0x119: {  	v14 =	vshrl.u32 v14, $0x1;
	v20 =	vshrl.u32 v20, $0x1;
	v12 =	vshrl.u32 v26, $0x1  }
0x11a: {  	v24 =	vshrl.u32 v24, $0x1;
	v23 =	vshrl.u32 v23, $0xE;
	v14 =	vshrl.u32 v14, $0xE  }
0x11b: {  	v20 =	vshrl.u32 v20, $0xE;
	v12 =	vshrl.u32 v12, $0xE;
	v24 =	vshrl.u32 v24, $0xE  }
0x11c: {  	[tilespmem:s3+$0x10090] =	vst v59;
	v18 =	vor.u32 v23, v17;
	v17 =	vor.u32 v27, v63;
	v11 =	vor.u32 v14, v15  }
0x11d: {  	s25 =	simm.s32 $0x80;
	s26 =	simm.s32 $0x400;
	v16 =	vor.u32 v20, v28;
	v14 =	vor.u32 v25, v22;
	[tilespmem:s3+$0xF020] =	vst v18;
	v15 =	vor.u32 v24, v19  }
.LBB2_11:
0x11e: {  	p1 =	sne.s32 s26, $0x3E00;
	v19 =	vld [tilespmem:s25+$0xE090];
	v18 =	vadd.s32 $0x40000, v18;
	[tilespmem:s3+$0xF030] =	vst v17;
	v17 =	vadd.s32 $0x40000, v17;
	v20 =	vor.u32 v12, v13  }
0x11f: {  	v13 =	vadd.s32 $0x40000, v11;
	v21 =	vadd.s32 $0x40000, v15;
	v12 =	vld [tilespmem:s25+$0xE020];
	[tilespmem:s3+$0x10020] =	vst v18;
	v18 =	vadd.s32 $0x40000, v16  }
0x120: {  	v4 =	vmax.f32 v4, $0.0e+00;
	v23 =	vadd.s32 $0x40000, v20;
	v22 =	vld [tilespmem:s25+$0xE030];
	[tilespmem:s3+$0x10030] =	vst v17;
	v17 =	vadd.s32 $0x40000, v14  }
0x121: {  	v5 =	vmax.f32 v5, $0.0e+00;
	v6 =	vmax.f32 v6, $0.0e+00;
	v9 =	vmax.f32 v9, $0.0e+00;
	v24 =	vld [tilespmem:s25+$0xE040];
	[tilespmem:s3+$0x10040] =	vst v13  }
0x122: {  	v7 =	vmax.f32 v7, $0.0e+00;
	v10 =	vmax.f32 v10, $0.0e+00;
	v8 =	vmax.f32 v8, $0.0e+00;
	v25 =	vld [tilespmem:s25+$0xD090];
	[tilespmem:s3+$0x10050] =	vst v18  }
0x123: {  	v18 =	vld [tilespmem:s25+$0xE050];
	v13 =	vadd.f32 v19, v19;
	[tilespmem:s3+$0x10060] =	vst v21;
	v21 =	vmax.f32 v3, $0.0e+00  }
0x124: {  	v3 =	vadd.f32 v12, v12;
	v26 =	vtrunc.f32 v12;
	v27 =	vld [tilespmem:s25+$0xE060];
	[tilespmem:s3+$0x10070] =	vst v17  }
0x125: {  	v17 =	vadd.f32 v22, v22;
	v12 =	vtrunc.f32 v22;
	v22 =	vld [tilespmem:s25+$0xE070];
	v28 =	vadd.f32 $-1.000000000e+00, v13;
	[tilespmem:s3+$0x10080] =	vst v23  }
0x126: {  	v23 =	vadd.f32 $-1.000000000e+00, v3;
	v3 =	vadd.f32 v24, v24;
	v13 =	vtrunc.f32 v24;
	v24 =	vld [tilespmem:s25+$0xE080];
	[tilespmem:s3+$0xF040] =	vst v11  }
0x127: {  	v11 =	vcvt.f32.s32 v26;
	v29 =	vld [tilespmem:s25+$0xD020];
	v17 =	vadd.f32 $-1.000000000e+00, v17;
	v25 =	vmul.f32 v28, v25;
	[tilespmem:s3+$0xF050] =	vst v16  }
0x128: {  	v16 =	vld [tilespmem:s25+$0xD030];
	v26 =	vadd.f32 $-1.000000000e+00, v3;
	v28 =	vadd.f32 v18, v18;
	v18 =	vtrunc.f32 v18;
	[tilespmem:s3+$0xF060] =	vst v15  }
0x129: {  	v15 =	vld [tilespmem:s25+$0xD040];
	v30 =	vadd.f32 v27, v27;
	v27 =	vtrunc.f32 v27;
	v3 =	vsub.f32 $1.000000000e+00, v25;
	[tilespmem:s3+$0xF070] =	vst v14  }
0x12a: {  	v14 =	vld [tilespmem:s25+$0xD050];
	v25 =	vadd.f32 $-1.000000000e+00, v28;
	v28 =	vadd.f32 v22, v22;
	v22 =	vtrunc.f32 v22;
	[tilespmem:s3+$0xF080] =	vst v20  }
0x12b: {  	v20 =	vld [tilespmem:s25+$0xD060];
	v30 =	vadd.f32 $-1.000000000e+00, v30;
	v31 =	vadd.f32 v24, v24;
	v32 =	vand.u32 $0x7FFFFFFF, v3;
	[tilespmem:s3+$0x11020] =	vst v4  }
0x12c: {  	v4 =	vmul.f32 v23, v29;
	v23 =	vld [tilespmem:s25+$0xD070];
	v28 =	vadd.f32 $-1.000000000e+00, v28;
	v29 =	vxor.u32 $0x80000000, v32;
	[tilespmem:s3+$0x11030] =	vst v5  }
0x12d: {  	v19 =	vtrunc.f32 v19;
	vm3 =	vlt.s32 v3, $0x0;
	v5 =	vld [tilespmem:s25+$0xD080];
	v29 =	vxor.u32 $0xFFFFFFFF, v29;
	[tilespmem:s3+$0x11040] =	vst v6  }
0x12e: {  	v19 =	vcvt.f32.s32 v19;
	v6 =	vadd.f32 $-1.000000000e+00, v31;
	v29 =	vsel vm3, v3, v29;
	[tilespmem:s3+$0x11050] =	vst v9  }
0x12f: {  	v9 =	vmul.f32 v17, v16;
	v15 =	vmul.f32 v26, v15;
	v16 =	vshrl.u32 v29, $0x1;
	[tilespmem:s3+$0x11060] =	vst v7  }
0x130: {  	v7 =	vmul.f32 v25, v14;
	v14 =	vshrl.u32 v16, $0xE;
	v16 =	vshll.u32 v19, $0x11;
	[tilespmem:s3+$0x11070] =	vst v10  }
0x131: {  	v10 =	vmul.f32 v30, v20;
	v17 =	vmul.f32 v28, v23;
	v14 =	vor.u32 v14, v16;
	[tilespmem:s3+$0x11080] =	vst v8  }
0x132: {  	v4 =	vsub.f32 $1.000000000e+00, v4;
	v8 =	vmul.f32 v6, v5;
	[tilespmem:s25+$0xF090] =	vst v14;
	v14 =	vadd.s32 $0x40000, v14  }
0x133: {  	v5 =	vsub.f32 $1.000000000e+00, v9;
	v6 =	vsub.f32 $1.000000000e+00, v15;
	v15 =	vtrunc.f32 v24;
	[tilespmem:s25+$0x10090] =	vst v14  }
0x134: {  	v9 =	vsub.f32 $1.000000000e+00, v7;
	v7 =	vsub.f32 $1.000000000e+00, v10;
	v14 =	vand.u32 $0x7FFFFFFF, v4;
	[tilespmem:s3+$0x11090] =	vst v21;
	s3 =	smov.u32 s25  }
0x135: {  	v10 =	vsub.f32 $1.000000000e+00, v17;
	v16 =	vand.u32 $0x7FFFFFFF, v5;
	v8 =	vsub.f32 $1.000000000e+00, v8  }
0x136: {  	v17 =	vand.u32 $0x7FFFFFFF, v6;
	v19 =	vand.u32 $0x7FFFFFFF, v9;
	v20 =	vand.u32 $0x7FFFFFFF, v7  }
0x137: {  	v14 =	vxor.u32 $0x80000000, v14;
	v21 =	vand.u32 $0x7FFFFFFF, v10;
	v23 =	vand.u32 $0x7FFFFFFF, v8  }
0x138: {  	v16 =	vxor.u32 $0x80000000, v16;
	v17 =	vxor.u32 $0x80000000, v17;
	v19 =	vxor.u32 $0x80000000, v19  }
0x139: {  	v20 =	vxor.u32 $0x80000000, v20;
	v21 =	vxor.u32 $0x80000000, v21;
	v23 =	vxor.u32 $0x80000000, v23  }
0x13a: {  	v14 =	vxor.u32 $0xFFFFFFFF, v14;
	v16 =	vxor.u32 $0xFFFFFFFF, v16;
	v17 =	vxor.u32 $0xFFFFFFFF, v17  }
0x13b: {  	v19 =	vxor.u32 $0xFFFFFFFF, v19;
	v20 =	vxor.u32 $0xFFFFFFFF, v20;
	v21 =	vxor.u32 $0xFFFFFFFF, v21  }
0x13c: {  	vm3 =	vlt.s32 v4, $0x0;
	vm4 =	vlt.s32 v5, $0x0;
	v23 =	vxor.u32 $0xFFFFFFFF, v23  }
0x13d: {  	vm5 =	vlt.s32 v6, $0x0;
	vm6 =	vlt.s32 v9, $0x0;
	vm7 =	vlt.s32 v7, $0x0  }
0x13e: {  	v14 =	vsel vm3, v4, v14;
	vm3 =	vlt.s32 v10, $0x0;
	vm8 =	vlt.s32 v8, $0x0  }
0x13f: {  	v16 =	vsel vm4, v5, v16;
	v17 =	vsel vm5, v6, v17;
	v19 =	vsel vm6, v9, v19  }
0x140: {  	v20 =	vsel vm7, v7, v20;
	v21 =	vsel vm3, v10, v21;
	v23 =	vsel vm8, v8, v23  }
0x141: {  	v13 =	vcvt.f32.s32 v13;
	v24 =	vcvt.f32.s32 v12;
	v14 =	vshrl.u32 v14, $0x1  }
0x142: {  	v12 =	vshrl.u32 v16, $0x1;
	v16 =	vcvt.f32.s32 v18;
	v18 =	vcvt.f32.s32 v27  }
0x143: {  	v22 =	vcvt.f32.s32 v22;
	v15 =	vcvt.f32.s32 v15;
	v17 =	vshrl.u32 v17, $0x1  }
0x144: {  	v19 =	vshrl.u32 v19, $0x1;
	v20 =	vshrl.u32 v20, $0x1;
	v21 =	vshrl.u32 v21, $0x1  }
0x145: {  	v14 =	vshrl.u32 v14, $0xE;
	v25 =	vshrl.u32 v12, $0xE;
	v12 =	vshrl.u32 v23, $0x1  }
0x146: {  	v19 =	vshrl.u32 v19, $0xE;
	v20 =	vshrl.u32 v20, $0xE;
	v23 =	vshrl.u32 v17, $0xE  }
.Ltmp4:
0x147: {  	v11 =	vshll.u32 v11, $0x11;
	v21 =	vshrl.u32 v21, $0xE;
	v12 =	vshrl.u32 v12, $0xE;
	(pc) =	sbr.rel @p1 .LBB2_11-.Ltmp4, $4  }
0x148: {  	v17 =	vshll.u32 v24, $0x11;
	v24 =	vshll.u32 v13, $0x11;
	v16 =	vshll.u32 v16, $0x11  }
0x149: {  	v22 =	vshll.u32 v22, $0x11;
	v26 =	vshll.u32 v18, $0x11;
	v13 =	vshll.u32 v15, $0x11  }
0x14a: {  	v18 =	vor.u32 v14, v11;
	v17 =	vor.u32 v25, v17;
	v11 =	vor.u32 v23, v24  }
0x14b: {  	s25 =	sshra.s32 s26, $0x2;
	s26 =	sadd.s32 $0x200, s26;
	v16 =	vor.u32 v19, v16;
	v15 =	vor.u32 v20, v26;
	v14 =	vor.u32 v21, v22;
	[tilespmem:s3+$0xF020] =	vst v18  }
0x14c: {  	v19 =	vld [tilespmem:s25+$0xE090];
	[tilespmem:s3+$0xF030] =	vst v17;
	v18 =	vadd.s32 $0x40000, v18  }
0x14d: {  	v39 =	vadd.s32 $0x40000, v17;
	v40 =	vadd.s32 $0x40000, v11;
	v41 =	vadd.s32 $0x40000, v16;
	v20 =	vld [tilespmem:s25+$0xE020];
	[tilespmem:s3+$0x10020] =	vst v18  }
0x14e: {  	v42 =	vadd.s32 $0x40000, v15;
	v43 =	vadd.s32 $0x40000, v14;
	v12 =	vor.u32 v12, v13;
	v18 =	vld [tilespmem:s25+$0xE030];
	[tilespmem:s3+$0x10030] =	vst v39  }
0x14f: {  	v4 =	vmax.f32 v4, $0.0e+00;
	v5 =	vmax.f32 v5, $0.0e+00;
	v6 =	vmax.f32 v6, $0.0e+00;
	v21 =	vld [tilespmem:s25+$0xE040]  }
0x150: {  	v9 =	vmax.f32 v9, $0.0e+00;
	v7 =	vmax.f32 v7, $0.0e+00;
	v10 =	vmax.f32 v10, $0.0e+00;
	[tilespmem:s3+$0x10040] =	vst v40  }
0x151: {  	v8 =	vmax.f32 v8, $0.0e+00;
	v26 =	vmax.f32 v3, $0.0e+00;
	v13 =	vadd.s32 $0x40000, v12;
	v22 =	vld [tilespmem:s25+$0xD090];
	[tilespmem:s3+$0x10050] =	vst v41  }
0x152: {  	v23 =	vld [tilespmem:s25+$0xE050];
	[tilespmem:s3+$0x10060] =	vst v42;
	v44 =	vadd.f32 v19, v19;
	v19 =	vtrunc.f32 v19;
	v3 =	vadd.f32 v20, v20  }
0x153: {  	v24 =	vld [tilespmem:s25+$0xE060];
	[tilespmem:s3+$0x10070] =	vst v43;
	v45 =	vtrunc.f32 v20;
	v19 =	vcvt.f32.s32 v19;
	v46 =	vadd.f32 v18, v18  }
0x154: {  	v17 =	vld [tilespmem:s25+$0xE070];
	[tilespmem:s3+$0x10080] =	vst v13;
	v18 =	vtrunc.f32 v18;
	v28 =	vadd.f32 $-1.000000000e+00, v3;
	v3 =	vadd.f32 v21, v21  }
0x155: {  	v13 =	vld [tilespmem:s25+$0xE080];
	[tilespmem:s3+$0xF040] =	vst v11;
	v47 =	vtrunc.f32 v21;
	v19 =	vshll.u32 v19, $0x11;
	v18 =	vcvt.f32.s32 v18  }
0x156: {  	v11 =	vld [tilespmem:s25+$0xD020];
	[tilespmem:s3+$0xF050] =	vst v16;
	v16 =	vadd.f32 $-1.000000000e+00, v44;
	v20 =	vadd.f32 $-1.000000000e+00, v46;
	v42 =	vcvt.f32.s32 v47  }
0x157: {  	v25 =	vld [tilespmem:s25+$0xD030];
	[tilespmem:s3+$0xF060] =	vst v15;
	v15 =	vcvt.f32.s32 v45;
	v49 =	vadd.f32 $-1.000000000e+00, v3;
	v29 =	vadd.f32 v23, v23  }
0x158: {  	v50 =	vtrunc.f32 v23;
	v18 =	vshll.u32 v18, $0x11;
	v16 =	vmul.f32 v16, v22  }
0x159: {  	v27 =	vld [tilespmem:s25+$0xD040];
	[tilespmem:s3+$0xF070] =	vst v14;
	v51 =	vadd.f32 v24, v24;
	v24 =	vtrunc.f32 v24;
	v29 =	vadd.f32 $-1.000000000e+00, v29  }
0x15a: {  	v48 =	vld [tilespmem:s25+$0xD050];
	[tilespmem:s3+$0xF080] =	vst v12;
	v30 =	vadd.f32 v17, v17;
	v53 =	vtrunc.f32 v17;
	v12 =	vcvt.f32.s32 v50  }
0x15b: {  	v44 =	vcvt.f32.s32 v24;
	v15 =	vshll.u32 v15, $0x11;
	v3 =	vsub.f32 $1.000000000e+00, v16  }
0x15c: {  	v54 =	vadd.f32 $-1.000000000e+00, v51;
	v32 =	vadd.f32 v13, v13;
	v13 =	vtrunc.f32 v13  }
0x15d: {  	v52 =	vld [tilespmem:s25+$0xD060];
	[tilespmem:s3+$0x11020] =	vst v4;
	v4 =	vcvt.f32.s32 v53;
	v11 =	vmul.f32 v28, v11;
	v56 =	vadd.f32 $-1.000000000e+00, v30  }
0x15e: {  	v46 =	vcvt.f32.s32 v13;
	v12 =	vshll.u32 v12, $0x11;
	v55 =	vand.u32 $0x7FFFFFFF, v3  }
0x15f: {  	v31 =	vld [tilespmem:s25+$0xD070];
	[tilespmem:s3+$0x11030] =	vst v5;
	vm3 =	vlt.s32 v3, $0x0;
	v58 =	vadd.f32 $-1.000000000e+00, v32;
	v20 =	vmul.f32 v20, v25  }
0x160: {  	v57 =	vld [tilespmem:s25+$0xD080];
	[tilespmem:s3+$0x11060] =	vst v7;
	v7 =	vshll.u32 v42, $0x11;
	v4 =	vshll.u32 v4, $0x11;
	v23 =	vxor.u32 $0x80000000, v55  }
0x161: {  	v22 =	vmul.f32 v49, v27;
	v11 =	vsub.f32 $1.000000000e+00, v11;
	v23 =	vxor.u32 $0xFFFFFFFF, v23  }
0x162: {  	v21 =	vmul.f32 v29, v48;
	v20 =	vsub.f32 $1.000000000e+00, v20;
	v23 =	vsel vm3, v3, v23  }
0x163: {  	v16 =	vmul.f32 v54, v52;
	v22 =	vsub.f32 $1.000000000e+00, v22;
	v61 =	vand.u32 $0x7FFFFFFF, v11  }
0x164: {  	vm3 =	vlt.s32 v11, $0x0;
	v52 =	vshll.u32 v44, $0x11;
	v3 =	vmax.f32 v3, $0.0e+00  }
0x165: {  	[tilespmem:s3+$0x11040] =	vst v6;
	v23 =	vshrl.u32 v23, $0x1;
	v5 =	vmul.f32 v56, v31;
	v21 =	vsub.f32 $1.000000000e+00, v21  }
0x166: {  	[tilespmem:s3+$0x11050] =	vst v9;
	v62 =	vand.u32 $0x7FFFFFFF, v20;
	v25 =	vxor.u32 $0x80000000, v61;
	v23 =	vshrl.u32 v23, $0xE  }
0x167: {  	[tilespmem:s3+$0x11070] =	vst v10;
	v60 =	vmul.f32 v58, v57;
	v16 =	vsub.f32 $1.000000000e+00, v16;
	v25 =	vxor.u32 $0xFFFFFFFF, v25  }
0x168: {  	[tilespmem:s3+$0x11080] =	vst v8;
	v63 =	vand.u32 $0x7FFFFFFF, v22;
	v59 =	vor.u32 v23, v19;
	v25 =	vsel vm3, v11, v25  }
0x169: {  	v27 =	vxor.u32 $0x80000000, v62;
	v23 =	vadd.s32 $0x40000, v59;
	v41 =	vshrl.u32 v25, $0x1;
	[tilespmem:s25+$0xF090] =	vst v59  }
0x16a: {  	v58 =	vmax.f32 v11, $0.0e+00;
	v5 =	vsub.f32 $1.000000000e+00, v5;
	v9 =	vshrl.u32 v41, $0xE;
	[tilespmem:s25+$0x10090] =	vst v23  }
0x16b: {  	v36 =	vand.u32 $0x7FFFFFFF, v21;
	v28 =	vxor.u32 $0x80000000, v63;
	[tilespmem:s3+$0x11090] =	vst v26;
	v9 =	vor.u32 v9, v15  }
0x16c: {  	v27 =	vxor.u32 $0xFFFFFFFF, v27;
	vm3 =	vlt.s32 v20, $0x0;
	v61 =	vmax.f32 v21, $0.0e+00;
	[tilespmem:s25+$0xF020] =	vst v9  }
0x16d: {  	v19 =	vsub.f32 $1.000000000e+00, v60;
	v37 =	vand.u32 $0x7FFFFFFF, v16;
	v59 =	vmax.f32 v20, $0.0e+00;
	[tilespmem:s25+$0x11020] =	vst v58  }
0x16e: {  	v29 =	vxor.u32 $0x80000000, v36;
	v28 =	vxor.u32 $0xFFFFFFFF, v28;
	v60 =	vmax.f32 v22, $0.0e+00;
	[tilespmem:s25+$0x11030] =	vst v59  }
0x16f: {  	v27 =	vsel vm3, v20, v27;
	vm3 =	vlt.s32 v22, $0x0;
	v62 =	vmax.f32 v16, $0.0e+00;
	[tilespmem:s25+$0x11040] =	vst v60  }
0x170: {  	v38 =	vand.u32 $0x7FFFFFFF, v5;
	v30 =	vxor.u32 $0x80000000, v37;
	v29 =	vxor.u32 $0xFFFFFFFF, v29;
	[tilespmem:s25+$0x11050] =	vst v61  }
0x171: {  	v28 =	vsel vm3, v22, v28;
	v43 =	vshrl.u32 v27, $0x1;
	v63 =	vmax.f32 v19, $0.0e+00;
	[tilespmem:s25+$0x11060] =	vst v62  }
0x172: {  	vm3 =	vlt.s32 v21, $0x0;
	v31 =	vxor.u32 $0x80000000, v38;
	v14 =	vshrl.u32 v43, $0xE;
	[tilespmem:s25+$0x11080] =	vst v63  }
0x173: {  	v30 =	vxor.u32 $0xFFFFFFFF, v30;
	v29 =	vsel vm3, v21, v29;
	v14 =	vor.u32 v14, v18;
	[tilespmem:s25+$0x11090] =	vst v3  }
0x174: {  	vm3 =	vlt.s32 v16, $0x0;
	v45 =	vshrl.u32 v28, $0x1;
	v9 =	vadd.s32 $0x40000, v9;
	[tilespmem:s25+$0xF030] =	vst v14  }
0x175: {  	v31 =	vxor.u32 $0xFFFFFFFF, v31;
	v50 =	vshrl.u32 v45, $0xE;
	v14 =	vadd.s32 $0x40000, v14;
	[tilespmem:s25+$0x10020] =	vst v9  }
0x176: {  	v30 =	vsel vm3, v16, v30;
	vm3 =	vlt.s32 v5, $0x0;
	v7 =	vor.u32 v50, v7;
	[tilespmem:s25+$0x10030] =	vst v14  }
0x177: {  	v47 =	vshrl.u32 v29, $0x1;
	v31 =	vsel vm3, v5, v31;
	v5 =	vmax.f32 v5, $0.0e+00;
	[tilespmem:s25+$0xF040] =	vst v7  }
0x178: {  	v39 =	vand.u32 $0x7FFFFFFF, v19;
	v13 =	vshrl.u32 v47, $0xE;
	v54 =	vadd.s32 $0x40000, v7;
	[tilespmem:s25+$0x11070] =	vst v5  }
0x179: {  	v32 =	vxor.u32 $0x80000000, v39;
	v48 =	vshrl.u32 v30, $0x1;
	v53 =	vor.u32 v13, v12;
	[tilespmem:s25+$0x10040] =	vst v54  }
0x17a: {  	v40 =	vxor.u32 $0xFFFFFFFF, v32;
	v51 =	vshrl.u32 v48, $0xE;
	v13 =	vadd.s32 $0x40000, v53;
	[tilespmem:s25+$0xF050] =	vst v53  }
0x17b: {  	vm3 =	vlt.s32 v19, $0x0;
	v49 =	vshrl.u32 v31, $0x1;
	v9 =	vor.u32 v51, v52;
	[tilespmem:s25+$0x10050] =	vst v13  }
0x17c: {  	v6 =	vsel vm3, v19, v40;
	v17 =	vshrl.u32 v49, $0xE;
	v55 =	vadd.s32 $0x40000, v9;
	[tilespmem:s25+$0xF060] =	vst v9  }
0x17d: {  	v6 =	vshrl.u32 v6, $0x1;
	v4 =	vor.u32 v17, v4;
	[tilespmem:s25+$0x10060] =	vst v55  }
0x17e: {  	v8 =	vshll.u32 v46, $0x11;
	v6 =	vshrl.u32 v6, $0xE;
	v56 =	vadd.s32 $0x40000, v4;
	[tilespmem:s25+$0xF070] =	vst v4  }
0x17f: {  	v6 =	vor.u32 v6, v8;
	[tilespmem:s25+$0x10070] =	vst v56  }
0x180: {  	v57 =	vadd.s32 $0x40000, v6;
	[tilespmem:s25+$0xF080] =	vst v6  }
0x181: {  	[tilespmem:s25+$0x10080] =	vst v57  }
0x182: {  	_ =	swait.ge [sflag:s24], $0x80  }
0x183: {  	[sflag:s24] =	ssyncset.done $0x0  }
0x184: {  	[sflag:s24] =	ssyncadd.s32 $0xFFFFFF80  }
0x185: {  	_ =	swait.ge [sflag:s24], $0x80  }
0x186: {  	s3 =	simm.s32 $0x1F;
	[sflag:s24] =	ssyncset.done $0x0  }
.LBB2_13:
0x187: {  	p0 =	sne.s32 s3, $0x1;
	s3 =	sadd.s32 $0xFFFFFFFF, s3;
	[sflag:s24] =	ssyncadd.s32 $0xFFFFFF80  }
.Ltmp5:
0x188: {  	_ =	swait.ge [sflag:s24], $0x80;
	(pc) =	sbr.rel @p0 .LBB2_13-.Ltmp5, $4  }
0x189: {  	[sflag:s24] =	ssyncset.done $0x0  }
0x18a: {  	[sflag:s24] =	ssyncadd.s32 $0xFFFFFF80  }
0x18b: {  	_ =	swait.ge [sflag:s24], $0x80  }
0x18c: {  	[sflag:s24] =	ssyncset.done $0x0  }
0x18d: {  	[sflag:s24] =	ssyncadd.s32 $0xFFFFFF80;
	s3 =	simm.s32 $0x12020;
	s7 =	simm.s32 $0xF020  }
0x18e: {  	[spmem:s1] =	stream.indirect.scatter.add.f32 [tilespmem:s3], [sflag:$0x1], $0x1, s7, s21, $0xb8;
	[tilespmem:$0x1D1A0] =	vst v63  }
0x18f: {  	s12 =	simm.s32 $0x10020;
	s3 =	simm.s32 $0x200;
	s7 =	simm.s32 $0x11020  }
.LBB2_15:
0x190: {  	[spmem:s1] =	stream.indirect.scatter.add.f32 [tilespmem:s7], [sflag:$0x1], $0x1, s12, s21, $0xb8;
	[tilespmem:$0x1D1A0] =	vst v63  }
0x191: {  	s7 =	smov.u32 s3;
	p0 =	sne.s32 s3, $0x3E00  }
.Ltmp6:
0x192: {  	s3 =	sadd.s32 $0x200, s3;
	(pc) =	sbr.rel @p0 .LBB2_15-.Ltmp6, $4  }
0x193: {  	s12 =	sshra.s32 s7, $0x2  }
0x194: {  	s7 =	sadd.s32 $0x12020, s12;
	s25 =	sadd.s32 $0xF020, s12  }
0x195: {  	[spmem:s1] =	stream.indirect.scatter.add.f32 [tilespmem:s7], [sflag:$0x1], $0x1, s25, s21, $0xb8;
	[tilespmem:$0x1D1A0] =	vst v63  }
0x196: {  	s7 =	sadd.s32 $0x11020, s12;
	s12 =	sadd.s32 $0x10020, s12  }
0x197: {  	[spmem:s1] =	stream.indirect.scatter.add.f32 [tilespmem:s7], [sflag:$0x1], $0x1, s12, s21, $0xb8;
	[tilespmem:$0x1D1A0] =	vst v63  }
0x198: {  	s3 =	sor.u32 $0x400, s2  }
0x199: {  	s29 =	simm.s32 $0x0;
	s28 =	sadd.s32 s5, s3  }
0x19a: {  	[tilespmem:s13], [sflag:$0x2] =	stream.linear.gather [hbm4b:s28+s29], $0x1000, $0x38;
	[tilespmem:$0x1D1A0] =	vst v63  }
0x19b: {  	_ =	swait.ge [sflag:s18], $0x1000  }
0x19c: {  	[sflag:s18] =	ssyncset.done $0x0  }
0x19d: {  	s3 =	sadd.s32 s6, s3;
	[sflag:s18] =	ssyncadd.s32 $0xFFFFF000  }
0x19e: {  	[tilespmem:s20], [sflag:$0x2] =	stream.linear.gather [hbm4b:s3+s29], $0x1000, $0x38;
	[tilespmem:$0x1D1A0] =	vst v63  }
0x19f: {  	_ =	swait.ge [sflag:s18], $0x1000  }
0x1a0: {  	[sflag:s18] =	ssyncset.done $0x0  }
0x1a1: {  	s3 =	simm.s32 $0x0;
	[sflag:s18] =	ssyncadd.s32 $0xFFFFF000  }
0x1a2: {  	v4 =	vld [tilespmem:s3+$0x9090]  }
0x1a3: {  	v3 =	vld [tilespmem:s3+$0x9020]  }
0x1a4: {  	v5 =	vld [tilespmem:s3+$0x9030]  }
0x1a5: {  	v6 =	vld [tilespmem:s3+$0x9040]  }
0x1a6: {  	v8 =	vld [tilespmem:s3+$0x9050]  }
0x1a7: {  	v11 =	vld [tilespmem:s3+$0x9060]  }
0x1a8: {  	v16 =	vld [tilespmem:s3+$0x9080];
	_ =	sdelay $0x1  }
0x1a9: {  	v10 =	vadd.f32 v3, v3;
	v3 =	vtrunc.f32 v3;
	v13 =	vtrunc.f32 v5  }
0x1aa: {  	v9 =	vadd.f32 v4, v4;
	v15 =	vtrunc.f32 v6;
	v18 =	vtrunc.f32 v8  }
0x1ab: {  	v19 =	vadd.f32 v11, v11;
	v11 =	vtrunc.f32 v11;
	v4 =	vtrunc.f32 v4  }
0x1ac: {  	v23 =	vadd.f32 v16, v16;
	v16 =	vtrunc.f32 v16;
	v17 =	vcvt.f32.s32 v3  }
0x1ad: {  	v7 =	vld [tilespmem:s3+$0x8090];
	v12 =	vadd.f32 v5, v5;
	v4 =	vcvt.f32.s32 v4;
	v13 =	vcvt.f32.s32 v13  }
0x1ae: {  	v20 =	vld [tilespmem:s3+$0x8050];
	v14 =	vadd.f32 v6, v6;
	v15 =	vcvt.f32.s32 v15;
	v18 =	vcvt.f32.s32 v18  }
0x1af: {  	v5 =	vld [tilespmem:s3+$0x9070];
	v11 =	vcvt.f32.s32 v11;
	v9 =	vadd.f32 $-1.000000000e+00, v9;
	v10 =	vadd.f32 $-1.000000000e+00, v10  }
0x1b0: {  	v6 =	vld [tilespmem:s3+$0x8020];
	v16 =	vcvt.f32.s32 v16;
	v12 =	vadd.f32 $-1.000000000e+00, v12;
	v19 =	vadd.f32 $-1.000000000e+00, v19  }
0x1b1: {  	v25 =	vld [tilespmem:s3+$0x8080];
	v23 =	vadd.f32 $-1.000000000e+00, v23;
	v4 =	vshll.u32 v4, $0x11;
	v17 =	vshll.u32 v17, $0x11  }
0x1b2: {  	v63 =	vshll.u32 v13, $0x11;
	v15 =	vshll.u32 v15, $0x11;
	v3 =	vmul.f32 v9, v7;
	v7 =	vld [tilespmem:s3+$0x8030]  }
0x1b3: {  	v28 =	vshll.u32 v18, $0x11;
	v9 =	vadd.f32 $-1.000000000e+00, v14;
	v14 =	vadd.f32 v8, v8;
	v8 =	vld [tilespmem:s3+$0x8040]  }
0x1b4: {  	v21 =	vadd.f32 v5, v5;
	v22 =	vtrunc.f32 v5;
	v5 =	vld [tilespmem:s3+$0x8060];
	v3 =	vsub.f32 $1.000000000e+00, v3  }
0x1b5: {  	v13 =	vshll.u32 v16, $0x11;
	v6 =	vmul.f32 v10, v6;
	v10 =	vld [tilespmem:s3+$0x8070];
	v22 =	vcvt.f32.s32 v22  }
0x1b6: {  	v14 =	vadd.f32 $-1.000000000e+00, v14;
	v21 =	vadd.f32 $-1.000000000e+00, v21;
	v24 =	vand.u32 $0x7FFFFFFF, v3  }
0x1b7: {  	vm3 =	vlt.s32 v3, $0x0;
	v22 =	vshll.u32 v22, $0x11;
	v24 =	vxor.u32 $0x80000000, v24  }
0x1b8: {  	v7 =	vmul.f32 v12, v7;
	v8 =	vmul.f32 v9, v8;
	v24 =	vxor.u32 $0xFFFFFFFF, v24  }
0x1b9: {  	v12 =	vmul.f32 v14, v20;
	v14 =	vmul.f32 v19, v5;
	v24 =	vsel vm3, v3, v24  }
0x1ba: {  	v20 =	vmul.f32 v23, v25;
	v10 =	vmul.f32 v21, v10;
	v9 =	vshrl.u32 v24, $0x1  }
0x1bb: {  	v5 =	vsub.f32 $1.000000000e+00, v7;
	v7 =	vsub.f32 $1.000000000e+00, v14;
	v9 =	vshrl.u32 v9, $0xE  }
0x1bc: {  	v10 =	vsub.f32 $1.000000000e+00, v10;
	v19 =	vor.u32 v9, v4;
	v4 =	vsub.f32 $1.000000000e+00, v6  }
0x1bd: {  	vm4 =	vlt.s32 v5, $0x0;
	v6 =	vsub.f32 $1.000000000e+00, v8;
	v9 =	vsub.f32 $1.000000000e+00, v12  }
0x1be: {  	v12 =	vand.u32 $0x7FFFFFFF, v5;
	v8 =	vsub.f32 $1.000000000e+00, v20;
	v61 =	vand.u32 $0x7FFFFFFF, v7  }
0x1bf: {  	v62 =	vand.u32 $0x7FFFFFFF, v10;
	vm14 =	vlt.s32 v10, $0x0;
	v59 =	vadd.s32 $0x40000, v19  }
0x1c0: {  	v12 =	vxor.u32 $0x80000000, v12;
	v24 =	vxor.u32 $0x80000000, v61;
	v25 =	vxor.u32 $0x80000000, v62  }
0x1c1: {  	[tilespmem:s3+$0xA090] =	vst v19;
	v19 =	vshll.u32 v11, $0x11;
	v60 =	vand.u32 $0x7FFFFFFF, v4;
	v14 =	vand.u32 $0x7FFFFFFF, v6  }
0x1c2: {  	v20 =	vand.u32 $0x7FFFFFFF, v9;
	v26 =	vand.u32 $0x7FFFFFFF, v8;
	v12 =	vxor.u32 $0xFFFFFFFF, v12  }
0x1c3: {  	v24 =	vxor.u32 $0xFFFFFFFF, v24;
	v25 =	vxor.u32 $0xFFFFFFFF, v25;
	vm3 =	vlt.s32 v4, $0x0  }
0x1c4: {  	vm5 =	vlt.s32 v6, $0x0;
	vm6 =	vlt.s32 v9, $0x0;
	vm15 =	vlt.s32 v8, $0x0  }
0x1c5: {  	v23 =	vxor.u32 $0x80000000, v60;
	v14 =	vxor.u32 $0x80000000, v14;
	v20 =	vxor.u32 $0x80000000, v20  }
0x1c6: {  	v26 =	vxor.u32 $0x80000000, v26;
	v12 =	vsel vm4, v5, v12;
	v25 =	vsel vm14, v10, v25  }
0x1c7: {  	v23 =	vxor.u32 $0xFFFFFFFF, v23;
	v14 =	vxor.u32 $0xFFFFFFFF, v14;
	v20 =	vxor.u32 $0xFFFFFFFF, v20  }
0x1c8: {  	v26 =	vxor.u32 $0xFFFFFFFF, v26;
	v12 =	vshrl.u32 v12, $0x1;
	v25 =	vshrl.u32 v25, $0x1  }
0x1c9: {  	v23 =	vsel vm3, v4, v23;
	vm3 =	vlt.s32 v7, $0x0;
	v14 =	vsel vm5, v6, v14  }
0x1ca: {  	v20 =	vsel vm6, v9, v20;
	v26 =	vsel vm15, v8, v26;
	v27 =	vshrl.u32 v12, $0xE  }
0x1cb: {  	v25 =	vshrl.u32 v25, $0xE;
	v24 =	vsel vm3, v7, v24;
	v23 =	vshrl.u32 v23, $0x1  }
0x1cc: {  	v14 =	vshrl.u32 v14, $0x1;
	v20 =	vshrl.u32 v20, $0x1;
	v12 =	vshrl.u32 v26, $0x1  }
0x1cd: {  	v24 =	vshrl.u32 v24, $0x1;
	v23 =	vshrl.u32 v23, $0xE;
	v14 =	vshrl.u32 v14, $0xE  }
0x1ce: {  	v20 =	vshrl.u32 v20, $0xE;
	v12 =	vshrl.u32 v12, $0xE;
	v24 =	vshrl.u32 v24, $0xE  }
0x1cf: {  	[tilespmem:s3+$0xB090] =	vst v59;
	v18 =	vor.u32 v23, v17;
	v17 =	vor.u32 v27, v63;
	v11 =	vor.u32 v14, v15  }
0x1d0: {  	s25 =	simm.s32 $0x80;
	s26 =	simm.s32 $0x400;
	v16 =	vor.u32 v20, v28;
	v14 =	vor.u32 v25, v22;
	[tilespmem:s3+$0xA020] =	vst v18;
	v15 =	vor.u32 v24, v19  }
.LBB2_17:
0x1d1: {  	p1 =	sne.s32 s26, $0x3E00;
	v19 =	vld [tilespmem:s25+$0x9090];
	v18 =	vadd.s32 $0x40000, v18;
	[tilespmem:s3+$0xA030] =	vst v17;
	v17 =	vadd.s32 $0x40000, v17;
	v20 =	vor.u32 v12, v13  }
0x1d2: {  	v13 =	vadd.s32 $0x40000, v11;
	v21 =	vadd.s32 $0x40000, v15;
	v12 =	vld [tilespmem:s25+$0x9020];
	[tilespmem:s3+$0xB020] =	vst v18;
	v18 =	vadd.s32 $0x40000, v16  }
0x1d3: {  	v4 =	vmax.f32 v4, $0.0e+00;
	v23 =	vadd.s32 $0x40000, v20;
	v22 =	vld [tilespmem:s25+$0x9030];
	[tilespmem:s3+$0xB030] =	vst v17;
	v17 =	vadd.s32 $0x40000, v14  }
0x1d4: {  	v5 =	vmax.f32 v5, $0.0e+00;
	v6 =	vmax.f32 v6, $0.0e+00;
	v9 =	vmax.f32 v9, $0.0e+00;
	v24 =	vld [tilespmem:s25+$0x9040];
	[tilespmem:s3+$0xB040] =	vst v13  }
0x1d5: {  	v7 =	vmax.f32 v7, $0.0e+00;
	v10 =	vmax.f32 v10, $0.0e+00;
	v8 =	vmax.f32 v8, $0.0e+00;
	v25 =	vld [tilespmem:s25+$0x8090];
	[tilespmem:s3+$0xB050] =	vst v18  }
0x1d6: {  	v18 =	vld [tilespmem:s25+$0x9050];
	v13 =	vadd.f32 v19, v19;
	[tilespmem:s3+$0xB060] =	vst v21;
	v21 =	vmax.f32 v3, $0.0e+00  }
0x1d7: {  	v3 =	vadd.f32 v12, v12;
	v26 =	vtrunc.f32 v12;
	v27 =	vld [tilespmem:s25+$0x9060];
	[tilespmem:s3+$0xB070] =	vst v17  }
0x1d8: {  	v17 =	vadd.f32 v22, v22;
	v12 =	vtrunc.f32 v22;
	v22 =	vld [tilespmem:s25+$0x9070];
	v28 =	vadd.f32 $-1.000000000e+00, v13;
	[tilespmem:s3+$0xB080] =	vst v23  }
0x1d9: {  	v23 =	vadd.f32 $-1.000000000e+00, v3;
	v3 =	vadd.f32 v24, v24;
	v13 =	vtrunc.f32 v24;
	v24 =	vld [tilespmem:s25+$0x9080];
	[tilespmem:s3+$0xA040] =	vst v11  }
0x1da: {  	v11 =	vcvt.f32.s32 v26;
	v29 =	vld [tilespmem:s25+$0x8020];
	v17 =	vadd.f32 $-1.000000000e+00, v17;
	v25 =	vmul.f32 v28, v25;
	[tilespmem:s3+$0xA050] =	vst v16  }
0x1db: {  	v16 =	vld [tilespmem:s25+$0x8030];
	v26 =	vadd.f32 $-1.000000000e+00, v3;
	v28 =	vadd.f32 v18, v18;
	v18 =	vtrunc.f32 v18;
	[tilespmem:s3+$0xA060] =	vst v15  }
0x1dc: {  	v15 =	vld [tilespmem:s25+$0x8040];
	v30 =	vadd.f32 v27, v27;
	v27 =	vtrunc.f32 v27;
	v3 =	vsub.f32 $1.000000000e+00, v25;
	[tilespmem:s3+$0xA070] =	vst v14  }
0x1dd: {  	v14 =	vld [tilespmem:s25+$0x8050];
	v25 =	vadd.f32 $-1.000000000e+00, v28;
	v28 =	vadd.f32 v22, v22;
	v22 =	vtrunc.f32 v22;
	[tilespmem:s3+$0xA080] =	vst v20  }
0x1de: {  	v20 =	vld [tilespmem:s25+$0x8060];
	v30 =	vadd.f32 $-1.000000000e+00, v30;
	v31 =	vadd.f32 v24, v24;
	v32 =	vand.u32 $0x7FFFFFFF, v3;
	[tilespmem:s3+$0xC020] =	vst v4  }
0x1df: {  	v4 =	vmul.f32 v23, v29;
	v23 =	vld [tilespmem:s25+$0x8070];
	v28 =	vadd.f32 $-1.000000000e+00, v28;
	v29 =	vxor.u32 $0x80000000, v32;
	[tilespmem:s3+$0xC030] =	vst v5  }
0x1e0: {  	v19 =	vtrunc.f32 v19;
	vm3 =	vlt.s32 v3, $0x0;
	v5 =	vld [tilespmem:s25+$0x8080];
	v29 =	vxor.u32 $0xFFFFFFFF, v29;
	[tilespmem:s3+$0xC040] =	vst v6  }
0x1e1: {  	v19 =	vcvt.f32.s32 v19;
	v6 =	vadd.f32 $-1.000000000e+00, v31;
	v29 =	vsel vm3, v3, v29;
	[tilespmem:s3+$0xC050] =	vst v9  }
0x1e2: {  	v9 =	vmul.f32 v17, v16;
	v15 =	vmul.f32 v26, v15;
	v16 =	vshrl.u32 v29, $0x1;
	[tilespmem:s3+$0xC060] =	vst v7  }
0x1e3: {  	v7 =	vmul.f32 v25, v14;
	v14 =	vshrl.u32 v16, $0xE;
	v16 =	vshll.u32 v19, $0x11;
	[tilespmem:s3+$0xC070] =	vst v10  }
0x1e4: {  	v10 =	vmul.f32 v30, v20;
	v17 =	vmul.f32 v28, v23;
	v14 =	vor.u32 v14, v16;
	[tilespmem:s3+$0xC080] =	vst v8  }
0x1e5: {  	v4 =	vsub.f32 $1.000000000e+00, v4;
	v8 =	vmul.f32 v6, v5;
	[tilespmem:s25+$0xA090] =	vst v14;
	v14 =	vadd.s32 $0x40000, v14  }
0x1e6: {  	v5 =	vsub.f32 $1.000000000e+00, v9;
	v6 =	vsub.f32 $1.000000000e+00, v15;
	v15 =	vtrunc.f32 v24;
	[tilespmem:s25+$0xB090] =	vst v14  }
0x1e7: {  	v9 =	vsub.f32 $1.000000000e+00, v7;
	v7 =	vsub.f32 $1.000000000e+00, v10;
	v14 =	vand.u32 $0x7FFFFFFF, v4;
	[tilespmem:s3+$0xC090] =	vst v21;
	s3 =	smov.u32 s25  }
0x1e8: {  	v10 =	vsub.f32 $1.000000000e+00, v17;
	v16 =	vand.u32 $0x7FFFFFFF, v5;
	v8 =	vsub.f32 $1.000000000e+00, v8  }
0x1e9: {  	v17 =	vand.u32 $0x7FFFFFFF, v6;
	v19 =	vand.u32 $0x7FFFFFFF, v9;
	v20 =	vand.u32 $0x7FFFFFFF, v7  }
0x1ea: {  	v14 =	vxor.u32 $0x80000000, v14;
	v21 =	vand.u32 $0x7FFFFFFF, v10;
	v23 =	vand.u32 $0x7FFFFFFF, v8  }
0x1eb: {  	v16 =	vxor.u32 $0x80000000, v16;
	v17 =	vxor.u32 $0x80000000, v17;
	v19 =	vxor.u32 $0x80000000, v19  }
0x1ec: {  	v20 =	vxor.u32 $0x80000000, v20;
	v21 =	vxor.u32 $0x80000000, v21;
	v23 =	vxor.u32 $0x80000000, v23  }
0x1ed: {  	v14 =	vxor.u32 $0xFFFFFFFF, v14;
	v16 =	vxor.u32 $0xFFFFFFFF, v16;
	v17 =	vxor.u32 $0xFFFFFFFF, v17  }
0x1ee: {  	v19 =	vxor.u32 $0xFFFFFFFF, v19;
	v20 =	vxor.u32 $0xFFFFFFFF, v20;
	v21 =	vxor.u32 $0xFFFFFFFF, v21  }
0x1ef: {  	vm3 =	vlt.s32 v4, $0x0;
	vm4 =	vlt.s32 v5, $0x0;
	v23 =	vxor.u32 $0xFFFFFFFF, v23  }
0x1f0: {  	vm5 =	vlt.s32 v6, $0x0;
	vm6 =	vlt.s32 v9, $0x0;
	vm7 =	vlt.s32 v7, $0x0  }
0x1f1: {  	v14 =	vsel vm3, v4, v14;
	vm3 =	vlt.s32 v10, $0x0;
	vm8 =	vlt.s32 v8, $0x0  }
0x1f2: {  	v16 =	vsel vm4, v5, v16;
	v17 =	vsel vm5, v6, v17;
	v19 =	vsel vm6, v9, v19  }
0x1f3: {  	v20 =	vsel vm7, v7, v20;
	v21 =	vsel vm3, v10, v21;
	v23 =	vsel vm8, v8, v23  }
0x1f4: {  	v13 =	vcvt.f32.s32 v13;
	v24 =	vcvt.f32.s32 v12;
	v14 =	vshrl.u32 v14, $0x1  }
0x1f5: {  	v12 =	vshrl.u32 v16, $0x1;
	v16 =	vcvt.f32.s32 v18;
	v18 =	vcvt.f32.s32 v27  }
0x1f6: {  	v22 =	vcvt.f32.s32 v22;
	v15 =	vcvt.f32.s32 v15;
	v17 =	vshrl.u32 v17, $0x1  }
0x1f7: {  	v19 =	vshrl.u32 v19, $0x1;
	v20 =	vshrl.u32 v20, $0x1;
	v21 =	vshrl.u32 v21, $0x1  }
0x1f8: {  	v14 =	vshrl.u32 v14, $0xE;
	v25 =	vshrl.u32 v12, $0xE;
	v12 =	vshrl.u32 v23, $0x1  }
0x1f9: {  	v19 =	vshrl.u32 v19, $0xE;
	v20 =	vshrl.u32 v20, $0xE;
	v23 =	vshrl.u32 v17, $0xE  }
.Ltmp7:
0x1fa: {  	v11 =	vshll.u32 v11, $0x11;
	v21 =	vshrl.u32 v21, $0xE;
	v12 =	vshrl.u32 v12, $0xE;
	(pc) =	sbr.rel @p1 .LBB2_17-.Ltmp7, $4  }
0x1fb: {  	v17 =	vshll.u32 v24, $0x11;
	v24 =	vshll.u32 v13, $0x11;
	v16 =	vshll.u32 v16, $0x11  }
0x1fc: {  	v22 =	vshll.u32 v22, $0x11;
	v26 =	vshll.u32 v18, $0x11;
	v13 =	vshll.u32 v15, $0x11  }
0x1fd: {  	v18 =	vor.u32 v14, v11;
	v17 =	vor.u32 v25, v17;
	v11 =	vor.u32 v23, v24  }
0x1fe: {  	s25 =	sshra.s32 s26, $0x2;
	s26 =	sadd.s32 $0x200, s26;
	v16 =	vor.u32 v19, v16;
	v15 =	vor.u32 v20, v26;
	v14 =	vor.u32 v21, v22;
	[tilespmem:s3+$0xA020] =	vst v18  }
0x1ff: {  	v19 =	vld [tilespmem:s25+$0x9090];
	[tilespmem:s3+$0xA030] =	vst v17;
	v18 =	vadd.s32 $0x40000, v18  }
0x200: {  	v39 =	vadd.s32 $0x40000, v17;
	v40 =	vadd.s32 $0x40000, v11;
	v41 =	vadd.s32 $0x40000, v16;
	v20 =	vld [tilespmem:s25+$0x9020];
	[tilespmem:s3+$0xB020] =	vst v18  }
0x201: {  	v42 =	vadd.s32 $0x40000, v15;
	v43 =	vadd.s32 $0x40000, v14;
	v12 =	vor.u32 v12, v13;
	v18 =	vld [tilespmem:s25+$0x9030];
	[tilespmem:s3+$0xB030] =	vst v39  }
0x202: {  	v4 =	vmax.f32 v4, $0.0e+00;
	v5 =	vmax.f32 v5, $0.0e+00;
	v6 =	vmax.f32 v6, $0.0e+00;
	v21 =	vld [tilespmem:s25+$0x9040]  }
0x203: {  	v9 =	vmax.f32 v9, $0.0e+00;
	v7 =	vmax.f32 v7, $0.0e+00;
	v10 =	vmax.f32 v10, $0.0e+00;
	[tilespmem:s3+$0xB040] =	vst v40  }
0x204: {  	v8 =	vmax.f32 v8, $0.0e+00;
	v26 =	vmax.f32 v3, $0.0e+00;
	v13 =	vadd.s32 $0x40000, v12;
	v22 =	vld [tilespmem:s25+$0x8090];
	[tilespmem:s3+$0xB050] =	vst v41  }
0x205: {  	v23 =	vld [tilespmem:s25+$0x9050];
	[tilespmem:s3+$0xB060] =	vst v42;
	v44 =	vadd.f32 v19, v19;
	v19 =	vtrunc.f32 v19;
	v3 =	vadd.f32 v20, v20  }
0x206: {  	v24 =	vld [tilespmem:s25+$0x9060];
	[tilespmem:s3+$0xB070] =	vst v43;
	v45 =	vtrunc.f32 v20;
	v19 =	vcvt.f32.s32 v19;
	v46 =	vadd.f32 v18, v18  }
0x207: {  	v17 =	vld [tilespmem:s25+$0x9070];
	[tilespmem:s3+$0xB080] =	vst v13;
	v18 =	vtrunc.f32 v18;
	v28 =	vadd.f32 $-1.000000000e+00, v3;
	v3 =	vadd.f32 v21, v21  }
0x208: {  	v13 =	vld [tilespmem:s25+$0x9080];
	[tilespmem:s3+$0xA040] =	vst v11;
	v47 =	vtrunc.f32 v21;
	v19 =	vshll.u32 v19, $0x11;
	v18 =	vcvt.f32.s32 v18  }
0x209: {  	v11 =	vld [tilespmem:s25+$0x8020];
	[tilespmem:s3+$0xA050] =	vst v16;
	v16 =	vadd.f32 $-1.000000000e+00, v44;
	v20 =	vadd.f32 $-1.000000000e+00, v46;
	v42 =	vcvt.f32.s32 v47  }
0x20a: {  	v25 =	vld [tilespmem:s25+$0x8030];
	[tilespmem:s3+$0xA060] =	vst v15;
	v15 =	vcvt.f32.s32 v45;
	v49 =	vadd.f32 $-1.000000000e+00, v3;
	v29 =	vadd.f32 v23, v23  }
0x20b: {  	v50 =	vtrunc.f32 v23;
	v18 =	vshll.u32 v18, $0x11;
	v16 =	vmul.f32 v16, v22  }
0x20c: {  	v27 =	vld [tilespmem:s25+$0x8040];
	[tilespmem:s3+$0xA070] =	vst v14;
	v51 =	vadd.f32 v24, v24;
	v24 =	vtrunc.f32 v24;
	v29 =	vadd.f32 $-1.000000000e+00, v29  }
0x20d: {  	v48 =	vld [tilespmem:s25+$0x8050];
	[tilespmem:s3+$0xA080] =	vst v12;
	v30 =	vadd.f32 v17, v17;
	v53 =	vtrunc.f32 v17;
	v12 =	vcvt.f32.s32 v50  }
0x20e: {  	v44 =	vcvt.f32.s32 v24;
	v15 =	vshll.u32 v15, $0x11;
	v3 =	vsub.f32 $1.000000000e+00, v16  }
0x20f: {  	v54 =	vadd.f32 $-1.000000000e+00, v51;
	v32 =	vadd.f32 v13, v13;
	v13 =	vtrunc.f32 v13  }
0x210: {  	v52 =	vld [tilespmem:s25+$0x8060];
	[tilespmem:s3+$0xC020] =	vst v4;
	v4 =	vcvt.f32.s32 v53;
	v11 =	vmul.f32 v28, v11;
	v56 =	vadd.f32 $-1.000000000e+00, v30  }
0x211: {  	v46 =	vcvt.f32.s32 v13;
	v12 =	vshll.u32 v12, $0x11;
	v55 =	vand.u32 $0x7FFFFFFF, v3  }
0x212: {  	v31 =	vld [tilespmem:s25+$0x8070];
	[tilespmem:s3+$0xC030] =	vst v5;
	vm3 =	vlt.s32 v3, $0x0;
	v58 =	vadd.f32 $-1.000000000e+00, v32;
	v20 =	vmul.f32 v20, v25  }
0x213: {  	v57 =	vld [tilespmem:s25+$0x8080];
	[tilespmem:s3+$0xC060] =	vst v7;
	v7 =	vshll.u32 v42, $0x11;
	v4 =	vshll.u32 v4, $0x11;
	v23 =	vxor.u32 $0x80000000, v55  }
0x214: {  	v22 =	vmul.f32 v49, v27;
	v11 =	vsub.f32 $1.000000000e+00, v11;
	v23 =	vxor.u32 $0xFFFFFFFF, v23  }
0x215: {  	v21 =	vmul.f32 v29, v48;
	v20 =	vsub.f32 $1.000000000e+00, v20;
	v23 =	vsel vm3, v3, v23  }
0x216: {  	v16 =	vmul.f32 v54, v52;
	v22 =	vsub.f32 $1.000000000e+00, v22;
	v61 =	vand.u32 $0x7FFFFFFF, v11  }
0x217: {  	vm3 =	vlt.s32 v11, $0x0;
	v52 =	vshll.u32 v44, $0x11;
	v3 =	vmax.f32 v3, $0.0e+00  }
0x218: {  	[tilespmem:s3+$0xC040] =	vst v6;
	v23 =	vshrl.u32 v23, $0x1;
	v5 =	vmul.f32 v56, v31;
	v21 =	vsub.f32 $1.000000000e+00, v21  }
0x219: {  	[tilespmem:s3+$0xC050] =	vst v9;
	v62 =	vand.u32 $0x7FFFFFFF, v20;
	v25 =	vxor.u32 $0x80000000, v61;
	v23 =	vshrl.u32 v23, $0xE  }
0x21a: {  	[tilespmem:s3+$0xC070] =	vst v10;
	v60 =	vmul.f32 v58, v57;
	v16 =	vsub.f32 $1.000000000e+00, v16;
	v25 =	vxor.u32 $0xFFFFFFFF, v25  }
0x21b: {  	[tilespmem:s3+$0xC080] =	vst v8;
	v63 =	vand.u32 $0x7FFFFFFF, v22;
	v59 =	vor.u32 v23, v19;
	v25 =	vsel vm3, v11, v25  }
0x21c: {  	v27 =	vxor.u32 $0x80000000, v62;
	v23 =	vadd.s32 $0x40000, v59;
	v41 =	vshrl.u32 v25, $0x1;
	[tilespmem:s25+$0xA090] =	vst v59  }
0x21d: {  	v58 =	vmax.f32 v11, $0.0e+00;
	v5 =	vsub.f32 $1.000000000e+00, v5;
	v9 =	vshrl.u32 v41, $0xE;
	[tilespmem:s25+$0xB090] =	vst v23  }
0x21e: {  	v36 =	vand.u32 $0x7FFFFFFF, v21;
	v28 =	vxor.u32 $0x80000000, v63;
	[tilespmem:s3+$0xC090] =	vst v26;
	v9 =	vor.u32 v9, v15  }
0x21f: {  	v27 =	vxor.u32 $0xFFFFFFFF, v27;
	vm3 =	vlt.s32 v20, $0x0;
	v61 =	vmax.f32 v21, $0.0e+00;
	[tilespmem:s25+$0xA020] =	vst v9  }
0x220: {  	v19 =	vsub.f32 $1.000000000e+00, v60;
	v37 =	vand.u32 $0x7FFFFFFF, v16;
	v59 =	vmax.f32 v20, $0.0e+00;
	[tilespmem:s25+$0xC020] =	vst v58  }
0x221: {  	v29 =	vxor.u32 $0x80000000, v36;
	v28 =	vxor.u32 $0xFFFFFFFF, v28;
	v60 =	vmax.f32 v22, $0.0e+00;
	[tilespmem:s25+$0xC030] =	vst v59  }
0x222: {  	v27 =	vsel vm3, v20, v27;
	vm3 =	vlt.s32 v22, $0x0;
	v62 =	vmax.f32 v16, $0.0e+00;
	[tilespmem:s25+$0xC040] =	vst v60  }
0x223: {  	v38 =	vand.u32 $0x7FFFFFFF, v5;
	v30 =	vxor.u32 $0x80000000, v37;
	v29 =	vxor.u32 $0xFFFFFFFF, v29;
	[tilespmem:s25+$0xC050] =	vst v61  }
0x224: {  	v28 =	vsel vm3, v22, v28;
	v43 =	vshrl.u32 v27, $0x1;
	v63 =	vmax.f32 v19, $0.0e+00;
	[tilespmem:s25+$0xC060] =	vst v62  }
0x225: {  	vm3 =	vlt.s32 v21, $0x0;
	v31 =	vxor.u32 $0x80000000, v38;
	v14 =	vshrl.u32 v43, $0xE;
	[tilespmem:s25+$0xC080] =	vst v63  }
0x226: {  	v30 =	vxor.u32 $0xFFFFFFFF, v30;
	v29 =	vsel vm3, v21, v29;
	v14 =	vor.u32 v14, v18;
	[tilespmem:s25+$0xC090] =	vst v3  }
0x227: {  	vm3 =	vlt.s32 v16, $0x0;
	v45 =	vshrl.u32 v28, $0x1;
	v9 =	vadd.s32 $0x40000, v9;
	[tilespmem:s25+$0xA030] =	vst v14  }
0x228: {  	v31 =	vxor.u32 $0xFFFFFFFF, v31;
	v50 =	vshrl.u32 v45, $0xE;
	v14 =	vadd.s32 $0x40000, v14;
	[tilespmem:s25+$0xB020] =	vst v9  }
0x229: {  	v30 =	vsel vm3, v16, v30;
	vm3 =	vlt.s32 v5, $0x0;
	v7 =	vor.u32 v50, v7;
	[tilespmem:s25+$0xB030] =	vst v14  }
0x22a: {  	v47 =	vshrl.u32 v29, $0x1;
	v31 =	vsel vm3, v5, v31;
	v5 =	vmax.f32 v5, $0.0e+00;
	[tilespmem:s25+$0xA040] =	vst v7  }
0x22b: {  	v39 =	vand.u32 $0x7FFFFFFF, v19;
	v13 =	vshrl.u32 v47, $0xE;
	v54 =	vadd.s32 $0x40000, v7;
	[tilespmem:s25+$0xC070] =	vst v5  }
0x22c: {  	v32 =	vxor.u32 $0x80000000, v39;
	v48 =	vshrl.u32 v30, $0x1;
	v53 =	vor.u32 v13, v12;
	[tilespmem:s25+$0xB040] =	vst v54  }
0x22d: {  	v40 =	vxor.u32 $0xFFFFFFFF, v32;
	v51 =	vshrl.u32 v48, $0xE;
	v13 =	vadd.s32 $0x40000, v53;
	[tilespmem:s25+$0xA050] =	vst v53  }
0x22e: {  	vm3 =	vlt.s32 v19, $0x0;
	v49 =	vshrl.u32 v31, $0x1;
	v9 =	vor.u32 v51, v52;
	[tilespmem:s25+$0xB050] =	vst v13  }
0x22f: {  	v6 =	vsel vm3, v19, v40;
	v17 =	vshrl.u32 v49, $0xE;
	v55 =	vadd.s32 $0x40000, v9;
	[tilespmem:s25+$0xA060] =	vst v9  }
0x230: {  	v6 =	vshrl.u32 v6, $0x1;
	v4 =	vor.u32 v17, v4;
	[tilespmem:s25+$0xB060] =	vst v55  }
0x231: {  	v8 =	vshll.u32 v46, $0x11;
	v6 =	vshrl.u32 v6, $0xE;
	v56 =	vadd.s32 $0x40000, v4;
	[tilespmem:s25+$0xA070] =	vst v4  }
0x232: {  	v6 =	vor.u32 v6, v8;
	[tilespmem:s25+$0xB070] =	vst v56  }
0x233: {  	v57 =	vadd.s32 $0x40000, v6;
	[tilespmem:s25+$0xA080] =	vst v6  }
0x234: {  	[tilespmem:s25+$0xB080] =	vst v57  }
0x235: {  	_ =	swait.ge [sflag:s24], $0x80  }
0x236: {  	[sflag:s24] =	ssyncset.done $0x0  }
0x237: {  	[sflag:s24] =	ssyncadd.s32 $0xFFFFFF80  }
0x238: {  	_ =	swait.ge [sflag:s24], $0x80  }
0x239: {  	s3 =	simm.s32 $0x1F;
	[sflag:s24] =	ssyncset.done $0x0  }
.LBB2_19:
0x23a: {  	p0 =	sne.s32 s3, $0x1;
	s3 =	sadd.s32 $0xFFFFFFFF, s3;
	[sflag:s24] =	ssyncadd.s32 $0xFFFFFF80  }
.Ltmp8:
0x23b: {  	_ =	swait.ge [sflag:s24], $0x80;
	(pc) =	sbr.rel @p0 .LBB2_19-.Ltmp8, $4  }
0x23c: {  	[sflag:s24] =	ssyncset.done $0x0  }
0x23d: {  	[sflag:s24] =	ssyncadd.s32 $0xFFFFFF80  }
0x23e: {  	_ =	swait.ge [sflag:s24], $0x80  }
0x23f: {  	[sflag:s24] =	ssyncset.done $0x0  }
0x240: {  	[sflag:s24] =	ssyncadd.s32 $0xFFFFFF80;
	s3 =	simm.s32 $0x12020;
	s7 =	simm.s32 $0xA020  }
0x241: {  	[spmem:s1] =	stream.indirect.scatter.add.f32 [tilespmem:s3], [sflag:$0x1], $0x1, s7, s21, $0xb8;
	[tilespmem:$0x1D1A0] =	vst v63  }
0x242: {  	s12 =	simm.s32 $0xB020;
	s3 =	simm.s32 $0x200;
	s7 =	simm.s32 $0xC020  }
.LBB2_21:
0x243: {  	[spmem:s1] =	stream.indirect.scatter.add.f32 [tilespmem:s7], [sflag:$0x1], $0x1, s12, s21, $0xb8;
	[tilespmem:$0x1D1A0] =	vst v63  }
0x244: {  	s7 =	smov.u32 s3;
	p0 =	sne.s32 s3, $0x3E00  }
.Ltmp9:
0x245: {  	s3 =	sadd.s32 $0x200, s3;
	(pc) =	sbr.rel @p0 .LBB2_21-.Ltmp9, $4  }
0x246: {  	s12 =	sshra.s32 s7, $0x2  }
0x247: {  	s7 =	sadd.s32 $0x12020, s12;
	s25 =	sadd.s32 $0xA020, s12  }
0x248: {  	[spmem:s1] =	stream.indirect.scatter.add.f32 [tilespmem:s7], [sflag:$0x1], $0x1, s25, s21, $0xb8;
	[tilespmem:$0x1D1A0] =	vst v63  }
0x249: {  	s7 =	sadd.s32 $0xC020, s12;
	s12 =	sadd.s32 $0xB020, s12  }
0x24a: {  	[spmem:s1] =	stream.indirect.scatter.add.f32 [tilespmem:s7], [sflag:$0x1], $0x1, s12, s21, $0xb8;
	[tilespmem:$0x1D1A0] =	vst v63  }
0x24b: {  	s2 =	sor.u32 $0x600, s2  }
0x24c: {  	s29 =	simm.s32 $0x0;
	s3 =	sadd.s32 s5, s2  }
0x24d: {  	[tilespmem:s22], [sflag:$0x2] =	stream.linear.gather [hbm4b:s3+s29], $0x1000, $0x38;
	[tilespmem:$0x1D1A0] =	vst v63  }
0x24e: {  	_ =	swait.ge [sflag:s18], $0x1000  }
0x24f: {  	[sflag:s18] =	ssyncset.done $0x0  }
0x250: {  	s2 =	sadd.s32 s6, s2;
	[sflag:s18] =	ssyncadd.s32 $0xFFFFF000  }
0x251: {  	[tilespmem:s23], [sflag:$0x2] =	stream.linear.gather [hbm4b:s2+s29], $0x1000, $0x38;
	[tilespmem:$0x1D1A0] =	vst v63  }
0x252: {  	_ =	swait.ge [sflag:s18], $0x1000  }
0x253: {  	[sflag:s18] =	ssyncset.done $0x0  }
0x254: {  	s2 =	simm.s32 $0x0;
	[sflag:s18] =	ssyncadd.s32 $0xFFFFF000  }
0x255: {  	v4 =	vld [tilespmem:s2+$0xE090]  }
0x256: {  	v3 =	vld [tilespmem:s2+$0xE020]  }
0x257: {  	v5 =	vld [tilespmem:s2+$0xE030]  }
0x258: {  	v6 =	vld [tilespmem:s2+$0xE040]  }
0x259: {  	v8 =	vld [tilespmem:s2+$0xE050]  }
0x25a: {  	v11 =	vld [tilespmem:s2+$0xE060]  }
0x25b: {  	v16 =	vld [tilespmem:s2+$0xE080];
	_ =	sdelay $0x1  }
0x25c: {  	v10 =	vadd.f32 v3, v3;
	v3 =	vtrunc.f32 v3;
	v13 =	vtrunc.f32 v5  }
0x25d: {  	v9 =	vadd.f32 v4, v4;
	v15 =	vtrunc.f32 v6;
	v18 =	vtrunc.f32 v8  }
0x25e: {  	v19 =	vadd.f32 v11, v11;
	v11 =	vtrunc.f32 v11;
	v4 =	vtrunc.f32 v4  }
0x25f: {  	v23 =	vadd.f32 v16, v16;
	v16 =	vtrunc.f32 v16;
	v17 =	vcvt.f32.s32 v3  }
0x260: {  	v7 =	vld [tilespmem:s2+$0xD090];
	v12 =	vadd.f32 v5, v5;
	v4 =	vcvt.f32.s32 v4;
	v13 =	vcvt.f32.s32 v13  }
0x261: {  	v20 =	vld [tilespmem:s2+$0xD050];
	v14 =	vadd.f32 v6, v6;
	v15 =	vcvt.f32.s32 v15;
	v18 =	vcvt.f32.s32 v18  }
0x262: {  	v5 =	vld [tilespmem:s2+$0xE070];
	v11 =	vcvt.f32.s32 v11;
	v9 =	vadd.f32 $-1.000000000e+00, v9;
	v10 =	vadd.f32 $-1.000000000e+00, v10  }
0x263: {  	v6 =	vld [tilespmem:s2+$0xD020];
	v16 =	vcvt.f32.s32 v16;
	v12 =	vadd.f32 $-1.000000000e+00, v12;
	v19 =	vadd.f32 $-1.000000000e+00, v19  }
0x264: {  	v25 =	vld [tilespmem:s2+$0xD080];
	v23 =	vadd.f32 $-1.000000000e+00, v23;
	v4 =	vshll.u32 v4, $0x11;
	v17 =	vshll.u32 v17, $0x11  }
0x265: {  	v63 =	vshll.u32 v13, $0x11;
	v15 =	vshll.u32 v15, $0x11;
	v3 =	vmul.f32 v9, v7;
	v7 =	vld [tilespmem:s2+$0xD030]  }
0x266: {  	v28 =	vshll.u32 v18, $0x11;
	v9 =	vadd.f32 $-1.000000000e+00, v14;
	v14 =	vadd.f32 v8, v8;
	v8 =	vld [tilespmem:s2+$0xD040]  }
0x267: {  	v21 =	vadd.f32 v5, v5;
	v22 =	vtrunc.f32 v5;
	v5 =	vld [tilespmem:s2+$0xD060];
	v3 =	vsub.f32 $1.000000000e+00, v3  }
0x268: {  	v13 =	vshll.u32 v16, $0x11;
	v6 =	vmul.f32 v10, v6;
	v10 =	vld [tilespmem:s2+$0xD070];
	v22 =	vcvt.f32.s32 v22  }
0x269: {  	v14 =	vadd.f32 $-1.000000000e+00, v14;
	v21 =	vadd.f32 $-1.000000000e+00, v21;
	v24 =	vand.u32 $0x7FFFFFFF, v3  }
0x26a: {  	vm3 =	vlt.s32 v3, $0x0;
	v22 =	vshll.u32 v22, $0x11;
	v24 =	vxor.u32 $0x80000000, v24  }
0x26b: {  	v7 =	vmul.f32 v12, v7;
	v8 =	vmul.f32 v9, v8;
	v24 =	vxor.u32 $0xFFFFFFFF, v24  }
0x26c: {  	v12 =	vmul.f32 v14, v20;
	v14 =	vmul.f32 v19, v5;
	v24 =	vsel vm3, v3, v24  }
0x26d: {  	v20 =	vmul.f32 v23, v25;
	v10 =	vmul.f32 v21, v10;
	v9 =	vshrl.u32 v24, $0x1  }
0x26e: {  	v5 =	vsub.f32 $1.000000000e+00, v7;
	v7 =	vsub.f32 $1.000000000e+00, v14;
	v9 =	vshrl.u32 v9, $0xE  }
0x26f: {  	v10 =	vsub.f32 $1.000000000e+00, v10;
	v19 =	vor.u32 v9, v4;
	v4 =	vsub.f32 $1.000000000e+00, v6  }
0x270: {  	vm4 =	vlt.s32 v5, $0x0;
	v6 =	vsub.f32 $1.000000000e+00, v8;
	v9 =	vsub.f32 $1.000000000e+00, v12  }
0x271: {  	v12 =	vand.u32 $0x7FFFFFFF, v5;
	v8 =	vsub.f32 $1.000000000e+00, v20;
	v61 =	vand.u32 $0x7FFFFFFF, v7  }
0x272: {  	v62 =	vand.u32 $0x7FFFFFFF, v10;
	vm14 =	vlt.s32 v10, $0x0;
	v59 =	vadd.s32 $0x40000, v19  }
0x273: {  	v12 =	vxor.u32 $0x80000000, v12;
	v24 =	vxor.u32 $0x80000000, v61;
	v25 =	vxor.u32 $0x80000000, v62  }
0x274: {  	[tilespmem:s2+$0xF090] =	vst v19;
	v19 =	vshll.u32 v11, $0x11;
	v60 =	vand.u32 $0x7FFFFFFF, v4;
	v14 =	vand.u32 $0x7FFFFFFF, v6  }
0x275: {  	v20 =	vand.u32 $0x7FFFFFFF, v9;
	v26 =	vand.u32 $0x7FFFFFFF, v8;
	v12 =	vxor.u32 $0xFFFFFFFF, v12  }
0x276: {  	v24 =	vxor.u32 $0xFFFFFFFF, v24;
	v25 =	vxor.u32 $0xFFFFFFFF, v25;
	vm3 =	vlt.s32 v4, $0x0  }
0x277: {  	vm5 =	vlt.s32 v6, $0x0;
	vm6 =	vlt.s32 v9, $0x0;
	vm15 =	vlt.s32 v8, $0x0  }
0x278: {  	v23 =	vxor.u32 $0x80000000, v60;
	v14 =	vxor.u32 $0x80000000, v14;
	v20 =	vxor.u32 $0x80000000, v20  }
0x279: {  	v26 =	vxor.u32 $0x80000000, v26;
	v12 =	vsel vm4, v5, v12;
	v25 =	vsel vm14, v10, v25  }
0x27a: {  	v23 =	vxor.u32 $0xFFFFFFFF, v23;
	v14 =	vxor.u32 $0xFFFFFFFF, v14;
	v20 =	vxor.u32 $0xFFFFFFFF, v20  }
0x27b: {  	v26 =	vxor.u32 $0xFFFFFFFF, v26;
	v12 =	vshrl.u32 v12, $0x1;
	v25 =	vshrl.u32 v25, $0x1  }
0x27c: {  	v23 =	vsel vm3, v4, v23;
	vm3 =	vlt.s32 v7, $0x0;
	v14 =	vsel vm5, v6, v14  }
0x27d: {  	v20 =	vsel vm6, v9, v20;
	v26 =	vsel vm15, v8, v26;
	v27 =	vshrl.u32 v12, $0xE  }
0x27e: {  	v25 =	vshrl.u32 v25, $0xE;
	v24 =	vsel vm3, v7, v24;
	v23 =	vshrl.u32 v23, $0x1  }
0x27f: {  	v14 =	vshrl.u32 v14, $0x1;
	v20 =	vshrl.u32 v20, $0x1;
	v12 =	vshrl.u32 v26, $0x1  }
0x280: {  	v24 =	vshrl.u32 v24, $0x1;
	v23 =	vshrl.u32 v23, $0xE;
	v14 =	vshrl.u32 v14, $0xE  }
0x281: {  	v20 =	vshrl.u32 v20, $0xE;
	v12 =	vshrl.u32 v12, $0xE;
	v24 =	vshrl.u32 v24, $0xE  }
0x282: {  	[tilespmem:s2+$0x10090] =	vst v59;
	v18 =	vor.u32 v23, v17;
	v17 =	vor.u32 v27, v63;
	v11 =	vor.u32 v14, v15  }
0x283: {  	s25 =	simm.s32 $0x400;
	s3 =	simm.s32 $0x80;
	v16 =	vor.u32 v20, v28;
	v14 =	vor.u32 v25, v22;
	[tilespmem:s2+$0xF020] =	vst v18;
	v15 =	vor.u32 v24, v19  }
.LBB2_23:
0x284: {  	p1 =	sne.s32 s25, $0x3E00;
	v19 =	vld [tilespmem:s3+$0xE090];
	v18 =	vadd.s32 $0x40000, v18;
	[tilespmem:s2+$0xF030] =	vst v17;
	v17 =	vadd.s32 $0x40000, v17;
	v20 =	vor.u32 v12, v13  }
0x285: {  	v13 =	vadd.s32 $0x40000, v11;
	v21 =	vadd.s32 $0x40000, v15;
	v12 =	vld [tilespmem:s3+$0xE020];
	[tilespmem:s2+$0x10020] =	vst v18;
	v18 =	vadd.s32 $0x40000, v16  }
0x286: {  	v4 =	vmax.f32 v4, $0.0e+00;
	v23 =	vadd.s32 $0x40000, v20;
	v22 =	vld [tilespmem:s3+$0xE030];
	[tilespmem:s2+$0x10030] =	vst v17;
	v17 =	vadd.s32 $0x40000, v14  }
0x287: {  	v5 =	vmax.f32 v5, $0.0e+00;
	v6 =	vmax.f32 v6, $0.0e+00;
	v9 =	vmax.f32 v9, $0.0e+00;
	v24 =	vld [tilespmem:s3+$0xE040];
	[tilespmem:s2+$0x10040] =	vst v13  }
0x288: {  	v7 =	vmax.f32 v7, $0.0e+00;
	v10 =	vmax.f32 v10, $0.0e+00;
	v8 =	vmax.f32 v8, $0.0e+00;
	v25 =	vld [tilespmem:s3+$0xD090];
	[tilespmem:s2+$0x10050] =	vst v18  }
0x289: {  	v18 =	vld [tilespmem:s3+$0xE050];
	v13 =	vadd.f32 v19, v19;
	[tilespmem:s2+$0x10060] =	vst v21;
	v21 =	vmax.f32 v3, $0.0e+00  }
0x28a: {  	v3 =	vadd.f32 v12, v12;
	v26 =	vtrunc.f32 v12;
	v27 =	vld [tilespmem:s3+$0xE060];
	[tilespmem:s2+$0x10070] =	vst v17  }
0x28b: {  	v17 =	vadd.f32 v22, v22;
	v12 =	vtrunc.f32 v22;
	v22 =	vld [tilespmem:s3+$0xE070];
	v28 =	vadd.f32 $-1.000000000e+00, v13;
	[tilespmem:s2+$0x10080] =	vst v23  }
0x28c: {  	v23 =	vadd.f32 $-1.000000000e+00, v3;
	v3 =	vadd.f32 v24, v24;
	v13 =	vtrunc.f32 v24;
	v24 =	vld [tilespmem:s3+$0xE080];
	[tilespmem:s2+$0xF040] =	vst v11  }
0x28d: {  	v11 =	vcvt.f32.s32 v26;
	v29 =	vld [tilespmem:s3+$0xD020];
	v17 =	vadd.f32 $-1.000000000e+00, v17;
	v25 =	vmul.f32 v28, v25;
	[tilespmem:s2+$0xF050] =	vst v16  }
0x28e: {  	v16 =	vld [tilespmem:s3+$0xD030];
	v26 =	vadd.f32 $-1.000000000e+00, v3;
	v28 =	vadd.f32 v18, v18;
	v18 =	vtrunc.f32 v18;
	[tilespmem:s2+$0xF060] =	vst v15  }
0x28f: {  	v15 =	vld [tilespmem:s3+$0xD040];
	v30 =	vadd.f32 v27, v27;
	v27 =	vtrunc.f32 v27;
	v3 =	vsub.f32 $1.000000000e+00, v25;
	[tilespmem:s2+$0xF070] =	vst v14  }
0x290: {  	v14 =	vld [tilespmem:s3+$0xD050];
	v25 =	vadd.f32 $-1.000000000e+00, v28;
	v28 =	vadd.f32 v22, v22;
	v22 =	vtrunc.f32 v22;
	[tilespmem:s2+$0xF080] =	vst v20  }
0x291: {  	v20 =	vld [tilespmem:s3+$0xD060];
	v30 =	vadd.f32 $-1.000000000e+00, v30;
	v31 =	vadd.f32 v24, v24;
	v32 =	vand.u32 $0x7FFFFFFF, v3;
	[tilespmem:s2+$0x11020] =	vst v4  }
0x292: {  	v4 =	vmul.f32 v23, v29;
	v23 =	vld [tilespmem:s3+$0xD070];
	v28 =	vadd.f32 $-1.000000000e+00, v28;
	v29 =	vxor.u32 $0x80000000, v32;
	[tilespmem:s2+$0x11030] =	vst v5  }
0x293: {  	v19 =	vtrunc.f32 v19;
	vm3 =	vlt.s32 v3, $0x0;
	v5 =	vld [tilespmem:s3+$0xD080];
	v29 =	vxor.u32 $0xFFFFFFFF, v29;
	[tilespmem:s2+$0x11040] =	vst v6  }
0x294: {  	v19 =	vcvt.f32.s32 v19;
	v6 =	vadd.f32 $-1.000000000e+00, v31;
	v29 =	vsel vm3, v3, v29;
	[tilespmem:s2+$0x11050] =	vst v9  }
0x295: {  	v9 =	vmul.f32 v17, v16;
	v15 =	vmul.f32 v26, v15;
	v16 =	vshrl.u32 v29, $0x1;
	[tilespmem:s2+$0x11060] =	vst v7  }
0x296: {  	v7 =	vmul.f32 v25, v14;
	v14 =	vshrl.u32 v16, $0xE;
	v16 =	vshll.u32 v19, $0x11;
	[tilespmem:s2+$0x11070] =	vst v10  }
0x297: {  	v10 =	vmul.f32 v30, v20;
	v17 =	vmul.f32 v28, v23;
	v14 =	vor.u32 v14, v16;
	[tilespmem:s2+$0x11080] =	vst v8  }
0x298: {  	v4 =	vsub.f32 $1.000000000e+00, v4;
	v8 =	vmul.f32 v6, v5;
	[tilespmem:s3+$0xF090] =	vst v14;
	v14 =	vadd.s32 $0x40000, v14  }
0x299: {  	v5 =	vsub.f32 $1.000000000e+00, v9;
	v6 =	vsub.f32 $1.000000000e+00, v15;
	v15 =	vtrunc.f32 v24;
	[tilespmem:s3+$0x10090] =	vst v14  }
0x29a: {  	v9 =	vsub.f32 $1.000000000e+00, v7;
	v7 =	vsub.f32 $1.000000000e+00, v10;
	v14 =	vand.u32 $0x7FFFFFFF, v4;
	[tilespmem:s2+$0x11090] =	vst v21;
	s2 =	smov.u32 s3  }
0x29b: {  	v10 =	vsub.f32 $1.000000000e+00, v17;
	v16 =	vand.u32 $0x7FFFFFFF, v5;
	v8 =	vsub.f32 $1.000000000e+00, v8  }
0x29c: {  	v17 =	vand.u32 $0x7FFFFFFF, v6;
	v19 =	vand.u32 $0x7FFFFFFF, v9;
	v20 =	vand.u32 $0x7FFFFFFF, v7  }
0x29d: {  	v14 =	vxor.u32 $0x80000000, v14;
	v21 =	vand.u32 $0x7FFFFFFF, v10;
	v23 =	vand.u32 $0x7FFFFFFF, v8  }
0x29e: {  	v16 =	vxor.u32 $0x80000000, v16;
	v17 =	vxor.u32 $0x80000000, v17;
	v19 =	vxor.u32 $0x80000000, v19  }
0x29f: {  	v20 =	vxor.u32 $0x80000000, v20;
	v21 =	vxor.u32 $0x80000000, v21;
	v23 =	vxor.u32 $0x80000000, v23  }
0x2a0: {  	v14 =	vxor.u32 $0xFFFFFFFF, v14;
	v16 =	vxor.u32 $0xFFFFFFFF, v16;
	v17 =	vxor.u32 $0xFFFFFFFF, v17  }
0x2a1: {  	v19 =	vxor.u32 $0xFFFFFFFF, v19;
	v20 =	vxor.u32 $0xFFFFFFFF, v20;
	v21 =	vxor.u32 $0xFFFFFFFF, v21  }
0x2a2: {  	vm3 =	vlt.s32 v4, $0x0;
	vm4 =	vlt.s32 v5, $0x0;
	v23 =	vxor.u32 $0xFFFFFFFF, v23  }
0x2a3: {  	vm5 =	vlt.s32 v6, $0x0;
	vm6 =	vlt.s32 v9, $0x0;
	vm7 =	vlt.s32 v7, $0x0  }
0x2a4: {  	v14 =	vsel vm3, v4, v14;
	vm3 =	vlt.s32 v10, $0x0;
	vm8 =	vlt.s32 v8, $0x0  }
0x2a5: {  	v16 =	vsel vm4, v5, v16;
	v17 =	vsel vm5, v6, v17;
	v19 =	vsel vm6, v9, v19  }
0x2a6: {  	v20 =	vsel vm7, v7, v20;
	v21 =	vsel vm3, v10, v21;
	v23 =	vsel vm8, v8, v23  }
0x2a7: {  	v13 =	vcvt.f32.s32 v13;
	v24 =	vcvt.f32.s32 v12;
	v14 =	vshrl.u32 v14, $0x1  }
0x2a8: {  	v12 =	vshrl.u32 v16, $0x1;
	v16 =	vcvt.f32.s32 v18;
	v18 =	vcvt.f32.s32 v27  }
0x2a9: {  	v22 =	vcvt.f32.s32 v22;
	v15 =	vcvt.f32.s32 v15;
	v17 =	vshrl.u32 v17, $0x1  }
0x2aa: {  	v19 =	vshrl.u32 v19, $0x1;
	v20 =	vshrl.u32 v20, $0x1;
	v21 =	vshrl.u32 v21, $0x1  }
0x2ab: {  	v14 =	vshrl.u32 v14, $0xE;
	v25 =	vshrl.u32 v12, $0xE;
	v12 =	vshrl.u32 v23, $0x1  }
0x2ac: {  	v19 =	vshrl.u32 v19, $0xE;
	v20 =	vshrl.u32 v20, $0xE;
	v23 =	vshrl.u32 v17, $0xE  }
.Ltmp10:
0x2ad: {  	v11 =	vshll.u32 v11, $0x11;
	v21 =	vshrl.u32 v21, $0xE;
	v12 =	vshrl.u32 v12, $0xE;
	(pc) =	sbr.rel @p1 .LBB2_23-.Ltmp10, $4  }
0x2ae: {  	v17 =	vshll.u32 v24, $0x11;
	v24 =	vshll.u32 v13, $0x11;
	v16 =	vshll.u32 v16, $0x11  }
0x2af: {  	v22 =	vshll.u32 v22, $0x11;
	v26 =	vshll.u32 v18, $0x11;
	v13 =	vshll.u32 v15, $0x11  }
0x2b0: {  	v18 =	vor.u32 v14, v11;
	v17 =	vor.u32 v25, v17;
	v11 =	vor.u32 v23, v24  }
0x2b1: {  	s3 =	sshra.s32 s25, $0x2;
	s25 =	sadd.s32 $0x200, s25;
	v16 =	vor.u32 v19, v16;
	v15 =	vor.u32 v20, v26;
	v14 =	vor.u32 v21, v22;
	[tilespmem:s2+$0xF020] =	vst v18  }
0x2b2: {  	v19 =	vld [tilespmem:s3+$0xE090];
	[tilespmem:s2+$0xF030] =	vst v17;
	v18 =	vadd.s32 $0x40000, v18  }
0x2b3: {  	v39 =	vadd.s32 $0x40000, v17;
	v40 =	vadd.s32 $0x40000, v11;
	v41 =	vadd.s32 $0x40000, v16;
	v20 =	vld [tilespmem:s3+$0xE020];
	[tilespmem:s2+$0x10020] =	vst v18  }
0x2b4: {  	v42 =	vadd.s32 $0x40000, v15;
	v43 =	vadd.s32 $0x40000, v14;
	v12 =	vor.u32 v12, v13;
	v18 =	vld [tilespmem:s3+$0xE030];
	[tilespmem:s2+$0x10030] =	vst v39  }
0x2b5: {  	v4 =	vmax.f32 v4, $0.0e+00;
	v5 =	vmax.f32 v5, $0.0e+00;
	v6 =	vmax.f32 v6, $0.0e+00;
	v21 =	vld [tilespmem:s3+$0xE040]  }
0x2b6: {  	v9 =	vmax.f32 v9, $0.0e+00;
	v7 =	vmax.f32 v7, $0.0e+00;
	v10 =	vmax.f32 v10, $0.0e+00;
	[tilespmem:s2+$0x10040] =	vst v40  }
0x2b7: {  	v8 =	vmax.f32 v8, $0.0e+00;
	v26 =	vmax.f32 v3, $0.0e+00;
	v13 =	vadd.s32 $0x40000, v12;
	v22 =	vld [tilespmem:s3+$0xD090];
	[tilespmem:s2+$0x10050] =	vst v41  }
0x2b8: {  	v23 =	vld [tilespmem:s3+$0xE050];
	[tilespmem:s2+$0x10060] =	vst v42;
	v44 =	vadd.f32 v19, v19;
	v19 =	vtrunc.f32 v19;
	v3 =	vadd.f32 v20, v20  }
0x2b9: {  	v24 =	vld [tilespmem:s3+$0xE060];
	[tilespmem:s2+$0x10070] =	vst v43;
	v45 =	vtrunc.f32 v20;
	v19 =	vcvt.f32.s32 v19;
	v46 =	vadd.f32 v18, v18  }
0x2ba: {  	v17 =	vld [tilespmem:s3+$0xE070];
	[tilespmem:s2+$0x10080] =	vst v13;
	v18 =	vtrunc.f32 v18;
	v28 =	vadd.f32 $-1.000000000e+00, v3;
	v3 =	vadd.f32 v21, v21  }
0x2bb: {  	v13 =	vld [tilespmem:s3+$0xE080];
	[tilespmem:s2+$0xF040] =	vst v11;
	v47 =	vtrunc.f32 v21;
	v19 =	vshll.u32 v19, $0x11;
	v18 =	vcvt.f32.s32 v18  }
0x2bc: {  	v11 =	vld [tilespmem:s3+$0xD020];
	[tilespmem:s2+$0xF050] =	vst v16;
	v16 =	vadd.f32 $-1.000000000e+00, v44;
	v20 =	vadd.f32 $-1.000000000e+00, v46;
	v42 =	vcvt.f32.s32 v47  }
0x2bd: {  	v25 =	vld [tilespmem:s3+$0xD030];
	[tilespmem:s2+$0xF060] =	vst v15;
	v15 =	vcvt.f32.s32 v45;
	v49 =	vadd.f32 $-1.000000000e+00, v3;
	v29 =	vadd.f32 v23, v23  }
0x2be: {  	v50 =	vtrunc.f32 v23;
	v18 =	vshll.u32 v18, $0x11;
	v16 =	vmul.f32 v16, v22  }
0x2bf: {  	v27 =	vld [tilespmem:s3+$0xD040];
	[tilespmem:s2+$0xF070] =	vst v14;
	v51 =	vadd.f32 v24, v24;
	v24 =	vtrunc.f32 v24;
	v29 =	vadd.f32 $-1.000000000e+00, v29  }
0x2c0: {  	v48 =	vld [tilespmem:s3+$0xD050];
	[tilespmem:s2+$0xF080] =	vst v12;
	v30 =	vadd.f32 v17, v17;
	v53 =	vtrunc.f32 v17;
	v12 =	vcvt.f32.s32 v50  }
0x2c1: {  	v44 =	vcvt.f32.s32 v24;
	v15 =	vshll.u32 v15, $0x11;
	v3 =	vsub.f32 $1.000000000e+00, v16  }
0x2c2: {  	v54 =	vadd.f32 $-1.000000000e+00, v51;
	v32 =	vadd.f32 v13, v13;
	v13 =	vtrunc.f32 v13  }
0x2c3: {  	v52 =	vld [tilespmem:s3+$0xD060];
	[tilespmem:s2+$0x11020] =	vst v4;
	v4 =	vcvt.f32.s32 v53;
	v11 =	vmul.f32 v28, v11;
	v56 =	vadd.f32 $-1.000000000e+00, v30  }
0x2c4: {  	v46 =	vcvt.f32.s32 v13;
	v12 =	vshll.u32 v12, $0x11;
	v55 =	vand.u32 $0x7FFFFFFF, v3  }
0x2c5: {  	v31 =	vld [tilespmem:s3+$0xD070];
	[tilespmem:s2+$0x11030] =	vst v5;
	vm3 =	vlt.s32 v3, $0x0;
	v58 =	vadd.f32 $-1.000000000e+00, v32;
	v20 =	vmul.f32 v20, v25  }
0x2c6: {  	v57 =	vld [tilespmem:s3+$0xD080];
	[tilespmem:s2+$0x11060] =	vst v7;
	v7 =	vshll.u32 v42, $0x11;
	v4 =	vshll.u32 v4, $0x11;
	v23 =	vxor.u32 $0x80000000, v55  }
0x2c7: {  	v22 =	vmul.f32 v49, v27;
	v11 =	vsub.f32 $1.000000000e+00, v11;
	v23 =	vxor.u32 $0xFFFFFFFF, v23  }
0x2c8: {  	v21 =	vmul.f32 v29, v48;
	v20 =	vsub.f32 $1.000000000e+00, v20;
	v23 =	vsel vm3, v3, v23  }
0x2c9: {  	v16 =	vmul.f32 v54, v52;
	v22 =	vsub.f32 $1.000000000e+00, v22;
	v61 =	vand.u32 $0x7FFFFFFF, v11  }
0x2ca: {  	vm3 =	vlt.s32 v11, $0x0;
	v52 =	vshll.u32 v44, $0x11;
	v3 =	vmax.f32 v3, $0.0e+00  }
0x2cb: {  	[tilespmem:s2+$0x11040] =	vst v6;
	v23 =	vshrl.u32 v23, $0x1;
	v5 =	vmul.f32 v56, v31;
	v21 =	vsub.f32 $1.000000000e+00, v21  }
0x2cc: {  	[tilespmem:s2+$0x11050] =	vst v9;
	v62 =	vand.u32 $0x7FFFFFFF, v20;
	v25 =	vxor.u32 $0x80000000, v61;
	v23 =	vshrl.u32 v23, $0xE  }
0x2cd: {  	[tilespmem:s2+$0x11070] =	vst v10;
	v60 =	vmul.f32 v58, v57;
	v16 =	vsub.f32 $1.000000000e+00, v16;
	v25 =	vxor.u32 $0xFFFFFFFF, v25  }
0x2ce: {  	[tilespmem:s2+$0x11080] =	vst v8;
	v63 =	vand.u32 $0x7FFFFFFF, v22;
	v59 =	vor.u32 v23, v19;
	v25 =	vsel vm3, v11, v25  }
0x2cf: {  	v27 =	vxor.u32 $0x80000000, v62;
	v23 =	vadd.s32 $0x40000, v59;
	v41 =	vshrl.u32 v25, $0x1;
	[tilespmem:s3+$0xF090] =	vst v59  }
0x2d0: {  	v58 =	vmax.f32 v11, $0.0e+00;
	v5 =	vsub.f32 $1.000000000e+00, v5;
	v9 =	vshrl.u32 v41, $0xE;
	[tilespmem:s3+$0x10090] =	vst v23  }
0x2d1: {  	v36 =	vand.u32 $0x7FFFFFFF, v21;
	v28 =	vxor.u32 $0x80000000, v63;
	[tilespmem:s2+$0x11090] =	vst v26;
	v9 =	vor.u32 v9, v15  }
0x2d2: {  	v27 =	vxor.u32 $0xFFFFFFFF, v27;
	vm3 =	vlt.s32 v20, $0x0;
	v61 =	vmax.f32 v21, $0.0e+00;
	[tilespmem:s3+$0xF020] =	vst v9  }
0x2d3: {  	v19 =	vsub.f32 $1.000000000e+00, v60;
	v37 =	vand.u32 $0x7FFFFFFF, v16;
	v59 =	vmax.f32 v20, $0.0e+00;
	[tilespmem:s3+$0x11020] =	vst v58  }
0x2d4: {  	v29 =	vxor.u32 $0x80000000, v36;
	v28 =	vxor.u32 $0xFFFFFFFF, v28;
	v60 =	vmax.f32 v22, $0.0e+00;
	[tilespmem:s3+$0x11030] =	vst v59  }
0x2d5: {  	v27 =	vsel vm3, v20, v27;
	vm3 =	vlt.s32 v22, $0x0;
	v62 =	vmax.f32 v16, $0.0e+00;
	[tilespmem:s3+$0x11040] =	vst v60  }
0x2d6: {  	v38 =	vand.u32 $0x7FFFFFFF, v5;
	v30 =	vxor.u32 $0x80000000, v37;
	v29 =	vxor.u32 $0xFFFFFFFF, v29;
	[tilespmem:s3+$0x11050] =	vst v61  }
0x2d7: {  	v28 =	vsel vm3, v22, v28;
	v43 =	vshrl.u32 v27, $0x1;
	v63 =	vmax.f32 v19, $0.0e+00;
	[tilespmem:s3+$0x11060] =	vst v62  }
0x2d8: {  	vm3 =	vlt.s32 v21, $0x0;
	v31 =	vxor.u32 $0x80000000, v38;
	v14 =	vshrl.u32 v43, $0xE;
	[tilespmem:s3+$0x11080] =	vst v63  }
0x2d9: {  	v30 =	vxor.u32 $0xFFFFFFFF, v30;
	v29 =	vsel vm3, v21, v29;
	v14 =	vor.u32 v14, v18;
	[tilespmem:s3+$0x11090] =	vst v3  }
0x2da: {  	vm3 =	vlt.s32 v16, $0x0;
	v45 =	vshrl.u32 v28, $0x1;
	v9 =	vadd.s32 $0x40000, v9;
	[tilespmem:s3+$0xF030] =	vst v14  }
0x2db: {  	v31 =	vxor.u32 $0xFFFFFFFF, v31;
	v50 =	vshrl.u32 v45, $0xE;
	v14 =	vadd.s32 $0x40000, v14;
	[tilespmem:s3+$0x10020] =	vst v9  }
0x2dc: {  	v30 =	vsel vm3, v16, v30;
	vm3 =	vlt.s32 v5, $0x0;
	v7 =	vor.u32 v50, v7;
	[tilespmem:s3+$0x10030] =	vst v14  }
0x2dd: {  	v47 =	vshrl.u32 v29, $0x1;
	v31 =	vsel vm3, v5, v31;
	v5 =	vmax.f32 v5, $0.0e+00;
	[tilespmem:s3+$0xF040] =	vst v7  }
0x2de: {  	v39 =	vand.u32 $0x7FFFFFFF, v19;
	v13 =	vshrl.u32 v47, $0xE;
	v54 =	vadd.s32 $0x40000, v7;
	[tilespmem:s3+$0x11070] =	vst v5  }
0x2df: {  	v32 =	vxor.u32 $0x80000000, v39;
	v48 =	vshrl.u32 v30, $0x1;
	v53 =	vor.u32 v13, v12;
	[tilespmem:s3+$0x10040] =	vst v54  }
0x2e0: {  	v40 =	vxor.u32 $0xFFFFFFFF, v32;
	v51 =	vshrl.u32 v48, $0xE;
	v13 =	vadd.s32 $0x40000, v53;
	[tilespmem:s3+$0xF050] =	vst v53  }
0x2e1: {  	vm3 =	vlt.s32 v19, $0x0;
	v49 =	vshrl.u32 v31, $0x1;
	v9 =	vor.u32 v51, v52;
	[tilespmem:s3+$0x10050] =	vst v13  }
0x2e2: {  	v6 =	vsel vm3, v19, v40;
	v17 =	vshrl.u32 v49, $0xE;
	v55 =	vadd.s32 $0x40000, v9;
	[tilespmem:s3+$0xF060] =	vst v9  }
0x2e3: {  	v6 =	vshrl.u32 v6, $0x1;
	v4 =	vor.u32 v17, v4;
	[tilespmem:s3+$0x10060] =	vst v55  }
0x2e4: {  	v8 =	vshll.u32 v46, $0x11;
	v6 =	vshrl.u32 v6, $0xE;
	v56 =	vadd.s32 $0x40000, v4;
	[tilespmem:s3+$0xF070] =	vst v4  }
0x2e5: {  	v6 =	vor.u32 v6, v8;
	[tilespmem:s3+$0x10070] =	vst v56  }
0x2e6: {  	v57 =	vadd.s32 $0x40000, v6;
	[tilespmem:s3+$0xF080] =	vst v6  }
0x2e7: {  	[tilespmem:s3+$0x10080] =	vst v57  }
0x2e8: {  	_ =	swait.ge [sflag:s24], $0x80  }
0x2e9: {  	[sflag:s24] =	ssyncset.done $0x0  }
0x2ea: {  	[sflag:s24] =	ssyncadd.s32 $0xFFFFFF80  }
0x2eb: {  	_ =	swait.ge [sflag:s24], $0x80  }
0x2ec: {  	s2 =	simm.s32 $0x1F;
	[sflag:s24] =	ssyncset.done $0x0  }
.LBB2_25:
0x2ed: {  	p0 =	sne.s32 s2, $0x1;
	s2 =	sadd.s32 $0xFFFFFFFF, s2;
	[sflag:s24] =	ssyncadd.s32 $0xFFFFFF80  }
.Ltmp11:
0x2ee: {  	_ =	swait.ge [sflag:s24], $0x80;
	(pc) =	sbr.rel @p0 .LBB2_25-.Ltmp11, $4  }
0x2ef: {  	[sflag:s24] =	ssyncset.done $0x0  }
0x2f0: {  	[sflag:s24] =	ssyncadd.s32 $0xFFFFFF80  }
0x2f1: {  	_ =	swait.ge [sflag:s24], $0x80  }
0x2f2: {  	[sflag:s24] =	ssyncset.done $0x0  }
0x2f3: {  	[sflag:s24] =	ssyncadd.s32 $0xFFFFFF80;
	s2 =	simm.s32 $0x12020;
	s3 =	simm.s32 $0xF020  }
0x2f4: {  	[spmem:s1] =	stream.indirect.scatter.add.f32 [tilespmem:s2], [sflag:$0x1], $0x1, s3, s21, $0xb8;
	[tilespmem:$0x1D1A0] =	vst v63  }
0x2f5: {  	s7 =	simm.s32 $0x10020;
	s2 =	simm.s32 $0x200;
	s3 =	simm.s32 $0x11020  }
.LBB2_27:
0x2f6: {  	[spmem:s1] =	stream.indirect.scatter.add.f32 [tilespmem:s3], [sflag:$0x1], $0x1, s7, s21, $0xb8;
	[tilespmem:$0x1D1A0] =	vst v63  }
0x2f7: {  	s3 =	smov.u32 s2;
	p0 =	sne.s32 s2, $0x3E00  }
.Ltmp12:
0x2f8: {  	s2 =	sadd.s32 $0x200, s2;
	(pc) =	sbr.rel @p0 .LBB2_27-.Ltmp12, $4  }
0x2f9: {  	s7 =	sshra.s32 s3, $0x2  }
0x2fa: {  	s3 =	sadd.s32 $0x12020, s7;
	s12 =	sadd.s32 $0xF020, s7  }
0x2fb: {  	[spmem:s1] =	stream.indirect.scatter.add.f32 [tilespmem:s3], [sflag:$0x1], $0x1, s12, s21, $0xb8;
	[tilespmem:$0x1D1A0] =	vst v63  }
0x2fc: {  	s3 =	sadd.s32 $0x11020, s7;
	s7 =	sadd.s32 $0x10020, s7  }
0x2fd: {  	[spmem:s1] =	stream.indirect.scatter.add.f32 [tilespmem:s3], [sflag:$0x1], $0x1, s7, s21, $0xb8;
	[tilespmem:$0x1D1A0] =	vst v63  }
0x2fe: {  	_ =	swait.ge [sflag:s24], $0x80  }
0x2ff: {  	[sflag:s24] =	ssyncset.done $0x0  }
0x300: {  	[sflag:s24] =	ssyncadd.s32 $0xFFFFFF80  }
0x301: {  	_ =	swait.ge [sflag:s24], $0x80  }
0x302: {  	s2 =	simm.s32 $0x1F;
	[sflag:s24] =	ssyncset.done $0x0  }
.LBB2_29:
0x303: {  	p0 =	sne.s32 s2, $0x1;
	s2 =	sadd.s32 $0xFFFFFFFF, s2;
	[sflag:s24] =	ssyncadd.s32 $0xFFFFFF80  }
.Ltmp13:
0x304: {  	_ =	swait.ge [sflag:s24], $0x80;
	(pc) =	sbr.rel @p0 .LBB2_29-.Ltmp13, $4  }
0x305: {  	[sflag:s24] =	ssyncset.done $0x0  }
0x306: {  	[sflag:s24] =	ssyncadd.s32 $0xFFFFFF80  }
0x307: {  	_ =	swait.ge [sflag:s24], $0x80  }
0x308: {  	[sflag:s24] =	ssyncset.done $0x0  }
0x309: {  	[sflag:s24] =	ssyncadd.s32 $0xFFFFFF80  }
0x30a: {  	s2 =	simm.s32 $0x15020;
	[bflag:$0x0] =	sbarrier.arrive $0xFFFF  }
0x30b: {  	[tilespmem:s2], [sflag:$0x2] =	stream.linear.gather [spmem:s8], $0x2000, $0x38;
	[tilespmem:$0x1D1A0] =	vst v63  }
0x30c: {  	_ =	swait.ge [sflag:s18], $0x2000  }
0x30d: {  	[sflag:s18] =	ssyncset.done $0x0  }
0x30e: {  	s26 =	simm.s32 $0x17020;
	[sflag:s18] =	ssyncadd.s32 $0xFFFFE000  }
0x30f: {  	[tilespmem:s26], [sflag:$0x2] =	stream.linear.gather [spmem:s9], $0x2000, $0x38;
	[tilespmem:$0x1D1A0] =	vst v63  }
0x310: {  	_ =	swait.ge [sflag:s18], $0x2000  }
0x311: {  	[sflag:s18] =	ssyncset.done $0x0  }
0x312: {  	s28 =	simm.s32 $0x19020;
	[sflag:s18] =	ssyncadd.s32 $0xFFFFE000  }
0x313: {  	[tilespmem:s28], [sflag:$0x2] =	stream.linear.gather [spmem:s10], $0x2000, $0x38;
	[tilespmem:$0x1D1A0] =	vst v63  }
0x314: {  	_ =	swait.ge [sflag:s18], $0x2000  }
0x315: {  	[sflag:s18] =	ssyncset.done $0x0  }
0x316: {  	s29 =	simm.s32 $0x1B020;
	[sflag:s18] =	ssyncadd.s32 $0xFFFFE000  }
0x317: {  	[tilespmem:s29], [sflag:$0x2] =	stream.linear.gather [spmem:s11], $0x2000, $0x38;
	[tilespmem:$0x1D1A0] =	vst v63  }
0x318: {  	_ =	swait.ge [sflag:s18], $0x2000  }
0x319: {  	[sflag:s18] =	ssyncset.done $0x0  }
0x31a: {  	s3 =	simm.s32 $0x0;
	[sflag:s18] =	ssyncadd.s32 $0xFFFFE000  }
0x31b: {  	v3 =	vld [tilespmem:s3+$0x17020]  }
0x31c: {  	v6 =	vimm.f32 $0.0e+00;
	v4 =	vimm.f32 $0.0e+00;
	s2 =	simm.s32 $0x40;
	v5 =	vld [tilespmem:s3+$0x15020]  }
.LBB2_31:
0x31d: {  	p0 =	sne.s32 s2, $0x7FC0  }
.Ltmp14:
0x31e: {  	_ = 	snop;
	(pc) =	sbr.rel @p0 .LBB2_31-.Ltmp14, $4  }
0x31f: {  	_ = 	snop  }
0x320: {  	s3 =	sshra.s32 s2, $0x2;
	v6 =	vadd.f32 v3, v6  }
0x321: {  	v4 =	vadd.f32 v3, v4;
	v3 =	vld [tilespmem:s3+$0x17020]  }
0x322: {  	s2 =	sadd.s32 $0x40, s2;
	v6 =	vadd.f32 v5, v6;
	v5 =	vld [tilespmem:s3+$0x15020]  }
0x323: {  	_ =	sdelay $0x2  }
0x324: {  	v6 =	vadd.f32 v3, v6;
	_ =	sdelay $0x1  }
0x325: {  	v5 =	vadd.f32 v5, v6  }
0x326: {  	v3 =	vadd.f32 v3, v4  }
0x327: {  	(xrf2) =	vadd.scan.msk.f32 $0xffff, v5  }
0x328: {  	(xrf2) =	vadd.scan.msk.f32 $0xffff, v3;
	_ =	sdelay $0x8  }
0x329: {  	v3, _, _ =	vpop (xrf2)  }
0x32a: {  	v4, _, _ =	vpop (xrf2)  }
0x32b: {  	v4 =	vbroadcast v4, $0xF  }
0x32c: {  	v3 =	vbroadcast v3, $0xF  }
0x32d: {  	v4 =	vnsel vm1, $0x0, v4  }
0x32e: {  	v3 =	vsel vm2, v4, v3  }
0x32f: {  	s2 =	rddreg [dreg:$0x9];
	[tilespmem:$0x1D120] =	vst v3  }
0x330: {  	[spmem:s2] =	stream.linear.scatter [tilespmem:s30], [sflag:$0x2], $0x10, $0x38;
	[tilespmem:$0x1D1A0] =	vst v63  }
0x331: {  	_ =	swait.ge [sflag:s18], $0x10  }
0x332: {  	[sflag:s18] =	ssyncset.done $0x0  }
0x333: {  	[sflag:s18] =	ssyncadd.s32 $0xFFFFFFF0  }
0x334: {  	v3 =	vmul.u32 $0x10, v2;
	[bflag:$0x0] =	sbarrier.arrive $0xFFFF  }
0x335: {  	s13 =	rddreg [dreg:$0x2]  }
0x336: {  	v4 =	vor.u32 $0x1, v3;
	[tilespmem:s31], [sflag:$0x2] =	stream.linear.gather [spmem:s13], $0x100, $0x38;
	[tilespmem:$0x1D1A0] =	vst v63  }
0x337: {  	_ =	swait.ge [sflag:s18], $0x100  }
0x338: {  	[sflag:s18] =	ssyncset.done $0x0  }
0x339: {  	[sflag:s18] =	ssyncadd.s32 $0xFFFFFF00  }
0x33a: {  	v3 =	vld.idx.msk [tilespmem:v3+s31+$0x0], $0xffff  }
0x33b: {  	v4 =	vld.idx.msk [tilespmem:v4+s31+$0x0], $0xffff;
	_ =	sdelay $0x1  }
0x33c: {  	s14 =	simm.s32 $0x0  }
0x33d: {  	v7 =	vld [tilespmem:s14+$0x15020]  }
0x33e: {  	v11 =	vld [tilespmem:s14+$0x17020];
	v3 =	vnsel vm0, $0x0, v3  }
0x33f: {  	(xrf2) =	vadd.scan.msk.f32 $0xffff, v3;
	v3 =	vnsel vm0, $0x0, v4  }
0x340: {  	(xrf2) =	vadd.scan.msk.f32 $0xffff, v3  }
0x341: {  	(xrf2) =	vadd.scan.msk.f32 $0xffff, v4  }
0x342: {  	(xrf2) =	vadd.scan.msk.f32 $0xffff, v7  }
0x343: {  	(xrf2) =	vadd.scan.msk.f32 $0xffff, v11;
	_ =	sdelay $0x5  }
0x344: {  	v3, _, _ =	vpop (xrf2)  }
0x345: {  	v4, _, _ =	vpop (xrf2)  }
0x346: {  	(v2sf) =	vpush v3, $0xF;
	v3, _, _ =	vpop (xrf2)  }
0x347: {  	(v2sf) =	vpush v4, $0xF;
	v4, _, _ =	vpop (xrf2)  }
0x348: {  	s15 =	simm.s32 $0x10;
	(v2sf) =	vpush v4, $0xF;
	v4, _, _ =	vpop (xrf2)  }
0x349: {  	v13 =	vld [tilespmem:s15+$0x15020];
	(v2sf) =	vpush v4, $0xF  }
0x34a: {  	v14 =	vld [tilespmem:s15+$0x17020];
	_ =	sdelay $0x3  }
0x34b: {  	(xrf2) =	vadd.scan.msk.f32 $0xffff, v13  }
0x34c: {  	(xrf2) =	vadd.scan.msk.f32 $0xffff, v14;
	_ =	sdelay $0x5  }
0x34d: {  	s26 =	spop (v2sf)  }
0x34e: {  	s12 =	spop (v2sf)  }
0x34f: {  	s7 =	spop (v2sf)  }
0x350: {  	s19 =	simm.s32 $0x20;
	v5, _, _ =	vpop (xrf2);
	s25 =	spop (v2sf)  }
0x351: {  	v9 =	vld [tilespmem:s19+$0x15020];
	v15, _, _ =	vpop (xrf2);
	(v2sf) =	vpush v5, $0xF;
	s3 =	sadd.f32 s7, s25  }
0x352: {  	(v2sf) =	vpush v15, $0xF  }
0x353: {  	p3 =	sgt.f32 s3, $0.0e+00;
	_ =	sdelay $0x1  }
0x354: {  	v5 =	vadd.f32 @p3 v7, v11  }
0x355: {  	(xrf2) =	vadd.scan.msk.f32 $0xffff, v9;
	p2 =	por p3, p3  }
0x356: {  	v8 =	vld [tilespmem:s19+$0x17020];
	(xrf2) =	vadd.scan.msk.f32 @p2 $0xffff, v5;
	_ =	sdelay $0x4  }
0x357: {  	(xrf2) =	vadd.scan.msk.f32 $0xffff, v8;
	_ =	sdelay $0x2  }
0x358: {  	s28 =	simm.s32 $0x30  }
0x359: {  	v6, _, _ =	vpop (xrf2);
	v5 =	vld [tilespmem:s28+$0x15020];
	s3 =	spop (v2sf)  }
0x35a: {  	s14 =	spop (v2sf);
	v10, _, _ =	vpop @p3 (xrf2)  }
0x35b: {  	s29 =	sadd.f32 s3, s14;
	v16 =	vadd.f32 @p2 s26, v10  }
0x35c: {  	v3 =	vbroadcast v3, $0xF  }
0x35d: {  	v17 =	vmax.f32 @p2 v11, $1.000000000e+00;
	(v2sf) =	vpush v6, $0xF;
	p1 =	sgt.f32 s29, $0.0e+00;
	v6 =	vsub.f32 @p2 v16, v11  }
0x35e: {  	v4 =	vadd.f32 @p2 s12, v4;
	v18 =	vmax.f32 @p2 v7, $1.000000000e+00;
	(erf) = vrcp.f32 @p2 v17;
	(xrf2) =	vadd.scan.msk.f32 $0xffff, v5  }
0x35f: {  	(erf) = vrcp.f32 @p2 v18;
	v12, _, _ =	vpop (xrf2);
	v18 =	vadd.f32 @p1 v13, v14;
	v17 =	vsub.f32 @p2 v6, v7  }
0x360: {  	(v2sf) =	vpush v12, $0xF;
	p6 =	por p1, p1;
	v10 =	vadd.f32 @p2 v16, v3  }
0x361: {  	v20 =	vsub.f32 @p2 v4, v11;
	(xrf2) =	vadd.scan.msk.f32 @p6 $0xffff, v18;
	v19 =	vadd.f32 @p2 v17, v11  }
0x362: {  	p0 =	por p2, p2;
	v10 =	vsub.f32 @p2 v10, v4;
	v21 =	vadd.f32 @p2 v17, v3  }
0x363: {  	v18 =	vadd.f32 @p0 v19, v3  }
0x364: {  	v6 =	vld [tilespmem:s28+$0x17020];
	v10 =	vmax.f32 @p2 v10, $1.000000000e-30;
	v21 =	vsub.f32 @p0 v21, v20  }
0x365: {  	s28 =	simm.s32 @p3 $0x0;
	(erf) = vrcp.f32 @p0 v10;
	v18 =	vsub.f32 @p0 v18, v4  }
0x366: {  	vm9 =	vgt.f32 @p2 v11, $0.0e+00;
	vm8 =	vgt.f32 @p2 v7, $0.0e+00;
	v11 =	vld @p2 [tilespmem:s28+$0x19020];
	v7 =	vmax.f32 @p0 v21, $1.000000000e-30  }
0x367: {  	vm5 =	vgt.f32 @p2 v16, $0.0e+00;
	v16 =	vmax.f32 @p0 v18, $1.000000000e-30  }
0x368: {  	s26 =	sadd.f32 s25, s26;
	v22 =	vld @p3 [tilespmem:s28+$0x1B020];
	(erf) = vrcp.f32 @p0 v7;
	v18 =	vsub.f32 @p0 v3, v20;
	v20, _, _ =	vpop (xrf2)  }
0x369: {  	vm7 =	vgt.f32 @p0 v19, $0.0e+00;
	v19 =	vmax.f32 @p6 v14, $1.000000000e+00;
	(xrf2) =	vadd.scan.msk.f32 $0xffff, v6;
	v7 =	vpop @p3 (erf);
	(erf) = vrcp.f32 @p0 v16  }
0x36a: {  	s7 =	sadd.f32 s7, s26;
	vm6 =	vgt.f32 @p0 v17, $0.0e+00;
	v17 =	vmax.f32 @p6 v13, $1.000000000e+00;
	v16 =	vpop @p3 (erf);
	(erf) = vrcp.f32 @p6 v19  }
0x36b: {  	(erf) = vrcp.f32 @p6 v17;
	v17 =	vmul.f32 @p0 v11, v16;
	v11, _, _ =	vpop @p1 (xrf2)  }
0x36c: {  	v16 =	vadd.f32 @p6 s7, v11  }
0x36d: {  	s12 =	sadd.f32 s25, s12;
	v19 =	vmul.f32 @p0 v22, v7;
	v7 =	vsub.f32 @p0 v3, v4  }
0x36e: {  	s26 =	spop (v2sf);
	v4 =	vpop @p3 (erf);
	v21 =	vsub.f32 @p6 v16, v14  }
0x36f: {  	vm4 =	vgt.f32 @p6 v14, $0.0e+00;
	v22 =	vadd.f32 @p6 s12, v15;
	s29 =	spop (v2sf);
	v15 =	vmul.f32 @p0 v4, v7  }
0x370: {  	s15 =	simm.s32 $0x40;
	vm3 =	vgt.f32 @p6 v13, $0.0e+00;
	vm10 =	vmmov vm5;
	(v2sf) =	vpush v20, $0xF;
	s28 =	sadd.f32 s26, s29  }
0x371: {  	v4 =	vld [tilespmem:s15+$0x15020];
	v15 =	vsub.f32 @p0 $1.000000000e+00, v15;
	v23 =	vadd.f32 @p6 v16, v3;
	vm5 =	vgt.f32 @p6 v16, $0.0e+00;
	v16 =	vpop @p3 (erf)  }
0x372: {  	vm11 =	vmmov vm7;
	v20 =	vsub.f32 @p6 v22, v14;
	p2 =	sgt.f32 s28, $0.0e+00;
	v13 =	vsub.f32 @p6 v21, v13;
	v21 =	vpop @p3 (erf)  }
0x373: {  	v11, _, _ =	vpop (xrf2);
	v24 =	vnsel @p0 vm10, $0x0, v15;
	v15 =	vsub.f32 @p6 v23, v22;
	v7 =	vmul.f32 @p0 v21, v7  }
0x374: {  	(v2sf) =	vpush v11, $0xF;
	v16 =	vmul.f32 @p0 v16, v18;
	v18 =	vadd.f32 @p2 v9, v8;
	p3 =	por p0, p0  }
0x375: {  	p4 =	por p6, p6;
	v15 =	vmax.f32 @p6 v15, $1.000000000e-30;
	v21 =	vadd.f32 @p6 v13, v3;
	v7 =	vsub.f32 @p3 $1.000000000e+00, v7  }
0x376: {  	(xrf2) =	vadd.scan.msk.f32 $0xffff, v4;
	v14 =	vadd.f32 @p6 v13, v14;
	(erf) = vrcp.f32 @p4 v15;
	v16 =	vsub.f32 @p3 $1.000000000e+00, v16  }
0x377: {  	v15 =	vsub.f32 @p4 v3, v20;
	v21 =	vsub.f32 @p4 v21, v20;
	v20 =	vnsel @p3 vm11, $0x0, v7;
	v7 =	vld [tilespmem:s15+$0x17020]  }
0x378: {  	s7 =	sadd.f32 s14, s7;
	p5 =	por p2, p2;
	v16 =	vnsel @p3 vm6, $0x0, v16  }
0x379: {  	s13 =	simm.s32 @p1 $0x10;
	(xrf2) =	vadd.scan.msk.f32 @p5 $0xffff, v18;
	vm7 =	vgt.f32 @p4 v14, $0.0e+00;
	v14 =	vadd.f32 @p4 v14, v3;
	v16 =	vsub.f32 @p3 v20, v16  }
0x37a: {  	s28 =	sadd.f32 s3, s7;
	v23 =	vld @p1 [tilespmem:s13+$0x1B020];
	vm6 =	vgt.f32 @p4 v13, $0.0e+00;
	v13 =	vsub.f32 @p3 v24, v20  }
0x37b: {  	s7 =	sadd.f32 s14, s12;
	s14 =	simm.s32 @p2 $0x20;
	v14 =	vsub.f32 @p4 v14, v22;
	v21 =	vmax.f32 @p4 v21, $1.000000000e-30;
	v20 =	vmul.f32 @p3 v19, v16;
	v16 =	vld @p6 [tilespmem:s13+$0x19020]  }
0x37c: {  	vm9 =	vmmov vm9;
	vm8 =	vmmov vm8;
	v26 =	vmul.f32 @p3 v17, v13;
	v17 =	vld @p5 [tilespmem:s14+$0x19020];
	(xrf2) =	vadd.scan.msk.f32 $0xffff, v7  }
0x37d: {  	v10 =	vimm.f32 $0.0e+00;
	v14 =	vmax.f32 @p4 v14, $1.000000000e-30;
	(erf) = vrcp.f32 @p4 v21  }
0x37e: {  	s19 =	sadd.f32 s29, s28;
	v25 =	vmax.f32 @p5 v8, $1.000000000e+00;
	v18 =	vsub.f32 @p4 v3, v22;
	(erf) = vrcp.f32 @p4 v14;
	v21 =	vpop @p1 (erf)  }
0x37f: {  	s2 =	simm.s32 $0x100;
	s3 =	simm.s32 $0xC0;
	s25 =	sadd.f32 s29, s7;
	v24 =	vmax.f32 @p5 v9, $1.000000000e+00;
	(erf) = vrcp.f32 @p5 v25;
	v19 =	vpop @p1 (erf);
	v14 =	vmul.f32 @p4 v23, v21  }
0x380: {  	s12 =	simm.s32 $0x140;
	s26 =	sadd.f32 s26, s19;
	s29 =	spop (v2sf);
	v13 =	vld @p2 [tilespmem:s14+$0x1B020];
	v21, _, _ =	vpop (xrf2);
	(erf) = vrcp.f32 @p5 v24;
	v20 =	vnsel @p3 vm9, $0x0, v20;
	v22 =	vnsel @p3 vm8, $0x0, v26  }
.LBB2_33:
0x381: {  	p0 =	por p1, p1;
	p1 =	por p2, p2;
	v23 =	vmul.f32 @p4 v16, v19;
	v16 =	vmov v17;
	vm9 =	vmmov vm4  }
0x382: {  	s13 =	sshra.s32 s12, $0x2;
	vm4 =	vgt.f32 @p5 v8, $0.0e+00;
	vm8 =	vmmov vm3;
	vm3 =	vgt.f32 @p5 v9, $0.0e+00;
	s14 =	smov.u32 s12;
	s12 =	sadd.s32 $0x40, s12;
	v19 =	vpop @p0 (erf)  }
0x383: {  	v25 =	vadd.f32 @p5 s7, v12;
	s7 =	smov.u32 s25;
	p6 =	sne.s32 s12, $0x8000;
	v24 =	vld [tilespmem:s13+$0x15020];
	v12, _, _ =	vpop @p2 (xrf2);
	v17 =	vmul.f32 @p4 v19, v18;
	v19 =	vadd.f32 @p3 v22, v20  }
0x384: {  	vm11 =	vmmov vm5;
	(v2sf) =	vpush v21, $0xF;
	s15 =	spop (v2sf);
	v20 =	vadd.f32 @p5 s28, v12;
	v12 =	vmovc v11;
	s28 =	smov.u32 s26  }
0x385: {  	vm10 =	vmmov vm7;
	v21 =	vsub.f32 @p5 v25, v8;
	s19 =	sadd.f32 s29, s15;
	v27 =	vsub.f32 @p4 $1.000000000e+00, v17  }
0x386: {  	s26 =	sadd.f32 s15, s26;
	v11, _, _ =	vpop (xrf2);
	v22 =	vsub.f32 @p5 v20, v8;
	vm5 =	vgt.f32 @p5 v20, $0.0e+00;
	v20 =	vadd.f32 @p5 v20, v3  }
0x387: {  	s25 =	sadd.f32 s15, s25;
	v31 =	vadd.f32 @p3 v19, v10;
	(v2sf) =	vpush v11, $0xF;
	v26 =	vnsel @p4 vm11, $0x0, v27;
	v17 =	vpop @p0 (erf);
	p2 =	sgt.f32 s19, $0.0e+00  }
0x388: {  	s26 =	sadd.f32 s29, s26;
	(xrf2) =	vadd.scan.msk.f32 $0xffff, v24;
	v22 =	vsub.f32 @p5 v22, v9;
	v33 =	vsub.f32 @p5 v20, v25;
	v15 =	vmul.f32 @p4 v17, v15;
	v17 =	vpop @p0 (erf)  }
0x389: {  	v10 =	vpsel p3, v31, v10;
	v20 =	vld [tilespmem:s13+$0x17020];
	s13 =	sshra.s32 @p2 s3, $0x2;
	v27 =	vadd.f32 @p2 v5, v6;
	v28 =	vpop @p1 (erf);
	v18 =	vmul.f32 @p4 v17, v18;
	s3 =	smov.u32 s2;
	s2 =	smov.u32 s14  }
0x38a: {  	p3 =	por p4, p4;
	p4 =	por p5, p5;
	v29 =	vld @p2 [tilespmem:s13+$0x1B020];
	v32 =	vadd.f32 @p5 v22, v8;
	v30 =	vadd.f32 @p5 v22, v3;
	v31 =	vmax.f32 @p5 v33, $1.000000000e-30;
	v19 =	vpop @p1 (erf);
	p5 =	por p2, p2  }
0x38b: {  	v9 =	vmovc v5;
	v17 =	vld @p5 [tilespmem:s13+$0x19020];
	(xrf2) =	vadd.scan.msk.f32 @p5 $0xffff, v27;
	(erf) = vrcp.f32 @p4 v31;
	v27 =	vsub.f32 @p3 $1.000000000e+00, v15;
	v18 =	vsub.f32 @p3 $1.000000000e+00, v18  }
0x38c: {  	v5 =	vmovc v4;
	v4 =	vmovc v24;
	v30 =	vsub.f32 @p4 v30, v21;
	vm7 =	vgt.f32 @p4 v32, $0.0e+00;
	v31 =	vadd.f32 @p4 v32, v3  }
0x38d: {  	v8 =	vmovc v6;
	v6 =	vmovc v7;
	v15 =	vsub.f32 @p4 v3, v21;
	v21 =	vnsel @p3 vm6, $0x0, v27;
	v18 =	vnsel @p3 vm10, $0x0, v18  }
0x38e: {  	(xrf2) =	vadd.scan.msk.f32 $0xffff, v20;
	v24 =	vmax.f32 @p4 v30, $1.000000000e-30;
	v27 =	vsub.f32 @p4 v31, v25;
	v21 =	vsub.f32 @p3 v18, v21;
	v7 =	vmovc v20  }
.Ltmp15:
0x38f: {  	vm6 =	vgt.f32 @p4 v22, $0.0e+00;
	v20 =	vmax.f32 @p5 v8, $1.000000000e+00;
	v18 =	vsub.f32 @p3 v26, v18;
	(pc) =	sbr.rel @p6 .LBB2_33-.Ltmp15, $4  }
0x390: {  	v22 =	vmax.f32 @p4 v27, $1.000000000e-30;
	(erf) = vrcp.f32 @p4 v24;
	v24 =	vmul.f32 @p3 v14, v21  }
0x391: {  	v26 =	vmax.f32 @p5 v9, $1.000000000e+00;
	(erf) = vrcp.f32 @p4 v22;
	v22 =	vmul.f32 @p3 v23, v18  }
0x392: {  	v14 =	vmul.f32 @p4 v13, v28;
	v21, _, _ =	vpop (xrf2);
	(erf) = vrcp.f32 @p5 v20;
	v20 =	vnsel @p3 vm9, $0x0, v24  }
0x393: {  	v13 =	vmovc v29;
	v18 =	vsub.f32 @p4 v3, v25;
	s29 =	spop (v2sf);
	(erf) = vrcp.f32 @p5 v26;
	v22 =	vnsel @p3 vm8, $0x0, v22  }
0x394: {  	_ =	sdelay $0x2  }
0x395: {  	v23, _, _ =	vpop @p2 (xrf2)  }
0x396: {  	(v2sf) =	vpush v21, $0xF;
	v21, _, _ =	vpop (xrf2)  }
0x397: {  	(v2sf) =	vpush v21, $0xF;
	_ =	sdelay $0x4  }
0x398: {  	vm9 =	vgt.f32 @p5 v8, $0.0e+00  }
0x399: {  	vm8 =	vgt.f32 @p5 v9, $0.0e+00;
	v20 =	vadd.f32 @p3 v22, v20;
	v22 =	vadd.f32 @p5 s28, v23  }
0x39a: {  	v24 =	vpop @p1 (erf);
	v16 =	vmul.f32 @p4 v16, v19;
	v12 =	vadd.f32 @p5 s7, v12;
	vm4 =	vmmov vm4;
	s14 =	spop (v2sf)  }
0x39b: {  	vm3 =	vmmov vm3;
	v19 =	vmul.f32 @p4 v24, v18;
	s12 =	sadd.f32 s29, s14;
	v25 =	vadd.f32 @p5 v22, v3  }
0x39c: {  	vm10 =	vmmov vm5;
	v20 =	vadd.f32 @p3 v20, v10;
	v24 =	vsub.f32 @p5 v22, v8  }
0x39d: {  	vm7 =	vmmov vm7;
	v23 =	vsub.f32 @p5 v12, v8;
	v19 =	vsub.f32 @p4 $1.000000000e+00, v19;
	p6 =	sgt.f32 s12, $0.0e+00  }
0x39e: {  	vm5 =	vgt.f32 @p5 v22, $0.0e+00;
	v10 =	vpsel p3, v20, v10;
	v22 =	vpop @p1 (erf);
	v9 =	vsub.f32 @p5 v24, v9  }
0x39f: {  	v24 =	vsub.f32 @p5 v25, v12;
	v15 =	vmul.f32 @p4 v22, v15;
	v22 =	vadd.f32 @p6 v5, v6;
	v25 =	vpop @p1 (erf)  }
0x3a0: {  	p0 =	por p4, p4;
	v19 =	vnsel @p4 vm10, $0x0, v19;
	v8 =	vadd.f32 @p5 v9, v8;
	v18 =	vmul.f32 @p4 v25, v18;
	p4 =	por p6, p6  }
0x3a1: {  	v24 =	vmax.f32 @p5 v24, $1.000000000e-30;
	v25 =	vadd.f32 @p5 v9, v3;
	p5 =	por p5, p5;
	v15 =	vsub.f32 @p0 $1.000000000e+00, v15;
	(xrf2) =	vadd.scan.msk.f32 @p4 $0xffff, v22;
	s15 =	spop (v2sf)  }
0x3a2: {  	(erf) = vrcp.f32 @p5 v24;
	v22 =	vadd.f32 @p5 v8, v3;
	vm11 =	vgt.f32 @p5 v8, $0.0e+00;
	s13 =	spop (v2sf)  }
0x3a3: {  	v8 =	vsub.f32 @p5 v3, v23;
	vm10 =	vgt.f32 @p5 v9, $0.0e+00;
	v18 =	vsub.f32 @p0 $1.000000000e+00, v18;
	s12 =	sadd.f32 s15, s13  }
0x3a4: {  	v11 =	vadd.f32 @p4 s25, v11;
	v20 =	vsub.f32 @p5 v25, v23;
	v15 =	vnsel @p0 vm6, $0x0, v15  }
0x3a5: {  	v23 =	vmax.f32 @p4 v6, $1.000000000e+00;
	v22 =	vsub.f32 @p5 v22, v12;
	v18 =	vnsel @p0 vm7, $0x0, v18;
	p1 =	sgt.f32 s12, $0.0e+00  }
0x3a6: {  	v20 =	vmax.f32 @p5 v20, $1.000000000e-30;
	v15 =	vsub.f32 @p0 v18, v15;
	v18 =	vsub.f32 @p0 v19, v18  }
0x3a7: {  	v19 =	vmax.f32 @p5 v22, $1.000000000e-30;
	(erf) = vrcp.f32 @p5 v20;
	v20 =	vadd.f32 @p1 v4, v7  }
0x3a8: {  	vm6 =	vmmov vm9;
	vm9 =	vmmov vm11;
	(erf) = vrcp.f32 @p5 v19;
	p3 =	por p1, p1  }
0x3a9: {  	v9 =	vmul.f32 @p0 v14, v15;
	v14 =	vpop @p2 (erf);
	v15 =	vmax.f32 @p4 v5, $1.000000000e+00;
	v16 =	vmul.f32 @p0 v16, v18;
	(xrf2) =	vadd.scan.msk.f32 @p3 $0xffff, v20  }
0x3aa: {  	v12 =	vsub.f32 @p5 v3, v12;
	(erf) = vrcp.f32 @p4 v23;
	v13 =	vmul.f32 @p5 v13, v14;
	v18 =	vpop @p2 (erf)  }
0x3ab: {  	v9 =	vnsel @p0 vm4, $0x0, v9;
	v14 =	vnsel @p0 vm3, $0x0, v16;
	v16 =	vmul.f32 @p5 v17, v18;
	v17, _, _ =	vpop @p6 (xrf2)  }
0x3ac: {  	(erf) = vrcp.f32 @p4 v15;
	v15 =	vpop @p2 (erf);
	v9 =	vadd.f32 @p0 v14, v9;
	v17 =	vadd.f32 @p4 s26, v17  }
0x3ad: {  	vm7 =	vmmov vm8;
	vm8 =	vmmov vm5;
	v15 =	vmul.f32 @p5 v15, v12  }
0x3ae: {  	vm3 =	vgt.f32 @p4 v6, $0.0e+00;
	v9 =	vadd.f32 @p0 v9, v10;
	v18 =	vsub.f32 @p4 v17, v6  }
0x3af: {  	s19 =	sadd.f32 s14, s26;
	v15 =	vsub.f32 @p5 $1.000000000e+00, v15;
	vm5 =	vgt.f32 @p4 v17, $0.0e+00;
	v17 =	vadd.f32 @p4 v17, v3  }
0x3b0: {  	s7 =	sadd.f32 s14, s25;
	vm4 =	vgt.f32 @p4 v5, $0.0e+00;
	v14 =	vsub.f32 @p4 v11, v6;
	v5 =	vsub.f32 @p4 v18, v5  }
0x3b1: {  	v19 =	vpop @p2 (erf);
	v9 =	vpsel p0, v9, v10;
	v15 =	vnsel @p5 vm8, $0x0, v15;
	v17 =	vsub.f32 @p4 v17, v11  }
0x3b2: {  	s12 =	sadd.f32 s29, s19;
	v8 =	vmul.f32 @p5 v19, v8;
	v19 =	vadd.f32 @p3 s7, v21;
	v18 =	vpop @p2 (erf);
	v6 =	vadd.f32 @p4 v5, v6  }
0x3b3: {  	p0 =	por p4, p4;
	v10 =	vadd.f32 @p4 v5, v3;
	v17 =	vmax.f32 @p4 v17, $1.000000000e-30;
	v12 =	vmul.f32 @p5 v18, v12;
	v18, _, _ =	vpop @p1 (xrf2)  }
0x3b4: {  	p2 =	por p5, p5;
	(erf) = vrcp.f32 @p0 v17;
	v17 =	vadd.f32 @p0 v6, v3;
	v18 =	vadd.f32 @p3 s12, v18  }
0x3b5: {  	v22 =	vmax.f32 @p3 v7, $1.000000000e+00;
	v8 =	vsub.f32 @p2 $1.000000000e+00, v8;
	v10 =	vsub.f32 @p0 v10, v14  }
0x3b6: {  	vm8 =	vgt.f32 @p0 v6, $0.0e+00;
	v17 =	vsub.f32 @p0 v17, v11;
	v6 =	vsub.f32 @p3 v18, v7  }
0x3b7: {  	v12 =	vsub.f32 @p2 $1.000000000e+00, v12;
	v8 =	vnsel @p2 vm10, $0x0, v8;
	v10 =	vmax.f32 @p0 v10, $1.000000000e-30  }
0x3b8: {  	(erf) = vrcp.f32 @p0 v10;
	v17 =	vmax.f32 @p0 v17, $1.000000000e-30;
	v6 =	vsub.f32 @p3 v6, v4  }
0x3b9: {  	(erf) = vrcp.f32 @p0 v17;
	v17 =	vsub.f32 @p3 v19, v7;
	v10 =	vadd.f32 @p3 v18, v3  }
0x3ba: {  	v12 =	vnsel @p2 vm9, $0x0, v12;
	v20 =	vadd.f32 @p3 v6, v7;
	v21 =	vadd.f32 @p3 v6, v3  }
0x3bb: {  	v25 =	vmax.f32 @p3 v4, $1.000000000e+00;
	p5 =	por p3, p3;
	v8 =	vsub.f32 @p2 v12, v8;
	v10 =	vsub.f32 @p3 v10, v19  }
0x3bc: {  	(erf) = vrcp.f32 @p3 v22;
	v23 =	vadd.f32 @p5 v20, v3;
	v21 =	vsub.f32 @p5 v21, v17  }
0x3bd: {  	s3 =	sshra.s32 @p6 s3, $0x2;
	v12 =	vsub.f32 @p2 v15, v12;
	(erf) = vrcp.f32 @p3 v25;
	v10 =	vmax.f32 @p3 v10, $1.000000000e-30  }
0x3be: {  	(erf) = vrcp.f32 @p5 v10;
	v22 =	vsub.f32 @p5 v23, v19;
	v23 =	vld @p4 [tilespmem:s3+$0x19020];
	v10 =	vmax.f32 @p5 v21, $1.000000000e-30  }
0x3bf: {  	v24 =	vld @p6 [tilespmem:s3+$0x1B020]  }
0x3c0: {  	v11 =	vsub.f32 @p0 v3, v11;
	v15 =	vpop @p6 (erf);
	v8 =	vmul.f32 @p2 v13, v8  }
0x3c1: {  	vm9 =	vgt.f32 @p0 v5, $0.0e+00;
	(erf) = vrcp.f32 @p5 v10;
	v13 =	vmax.f32 @p5 v22, $1.000000000e-30;
	v10 =	vpop @p6 (erf)  }
0x3c2: {  	v5 =	vmul.f32 @p2 v16, v12;
	v8 =	vnsel @p2 vm6, $0x0, v8;
	(erf) = vrcp.f32 @p5 v13;
	v12 =	vpop @p6 (erf)  }
0x3c3: {  	vm6 =	vgt.f32 @p3 v7, $0.0e+00;
	v7 =	vmul.f32 @p0 v23, v10;
	v10 =	vmul.f32 @p0 v12, v11  }
0x3c4: {  	v14 =	vsub.f32 @p0 v3, v14;
	v13 =	vmul.f32 @p0 v24, v15;
	v15 =	vpop @p6 (erf)  }
0x3c5: {  	vm3 =	vmmov vm3;
	v5 =	vnsel @p2 vm7, $0x0, v5;
	vm7 =	vgt.f32 @p3 v4, $0.0e+00;
	v4 =	vpop @p6 (erf)  }
0x3c6: {  	vm4 =	vmmov vm4;
	v12 =	vmul.f32 @p0 v15, v14;
	v4 =	vmul.f32 @p0 v4, v11  }
0x3c7: {  	vm5 =	vmmov vm5;
	v5 =	vadd.f32 @p2 v5, v8;
	p4 =	por p0, p0;
	v8 =	vsub.f32 @p0 $1.000000000e+00, v10;
	v10 =	vpop @p1 (erf)  }
0x3c8: {  	vm8 =	vmmov vm8;
	v12 =	vsub.f32 @p4 $1.000000000e+00, v12;
	v4 =	vsub.f32 @p4 $1.000000000e+00, v4;
	v11 =	vpop @p1 (erf)  }
0x3c9: {  	s2 =	sshra.s32 @p1 s2, $0x2;
	vm10 =	vgt.f32 @p3 v18, $0.0e+00;
	v14 =	vsub.f32 @p5 v3, v19;
	v3 =	vsub.f32 @p5 v3, v17;
	v15 =	vpop @p1 (erf)  }
0x3ca: {  	v16 =	vld @p1 [tilespmem:s2+$0x1B020];
	v8 =	vnsel @p0 vm5, $0x0, v8;
	v12 =	vnsel @p4 vm9, $0x0, v12;
	v4 =	vnsel @p4 vm8, $0x0, v4;
	v17 =	vpop @p1 (erf)  }
0x3cb: {  	vm5 =	vgt.f32 @p5 v20, $0.0e+00;
	v12 =	vsub.f32 @p4 v4, v12;
	v15 =	vmul.f32 @p5 v15, v14;
	v18 =	vpop @p1 (erf)  }
0x3cc: {  	v19 =	vld @p3 [tilespmem:s2+$0x19020];
	v4 =	vsub.f32 @p4 v8, v4;
	v3 =	vmul.f32 @p5 v17, v3;
	v8 =	vmul.f32 @p5 v18, v14  }
0x3cd: {  	p0 =	por p5, p5;
	vm8 =	vgt.f32 @p5 v6, $0.0e+00;
	v6 =	vmul.f32 @p4 v13, v12;
	v12 =	vsub.f32 @p5 $1.000000000e+00, v15  }
0x3ce: {  	v4 =	vmul.f32 @p4 v7, v4;
	v3 =	vsub.f32 @p0 $1.000000000e+00, v3;
	v7 =	vsub.f32 @p0 $1.000000000e+00, v8  }
0x3cf: {  	vm9 =	vmmov vm10;
	vm5 =	vmmov vm5;
	v8 =	vmul.f32 @p5 v16, v10  }
0x3d0: {  	v10 =	vnsel @p5 vm9, $0x0, v12;
	v3 =	vnsel @p0 vm8, $0x0, v3;
	v7 =	vnsel @p0 vm5, $0x0, v7  }
0x3d1: {  	v11 =	vmul.f32 @p5 v19, v11;
	v3 =	vsub.f32 @p0 v7, v3;
	v7 =	vsub.f32 @p0 v10, v7  }
0x3d2: {  	v5 =	vadd.f32 @p2 v5, v9;
	v6 =	vnsel @p4 vm3, $0x0, v6;
	v4 =	vnsel @p4 vm4, $0x0, v4  }
0x3d3: {  	v4 =	vadd.f32 @p4 v4, v6;
	v3 =	vmul.f32 @p0 v8, v3;
	v6 =	vmul.f32 @p0 v11, v7  }
0x3d4: {  	v5 =	vpsel p2, v5, v9;
	vm3 =	vmmov vm6;
	vm4 =	vmmov vm7  }
0x3d5: {  	v4 =	vadd.f32 @p4 v4, v5;
	v3 =	vnsel @p0 vm3, $0x0, v3;
	v6 =	vnsel @p0 vm4, $0x0, v6  }
0x3d6: {  	v3 =	vadd.f32 @p0 v6, v3  }
0x3d7: {  	v4 =	vpsel p4, v4, v5  }
0x3d8: {  	v3 =	vadd.f32 @p0 v3, v4;
	_ =	sdelay $0x1  }
0x3d9: {  	v3 =	vpsel p0, v3, v4  }
0x3da: {  	s26 =	rddreg [dreg:$0xa];
	[tilespmem:$0x1D120] =	vst v3  }
0x3db: {  	[spmem:s26] =	stream.linear.scatter [tilespmem:s30], [sflag:$0x2], $0x10, $0x38;
	[tilespmem:$0x1D1A0] =	vst v63  }
0x3dc: {  	_ =	swait.ge [sflag:s18], $0x10  }
0x3dd: {  	[sflag:s18] =	ssyncset.done $0x0  }
0x3de: {  	[sflag:s18] =	ssyncadd.s32 $0xFFFFFFF0  }
0x3df: {  	[bflag:$0x0] =	sbarrier.arrive $0xFFFF  }
0x3e0: {  	s28 =	rddreg [dreg:$0x3]  }
0x3e1: {  	[tilespmem:s31], [sflag:$0x2] =	stream.linear.gather [spmem:s28], $0x100, $0x38;
	[tilespmem:$0x1D1A0] =	vst v63  }
0x3e2: {  	_ =	swait.ge [sflag:s18], $0x100  }
0x3e3: {  	[sflag:s18] =	ssyncset.done $0x0  }
0x3e4: {  	[sflag:s18] =	ssyncadd.s32 $0xFFFFFF00  }
0x3e5: {  	v3 =	vld [tilespmem:$0x1D020]  }
0x3e6: {  	s29 =	sld [smem:$0x7FD]  }
0x3e7: {  	v4 =	vld [tilespmem:$0x1D030];
	_ =	sdelay $0x1  }
0x3e8: {  	v5 =	vld [tilespmem:$0x1D040];
	p0 =	seq.s32 s29, $0x1  }
0x3e9: {  	v3 =	vadd.f32 @!p0 $0.0e+00, v3  }
0x3ea: {  	v6 =	vld [tilespmem:$0x1D050]  }
0x3eb: {  	v3 =	vadd.f32 @!p0 v4, v3  }
0x3ec: {  	v4 =	vld [tilespmem:$0x1D060]  }
0x3ed: {  	v3 =	vadd.f32 @!p0 v5, v3  }
0x3ee: {  	v5 =	vld [tilespmem:$0x1D070]  }
0x3ef: {  	v3 =	vadd.f32 @!p0 v6, v3  }
0x3f0: {  	v6 =	vld [tilespmem:$0x1D080]  }
0x3f1: {  	v3 =	vadd.f32 @!p0 v4, v3  }
0x3f2: {  	v4 =	vld [tilespmem:$0x1D090]  }
0x3f3: {  	v3 =	vadd.f32 @!p0 v5, v3  }
0x3f4: {  	v7 =	vld [tilespmem:$0x1D0A0]  }
0x3f5: {  	v8 =	vld [tilespmem:$0x1D0C0];
	v3 =	vadd.f32 @!p0 v6, v3  }
0x3f6: {  	v5 =	vld [tilespmem:$0x1D0B0]  }
0x3f7: {  	v9 =	vld [tilespmem:$0x1D0E0];
	v3 =	vadd.f32 @!p0 v4, v3  }
0x3f8: {  	v10 =	vld [tilespmem:$0x1D100]  }
0x3f9: {  	v6 =	vld [tilespmem:$0x1D0D0];
	v3 =	vadd.f32 @!p0 v7, v3  }
0x3fa: {  	v4 =	vld [tilespmem:$0x1D0F0]  }
0x3fb: {  	v7 =	vld [tilespmem:$0x1D110];
	[spmem:s8] =	stream.linear.scatter [tilespmem:s17], [sflag:$0x2], $0x2000, $0x38;
	v3 =	vadd.f32 @!p0 v5, v3  }
0x3fc: {  	_ =	swait.ge [sflag:s18], $0x2000  }
0x3fd: {  	[sflag:s18] =	ssyncset.done $0x0;
	v3 =	vadd.f32 @!p0 v8, v3  }
0x3fe: {  	[sflag:s18] =	ssyncadd.s32 $0xFFFFE000  }
0x3ff: {  	[spmem:s9] =	stream.linear.scatter [tilespmem:s17], [sflag:$0x2], $0x2000, $0x38;
	v3 =	vadd.f32 @!p0 v6, v3;
	[tilespmem:$0x1D1A0] =	vst v63  }
0x400: {  	_ =	swait.ge [sflag:s18], $0x2000  }
0x401: {  	[sflag:s18] =	ssyncset.done $0x0;
	v3 =	vadd.f32 @!p0 v9, v3  }
0x402: {  	[sflag:s18] =	ssyncadd.s32 $0xFFFFE000  }
0x403: {  	[spmem:s10] =	stream.linear.scatter [tilespmem:s17], [sflag:$0x2], $0x2000, $0x38;
	v3 =	vadd.f32 @!p0 v4, v3;
	[tilespmem:$0x1D1A0] =	vst v63  }
0x404: {  	_ =	swait.ge [sflag:s18], $0x2000  }
0x405: {  	[sflag:s18] =	ssyncset.done $0x0;
	v3 =	vadd.f32 @!p0 v10, v3  }
0x406: {  	[sflag:s18] =	ssyncadd.s32 $0xFFFFE000  }
0x407: {  	[spmem:s11] =	stream.linear.scatter [tilespmem:s17], [sflag:$0x2], $0x2000, $0x38;
	v3 =	vadd.f32 @!p0 v7, v3;
	[tilespmem:$0x1D1A0] =	vst v63  }
0x408: {  	_ =	swait.ge [sflag:s18], $0x2000  }
0x409: {  	(xrf2) =	vadd.scan.msk.f32 @!p0 $0xffff, v3;
	_ =	sdelay $0x9  }
0x40a: {  	v3, _, _ =	vpop @!p0 (xrf2)  }
0x40b: {  	[sflag:s18] =	ssyncset.done $0x0;
	v3 =	vbroadcast @!p0 v3, $0xF  }
0x40c: {  	s2 =	sshll.u32 @!p0 s4, $0x4;
	s3 =	rddreg [dreg:$0x6];
	[sflag:s18] =	ssyncadd.s32 $0xFFFFE000  }
0x40d: {  	s4 =	simm.s32 @!p0 $0x1D120;
	s2 =	sadd.s32 @!p0 s3, s2;
	s3 =	simm.s32 @!p0 $0x0;
	[tilespmem:$0x1D120] =	vst @!p0 v3  }
0x40e: {  	[hbm4b:s2+s3] =	stream.linear.scatter @!p0 [tilespmem:s4], [sflag:$0x2], $0x80, $0x38;
	[tilespmem:$0x1D1A0] =	vst v63  }
0x40f: {  	s2 =	simm.s32 @!p0 $0x2  }
0x410: {  	_ =	swait.ge @!p0 [sflag:s2], $0x80  }
0x411: {  	s16 =	sadd.s32 $0x1, s16;
	[sflag:s2] =	ssyncset.done @!p0 $0x0  }
0x412: {  	[sflag:s2] =	ssyncadd.s32 @!p0 $0xFFFFFF80;
	p0 =	sne.s32 s16, $0x4  }
.Ltmp16:
0x413: {  	_ = 	snop;
	(pc) =	sbr.rel @p0 .LBB2_6-.Ltmp16, $3  }
0x414: {  	_ =	sdelay $0x1  }
0x415: {  	[bflag:$0x0] =	sbarrier.arrive $0xFFFF  }
0x416: {  	s13 =	simm.s32 $0x8020  }
0x417: {  	s14 =	rddreg [dreg:$0x5]  }
0x418: {  	s0 =	rddreg [dreg:$0xb];
	s14 =	sadd.s32 $0x1, s14  }
0x419: {  	p0 =	sne.s32 s14, s0  }
.Ltmp17:
0x41a: {  	_ = 	snop;
	(pc) =	sbr.rel @p0 .LBB2_1-.Ltmp17, $1  }
0x41b: {  	_ =	sdelay $0x3  }
0x41c: {  	_ =	sfence.sel $0x180000  }
0x41d: {  	[bflag:$0x0] =	sbarrier.arrive $0xFFFF  }
0x41e: {  	_ =	strace $0x90000047  }
0x41f: {  	[bflag:$0x2] =	sbarrier.arrive $0xFFFF  }
0x420: {  	s1 =	sld [smem:$0x7FD];
	_ =	sdelay $0x2  }
0x421: {  	s0 =	rddreg [dreg:$0x4];
	p0 =	seq.s32 s1, $0x1  }
0x422: {  	s0 =	sadd.s32 @!p0 $0x100000, s0  }
0x423: {  	[sflag:s0] =	ssyncadd.tile.s32 @!p0 $0x1;
	_ =	shalt  }
.Lfunc_end2:
_tile_overlayer_lowered:
.L_overlay_start_2:
0x424: {  	(tag) =	ssettag $0x2  }
0x425: {  	s0 =	rddreg [dreg:$0x0];
	s2 =	stileid.u32  }
0x426: {  	s1 =	rddreg [dreg:$0x1];
	p0 =	sne.s32 s2, $0x0  }
0x427: {  	s3 =	rddreg [dreg:$0x2];
	[bflag:$0x3] =	sbarrier.arrive $0xFFFF;
	s2 =	simm.s32 @!p0 $0x1C02  }
0x428: {  	[timem:s3], [sflag:s2] =	dma.local @!p0 [hbm:s0], s1  }
0x429: {  	s0 =	simm.s32 @!p0 $0x2  }
0x42a: {  	_ =	swait.ge @!p0 [sflag:s0], s1  }
0x42b: {  	s1 =	ssub.s32 @!p0 $0x0, s1;
	[sflag:s0] =	ssyncset.done @!p0 $0x0  }
0x42c: {  	[sflag:s0] =	ssyncadd.s32 @!p0 s1  }
0x42d: {  	[bflag:$0x3] =	sbarrier.arrive $0xFFFF  }
0x42e: {  	_ =	shalt  }

</sc_bundles>
